<compile_context>
chip_gen: v7x
topology: tpu7x:2x2x1
jax: 0.10.2.dev20260603
libtpu: 0.0.44.dev20260713+nightly
codegen_flags: <defaults>
</compile_context>

<pallas_src>
import functools
import math

import jax
import jax.numpy as jnp
from jax import lax
from jax.experimental import pallas as pl
from jax.experimental.pallas import tpu as pltpu
from jax.experimental.pallas import tpu_sc as plsc

_D = 32
_SCALE = math.sqrt(32.0)
_NC, _NS = 2, 16
_NW = _NC * _NS
_BT = 128
_FT = _D // 8


@functools.lru_cache(maxsize=None)
def _build(n_rows: int, n_cols: int):
    nbt = n_rows // _BT
    bt_per_w = nbt // _NW
    nunit = n_cols * bt_per_w
    assert nbt * _BT == n_rows and bt_per_w * _NW == nbt and nunit % 2 == 0

    mesh = plsc.VectorSubcoreMesh(core_axis_name="c", subcore_axis_name="s")

    @functools.partial(
        pl.kernel,
        out_type=jax.ShapeDtypeStruct(
            (n_cols, _FT, nbt, 8 * _BT), jnp.float32
        ),
        mesh=mesh,
        scratch_types=[
            pltpu.VMEM((n_cols, bt_per_w, _BT), jnp.int32),
            pltpu.VMEM((4, _BT, _D), jnp.float32),
            pltpu.VMEM((_D * _BT,), jnp.float32),
            pltpu.VMEM((_D * _BT,), jnp.float32),
            pltpu.SemaphoreType.DMA,
            pltpu.SemaphoreType.DMA,
            pltpu.SemaphoreType.DMA,
            pltpu.SemaphoreType.DMA,
            pltpu.SemaphoreType.DMA,
            pltpu.SemaphoreType.DMA,
        ],
        compiler_params=pltpu.CompilerParams(
            use_tc_tiling_on_sc=False,
            needs_layout_passes=False,
            disable_bounds_checks=True,
        ),
    )
    def emb(tok_hbm, table_hbm, out_hbm, idx_v, rows_v, s0, s1,
            g0, g1, g2, g3, o0, o1):
        stages = (s0, s1)
        w = lax.axis_index("s") * _NC + lax.axis_index("c")
        bt0 = w * bt_per_w
        gsems = (g0, g1, g2, g3)
        osems = (o0, o1)
        pltpu.sync_copy(tok_hbm.at[:, pl.ds(bt0, bt_per_w)], idx_v)

        lanes = lax.iota(jnp.int32, 16)
        f_vecs = [jnp.full((16,), f, jnp.int32) for f in range(_D)]

        def unit_jbt(t):
            return t // bt_per_w, t % bt_per_w

        def issue_gather(t, p):
            j, btl = unit_jbt(t)
            pltpu.async_copy(
                table_hbm.at[idx_v.at[j, btl]],
                rows_v.at[p],
                gsems[p],
            )

        def drain_gather(p):
            pltpu.make_async_copy(
                table_hbm.at[pl.ds(0, _BT)], rows_v.at[p], gsems[p]
            ).wait()

        def drain_write(p):
            for ft in range(_FT):
                pltpu.make_async_copy(
                    out_hbm.at[0, 0, 0],
                    stages[p].at[pl.ds(ft * 8 * _BT, 8 * _BT)],
                    osems[p],
                ).wait()

        issue_gather(0, 0)
        issue_gather(1, 1)
        issue_gather(2, 2)

        @pl.loop(0, nunit, step=4)
        def _unit4(t0):
            for dp in range(4):
                t = t0 + dp
                p = dp
                q = dp % 2
                drain_gather(p)

                @pl.when(t + 3 < nunit)
                def _():
                    issue_gather(t + 3, (p + 3) % 4)

                @pl.when(t >= 2)
                def _():
                    drain_write(q)

                @pl.loop(0, _BT // 16)
                def _tr(b16):
                    bi_idx = lanes + b16 * 16
                    vals = [
                        plsc.load_gather(rows_v.at[p], [bi_idx, f_vecs[f]])
                        * _SCALE
                        for f in range(_D)
                    ]
                    for f in range(_D):
                        stages[q][pl.ds(f * _BT + b16 * 16, 16)] = vals[f]

                j, btl = unit_jbt(t)
                for ft in range(_FT):
                    pltpu.async_copy(
                        stages[q].at[pl.ds(ft * 8 * _BT, 8 * _BT)],
                        out_hbm.at[j, ft, bt0 + btl],
                        osems[q],
                    )

        drain_write(0)
        drain_write(1)

    return emb


def kernel(tokens, embedding_weight):
    n_rows, n_cols = tokens.shape
    nbt = n_rows // _BT
    toks = jnp.swapaxes(tokens.astype(jnp.int32), 0, 1).reshape(
        n_cols, nbt, _BT
    )
    phys = _build(n_rows, n_cols)(toks, embedding_weight)
    phys = phys.reshape(n_cols, _FT, nbt, 8, _BT)
    out = jnp.transpose(phys, (2, 4, 0, 1, 3))
    return out.reshape(n_rows, n_cols, _D)

# --- scband reference (transcript-rebuilt; emitter-appended) ---
"""Pipeline reference for scband-token-embedding-67499706024095 (READ-ONLY COPY).

The authoritative reference and input builder live on the scoring server;
editing this copy changes nothing except your own understanding.
"""

import jax, jax.numpy as jnp
import numpy as np
import math

VOCAB_SIZE = 1000000
EMB_SIZE = 32

def setup_inputs(seed: int = 0) -> dict:
    key = jax.random.key(seed)
    k_tok, k_emb = jax.random.split(key)
    tokens = jax.random.randint(k_tok, (16384, 50), 0, VOCAB_SIZE, dtype=jnp.int64 if jax.config.jax_enable_x64 else jnp.int32)
    embedding_weight = jax.random.normal(k_emb, (VOCAB_SIZE, EMB_SIZE), dtype=jnp.float32)
    return {"tokens": tokens, "embedding_weight": embedding_weight}

def reference(tokens, embedding_weight):
    # TokenEmbedding.forward: self.embedding(tokens.long()) * sqrt(emb_size)
    emb = jnp.take(embedding_weight, tokens.astype(jnp.int32), axis=0)
    return emb * math.sqrt(EMB_SIZE)

if __name__ == "__main__":
    import jax
    _d = setup_inputs()
    print(jax.jit(kernel)(*tuple(_d.values())))

</pallas_src>

<mosaic_0001>
#map = affine_map<(d0, d1) -> (0, 0, 0)>
#map1 = affine_map<(d0, d1) -> (0, 0)>
#map2 = affine_map<(d0, d1) -> (0, 0, 0, 0)>
module attributes {stable_mosaic.version = 14 : i64} {
  func.func @emb(%arg0: i32, %arg1: i32, %arg2: memref<50x128x128xi32, #tpu.memory_space<hbm>>, %arg3: memref<1000000x32xf32, #tpu.memory_space<hbm>>, %arg4: memref<50x4x128x1024xf32, #tpu.memory_space<hbm>>, %arg5: memref<50x4x128xi32, #tpu.memory_space<vmem>>, %arg6: memref<4x128x32xf32, #tpu.memory_space<vmem>>, %arg7: memref<4096xf32, #tpu.memory_space<vmem>>, %arg8: memref<4096xf32, #tpu.memory_space<vmem>>, %arg9: memref<!tpu.dma_semaphore, #tpu.memory_space<semaphore_mem>>, %arg10: memref<!tpu.dma_semaphore, #tpu.memory_space<semaphore_mem>>, %arg11: memref<!tpu.dma_semaphore, #tpu.memory_space<semaphore_mem>>, %arg12: memref<!tpu.dma_semaphore, #tpu.memory_space<semaphore_mem>>, %arg13: memref<!tpu.dma_semaphore, #tpu.memory_space<semaphore_mem>>, %arg14: memref<!tpu.dma_semaphore, #tpu.memory_space<semaphore_mem>>) attributes {dimension_semantics = [#tpu.dimension_semantics<core_parallel>, #tpu.dimension_semantics<subcore_parallel>], iteration_bounds = array<i64: 2, 16>, scalar_prefetch = 0 : i64, scratch_operands = 10 : i64, tpu.core_type = #tpu.core_type<sc_vector_subcore>, window_params = [{transform_indices = #map}, {transform_indices = #map1}, {transform_indices = #map2}]} {
    %mul3A = arith.constant 2 : i32
    %mul3A_0 = arith.muli %arg1, %mul3A : i32
    %add3A = arith.addi %mul3A_0, %arg0 : i32
    %mul3A_1 = arith.constant 4 : i32
    %mul3A_2 = arith.muli %add3A, %mul3A_1 : i32
    "tpu.region"() ({
      %run_scoped3A = tpu.sem_alloc : memref<!tpu.dma_semaphore, #tpu.memory_space<semaphore_mem>>
      %dma_start3A_211 = arith.constant 0 : i32
      %dma_start3A_212 = arith.constant 0 : i32
      %dma_start3A_213 = tpu.memref_slice %arg2[%dma_start3A_211, %mul3A_2, %dma_start3A_212] : memref<50x128x128xi32, #tpu.memory_space<hbm>> -> memref<50x4x128xi32, #tpu.memory_space<hbm>>
      %dma_start3A_214 = arith.constant 0 : i32
      %dma_start3A_215 = arith.constant 0 : i32
      %dma_start3A_216 = tpu.memref_slice %arg2[%dma_start3A_214, %mul3A_2, %dma_start3A_215] : memref<50x128x128xi32, #tpu.memory_space<hbm>> -> memref<50x4x128xi32, #tpu.memory_space<hbm>>
      tpu.enqueue_dma source(%dma_start3A_216 : memref<50x4x128xi32, #tpu.memory_space<hbm>>) target(%arg5 : memref<50x4x128xi32, #tpu.memory_space<vmem>>) target_semaphore(%run_scoped3A : memref<!tpu.dma_semaphore, #tpu.memory_space<semaphore_mem>>)
      %dma_wait3A_217 = arith.constant 0 : i32
      %dma_wait3A_218 = arith.constant 0 : i32
      %dma_wait3A_219 = tpu.memref_slice %arg2[%dma_wait3A_217, %mul3A_2, %dma_wait3A_218] : memref<50x128x128xi32, #tpu.memory_space<hbm>> -> memref<50x4x128xi32, #tpu.memory_space<hbm>>
      %dma_wait3A_220 = arith.constant 0 : i32
      %dma_wait3A_221 = arith.constant 0 : i32
      %dma_wait3A_222 = tpu.memref_slice %arg2[%dma_wait3A_220, %mul3A_2, %dma_wait3A_221] : memref<50x128x128xi32, #tpu.memory_space<hbm>> -> memref<50x4x128xi32, #tpu.memory_space<hbm>>
      tpu.wait_dma2 semaphore(%run_scoped3A : memref<!tpu.dma_semaphore, #tpu.memory_space<semaphore_mem>>) src(%dma_wait3A_222 : memref<50x4x128xi32, #tpu.memory_space<hbm>>) dst(%arg5 : memref<50x4x128xi32, #tpu.memory_space<vmem>>)
      tpu.yield
    }) : () -> ()
    %iota3A = tpu.iota {dimensions = array<i32: 0>} : vector<16xi32>
    %broadcast_in_dim3A = arith.constant 0 : i32
    %broadcast_in_dim3A_3 = vector.broadcast %broadcast_in_dim3A : i32 to vector<16xi32>
    %broadcast_in_dim3A_4 = arith.constant 1 : i32
    %broadcast_in_dim3A_5 = vector.broadcast %broadcast_in_dim3A_4 : i32 to vector<16xi32>
    %broadcast_in_dim3A_6 = arith.constant 2 : i32
    %broadcast_in_dim3A_7 = vector.broadcast %broadcast_in_dim3A_6 : i32 to vector<16xi32>
    %broadcast_in_dim3A_8 = arith.constant 3 : i32
    %broadcast_in_dim3A_9 = vector.broadcast %broadcast_in_dim3A_8 : i32 to vector<16xi32>
    %broadcast_in_dim3A_10 = arith.constant 4 : i32
    %broadcast_in_dim3A_11 = vector.broadcast %broadcast_in_dim3A_10 : i32 to vector<16xi32>
    %broadcast_in_dim3A_12 = arith.constant 5 : i32
    %broadcast_in_dim3A_13 = vector.broadcast %broadcast_in_dim3A_12 : i32 to vector<16xi32>
    %broadcast_in_dim3A_14 = arith.constant 6 : i32
    %broadcast_in_dim3A_15 = vector.broadcast %broadcast_in_dim3A_14 : i32 to vector<16xi32>
    %broadcast_in_dim3A_16 = arith.constant 7 : i32
    %broadcast_in_dim3A_17 = vector.broadcast %broadcast_in_dim3A_16 : i32 to vector<16xi32>
    %broadcast_in_dim3A_18 = arith.constant 8 : i32
    %broadcast_in_dim3A_19 = vector.broadcast %broadcast_in_dim3A_18 : i32 to vector<16xi32>
    %broadcast_in_dim3A_20 = arith.constant 9 : i32
    %broadcast_in_dim3A_21 = vector.broadcast %broadcast_in_dim3A_20 : i32 to vector<16xi32>
    %broadcast_in_dim3A_22 = arith.constant 10 : i32
    %broadcast_in_dim3A_23 = vector.broadcast %broadcast_in_dim3A_22 : i32 to vector<16xi32>
    %broadcast_in_dim3A_24 = arith.constant 11 : i32
    %broadcast_in_dim3A_25 = vector.broadcast %broadcast_in_dim3A_24 : i32 to vector<16xi32>
    %broadcast_in_dim3A_26 = arith.constant 12 : i32
    %broadcast_in_dim3A_27 = vector.broadcast %broadcast_in_dim3A_26 : i32 to vector<16xi32>
    %broadcast_in_dim3A_28 = arith.constant 13 : i32
    %broadcast_in_dim3A_29 = vector.broadcast %broadcast_in_dim3A_28 : i32 to vector<16xi32>
    %broadcast_in_dim3A_30 = arith.constant 14 : i32
    %broadcast_in_dim3A_31 = vector.broadcast %broadcast_in_dim3A_30 : i32 to vector<16xi32>
    %broadcast_in_dim3A_32 = arith.constant 15 : i32
    %broadcast_in_dim3A_33 = vector.broadcast %broadcast_in_dim3A_32 : i32 to vector<16xi32>
    %broadcast_in_dim3A_34 = arith.constant 16 : i32
    %broadcast_in_dim3A_35 = vector.broadcast %broadcast_in_dim3A_34 : i32 to vector<16xi32>
    %broadcast_in_dim3A_36 = arith.constant 17 : i32
    %broadcast_in_dim3A_37 = vector.broadcast %broadcast_in_dim3A_36 : i32 to vector<16xi32>
    %broadcast_in_dim3A_38 = arith.constant 18 : i32
    %broadcast_in_dim3A_39 = vector.broadcast %broadcast_in_dim3A_38 : i32 to vector<16xi32>
    %broadcast_in_dim3A_40 = arith.constant 19 : i32
    %broadcast_in_dim3A_41 = vector.broadcast %broadcast_in_dim3A_40 : i32 to vector<16xi32>
    %broadcast_in_dim3A_42 = arith.constant 20 : i32
    %broadcast_in_dim3A_43 = vector.broadcast %broadcast_in_dim3A_42 : i32 to vector<16xi32>
    %broadcast_in_dim3A_44 = arith.constant 21 : i32
    %broadcast_in_dim3A_45 = vector.broadcast %broadcast_in_dim3A_44 : i32 to vector<16xi32>
    %broadcast_in_dim3A_46 = arith.constant 22 : i32
    %broadcast_in_dim3A_47 = vector.broadcast %broadcast_in_dim3A_46 : i32 to vector<16xi32>
    %broadcast_in_dim3A_48 = arith.constant 23 : i32
    %broadcast_in_dim3A_49 = vector.broadcast %broadcast_in_dim3A_48 : i32 to vector<16xi32>
    %broadcast_in_dim3A_50 = arith.constant 24 : i32
    %broadcast_in_dim3A_51 = vector.broadcast %broadcast_in_dim3A_50 : i32 to vector<16xi32>
    %broadcast_in_dim3A_52 = arith.constant 25 : i32
    %broadcast_in_dim3A_53 = vector.broadcast %broadcast_in_dim3A_52 : i32 to vector<16xi32>
    %broadcast_in_dim3A_54 = arith.constant 26 : i32
    %broadcast_in_dim3A_55 = vector.broadcast %broadcast_in_dim3A_54 : i32 to vector<16xi32>
    %broadcast_in_dim3A_56 = arith.constant 27 : i32
    %broadcast_in_dim3A_57 = vector.broadcast %broadcast_in_dim3A_56 : i32 to vector<16xi32>
    %broadcast_in_dim3A_58 = arith.constant 28 : i32
    %broadcast_in_dim3A_59 = vector.broadcast %broadcast_in_dim3A_58 : i32 to vector<16xi32>
    %broadcast_in_dim3A_60 = arith.constant 29 : i32
    %broadcast_in_dim3A_61 = vector.broadcast %broadcast_in_dim3A_60 : i32 to vector<16xi32>
    %broadcast_in_dim3A_62 = arith.constant 30 : i32
    %broadcast_in_dim3A_63 = vector.broadcast %broadcast_in_dim3A_62 : i32 to vector<16xi32>
    %broadcast_in_dim3A_64 = arith.constant 31 : i32
    %broadcast_in_dim3A_65 = vector.broadcast %broadcast_in_dim3A_64 : i32 to vector<16xi32>
    %dma_start3A = arith.constant 0 : i32
    %dma_start3A_66 = arith.constant 0 : i32
    %dma_start3A_67 = arith.constant 0 : i32
    %dma_start3A_68 = arith.constant 0 : i32
    %dma_start3A_69 = arith.constant 0 : i32
    %dma_start3A_70 = tpu.memref_slice %arg6[%dma_start3A_67, %dma_start3A_68, %dma_start3A_69] : memref<4x128x32xf32, #tpu.memory_space<vmem>> -> memref<1x128x32xf32, #tpu.memory_space<vmem>>
    %dma_start3A_71 = tpu.memref_squeeze %dma_start3A_70 : memref<1x128x32xf32, #tpu.memory_space<vmem>> -> memref<128x32xf32, #tpu.memory_space<vmem>>
    %dma_start3A_72 = arith.constant 0 : i32
    %dma_start3A_73 = tpu.memref_slice %arg5[%dma_start3A, %dma_start3A_66, %dma_start3A_72] : memref<50x4x128xi32, #tpu.memory_space<vmem>> -> memref<1x1x128xi32, #tpu.memory_space<vmem>>
    %dma_start3A_74 = tpu.memref_squeeze %dma_start3A_73 : memref<1x1x128xi32, #tpu.memory_space<vmem>> -> memref<128xi32, #tpu.memory_space<vmem>>
    %dma_start3A_75 = arith.constant 0 : i32
    %dma_start3A_76 = arith.constant 0 : i32
    %dma_start3A_77 = tpu.memref_slice %arg3[%dma_start3A_75, %dma_start3A_76] : memref<1000000x32xf32, #tpu.memory_space<hbm>> -> memref<1000000x32xf32, #tpu.memory_space<hbm>>
    tpu.enqueue_indirect_dma source(%dma_start3A_77 : memref<1000000x32xf32, #tpu.memory_space<hbm>>) target(%dma_start3A_71 : memref<128x32xf32, #tpu.memory_space<vmem>>) offsets(%dma_start3A_74 : memref<128xi32, #tpu.memory_space<vmem>>) semaphore(%arg9 : memref<!tpu.dma_semaphore, #tpu.memory_space<semaphore_mem>>)
    %dma_start3A_78 = arith.constant 0 : i32
    %dma_start3A_79 = arith.constant 1 : i32
    %dma_start3A_80 = arith.constant 1 : i32
    %dma_start3A_81 = arith.constant 0 : i32
    %dma_start3A_82 = arith.constant 0 : i32
    %dma_start3A_83 = tpu.memref_slice %arg6[%dma_start3A_80, %dma_start3A_81, %dma_start3A_82] : memref<4x128x32xf32, #tpu.memory_space<vmem>> -> memref<1x128x32xf32, #tpu.memory_space<vmem>>
    %dma_start3A_84 = tpu.memref_squeeze %dma_start3A_83 : memref<1x128x32xf32, #tpu.memory_space<vmem>> -> memref<128x32xf32, #tpu.memory_space<vmem>>
    %dma_start3A_85 = arith.constant 0 : i32
    %dma_start3A_86 = tpu.memref_slice %arg5[%dma_start3A_78, %dma_start3A_79, %dma_start3A_85] : memref<50x4x128xi32, #tpu.memory_space<vmem>> -> memref<1x1x128xi32, #tpu.memory_space<vmem>>
    %dma_start3A_87 = tpu.memref_squeeze %dma_start3A_86 : memref<1x1x128xi32, #tpu.memory_space<vmem>> -> memref<128xi32, #tpu.memory_space<vmem>>
    %dma_start3A_88 = arith.constant 0 : i32
    %dma_start3A_89 = arith.constant 0 : i32
    %dma_start3A_90 = tpu.memref_slice %arg3[%dma_start3A_88, %dma_start3A_89] : memref<1000000x32xf32, #tpu.memory_space<hbm>> -> memref<1000000x32xf32, #tpu.memory_space<hbm>>
    tpu.enqueue_indirect_dma source(%dma_start3A_90 : memref<1000000x32xf32, #tpu.memory_space<hbm>>) target(%dma_start3A_84 : memref<128x32xf32, #tpu.memory_space<vmem>>) offsets(%dma_start3A_87 : memref<128xi32, #tpu.memory_space<vmem>>) semaphore(%arg10 : memref<!tpu.dma_semaphore, #tpu.memory_space<semaphore_mem>>)
    %dma_start3A_91 = arith.constant 0 : i32
    %dma_start3A_92 = arith.constant 2 : i32
    %dma_start3A_93 = arith.constant 2 : i32
    %dma_start3A_94 = arith.constant 0 : i32
    %dma_start3A_95 = arith.constant 0 : i32
    %dma_start3A_96 = tpu.memref_slice %arg6[%dma_start3A_93, %dma_start3A_94, %dma_start3A_95] : memref<4x128x32xf32, #tpu.memory_space<vmem>> -> memref<1x128x32xf32, #tpu.memory_space<vmem>>
    %dma_start3A_97 = tpu.memref_squeeze %dma_start3A_96 : memref<1x128x32xf32, #tpu.memory_space<vmem>> -> memref<128x32xf32, #tpu.memory_space<vmem>>
    %dma_start3A_98 = arith.constant 0 : i32
    %dma_start3A_99 = tpu.memref_slice %arg5[%dma_start3A_91, %dma_start3A_92, %dma_start3A_98] : memref<50x4x128xi32, #tpu.memory_space<vmem>> -> memref<1x1x128xi32, #tpu.memory_space<vmem>>
    %dma_start3A_100 = tpu.memref_squeeze %dma_start3A_99 : memref<1x1x128xi32, #tpu.memory_space<vmem>> -> memref<128xi32, #tpu.memory_space<vmem>>
    %dma_start3A_101 = arith.constant 0 : i32
    %dma_start3A_102 = arith.constant 0 : i32
    %dma_start3A_103 = tpu.memref_slice %arg3[%dma_start3A_101, %dma_start3A_102] : memref<1000000x32xf32, #tpu.memory_space<hbm>> -> memref<1000000x32xf32, #tpu.memory_space<hbm>>
    tpu.enqueue_indirect_dma source(%dma_start3A_103 : memref<1000000x32xf32, #tpu.memory_space<hbm>>) target(%dma_start3A_97 : memref<128x32xf32, #tpu.memory_space<vmem>>) offsets(%dma_start3A_100 : memref<128xi32, #tpu.memory_space<vmem>>) semaphore(%arg11 : memref<!tpu.dma_semaphore, #tpu.memory_space<semaphore_mem>>)
    %scan3A = arith.constant 0 : i32
    %scan3A_104 = arith.constant 50 : i32
    %scan3A_105 = arith.addi %scan3A, %scan3A_104 : i32
    %scan3A_106 = arith.constant 1 : i32
    scf.for %scan3A_211 = %scan3A to %scan3A_105 step %scan3A_106  : i32 {
      %mul3A_212 = arith.constant 4 : i32
      %mul3A_213 = arith.muli %scan3A_211, %mul3A_212 : i32
      %add3A_214 = arith.constant 0 : i32
      %add3A_215 = arith.addi %add3A_214, %mul3A_213 : i32
      %add3A_216 = arith.constant 0 : i32
      %add3A_217 = arith.addi %add3A_215, %add3A_216 : i32
      %dma_wait3A_218 = arith.constant 0 : i32
      %dma_wait3A_219 = arith.constant 0 : i32
      %dma_wait3A_220 = arith.constant 0 : i32
      %dma_wait3A_221 = tpu.memref_slice %arg6[%dma_wait3A_218, %dma_wait3A_219, %dma_wait3A_220] : memref<4x128x32xf32, #tpu.memory_space<vmem>> -> memref<1x128x32xf32, #tpu.memory_space<vmem>>
      %dma_wait3A_222 = tpu.memref_squeeze %dma_wait3A_221 : memref<1x128x32xf32, #tpu.memory_space<vmem>> -> memref<128x32xf32, #tpu.memory_space<vmem>>
      %dma_wait3A_223 = arith.constant 0 : i32
      %dma_wait3A_224 = arith.constant 0 : i32
      %dma_wait3A_225 = tpu.memref_slice %arg3[%dma_wait3A_223, %dma_wait3A_224] : memref<1000000x32xf32, #tpu.memory_space<hbm>> -> memref<128x32xf32, #tpu.memory_space<hbm>>
      %dma_wait3A_226 = arith.constant 0 : i32
      %dma_wait3A_227 = arith.constant 0 : i32
      %dma_wait3A_228 = tpu.memref_slice %arg6[%dma_wait3A_218, %dma_wait3A_226, %dma_wait3A_227] : memref<4x128x32xf32, #tpu.memory_space<vmem>> -> memref<1x128x32xf32, #tpu.memory_space<vmem>>
      %dma_wait3A_229 = tpu.memref_squeeze %dma_wait3A_228 : memref<1x128x32xf32, #tpu.memory_space<vmem>> -> memref<128x32xf32, #tpu.memory_space<vmem>>
      %dma_wait3A_230 = arith.constant 0 : i32
      %dma_wait3A_231 = arith.constant 0 : i32
      %dma_wait3A_232 = tpu.memref_slice %arg3[%dma_wait3A_230, %dma_wait3A_231] : memref<1000000x32xf32, #tpu.memory_space<hbm>> -> memref<128x32xf32, #tpu.memory_space<hbm>>
      tpu.wait_dma2 semaphore(%arg9 : memref<!tpu.dma_semaphore, #tpu.memory_space<semaphore_mem>>) src(%dma_wait3A_232 : memref<128x32xf32, #tpu.memory_space<hbm>>) dst(%dma_wait3A_229 : memref<128x32xf32, #tpu.memory_space<vmem>>)
      %add3A_233 = arith.constant 3 : i32
      %add3A_234 = arith.addi %add3A_217, %add3A_233 : i32
      %lt3A = arith.constant 200 : i32
      %lt3A_235 = arith.cmpi slt, %add3A_234, %lt3A : i32
      %convert_element_type3A = arith.extui %lt3A_235 : i1 to i32
      %cond3A = arith.constant 0 : i32
      %cond3A_236 = arith.cmpi ne, %convert_element_type3A, %cond3A : i32
      scf.if %cond3A_236 {
        %add3A_691 = arith.constant 3 : i32
        %add3A_692 = arith.addi %add3A_217, %add3A_691 : i32
        %jit3A_693 = arith.constant 4 : i32
        %div3A_694 = arith.divsi %add3A_692, %jit3A_693 : i32
        %sign3A_695 = arith.constant 0 : i32
        %sign3A_696 = arith.cmpi sgt, %add3A_692, %sign3A_695 : i32
        %sign3A_697 = arith.extui %sign3A_696 : i1 to i32
        %sign3A_698 = arith.constant 0 : i32
        %sign3A_699 = arith.cmpi slt, %add3A_692, %sign3A_698 : i32
        %sign3A_700 = arith.extui %sign3A_699 : i1 to i32
        %sign3A_701 = arith.subi %sign3A_697, %sign3A_700 : i32
        %sign3A_702 = arith.constant 0 : i32
        %sign3A_703 = arith.cmpi sgt, %jit3A_693, %sign3A_702 : i32
        %sign3A_704 = arith.extui %sign3A_703 : i1 to i32
        %sign3A_705 = arith.constant 0 : i32
        %sign3A_706 = arith.cmpi slt, %jit3A_693, %sign3A_705 : i32
        %sign3A_707 = arith.extui %sign3A_706 : i1 to i32
        %sign3A_708 = arith.subi %sign3A_704, %sign3A_707 : i32
        %ne3A_709 = arith.cmpi ne, %sign3A_701, %sign3A_708 : i32
        %rem3A_710 = arith.remsi %add3A_692, %jit3A_693 : i32
        %ne3A_711 = arith.constant 0 : i32
        %ne3A_712 = arith.cmpi ne, %rem3A_710, %ne3A_711 : i32
        %and3A_713 = arith.andi %ne3A_709, %ne3A_712 : i1
        %sub3A_714 = arith.constant 1 : i32
        %sub3A_715 = arith.subi %div3A_694, %sub3A_714 : i32
        %select_n3A_716 = arith.select %and3A_713, %sub3A_715, %div3A_694 : i32
        %jit3A_717 = arith.constant 4 : i32
        %eq3A_718 = arith.constant 0 : i32
        %eq3A_719 = arith.cmpi eq, %jit3A_717, %eq3A_718 : i32
        %jit3A_720 = arith.constant 1 : i32
        %select_n3A_721 = arith.select %eq3A_719, %jit3A_720, %jit3A_717 : i32
        %rem3A_722 = arith.remsi %add3A_692, %select_n3A_721 : i32
        %ne3A_723 = arith.constant 0 : i32
        %ne3A_724 = arith.cmpi ne, %rem3A_722, %ne3A_723 : i32
        %lt3A_725 = arith.constant 0 : i32
        %lt3A_726 = arith.cmpi slt, %rem3A_722, %lt3A_725 : i32
        %lt3A_727 = arith.constant 0 : i32
        %lt3A_728 = arith.cmpi slt, %select_n3A_721, %lt3A_727 : i32
        %ne3A_729 = arith.xori %lt3A_726, %lt3A_728 : i1
        %and3A_730 = arith.andi %ne3A_729, %ne3A_724 : i1
        %add3A_731 = arith.addi %rem3A_722, %select_n3A_721 : i32
        %select_n3A_732 = arith.select %and3A_730, %add3A_731, %rem3A_722 : i32
        %dma_start3A_733 = arith.constant 3 : i32
        %dma_start3A_734 = arith.constant 0 : i32
        %dma_start3A_735 = arith.constant 0 : i32
        %dma_start3A_736 = tpu.memref_slice %arg6[%dma_start3A_733, %dma_start3A_734, %dma_start3A_735] : memref<4x128x32xf32, #tpu.memory_space<vmem>> -> memref<1x128x32xf32, #tpu.memory_space<vmem>>
        %dma_start3A_737 = tpu.memref_squeeze %dma_start3A_736 : memref<1x128x32xf32, #tpu.memory_space<vmem>> -> memref<128x32xf32, #tpu.memory_space<vmem>>
        %dma_start3A_738 = arith.constant 0 : i32
        %dma_start3A_739 = tpu.memref_slice %arg5[%select_n3A_716, %select_n3A_732, %dma_start3A_738] : memref<50x4x128xi32, #tpu.memory_space<vmem>> -> memref<1x1x128xi32, #tpu.memory_space<vmem>>
        %dma_start3A_740 = tpu.memref_squeeze %dma_start3A_739 : memref<1x1x128xi32, #tpu.memory_space<vmem>> -> memref<128xi32, #tpu.memory_space<vmem>>
        %dma_start3A_741 = arith.constant 0 : i32
        %dma_start3A_742 = arith.constant 0 : i32
        %dma_start3A_743 = tpu.memref_slice %arg3[%dma_start3A_741, %dma_start3A_742] : memref<1000000x32xf32, #tpu.memory_space<hbm>> -> memref<1000000x32xf32, #tpu.memory_space<hbm>>
        tpu.enqueue_indirect_dma source(%dma_start3A_743 : memref<1000000x32xf32, #tpu.memory_space<hbm>>) target(%dma_start3A_737 : memref<128x32xf32, #tpu.memory_space<vmem>>) offsets(%dma_start3A_740 : memref<128xi32, #tpu.memory_space<vmem>>) semaphore(%arg12 : memref<!tpu.dma_semaphore, #tpu.memory_space<semaphore_mem>>)
      } else {
      }
      %ge3A = arith.constant 2 : i32
      %ge3A_237 = arith.cmpi sge, %add3A_217, %ge3A : i32
      %convert_element_type3A_238 = arith.extui %ge3A_237 : i1 to i32
      %cond3A_239 = arith.constant 0 : i32
      %cond3A_240 = arith.cmpi ne, %convert_element_type3A_238, %cond3A_239 : i32
      scf.if %cond3A_240 {
        %dma_wait3A_691 = arith.constant 0 : i32
        %dma_wait3A_692 = arith.constant 0 : i32
        %dma_wait3A_693 = arith.constant 0 : i32
        %dma_wait3A_694 = arith.constant 0 : i32
        %dma_wait3A_695 = tpu.memref_slice %arg7[%dma_wait3A_694] : memref<4096xf32, #tpu.memory_space<vmem>> -> memref<1024xf32, #tpu.memory_space<vmem>>
        %dma_wait3A_696 = arith.constant 0 : i32
        %dma_wait3A_697 = tpu.memref_slice %arg4[%dma_wait3A_691, %dma_wait3A_692, %dma_wait3A_693, %dma_wait3A_696] : memref<50x4x128x1024xf32, #tpu.memory_space<hbm>> -> memref<1x1x1x1024xf32, #tpu.memory_space<hbm>>
        %dma_wait3A_698 = tpu.memref_squeeze %dma_wait3A_697 : memref<1x1x1x1024xf32, #tpu.memory_space<hbm>> -> memref<1024xf32, #tpu.memory_space<hbm>>
        %dma_wait3A_699 = arith.constant 0 : i32
        %dma_wait3A_700 = tpu.memref_slice %arg7[%dma_wait3A_699] : memref<4096xf32, #tpu.memory_space<vmem>> -> memref<1024xf32, #tpu.memory_space<vmem>>
        %dma_wait3A_701 = arith.constant 0 : i32
        %dma_wait3A_702 = tpu.memref_slice %arg4[%dma_wait3A_691, %dma_wait3A_692, %dma_wait3A_693, %dma_wait3A_701] : memref<50x4x128x1024xf32, #tpu.memory_space<hbm>> -> memref<1x1x1x1024xf32, #tpu.memory_space<hbm>>
        %dma_wait3A_703 = tpu.memref_squeeze %dma_wait3A_702 : memref<1x1x1x1024xf32, #tpu.memory_space<hbm>> -> memref<1024xf32, #tpu.memory_space<hbm>>
        tpu.wait_dma2 semaphore(%arg13 : memref<!tpu.dma_semaphore, #tpu.memory_space<semaphore_mem>>) src(%dma_wait3A_703 : memref<1024xf32, #tpu.memory_space<hbm>>) dst(%dma_wait3A_700 : memref<1024xf32, #tpu.memory_space<vmem>>)
        %dma_wait3A_704 = arith.constant 0 : i32
        %dma_wait3A_705 = arith.constant 0 : i32
        %dma_wait3A_706 = arith.constant 0 : i32
        %dma_wait3A_707 = arith.constant 1024 : i32
        %dma_wait3A_708 = tpu.memref_slice %arg7[%dma_wait3A_707] : memref<4096xf32, #tpu.memory_space<vmem>> -> memref<1024xf32, #tpu.memory_space<vmem>>
        %dma_wait3A_709 = arith.constant 0 : i32
        %dma_wait3A_710 = tpu.memref_slice %arg4[%dma_wait3A_704, %dma_wait3A_705, %dma_wait3A_706, %dma_wait3A_709] : memref<50x4x128x1024xf32, #tpu.memory_space<hbm>> -> memref<1x1x1x1024xf32, #tpu.memory_space<hbm>>
        %dma_wait3A_711 = tpu.memref_squeeze %dma_wait3A_710 : memref<1x1x1x1024xf32, #tpu.memory_space<hbm>> -> memref<1024xf32, #tpu.memory_space<hbm>>
        %dma_wait3A_712 = arith.constant 1024 : i32
        %dma_wait3A_713 = tpu.memref_slice %arg7[%dma_wait3A_712] : memref<4096xf32, #tpu.memory_space<vmem>> -> memref<1024xf32, #tpu.memory_space<vmem>>
        %dma_wait3A_714 = arith.constant 0 : i32
        %dma_wait3A_715 = tpu.memref_slice %arg4[%dma_wait3A_704, %dma_wait3A_705, %dma_wait3A_706, %dma_wait3A_714] : memref<50x4x128x1024xf32, #tpu.memory_space<hbm>> -> memref<1x1x1x1024xf32, #tpu.memory_space<hbm>>
        %dma_wait3A_716 = tpu.memref_squeeze %dma_wait3A_715 : memref<1x1x1x1024xf32, #tpu.memory_space<hbm>> -> memref<1024xf32, #tpu.memory_space<hbm>>
        tpu.wait_dma2 semaphore(%arg13 : memref<!tpu.dma_semaphore, #tpu.memory_space<semaphore_mem>>) src(%dma_wait3A_716 : memref<1024xf32, #tpu.memory_space<hbm>>) dst(%dma_wait3A_713 : memref<1024xf32, #tpu.memory_space<vmem>>)
        %dma_wait3A_717 = arith.constant 0 : i32
        %dma_wait3A_718 = arith.constant 0 : i32
        %dma_wait3A_719 = arith.constant 0 : i32
        %dma_wait3A_720 = arith.constant 2048 : i32
        %dma_wait3A_721 = tpu.memref_slice %arg7[%dma_wait3A_720] : memref<4096xf32, #tpu.memory_space<vmem>> -> memref<1024xf32, #tpu.memory_space<vmem>>
        %dma_wait3A_722 = arith.constant 0 : i32
        %dma_wait3A_723 = tpu.memref_slice %arg4[%dma_wait3A_717, %dma_wait3A_718, %dma_wait3A_719, %dma_wait3A_722] : memref<50x4x128x1024xf32, #tpu.memory_space<hbm>> -> memref<1x1x1x1024xf32, #tpu.memory_space<hbm>>
        %dma_wait3A_724 = tpu.memref_squeeze %dma_wait3A_723 : memref<1x1x1x1024xf32, #tpu.memory_space<hbm>> -> memref<1024xf32, #tpu.memory_space<hbm>>
        %dma_wait3A_725 = arith.constant 2048 : i32
        %dma_wait3A_726 = tpu.memref_slice %arg7[%dma_wait3A_725] : memref<4096xf32, #tpu.memory_space<vmem>> -> memref<1024xf32, #tpu.memory_space<vmem>>
        %dma_wait3A_727 = arith.constant 0 : i32
        %dma_wait3A_728 = tpu.memref_slice %arg4[%dma_wait3A_717, %dma_wait3A_718, %dma_wait3A_719, %dma_wait3A_727] : memref<50x4x128x1024xf32, #tpu.memory_space<hbm>> -> memref<1x1x1x1024xf32, #tpu.memory_space<hbm>>
        %dma_wait3A_729 = tpu.memref_squeeze %dma_wait3A_728 : memref<1x1x1x1024xf32, #tpu.memory_space<hbm>> -> memref<1024xf32, #tpu.memory_space<hbm>>
        tpu.wait_dma2 semaphore(%arg13 : memref<!tpu.dma_semaphore, #tpu.memory_space<semaphore_mem>>) src(%dma_wait3A_729 : memref<1024xf32, #tpu.memory_space<hbm>>) dst(%dma_wait3A_726 : memref<1024xf32, #tpu.memory_space<vmem>>)
        %dma_wait3A_730 = arith.constant 0 : i32
        %dma_wait3A_731 = arith.constant 0 : i32
        %dma_wait3A_732 = arith.constant 0 : i32
        %dma_wait3A_733 = arith.constant 3072 : i32
        %dma_wait3A_734 = tpu.memref_slice %arg7[%dma_wait3A_733] : memref<4096xf32, #tpu.memory_space<vmem>> -> memref<1024xf32, #tpu.memory_space<vmem>>
        %dma_wait3A_735 = arith.constant 0 : i32
        %dma_wait3A_736 = tpu.memref_slice %arg4[%dma_wait3A_730, %dma_wait3A_731, %dma_wait3A_732, %dma_wait3A_735] : memref<50x4x128x1024xf32, #tpu.memory_space<hbm>> -> memref<1x1x1x1024xf32, #tpu.memory_space<hbm>>
        %dma_wait3A_737 = tpu.memref_squeeze %dma_wait3A_736 : memref<1x1x1x1024xf32, #tpu.memory_space<hbm>> -> memref<1024xf32, #tpu.memory_space<hbm>>
        %dma_wait3A_738 = arith.constant 3072 : i32
        %dma_wait3A_739 = tpu.memref_slice %arg7[%dma_wait3A_738] : memref<4096xf32, #tpu.memory_space<vmem>> -> memref<1024xf32, #tpu.memory_space<vmem>>
        %dma_wait3A_740 = arith.constant 0 : i32
        %dma_wait3A_741 = tpu.memref_slice %arg4[%dma_wait3A_730, %dma_wait3A_731, %dma_wait3A_732, %dma_wait3A_740] : memref<50x4x128x1024xf32, #tpu.memory_space<hbm>> -> memref<1x1x1x1024xf32, #tpu.memory_space<hbm>>
        %dma_wait3A_742 = tpu.memref_squeeze %dma_wait3A_741 : memref<1x1x1x1024xf32, #tpu.memory_space<hbm>> -> memref<1024xf32, #tpu.memory_space<hbm>>
        tpu.wait_dma2 semaphore(%arg13 : memref<!tpu.dma_semaphore, #tpu.memory_space<semaphore_mem>>) src(%dma_wait3A_742 : memref<1024xf32, #tpu.memory_space<hbm>>) dst(%dma_wait3A_739 : memref<1024xf32, #tpu.memory_space<vmem>>)
      } else {
      }
      %scan3A_241 = arith.constant 0 : i32
      %scan3A_242 = arith.constant 8 : i32
      %scan3A_243 = arith.addi %scan3A_241, %scan3A_242 : i32
      %scan3A_244 = arith.constant 1 : i32
      scf.for %scan3A_691 = %scan3A_241 to %scan3A_243 step %scan3A_244  : i32 {
        %mul3A_692 = arith.constant 1 : i32
        %mul3A_693 = arith.muli %scan3A_691, %mul3A_692 : i32
        %add3A_694 = arith.constant 0 : i32
        %add3A_695 = arith.addi %add3A_694, %mul3A_693 : i32
        %mul3A_696 = arith.constant 16 : i32
        %mul3A_697 = arith.muli %add3A_695, %mul3A_696 : i32
        %add3A_698 = vector.broadcast %mul3A_697 : i32 to vector<16xi32>
        %add3A_699 = arith.addi %iota3A, %add3A_698 : vector<16xi32>
        %gather3A = arith.constant 0 : i32
        %gather3A_700 = arith.constant 0 : i32
        %gather3A_701 = arith.constant 0 : i32
        %gather3A_702 = tpu.memref_slice %arg6[%gather3A, %gather3A_700, %gather3A_701] : memref<4x128x32xf32, #tpu.memory_space<vmem>> -> memref<1x128x32xf32, #tpu.memory_space<vmem>>
        %gather3A_703 = tpu.memref_squeeze %gather3A_702 : memref<1x128x32xf32, #tpu.memory_space<vmem>> -> memref<128x32xf32, #tpu.memory_space<vmem>>
        %gather3A_704 = tpu.vector_load_idx %gather3A_703[%add3A_699, %broadcast_in_dim3A_3] : memref<128x32xf32, #tpu.memory_space<vmem>>[vector<16xi32>, vector<16xi32>], vector<16xf32>,
        %mul3A_705 = arith.constant 5.65685415 : f32
        %mul3A_706 = vector.broadcast %mul3A_705 : f32 to vector<16xf32>
        %mul3A_707 = arith.mulf %gather3A_704, %mul3A_706 : vector<16xf32>
        %gather3A_708 = arith.constant 0 : i32
        %gather3A_709 = arith.constant 0 : i32
        %gather3A_710 = arith.constant 0 : i32
        %gather3A_711 = tpu.memref_slice %arg6[%gather3A_708, %gather3A_709, %gather3A_710] : memref<4x128x32xf32, #tpu.memory_space<vmem>> -> memref<1x128x32xf32, #tpu.memory_space<vmem>>
        %gather3A_712 = tpu.memref_squeeze %gather3A_711 : memref<1x128x32xf32, #tpu.memory_space<vmem>> -> memref<128x32xf32, #tpu.memory_space<vmem>>
        %gather3A_713 = tpu.vector_load_idx %gather3A_712[%add3A_699, %broadcast_in_dim3A_5] : memref<128x32xf32, #tpu.memory_space<vmem>>[vector<16xi32>, vector<16xi32>], vector<16xf32>,
        %mul3A_714 = arith.constant 5.65685415 : f32
        %mul3A_715 = vector.broadcast %mul3A_714 : f32 to vector<16xf32>
        %mul3A_716 = arith.mulf %gather3A_713, %mul3A_715 : vector<16xf32>
        %gather3A_717 = arith.constant 0 : i32
        %gather3A_718 = arith.constant 0 : i32
        %gather3A_719 = arith.constant 0 : i32
        %gather3A_720 = tpu.memref_slice %arg6[%gather3A_717, %gather3A_718, %gather3A_719] : memref<4x128x32xf32, #tpu.memory_space<vmem>> -> memref<1x128x32xf32, #tpu.memory_space<vmem>>
        %gather3A_721 = tpu.memref_squeeze %gather3A_720 : memref<1x128x32xf32, #tpu.memory_space<vmem>> -> memref<128x32xf32, #tpu.memory_space<vmem>>
        %gather3A_722 = tpu.vector_load_idx %gather3A_721[%add3A_699, %broadcast_in_dim3A_7] : memref<128x32xf32, #tpu.memory_space<vmem>>[vector<16xi32>, vector<16xi32>], vector<16xf32>,
        %mul3A_723 = arith.constant 5.65685415 : f32
        %mul3A_724 = vector.broadcast %mul3A_723 : f32 to vector<16xf32>
        %mul3A_725 = arith.mulf %gather3A_722, %mul3A_724 : vector<16xf32>
        %gather3A_726 = arith.constant 0 : i32
        %gather3A_727 = arith.constant 0 : i32
        %gather3A_728 = arith.constant 0 : i32
        %gather3A_729 = tpu.memref_slice %arg6[%gather3A_726, %gather3A_727, %gather3A_728] : memref<4x128x32xf32, #tpu.memory_space<vmem>> -> memref<1x128x32xf32, #tpu.memory_space<vmem>>
        %gather3A_730 = tpu.memref_squeeze %gather3A_729 : memref<1x128x32xf32, #tpu.memory_space<vmem>> -> memref<128x32xf32, #tpu.memory_space<vmem>>
        %gather3A_731 = tpu.vector_load_idx %gather3A_730[%add3A_699, %broadcast_in_dim3A_9] : memref<128x32xf32, #tpu.memory_space<vmem>>[vector<16xi32>, vector<16xi32>], vector<16xf32>,
        %mul3A_732 = arith.constant 5.65685415 : f32
        %mul3A_733 = vector.broadcast %mul3A_732 : f32 to vector<16xf32>
        %mul3A_734 = arith.mulf %gather3A_731, %mul3A_733 : vector<16xf32>
        %gather3A_735 = arith.constant 0 : i32
        %gather3A_736 = arith.constant 0 : i32
        %gather3A_737 = arith.constant 0 : i32
        %gather3A_738 = tpu.memref_slice %arg6[%gather3A_735, %gather3A_736, %gather3A_737] : memref<4x128x32xf32, #tpu.memory_space<vmem>> -> memref<1x128x32xf32, #tpu.memory_space<vmem>>
        %gather3A_739 = tpu.memref_squeeze %gather3A_738 : memref<1x128x32xf32, #tpu.memory_space<vmem>> -> memref<128x32xf32, #tpu.memory_space<vmem>>
        %gather3A_740 = tpu.vector_load_idx %gather3A_739[%add3A_699, %broadcast_in_dim3A_11] : memref<128x32xf32, #tpu.memory_space<vmem>>[vector<16xi32>, vector<16xi32>], vector<16xf32>,
        %mul3A_741 = arith.constant 5.65685415 : f32
        %mul3A_742 = vector.broadcast %mul3A_741 : f32 to vector<16xf32>
        %mul3A_743 = arith.mulf %gather3A_740, %mul3A_742 : vector<16xf32>
        %gather3A_744 = arith.constant 0 : i32
        %gather3A_745 = arith.constant 0 : i32
        %gather3A_746 = arith.constant 0 : i32
        %gather3A_747 = tpu.memref_slice %arg6[%gather3A_744, %gather3A_745, %gather3A_746] : memref<4x128x32xf32, #tpu.memory_space<vmem>> -> memref<1x128x32xf32, #tpu.memory_space<vmem>>
        %gather3A_748 = tpu.memref_squeeze %gather3A_747 : memref<1x128x32xf32, #tpu.memory_space<vmem>> -> memref<128x32xf32, #tpu.memory_space<vmem>>
        %gather3A_749 = tpu.vector_load_idx %gather3A_748[%add3A_699, %broadcast_in_dim3A_13] : memref<128x32xf32, #tpu.memory_space<vmem>>[vector<16xi32>, vector<16xi32>], vector<16xf32>,
        %mul3A_750 = arith.constant 5.65685415 : f32
        %mul3A_751 = vector.broadcast %mul3A_750 : f32 to vector<16xf32>
        %mul3A_752 = arith.mulf %gather3A_749, %mul3A_751 : vector<16xf32>
        %gather3A_753 = arith.constant 0 : i32
        %gather3A_754 = arith.constant 0 : i32
        %gather3A_755 = arith.constant 0 : i32
        %gather3A_756 = tpu.memref_slice %arg6[%gather3A_753, %gather3A_754, %gather3A_755] : memref<4x128x32xf32, #tpu.memory_space<vmem>> -> memref<1x128x32xf32, #tpu.memory_space<vmem>>
        %gather3A_757 = tpu.memref_squeeze %gather3A_756 : memref<1x128x32xf32, #tpu.memory_space<vmem>> -> memref<128x32xf32, #tpu.memory_space<vmem>>
        %gather3A_758 = tpu.vector_load_idx %gather3A_757[%add3A_699, %broadcast_in_dim3A_15] : memref<128x32xf32, #tpu.memory_space<vmem>>[vector<16xi32>, vector<16xi32>], vector<16xf32>,
        %mul3A_759 = arith.constant 5.65685415 : f32
        %mul3A_760 = vector.broadcast %mul3A_759 : f32 to vector<16xf32>
        %mul3A_761 = arith.mulf %gather3A_758, %mul3A_760 : vector<16xf32>
        %gather3A_762 = arith.constant 0 : i32
        %gather3A_763 = arith.constant 0 : i32
        %gather3A_764 = arith.constant 0 : i32
        %gather3A_765 = tpu.memref_slice %arg6[%gather3A_762, %gather3A_763, %gather3A_764] : memref<4x128x32xf32, #tpu.memory_space<vmem>> -> memref<1x128x32xf32, #tpu.memory_space<vmem>>
        %gather3A_766 = tpu.memref_squeeze %gather3A_765 : memref<1x128x32xf32, #tpu.memory_space<vmem>> -> memref<128x32xf32, #tpu.memory_space<vmem>>
        %gather3A_767 = tpu.vector_load_idx %gather3A_766[%add3A_699, %broadcast_in_dim3A_17] : memref<128x32xf32, #tpu.memory_space<vmem>>[vector<16xi32>, vector<16xi32>], vector<16xf32>,
        %mul3A_768 = arith.constant 5.65685415 : f32
        %mul3A_769 = vector.broadcast %mul3A_768 : f32 to vector<16xf32>
        %mul3A_770 = arith.mulf %gather3A_767, %mul3A_769 : vector<16xf32>
        %gather3A_771 = arith.constant 0 : i32
        %gather3A_772 = arith.constant 0 : i32
        %gather3A_773 = arith.constant 0 : i32
        %gather3A_774 = tpu.memref_slice %arg6[%gather3A_771, %gather3A_772, %gather3A_773] : memref<4x128x32xf32, #tpu.memory_space<vmem>> -> memref<1x128x32xf32, #tpu.memory_space<vmem>>
        %gather3A_775 = tpu.memref_squeeze %gather3A_774 : memref<1x128x32xf32, #tpu.memory_space<vmem>> -> memref<128x32xf32, #tpu.memory_space<vmem>>
        %gather3A_776 = tpu.vector_load_idx %gather3A_775[%add3A_699, %broadcast_in_dim3A_19] : memref<128x32xf32, #tpu.memory_space<vmem>>[vector<16xi32>, vector<16xi32>], vector<16xf32>,
        %mul3A_777 = arith.constant 5.65685415 : f32
        %mul3A_778 = vector.broadcast %mul3A_777 : f32 to vector<16xf32>
        %mul3A_779 = arith.mulf %gather3A_776, %mul3A_778 : vector<16xf32>
        %gather3A_780 = arith.constant 0 : i32
        %gather3A_781 = arith.constant 0 : i32
        %gather3A_782 = arith.constant 0 : i32
        %gather3A_783 = tpu.memref_slice %arg6[%gather3A_780, %gather3A_781, %gather3A_782] : memref<4x128x32xf32, #tpu.memory_space<vmem>> -> memref<1x128x32xf32, #tpu.memory_space<vmem>>
        %gather3A_784 = tpu.memref_squeeze %gather3A_783 : memref<1x128x32xf32, #tpu.memory_space<vmem>> -> memref<128x32xf32, #tpu.memory_space<vmem>>
        %gather3A_785 = tpu.vector_load_idx %gather3A_784[%add3A_699, %broadcast_in_dim3A_21] : memref<128x32xf32, #tpu.memory_space<vmem>>[vector<16xi32>, vector<16xi32>], vector<16xf32>,
        %mul3A_786 = arith.constant 5.65685415 : f32
        %mul3A_787 = vector.broadcast %mul3A_786 : f32 to vector<16xf32>
        %mul3A_788 = arith.mulf %gather3A_785, %mul3A_787 : vector<16xf32>
        %gather3A_789 = arith.constant 0 : i32
        %gather3A_790 = arith.constant 0 : i32
        %gather3A_791 = arith.constant 0 : i32
        %gather3A_792 = tpu.memref_slice %arg6[%gather3A_789, %gather3A_790, %gather3A_791] : memref<4x128x32xf32, #tpu.memory_space<vmem>> -> memref<1x128x32xf32, #tpu.memory_space<vmem>>
        %gather3A_793 = tpu.memref_squeeze %gather3A_792 : memref<1x128x32xf32, #tpu.memory_space<vmem>> -> memref<128x32xf32, #tpu.memory_space<vmem>>
        %gather3A_794 = tpu.vector_load_idx %gather3A_793[%add3A_699, %broadcast_in_dim3A_23] : memref<128x32xf32, #tpu.memory_space<vmem>>[vector<16xi32>, vector<16xi32>], vector<16xf32>,
        %mul3A_795 = arith.constant 5.65685415 : f32
        %mul3A_796 = vector.broadcast %mul3A_795 : f32 to vector<16xf32>
        %mul3A_797 = arith.mulf %gather3A_794, %mul3A_796 : vector<16xf32>
        %gather3A_798 = arith.constant 0 : i32
        %gather3A_799 = arith.constant 0 : i32
        %gather3A_800 = arith.constant 0 : i32
        %gather3A_801 = tpu.memref_slice %arg6[%gather3A_798, %gather3A_799, %gather3A_800] : memref<4x128x32xf32, #tpu.memory_space<vmem>> -> memref<1x128x32xf32, #tpu.memory_space<vmem>>
        %gather3A_802 = tpu.memref_squeeze %gather3A_801 : memref<1x128x32xf32, #tpu.memory_space<vmem>> -> memref<128x32xf32, #tpu.memory_space<vmem>>
        %gather3A_803 = tpu.vector_load_idx %gather3A_802[%add3A_699, %broadcast_in_dim3A_25] : memref<128x32xf32, #tpu.memory_space<vmem>>[vector<16xi32>, vector<16xi32>], vector<16xf32>,
        %mul3A_804 = arith.constant 5.65685415 : f32
        %mul3A_805 = vector.broadcast %mul3A_804 : f32 to vector<16xf32>
        %mul3A_806 = arith.mulf %gather3A_803, %mul3A_805 : vector<16xf32>
        %gather3A_807 = arith.constant 0 : i32
        %gather3A_808 = arith.constant 0 : i32
        %gather3A_809 = arith.constant 0 : i32
        %gather3A_810 = tpu.memref_slice %arg6[%gather3A_807, %gather3A_808, %gather3A_809] : memref<4x128x32xf32, #tpu.memory_space<vmem>> -> memref<1x128x32xf32, #tpu.memory_space<vmem>>
        %gather3A_811 = tpu.memref_squeeze %gather3A_810 : memref<1x128x32xf32, #tpu.memory_space<vmem>> -> memref<128x32xf32, #tpu.memory_space<vmem>>
        %gather3A_812 = tpu.vector_load_idx %gather3A_811[%add3A_699, %broadcast_in_dim3A_27] : memref<128x32xf32, #tpu.memory_space<vmem>>[vector<16xi32>, vector<16xi32>], vector<16xf32>,
        %mul3A_813 = arith.constant 5.65685415 : f32
        %mul3A_814 = vector.broadcast %mul3A_813 : f32 to vector<16xf32>
        %mul3A_815 = arith.mulf %gather3A_812, %mul3A_814 : vector<16xf32>
        %gather3A_816 = arith.constant 0 : i32
        %gather3A_817 = arith.constant 0 : i32
        %gather3A_818 = arith.constant 0 : i32
        %gather3A_819 = tpu.memref_slice %arg6[%gather3A_816, %gather3A_817, %gather3A_818] : memref<4x128x32xf32, #tpu.memory_space<vmem>> -> memref<1x128x32xf32, #tpu.memory_space<vmem>>
        %gather3A_820 = tpu.memref_squeeze %gather3A_819 : memref<1x128x32xf32, #tpu.memory_space<vmem>> -> memref<128x32xf32, #tpu.memory_space<vmem>>
        %gather3A_821 = tpu.vector_load_idx %gather3A_820[%add3A_699, %broadcast_in_dim3A_29] : memref<128x32xf32, #tpu.memory_space<vmem>>[vector<16xi32>, vector<16xi32>], vector<16xf32>,
        %mul3A_822 = arith.constant 5.65685415 : f32
        %mul3A_823 = vector.broadcast %mul3A_822 : f32 to vector<16xf32>
        %mul3A_824 = arith.mulf %gather3A_821, %mul3A_823 : vector<16xf32>
        %gather3A_825 = arith.constant 0 : i32
        %gather3A_826 = arith.constant 0 : i32
        %gather3A_827 = arith.constant 0 : i32
        %gather3A_828 = tpu.memref_slice %arg6[%gather3A_825, %gather3A_826, %gather3A_827] : memref<4x128x32xf32, #tpu.memory_space<vmem>> -> memref<1x128x32xf32, #tpu.memory_space<vmem>>
        %gather3A_829 = tpu.memref_squeeze %gather3A_828 : memref<1x128x32xf32, #tpu.memory_space<vmem>> -> memref<128x32xf32, #tpu.memory_space<vmem>>
        %gather3A_830 = tpu.vector_load_idx %gather3A_829[%add3A_699, %broadcast_in_dim3A_31] : memref<128x32xf32, #tpu.memory_space<vmem>>[vector<16xi32>, vector<16xi32>], vector<16xf32>,
        %mul3A_831 = arith.constant 5.65685415 : f32
        %mul3A_832 = vector.broadcast %mul3A_831 : f32 to vector<16xf32>
        %mul3A_833 = arith.mulf %gather3A_830, %mul3A_832 : vector<16xf32>
        %gather3A_834 = arith.constant 0 : i32
        %gather3A_835 = arith.constant 0 : i32
        %gather3A_836 = arith.constant 0 : i32
        %gather3A_837 = tpu.memref_slice %arg6[%gather3A_834, %gather3A_835, %gather3A_836] : memref<4x128x32xf32, #tpu.memory_space<vmem>> -> memref<1x128x32xf32, #tpu.memory_space<vmem>>
        %gather3A_838 = tpu.memref_squeeze %gather3A_837 : memref<1x128x32xf32, #tpu.memory_space<vmem>> -> memref<128x32xf32, #tpu.memory_space<vmem>>
        %gather3A_839 = tpu.vector_load_idx %gather3A_838[%add3A_699, %broadcast_in_dim3A_33] : memref<128x32xf32, #tpu.memory_space<vmem>>[vector<16xi32>, vector<16xi32>], vector<16xf32>,
        %mul3A_840 = arith.constant 5.65685415 : f32
        %mul3A_841 = vector.broadcast %mul3A_840 : f32 to vector<16xf32>
        %mul3A_842 = arith.mulf %gather3A_839, %mul3A_841 : vector<16xf32>
        %gather3A_843 = arith.constant 0 : i32
        %gather3A_844 = arith.constant 0 : i32
        %gather3A_845 = arith.constant 0 : i32
        %gather3A_846 = tpu.memref_slice %arg6[%gather3A_843, %gather3A_844, %gather3A_845] : memref<4x128x32xf32, #tpu.memory_space<vmem>> -> memref<1x128x32xf32, #tpu.memory_space<vmem>>
        %gather3A_847 = tpu.memref_squeeze %gather3A_846 : memref<1x128x32xf32, #tpu.memory_space<vmem>> -> memref<128x32xf32, #tpu.memory_space<vmem>>
        %gather3A_848 = tpu.vector_load_idx %gather3A_847[%add3A_699, %broadcast_in_dim3A_35] : memref<128x32xf32, #tpu.memory_space<vmem>>[vector<16xi32>, vector<16xi32>], vector<16xf32>,
        %mul3A_849 = arith.constant 5.65685415 : f32
        %mul3A_850 = vector.broadcast %mul3A_849 : f32 to vector<16xf32>
        %mul3A_851 = arith.mulf %gather3A_848, %mul3A_850 : vector<16xf32>
        %gather3A_852 = arith.constant 0 : i32
        %gather3A_853 = arith.constant 0 : i32
        %gather3A_854 = arith.constant 0 : i32
        %gather3A_855 = tpu.memref_slice %arg6[%gather3A_852, %gather3A_853, %gather3A_854] : memref<4x128x32xf32, #tpu.memory_space<vmem>> -> memref<1x128x32xf32, #tpu.memory_space<vmem>>
        %gather3A_856 = tpu.memref_squeeze %gather3A_855 : memref<1x128x32xf32, #tpu.memory_space<vmem>> -> memref<128x32xf32, #tpu.memory_space<vmem>>
        %gather3A_857 = tpu.vector_load_idx %gather3A_856[%add3A_699, %broadcast_in_dim3A_37] : memref<128x32xf32, #tpu.memory_space<vmem>>[vector<16xi32>, vector<16xi32>], vector<16xf32>,
        %mul3A_858 = arith.constant 5.65685415 : f32
        %mul3A_859 = vector.broadcast %mul3A_858 : f32 to vector<16xf32>
        %mul3A_860 = arith.mulf %gather3A_857, %mul3A_859 : vector<16xf32>
        %gather3A_861 = arith.constant 0 : i32
        %gather3A_862 = arith.constant 0 : i32
        %gather3A_863 = arith.constant 0 : i32
        %gather3A_864 = tpu.memref_slice %arg6[%gather3A_861, %gather3A_862, %gather3A_863] : memref<4x128x32xf32, #tpu.memory_space<vmem>> -> memref<1x128x32xf32, #tpu.memory_space<vmem>>
        %gather3A_865 = tpu.memref_squeeze %gather3A_864 : memref<1x128x32xf32, #tpu.memory_space<vmem>> -> memref<128x32xf32, #tpu.memory_space<vmem>>
        %gather3A_866 = tpu.vector_load_idx %gather3A_865[%add3A_699, %broadcast_in_dim3A_39] : memref<128x32xf32, #tpu.memory_space<vmem>>[vector<16xi32>, vector<16xi32>], vector<16xf32>,
        %mul3A_867 = arith.constant 5.65685415 : f32
        %mul3A_868 = vector.broadcast %mul3A_867 : f32 to vector<16xf32>
        %mul3A_869 = arith.mulf %gather3A_866, %mul3A_868 : vector<16xf32>
        %gather3A_870 = arith.constant 0 : i32
        %gather3A_871 = arith.constant 0 : i32
        %gather3A_872 = arith.constant 0 : i32
        %gather3A_873 = tpu.memref_slice %arg6[%gather3A_870, %gather3A_871, %gather3A_872] : memref<4x128x32xf32, #tpu.memory_space<vmem>> -> memref<1x128x32xf32, #tpu.memory_space<vmem>>
        %gather3A_874 = tpu.memref_squeeze %gather3A_873 : memref<1x128x32xf32, #tpu.memory_space<vmem>> -> memref<128x32xf32, #tpu.memory_space<vmem>>
        %gather3A_875 = tpu.vector_load_idx %gather3A_874[%add3A_699, %broadcast_in_dim3A_41] : memref<128x32xf32, #tpu.memory_space<vmem>>[vector<16xi32>, vector<16xi32>], vector<16xf32>,
        %mul3A_876 = arith.constant 5.65685415 : f32
        %mul3A_877 = vector.broadcast %mul3A_876 : f32 to vector<16xf32>
        %mul3A_878 = arith.mulf %gather3A_875, %mul3A_877 : vector<16xf32>
        %gather3A_879 = arith.constant 0 : i32
        %gather3A_880 = arith.constant 0 : i32
        %gather3A_881 = arith.constant 0 : i32
        %gather3A_882 = tpu.memref_slice %arg6[%gather3A_879, %gather3A_880, %gather3A_881] : memref<4x128x32xf32, #tpu.memory_space<vmem>> -> memref<1x128x32xf32, #tpu.memory_space<vmem>>
        %gather3A_883 = tpu.memref_squeeze %gather3A_882 : memref<1x128x32xf32, #tpu.memory_space<vmem>> -> memref<128x32xf32, #tpu.memory_space<vmem>>
        %gather3A_884 = tpu.vector_load_idx %gather3A_883[%add3A_699, %broadcast_in_dim3A_43] : memref<128x32xf32, #tpu.memory_space<vmem>>[vector<16xi32>, vector<16xi32>], vector<16xf32>,
        %mul3A_885 = arith.constant 5.65685415 : f32
        %mul3A_886 = vector.broadcast %mul3A_885 : f32 to vector<16xf32>
        %mul3A_887 = arith.mulf %gather3A_884, %mul3A_886 : vector<16xf32>
        %gather3A_888 = arith.constant 0 : i32
        %gather3A_889 = arith.constant 0 : i32
        %gather3A_890 = arith.constant 0 : i32
        %gather3A_891 = tpu.memref_slice %arg6[%gather3A_888, %gather3A_889, %gather3A_890] : memref<4x128x32xf32, #tpu.memory_space<vmem>> -> memref<1x128x32xf32, #tpu.memory_space<vmem>>
        %gather3A_892 = tpu.memref_squeeze %gather3A_891 : memref<1x128x32xf32, #tpu.memory_space<vmem>> -> memref<128x32xf32, #tpu.memory_space<vmem>>
        %gather3A_893 = tpu.vector_load_idx %gather3A_892[%add3A_699, %broadcast_in_dim3A_45] : memref<128x32xf32, #tpu.memory_space<vmem>>[vector<16xi32>, vector<16xi32>], vector<16xf32>,
        %mul3A_894 = arith.constant 5.65685415 : f32
        %mul3A_895 = vector.broadcast %mul3A_894 : f32 to vector<16xf32>
        %mul3A_896 = arith.mulf %gather3A_893, %mul3A_895 : vector<16xf32>
        %gather3A_897 = arith.constant 0 : i32
        %gather3A_898 = arith.constant 0 : i32
        %gather3A_899 = arith.constant 0 : i32
        %gather3A_900 = tpu.memref_slice %arg6[%gather3A_897, %gather3A_898, %gather3A_899] : memref<4x128x32xf32, #tpu.memory_space<vmem>> -> memref<1x128x32xf32, #tpu.memory_space<vmem>>
        %gather3A_901 = tpu.memref_squeeze %gather3A_900 : memref<1x128x32xf32, #tpu.memory_space<vmem>> -> memref<128x32xf32, #tpu.memory_space<vmem>>
        %gather3A_902 = tpu.vector_load_idx %gather3A_901[%add3A_699, %broadcast_in_dim3A_47] : memref<128x32xf32, #tpu.memory_space<vmem>>[vector<16xi32>, vector<16xi32>], vector<16xf32>,
        %mul3A_903 = arith.constant 5.65685415 : f32
        %mul3A_904 = vector.broadcast %mul3A_903 : f32 to vector<16xf32>
        %mul3A_905 = arith.mulf %gather3A_902, %mul3A_904 : vector<16xf32>
        %gather3A_906 = arith.constant 0 : i32
        %gather3A_907 = arith.constant 0 : i32
        %gather3A_908 = arith.constant 0 : i32
        %gather3A_909 = tpu.memref_slice %arg6[%gather3A_906, %gather3A_907, %gather3A_908] : memref<4x128x32xf32, #tpu.memory_space<vmem>> -> memref<1x128x32xf32, #tpu.memory_space<vmem>>
        %gather3A_910 = tpu.memref_squeeze %gather3A_909 : memref<1x128x32xf32, #tpu.memory_space<vmem>> -> memref<128x32xf32, #tpu.memory_space<vmem>>
        %gather3A_911 = tpu.vector_load_idx %gather3A_910[%add3A_699, %broadcast_in_dim3A_49] : memref<128x32xf32, #tpu.memory_space<vmem>>[vector<16xi32>, vector<16xi32>], vector<16xf32>,
        %mul3A_912 = arith.constant 5.65685415 : f32
        %mul3A_913 = vector.broadcast %mul3A_912 : f32 to vector<16xf32>
        %mul3A_914 = arith.mulf %gather3A_911, %mul3A_913 : vector<16xf32>
        %gather3A_915 = arith.constant 0 : i32
        %gather3A_916 = arith.constant 0 : i32
        %gather3A_917 = arith.constant 0 : i32
        %gather3A_918 = tpu.memref_slice %arg6[%gather3A_915, %gather3A_916, %gather3A_917] : memref<4x128x32xf32, #tpu.memory_space<vmem>> -> memref<1x128x32xf32, #tpu.memory_space<vmem>>
        %gather3A_919 = tpu.memref_squeeze %gather3A_918 : memref<1x128x32xf32, #tpu.memory_space<vmem>> -> memref<128x32xf32, #tpu.memory_space<vmem>>
        %gather3A_920 = tpu.vector_load_idx %gather3A_919[%add3A_699, %broadcast_in_dim3A_51] : memref<128x32xf32, #tpu.memory_space<vmem>>[vector<16xi32>, vector<16xi32>], vector<16xf32>,
        %mul3A_921 = arith.constant 5.65685415 : f32
        %mul3A_922 = vector.broadcast %mul3A_921 : f32 to vector<16xf32>
        %mul3A_923 = arith.mulf %gather3A_920, %mul3A_922 : vector<16xf32>
        %gather3A_924 = arith.constant 0 : i32
        %gather3A_925 = arith.constant 0 : i32
        %gather3A_926 = arith.constant 0 : i32
        %gather3A_927 = tpu.memref_slice %arg6[%gather3A_924, %gather3A_925, %gather3A_926] : memref<4x128x32xf32, #tpu.memory_space<vmem>> -> memref<1x128x32xf32, #tpu.memory_space<vmem>>
        %gather3A_928 = tpu.memref_squeeze %gather3A_927 : memref<1x128x32xf32, #tpu.memory_space<vmem>> -> memref<128x32xf32, #tpu.memory_space<vmem>>
        %gather3A_929 = tpu.vector_load_idx %gather3A_928[%add3A_699, %broadcast_in_dim3A_53] : memref<128x32xf32, #tpu.memory_space<vmem>>[vector<16xi32>, vector<16xi32>], vector<16xf32>,
        %mul3A_930 = arith.constant 5.65685415 : f32
        %mul3A_931 = vector.broadcast %mul3A_930 : f32 to vector<16xf32>
        %mul3A_932 = arith.mulf %gather3A_929, %mul3A_931 : vector<16xf32>
        %gather3A_933 = arith.constant 0 : i32
        %gather3A_934 = arith.constant 0 : i32
        %gather3A_935 = arith.constant 0 : i32
        %gather3A_936 = tpu.memref_slice %arg6[%gather3A_933, %gather3A_934, %gather3A_935] : memref<4x128x32xf32, #tpu.memory_space<vmem>> -> memref<1x128x32xf32, #tpu.memory_space<vmem>>
        %gather3A_937 = tpu.memref_squeeze %gather3A_936 : memref<1x128x32xf32, #tpu.memory_space<vmem>> -> memref<128x32xf32, #tpu.memory_space<vmem>>
        %gather3A_938 = tpu.vector_load_idx %gather3A_937[%add3A_699, %broadcast_in_dim3A_55] : memref<128x32xf32, #tpu.memory_space<vmem>>[vector<16xi32>, vector<16xi32>], vector<16xf32>,
        %mul3A_939 = arith.constant 5.65685415 : f32
        %mul3A_940 = vector.broadcast %mul3A_939 : f32 to vector<16xf32>
        %mul3A_941 = arith.mulf %gather3A_938, %mul3A_940 : vector<16xf32>
        %gather3A_942 = arith.constant 0 : i32
        %gather3A_943 = arith.constant 0 : i32
        %gather3A_944 = arith.constant 0 : i32
        %gather3A_945 = tpu.memref_slice %arg6[%gather3A_942, %gather3A_943, %gather3A_944] : memref<4x128x32xf32, #tpu.memory_space<vmem>> -> memref<1x128x32xf32, #tpu.memory_space<vmem>>
        %gather3A_946 = tpu.memref_squeeze %gather3A_945 : memref<1x128x32xf32, #tpu.memory_space<vmem>> -> memref<128x32xf32, #tpu.memory_space<vmem>>
        %gather3A_947 = tpu.vector_load_idx %gather3A_946[%add3A_699, %broadcast_in_dim3A_57] : memref<128x32xf32, #tpu.memory_space<vmem>>[vector<16xi32>, vector<16xi32>], vector<16xf32>,
        %mul3A_948 = arith.constant 5.65685415 : f32
        %mul3A_949 = vector.broadcast %mul3A_948 : f32 to vector<16xf32>
        %mul3A_950 = arith.mulf %gather3A_947, %mul3A_949 : vector<16xf32>
        %gather3A_951 = arith.constant 0 : i32
        %gather3A_952 = arith.constant 0 : i32
        %gather3A_953 = arith.constant 0 : i32
        %gather3A_954 = tpu.memref_slice %arg6[%gather3A_951, %gather3A_952, %gather3A_953] : memref<4x128x32xf32, #tpu.memory_space<vmem>> -> memref<1x128x32xf32, #tpu.memory_space<vmem>>
        %gather3A_955 = tpu.memref_squeeze %gather3A_954 : memref<1x128x32xf32, #tpu.memory_space<vmem>> -> memref<128x32xf32, #tpu.memory_space<vmem>>
        %gather3A_956 = tpu.vector_load_idx %gather3A_955[%add3A_699, %broadcast_in_dim3A_59] : memref<128x32xf32, #tpu.memory_space<vmem>>[vector<16xi32>, vector<16xi32>], vector<16xf32>,
        %mul3A_957 = arith.constant 5.65685415 : f32
        %mul3A_958 = vector.broadcast %mul3A_957 : f32 to vector<16xf32>
        %mul3A_959 = arith.mulf %gather3A_956, %mul3A_958 : vector<16xf32>
        %gather3A_960 = arith.constant 0 : i32
        %gather3A_961 = arith.constant 0 : i32
        %gather3A_962 = arith.constant 0 : i32
        %gather3A_963 = tpu.memref_slice %arg6[%gather3A_960, %gather3A_961, %gather3A_962] : memref<4x128x32xf32, #tpu.memory_space<vmem>> -> memref<1x128x32xf32, #tpu.memory_space<vmem>>
        %gather3A_964 = tpu.memref_squeeze %gather3A_963 : memref<1x128x32xf32, #tpu.memory_space<vmem>> -> memref<128x32xf32, #tpu.memory_space<vmem>>
        %gather3A_965 = tpu.vector_load_idx %gather3A_964[%add3A_699, %broadcast_in_dim3A_61] : memref<128x32xf32, #tpu.memory_space<vmem>>[vector<16xi32>, vector<16xi32>], vector<16xf32>,
        %mul3A_966 = arith.constant 5.65685415 : f32
        %mul3A_967 = vector.broadcast %mul3A_966 : f32 to vector<16xf32>
        %mul3A_968 = arith.mulf %gather3A_965, %mul3A_967 : vector<16xf32>
        %gather3A_969 = arith.constant 0 : i32
        %gather3A_970 = arith.constant 0 : i32
        %gather3A_971 = arith.constant 0 : i32
        %gather3A_972 = tpu.memref_slice %arg6[%gather3A_969, %gather3A_970, %gather3A_971] : memref<4x128x32xf32, #tpu.memory_space<vmem>> -> memref<1x128x32xf32, #tpu.memory_space<vmem>>
        %gather3A_973 = tpu.memref_squeeze %gather3A_972 : memref<1x128x32xf32, #tpu.memory_space<vmem>> -> memref<128x32xf32, #tpu.memory_space<vmem>>
        %gather3A_974 = tpu.vector_load_idx %gather3A_973[%add3A_699, %broadcast_in_dim3A_63] : memref<128x32xf32, #tpu.memory_space<vmem>>[vector<16xi32>, vector<16xi32>], vector<16xf32>,
        %mul3A_975 = arith.constant 5.65685415 : f32
        %mul3A_976 = vector.broadcast %mul3A_975 : f32 to vector<16xf32>
        %mul3A_977 = arith.mulf %gather3A_974, %mul3A_976 : vector<16xf32>
        %gather3A_978 = arith.constant 0 : i32
        %gather3A_979 = arith.constant 0 : i32
        %gather3A_980 = arith.constant 0 : i32
        %gather3A_981 = tpu.memref_slice %arg6[%gather3A_978, %gather3A_979, %gather3A_980] : memref<4x128x32xf32, #tpu.memory_space<vmem>> -> memref<1x128x32xf32, #tpu.memory_space<vmem>>
        %gather3A_982 = tpu.memref_squeeze %gather3A_981 : memref<1x128x32xf32, #tpu.memory_space<vmem>> -> memref<128x32xf32, #tpu.memory_space<vmem>>
        %gather3A_983 = tpu.vector_load_idx %gather3A_982[%add3A_699, %broadcast_in_dim3A_65] : memref<128x32xf32, #tpu.memory_space<vmem>>[vector<16xi32>, vector<16xi32>], vector<16xf32>,
        %mul3A_984 = arith.constant 5.65685415 : f32
        %mul3A_985 = vector.broadcast %mul3A_984 : f32 to vector<16xf32>
        %mul3A_986 = arith.mulf %gather3A_983, %mul3A_985 : vector<16xf32>
        %mul3A_987 = arith.constant 16 : i32
        %mul3A_988 = arith.muli %add3A_695, %mul3A_987 : i32
        %add3A_989 = arith.constant 0 : i32
        %add3A_990 = arith.addi %add3A_989, %mul3A_988 : i32
        %swap3A = arith.index_cast %add3A_990 : i32 to index
        %swap3A_991 = tpu.vector_load %arg7[%swap3A] {strides = array<i32>} : memref<4096xf32, #tpu.memory_space<vmem>>, vector<16xf32>,
        tpu.vector_store %arg7[%swap3A], %mul3A_707 {strides = array<i32>} : memref<4096xf32, #tpu.memory_space<vmem>>, vector<16xf32>,
        %mul3A_992 = arith.constant 16 : i32
        %mul3A_993 = arith.muli %add3A_695, %mul3A_992 : i32
        %add3A_994 = arith.constant 128 : i32
        %add3A_995 = arith.addi %add3A_994, %mul3A_993 : i32
        %swap3A_996 = arith.index_cast %add3A_995 : i32 to index
        %swap3A_997 = tpu.vector_load %arg7[%swap3A_996] {strides = array<i32>} : memref<4096xf32, #tpu.memory_space<vmem>>, vector<16xf32>,
        tpu.vector_store %arg7[%swap3A_996], %mul3A_716 {strides = array<i32>} : memref<4096xf32, #tpu.memory_space<vmem>>, vector<16xf32>,
        %mul3A_998 = arith.constant 16 : i32
        %mul3A_999 = arith.muli %add3A_695, %mul3A_998 : i32
        %add3A_1000 = arith.constant 256 : i32
        %add3A_1001 = arith.addi %add3A_1000, %mul3A_999 : i32
        %swap3A_1002 = arith.index_cast %add3A_1001 : i32 to index
        %swap3A_1003 = tpu.vector_load %arg7[%swap3A_1002] {strides = array<i32>} : memref<4096xf32, #tpu.memory_space<vmem>>, vector<16xf32>,
        tpu.vector_store %arg7[%swap3A_1002], %mul3A_725 {strides = array<i32>} : memref<4096xf32, #tpu.memory_space<vmem>>, vector<16xf32>,
        %mul3A_1004 = arith.constant 16 : i32
        %mul3A_1005 = arith.muli %add3A_695, %mul3A_1004 : i32
        %add3A_1006 = arith.constant 384 : i32
        %add3A_1007 = arith.addi %add3A_1006, %mul3A_1005 : i32
        %swap3A_1008 = arith.index_cast %add3A_1007 : i32 to index
        %swap3A_1009 = tpu.vector_load %arg7[%swap3A_1008] {strides = array<i32>} : memref<4096xf32, #tpu.memory_space<vmem>>, vector<16xf32>,
        tpu.vector_store %arg7[%swap3A_1008], %mul3A_734 {strides = array<i32>} : memref<4096xf32, #tpu.memory_space<vmem>>, vector<16xf32>,
        %mul3A_1010 = arith.constant 16 : i32
        %mul3A_1011 = arith.muli %add3A_695, %mul3A_1010 : i32
        %add3A_1012 = arith.constant 512 : i32
        %add3A_1013 = arith.addi %add3A_1012, %mul3A_1011 : i32
        %swap3A_1014 = arith.index_cast %add3A_1013 : i32 to index
        %swap3A_1015 = tpu.vector_load %arg7[%swap3A_1014] {strides = array<i32>} : memref<4096xf32, #tpu.memory_space<vmem>>, vector<16xf32>,
        tpu.vector_store %arg7[%swap3A_1014], %mul3A_743 {strides = array<i32>} : memref<4096xf32, #tpu.memory_space<vmem>>, vector<16xf32>,
        %mul3A_1016 = arith.constant 16 : i32
        %mul3A_1017 = arith.muli %add3A_695, %mul3A_1016 : i32
        %add3A_1018 = arith.constant 640 : i32
        %add3A_1019 = arith.addi %add3A_1018, %mul3A_1017 : i32
        %swap3A_1020 = arith.index_cast %add3A_1019 : i32 to index
        %swap3A_1021 = tpu.vector_load %arg7[%swap3A_1020] {strides = array<i32>} : memref<4096xf32, #tpu.memory_space<vmem>>, vector<16xf32>,
        tpu.vector_store %arg7[%swap3A_1020], %mul3A_752 {strides = array<i32>} : memref<4096xf32, #tpu.memory_space<vmem>>, vector<16xf32>,
        %mul3A_1022 = arith.constant 16 : i32
        %mul3A_1023 = arith.muli %add3A_695, %mul3A_1022 : i32
        %add3A_1024 = arith.constant 768 : i32
        %add3A_1025 = arith.addi %add3A_1024, %mul3A_1023 : i32
        %swap3A_1026 = arith.index_cast %add3A_1025 : i32 to index
        %swap3A_1027 = tpu.vector_load %arg7[%swap3A_1026] {strides = array<i32>} : memref<4096xf32, #tpu.memory_space<vmem>>, vector<16xf32>,
        tpu.vector_store %arg7[%swap3A_1026], %mul3A_761 {strides = array<i32>} : memref<4096xf32, #tpu.memory_space<vmem>>, vector<16xf32>,
        %mul3A_1028 = arith.constant 16 : i32
        %mul3A_1029 = arith.muli %add3A_695, %mul3A_1028 : i32
        %add3A_1030 = arith.constant 896 : i32
        %add3A_1031 = arith.addi %add3A_1030, %mul3A_1029 : i32
        %swap3A_1032 = arith.index_cast %add3A_1031 : i32 to index
        %swap3A_1033 = tpu.vector_load %arg7[%swap3A_1032] {strides = array<i32>} : memref<4096xf32, #tpu.memory_space<vmem>>, vector<16xf32>,
        tpu.vector_store %arg7[%swap3A_1032], %mul3A_770 {strides = array<i32>} : memref<4096xf32, #tpu.memory_space<vmem>>, vector<16xf32>,
        %mul3A_1034 = arith.constant 16 : i32
        %mul3A_1035 = arith.muli %add3A_695, %mul3A_1034 : i32
        %add3A_1036 = arith.constant 1024 : i32
        %add3A_1037 = arith.addi %add3A_1036, %mul3A_1035 : i32
        %swap3A_1038 = arith.index_cast %add3A_1037 : i32 to index
        %swap3A_1039 = tpu.vector_load %arg7[%swap3A_1038] {strides = array<i32>} : memref<4096xf32, #tpu.memory_space<vmem>>, vector<16xf32>,
        tpu.vector_store %arg7[%swap3A_1038], %mul3A_779 {strides = array<i32>} : memref<4096xf32, #tpu.memory_space<vmem>>, vector<16xf32>,
        %mul3A_1040 = arith.constant 16 : i32
        %mul3A_1041 = arith.muli %add3A_695, %mul3A_1040 : i32
        %add3A_1042 = arith.constant 1152 : i32
        %add3A_1043 = arith.addi %add3A_1042, %mul3A_1041 : i32
        %swap3A_1044 = arith.index_cast %add3A_1043 : i32 to index
        %swap3A_1045 = tpu.vector_load %arg7[%swap3A_1044] {strides = array<i32>} : memref<4096xf32, #tpu.memory_space<vmem>>, vector<16xf32>,
        tpu.vector_store %arg7[%swap3A_1044], %mul3A_788 {strides = array<i32>} : memref<4096xf32, #tpu.memory_space<vmem>>, vector<16xf32>,
        %mul3A_1046 = arith.constant 16 : i32
        %mul3A_1047 = arith.muli %add3A_695, %mul3A_1046 : i32
        %add3A_1048 = arith.constant 1280 : i32
        %add3A_1049 = arith.addi %add3A_1048, %mul3A_1047 : i32
        %swap3A_1050 = arith.index_cast %add3A_1049 : i32 to index
        %swap3A_1051 = tpu.vector_load %arg7[%swap3A_1050] {strides = array<i32>} : memref<4096xf32, #tpu.memory_space<vmem>>, vector<16xf32>,
        tpu.vector_store %arg7[%swap3A_1050], %mul3A_797 {strides = array<i32>} : memref<4096xf32, #tpu.memory_space<vmem>>, vector<16xf32>,
        %mul3A_1052 = arith.constant 16 : i32
        %mul3A_1053 = arith.muli %add3A_695, %mul3A_1052 : i32
        %add3A_1054 = arith.constant 1408 : i32
        %add3A_1055 = arith.addi %add3A_1054, %mul3A_1053 : i32
        %swap3A_1056 = arith.index_cast %add3A_1055 : i32 to index
        %swap3A_1057 = tpu.vector_load %arg7[%swap3A_1056] {strides = array<i32>} : memref<4096xf32, #tpu.memory_space<vmem>>, vector<16xf32>,
        tpu.vector_store %arg7[%swap3A_1056], %mul3A_806 {strides = array<i32>} : memref<4096xf32, #tpu.memory_space<vmem>>, vector<16xf32>,
        %mul3A_1058 = arith.constant 16 : i32
        %mul3A_1059 = arith.muli %add3A_695, %mul3A_1058 : i32
        %add3A_1060 = arith.constant 1536 : i32
        %add3A_1061 = arith.addi %add3A_1060, %mul3A_1059 : i32
        %swap3A_1062 = arith.index_cast %add3A_1061 : i32 to index
        %swap3A_1063 = tpu.vector_load %arg7[%swap3A_1062] {strides = array<i32>} : memref<4096xf32, #tpu.memory_space<vmem>>, vector<16xf32>,
        tpu.vector_store %arg7[%swap3A_1062], %mul3A_815 {strides = array<i32>} : memref<4096xf32, #tpu.memory_space<vmem>>, vector<16xf32>,
        %mul3A_1064 = arith.constant 16 : i32
        %mul3A_1065 = arith.muli %add3A_695, %mul3A_1064 : i32
        %add3A_1066 = arith.constant 1664 : i32
        %add3A_1067 = arith.addi %add3A_1066, %mul3A_1065 : i32
        %swap3A_1068 = arith.index_cast %add3A_1067 : i32 to index
        %swap3A_1069 = tpu.vector_load %arg7[%swap3A_1068] {strides = array<i32>} : memref<4096xf32, #tpu.memory_space<vmem>>, vector<16xf32>,
        tpu.vector_store %arg7[%swap3A_1068], %mul3A_824 {strides = array<i32>} : memref<4096xf32, #tpu.memory_space<vmem>>, vector<16xf32>,
        %mul3A_1070 = arith.constant 16 : i32
        %mul3A_1071 = arith.muli %add3A_695, %mul3A_1070 : i32
        %add3A_1072 = arith.constant 1792 : i32
        %add3A_1073 = arith.addi %add3A_1072, %mul3A_1071 : i32
        %swap3A_1074 = arith.index_cast %add3A_1073 : i32 to index
        %swap3A_1075 = tpu.vector_load %arg7[%swap3A_1074] {strides = array<i32>} : memref<4096xf32, #tpu.memory_space<vmem>>, vector<16xf32>,
        tpu.vector_store %arg7[%swap3A_1074], %mul3A_833 {strides = array<i32>} : memref<4096xf32, #tpu.memory_space<vmem>>, vector<16xf32>,
        %mul3A_1076 = arith.constant 16 : i32
        %mul3A_1077 = arith.muli %add3A_695, %mul3A_1076 : i32
        %add3A_1078 = arith.constant 1920 : i32
        %add3A_1079 = arith.addi %add3A_1078, %mul3A_1077 : i32
        %swap3A_1080 = arith.index_cast %add3A_1079 : i32 to index
        %swap3A_1081 = tpu.vector_load %arg7[%swap3A_1080] {strides = array<i32>} : memref<4096xf32, #tpu.memory_space<vmem>>, vector<16xf32>,
        tpu.vector_store %arg7[%swap3A_1080], %mul3A_842 {strides = array<i32>} : memref<4096xf32, #tpu.memory_space<vmem>>, vector<16xf32>,
        %mul3A_1082 = arith.constant 16 : i32
        %mul3A_1083 = arith.muli %add3A_695, %mul3A_1082 : i32
        %add3A_1084 = arith.constant 2048 : i32
        %add3A_1085 = arith.addi %add3A_1084, %mul3A_1083 : i32
        %swap3A_1086 = arith.index_cast %add3A_1085 : i32 to index
        %swap3A_1087 = tpu.vector_load %arg7[%swap3A_1086] {strides = array<i32>} : memref<4096xf32, #tpu.memory_space<vmem>>, vector<16xf32>,
        tpu.vector_store %arg7[%swap3A_1086], %mul3A_851 {strides = array<i32>} : memref<4096xf32, #tpu.memory_space<vmem>>, vector<16xf32>,
        %mul3A_1088 = arith.constant 16 : i32
        %mul3A_1089 = arith.muli %add3A_695, %mul3A_1088 : i32
        %add3A_1090 = arith.constant 2176 : i32
        %add3A_1091 = arith.addi %add3A_1090, %mul3A_1089 : i32
        %swap3A_1092 = arith.index_cast %add3A_1091 : i32 to index
        %swap3A_1093 = tpu.vector_load %arg7[%swap3A_1092] {strides = array<i32>} : memref<4096xf32, #tpu.memory_space<vmem>>, vector<16xf32>,
        tpu.vector_store %arg7[%swap3A_1092], %mul3A_860 {strides = array<i32>} : memref<4096xf32, #tpu.memory_space<vmem>>, vector<16xf32>,
        %mul3A_1094 = arith.constant 16 : i32
        %mul3A_1095 = arith.muli %add3A_695, %mul3A_1094 : i32
        %add3A_1096 = arith.constant 2304 : i32
        %add3A_1097 = arith.addi %add3A_1096, %mul3A_1095 : i32
        %swap3A_1098 = arith.index_cast %add3A_1097 : i32 to index
        %swap3A_1099 = tpu.vector_load %arg7[%swap3A_1098] {strides = array<i32>} : memref<4096xf32, #tpu.memory_space<vmem>>, vector<16xf32>,
        tpu.vector_store %arg7[%swap3A_1098], %mul3A_869 {strides = array<i32>} : memref<4096xf32, #tpu.memory_space<vmem>>, vector<16xf32>,
        %mul3A_1100 = arith.constant 16 : i32
        %mul3A_1101 = arith.muli %add3A_695, %mul3A_1100 : i32
        %add3A_1102 = arith.constant 2432 : i32
        %add3A_1103 = arith.addi %add3A_1102, %mul3A_1101 : i32
        %swap3A_1104 = arith.index_cast %add3A_1103 : i32 to index
        %swap3A_1105 = tpu.vector_load %arg7[%swap3A_1104] {strides = array<i32>} : memref<4096xf32, #tpu.memory_space<vmem>>, vector<16xf32>,
        tpu.vector_store %arg7[%swap3A_1104], %mul3A_878 {strides = array<i32>} : memref<4096xf32, #tpu.memory_space<vmem>>, vector<16xf32>,
        %mul3A_1106 = arith.constant 16 : i32
        %mul3A_1107 = arith.muli %add3A_695, %mul3A_1106 : i32
        %add3A_1108 = arith.constant 2560 : i32
        %add3A_1109 = arith.addi %add3A_1108, %mul3A_1107 : i32
        %swap3A_1110 = arith.index_cast %add3A_1109 : i32 to index
        %swap3A_1111 = tpu.vector_load %arg7[%swap3A_1110] {strides = array<i32>} : memref<4096xf32, #tpu.memory_space<vmem>>, vector<16xf32>,
        tpu.vector_store %arg7[%swap3A_1110], %mul3A_887 {strides = array<i32>} : memref<4096xf32, #tpu.memory_space<vmem>>, vector<16xf32>,
        %mul3A_1112 = arith.constant 16 : i32
        %mul3A_1113 = arith.muli %add3A_695, %mul3A_1112 : i32
        %add3A_1114 = arith.constant 2688 : i32
        %add3A_1115 = arith.addi %add3A_1114, %mul3A_1113 : i32
        %swap3A_1116 = arith.index_cast %add3A_1115 : i32 to index
        %swap3A_1117 = tpu.vector_load %arg7[%swap3A_1116] {strides = array<i32>} : memref<4096xf32, #tpu.memory_space<vmem>>, vector<16xf32>,
        tpu.vector_store %arg7[%swap3A_1116], %mul3A_896 {strides = array<i32>} : memref<4096xf32, #tpu.memory_space<vmem>>, vector<16xf32>,
        %mul3A_1118 = arith.constant 16 : i32
        %mul3A_1119 = arith.muli %add3A_695, %mul3A_1118 : i32
        %add3A_1120 = arith.constant 2816 : i32
        %add3A_1121 = arith.addi %add3A_1120, %mul3A_1119 : i32
        %swap3A_1122 = arith.index_cast %add3A_1121 : i32 to index
        %swap3A_1123 = tpu.vector_load %arg7[%swap3A_1122] {strides = array<i32>} : memref<4096xf32, #tpu.memory_space<vmem>>, vector<16xf32>,
        tpu.vector_store %arg7[%swap3A_1122], %mul3A_905 {strides = array<i32>} : memref<4096xf32, #tpu.memory_space<vmem>>, vector<16xf32>,
        %mul3A_1124 = arith.constant 16 : i32
        %mul3A_1125 = arith.muli %add3A_695, %mul3A_1124 : i32
        %add3A_1126 = arith.constant 2944 : i32
        %add3A_1127 = arith.addi %add3A_1126, %mul3A_1125 : i32
        %swap3A_1128 = arith.index_cast %add3A_1127 : i32 to index
        %swap3A_1129 = tpu.vector_load %arg7[%swap3A_1128] {strides = array<i32>} : memref<4096xf32, #tpu.memory_space<vmem>>, vector<16xf32>,
        tpu.vector_store %arg7[%swap3A_1128], %mul3A_914 {strides = array<i32>} : memref<4096xf32, #tpu.memory_space<vmem>>, vector<16xf32>,
        %mul3A_1130 = arith.constant 16 : i32
        %mul3A_1131 = arith.muli %add3A_695, %mul3A_1130 : i32
        %add3A_1132 = arith.constant 3072 : i32
        %add3A_1133 = arith.addi %add3A_1132, %mul3A_1131 : i32
        %swap3A_1134 = arith.index_cast %add3A_1133 : i32 to index
        %swap3A_1135 = tpu.vector_load %arg7[%swap3A_1134] {strides = array<i32>} : memref<4096xf32, #tpu.memory_space<vmem>>, vector<16xf32>,
        tpu.vector_store %arg7[%swap3A_1134], %mul3A_923 {strides = array<i32>} : memref<4096xf32, #tpu.memory_space<vmem>>, vector<16xf32>,
        %mul3A_1136 = arith.constant 16 : i32
        %mul3A_1137 = arith.muli %add3A_695, %mul3A_1136 : i32
        %add3A_1138 = arith.constant 3200 : i32
        %add3A_1139 = arith.addi %add3A_1138, %mul3A_1137 : i32
        %swap3A_1140 = arith.index_cast %add3A_1139 : i32 to index
        %swap3A_1141 = tpu.vector_load %arg7[%swap3A_1140] {strides = array<i32>} : memref<4096xf32, #tpu.memory_space<vmem>>, vector<16xf32>,
        tpu.vector_store %arg7[%swap3A_1140], %mul3A_932 {strides = array<i32>} : memref<4096xf32, #tpu.memory_space<vmem>>, vector<16xf32>,
        %mul3A_1142 = arith.constant 16 : i32
        %mul3A_1143 = arith.muli %add3A_695, %mul3A_1142 : i32
        %add3A_1144 = arith.constant 3328 : i32
        %add3A_1145 = arith.addi %add3A_1144, %mul3A_1143 : i32
        %swap3A_1146 = arith.index_cast %add3A_1145 : i32 to index
        %swap3A_1147 = tpu.vector_load %arg7[%swap3A_1146] {strides = array<i32>} : memref<4096xf32, #tpu.memory_space<vmem>>, vector<16xf32>,
        tpu.vector_store %arg7[%swap3A_1146], %mul3A_941 {strides = array<i32>} : memref<4096xf32, #tpu.memory_space<vmem>>, vector<16xf32>,
        %mul3A_1148 = arith.constant 16 : i32
        %mul3A_1149 = arith.muli %add3A_695, %mul3A_1148 : i32
        %add3A_1150 = arith.constant 3456 : i32
        %add3A_1151 = arith.addi %add3A_1150, %mul3A_1149 : i32
        %swap3A_1152 = arith.index_cast %add3A_1151 : i32 to index
        %swap3A_1153 = tpu.vector_load %arg7[%swap3A_1152] {strides = array<i32>} : memref<4096xf32, #tpu.memory_space<vmem>>, vector<16xf32>,
        tpu.vector_store %arg7[%swap3A_1152], %mul3A_950 {strides = array<i32>} : memref<4096xf32, #tpu.memory_space<vmem>>, vector<16xf32>,
        %mul3A_1154 = arith.constant 16 : i32
        %mul3A_1155 = arith.muli %add3A_695, %mul3A_1154 : i32
        %add3A_1156 = arith.constant 3584 : i32
        %add3A_1157 = arith.addi %add3A_1156, %mul3A_1155 : i32
        %swap3A_1158 = arith.index_cast %add3A_1157 : i32 to index
        %swap3A_1159 = tpu.vector_load %arg7[%swap3A_1158] {strides = array<i32>} : memref<4096xf32, #tpu.memory_space<vmem>>, vector<16xf32>,
        tpu.vector_store %arg7[%swap3A_1158], %mul3A_959 {strides = array<i32>} : memref<4096xf32, #tpu.memory_space<vmem>>, vector<16xf32>,
        %mul3A_1160 = arith.constant 16 : i32
        %mul3A_1161 = arith.muli %add3A_695, %mul3A_1160 : i32
        %add3A_1162 = arith.constant 3712 : i32
        %add3A_1163 = arith.addi %add3A_1162, %mul3A_1161 : i32
        %swap3A_1164 = arith.index_cast %add3A_1163 : i32 to index
        %swap3A_1165 = tpu.vector_load %arg7[%swap3A_1164] {strides = array<i32>} : memref<4096xf32, #tpu.memory_space<vmem>>, vector<16xf32>,
        tpu.vector_store %arg7[%swap3A_1164], %mul3A_968 {strides = array<i32>} : memref<4096xf32, #tpu.memory_space<vmem>>, vector<16xf32>,
        %mul3A_1166 = arith.constant 16 : i32
        %mul3A_1167 = arith.muli %add3A_695, %mul3A_1166 : i32
        %add3A_1168 = arith.constant 3840 : i32
        %add3A_1169 = arith.addi %add3A_1168, %mul3A_1167 : i32
        %swap3A_1170 = arith.index_cast %add3A_1169 : i32 to index
        %swap3A_1171 = tpu.vector_load %arg7[%swap3A_1170] {strides = array<i32>} : memref<4096xf32, #tpu.memory_space<vmem>>, vector<16xf32>,
        tpu.vector_store %arg7[%swap3A_1170], %mul3A_977 {strides = array<i32>} : memref<4096xf32, #tpu.memory_space<vmem>>, vector<16xf32>,
        %mul3A_1172 = arith.constant 16 : i32
        %mul3A_1173 = arith.muli %add3A_695, %mul3A_1172 : i32
        %add3A_1174 = arith.constant 3968 : i32
        %add3A_1175 = arith.addi %add3A_1174, %mul3A_1173 : i32
        %swap3A_1176 = arith.index_cast %add3A_1175 : i32 to index
        %swap3A_1177 = tpu.vector_load %arg7[%swap3A_1176] {strides = array<i32>} : memref<4096xf32, #tpu.memory_space<vmem>>, vector<16xf32>,
        tpu.vector_store %arg7[%swap3A_1176], %mul3A_986 {strides = array<i32>} : memref<4096xf32, #tpu.memory_space<vmem>>, vector<16xf32>,
      }
      %scan3A_245 = arith.constant 8 : i32
      %jit3A = arith.constant 4 : i32
      %div3A = arith.divsi %add3A_217, %jit3A : i32
      %sign3A = arith.constant 0 : i32
      %sign3A_246 = arith.cmpi sgt, %add3A_217, %sign3A : i32
      %sign3A_247 = arith.extui %sign3A_246 : i1 to i32
      %sign3A_248 = arith.constant 0 : i32
      %sign3A_249 = arith.cmpi slt, %add3A_217, %sign3A_248 : i32
      %sign3A_250 = arith.extui %sign3A_249 : i1 to i32
      %sign3A_251 = arith.subi %sign3A_247, %sign3A_250 : i32
      %sign3A_252 = arith.constant 0 : i32
      %sign3A_253 = arith.cmpi sgt, %jit3A, %sign3A_252 : i32
      %sign3A_254 = arith.extui %sign3A_253 : i1 to i32
      %sign3A_255 = arith.constant 0 : i32
      %sign3A_256 = arith.cmpi slt, %jit3A, %sign3A_255 : i32
      %sign3A_257 = arith.extui %sign3A_256 : i1 to i32
      %sign3A_258 = arith.subi %sign3A_254, %sign3A_257 : i32
      %ne3A = arith.cmpi ne, %sign3A_251, %sign3A_258 : i32
      %rem3A = arith.remsi %add3A_217, %jit3A : i32
      %ne3A_259 = arith.constant 0 : i32
      %ne3A_260 = arith.cmpi ne, %rem3A, %ne3A_259 : i32
      %and3A = arith.andi %ne3A, %ne3A_260 : i1
      %sub3A = arith.constant 1 : i32
      %sub3A_261 = arith.subi %div3A, %sub3A : i32
      %select_n3A = arith.select %and3A, %sub3A_261, %div3A : i32
      %jit3A_262 = arith.constant 4 : i32
      %eq3A = arith.constant 0 : i32
      %eq3A_263 = arith.cmpi eq, %jit3A_262, %eq3A : i32
      %jit3A_264 = arith.constant 1 : i32
      %select_n3A_265 = arith.select %eq3A_263, %jit3A_264, %jit3A_262 : i32
      %rem3A_266 = arith.remsi %add3A_217, %select_n3A_265 : i32
      %ne3A_267 = arith.constant 0 : i32
      %ne3A_268 = arith.cmpi ne, %rem3A_266, %ne3A_267 : i32
      %lt3A_269 = arith.constant 0 : i32
      %lt3A_270 = arith.cmpi slt, %rem3A_266, %lt3A_269 : i32
      %lt3A_271 = arith.constant 0 : i32
      %lt3A_272 = arith.cmpi slt, %select_n3A_265, %lt3A_271 : i32
      %ne3A_273 = arith.xori %lt3A_270, %lt3A_272 : i1
      %and3A_274 = arith.andi %ne3A_273, %ne3A_268 : i1
      %add3A_275 = arith.addi %rem3A_266, %select_n3A_265 : i32
      %select_n3A_276 = arith.select %and3A_274, %add3A_275, %rem3A_266 : i32
      %add3A_277 = arith.addi %mul3A_2, %select_n3A_276 : i32
      %dma_start3A_278 = arith.constant 0 : i32
      %dma_start3A_279 = arith.constant 0 : i32
      %dma_start3A_280 = tpu.memref_slice %arg7[%dma_start3A_279] : memref<4096xf32, #tpu.memory_space<vmem>> -> memref<1024xf32, #tpu.memory_space<vmem>>
      %dma_start3A_281 = arith.constant 0 : i32
      %dma_start3A_282 = tpu.memref_slice %arg4[%select_n3A, %dma_start3A_278, %add3A_277, %dma_start3A_281] : memref<50x4x128x1024xf32, #tpu.memory_space<hbm>> -> memref<1x1x1x1024xf32, #tpu.memory_space<hbm>>
      %dma_start3A_283 = tpu.memref_squeeze %dma_start3A_282 : memref<1x1x1x1024xf32, #tpu.memory_space<hbm>> -> memref<1024xf32, #tpu.memory_space<hbm>>
      %dma_start3A_284 = arith.constant 0 : i32
      %dma_start3A_285 = tpu.memref_slice %arg4[%select_n3A, %dma_start3A_278, %add3A_277, %dma_start3A_284] : memref<50x4x128x1024xf32, #tpu.memory_space<hbm>> -> memref<1x1x1x1024xf32, #tpu.memory_space<hbm>>
      %dma_start3A_286 = tpu.memref_squeeze %dma_start3A_285 : memref<1x1x1x1024xf32, #tpu.memory_space<hbm>> -> memref<1024xf32, #tpu.memory_space<hbm>>
      %dma_start3A_287 = arith.constant 0 : i32
      %dma_start3A_288 = tpu.memref_slice %arg7[%dma_start3A_287] : memref<4096xf32, #tpu.memory_space<vmem>> -> memref<1024xf32, #tpu.memory_space<vmem>>
      tpu.enqueue_dma source(%dma_start3A_288 : memref<1024xf32, #tpu.memory_space<vmem>>) target(%dma_start3A_286 : memref<1024xf32, #tpu.memory_space<hbm>>) target_semaphore(%arg13 : memref<!tpu.dma_semaphore, #tpu.memory_space<semaphore_mem>>)
      %add3A_289 = arith.addi %mul3A_2, %select_n3A_276 : i32
      %dma_start3A_290 = arith.constant 1 : i32
      %dma_start3A_291 = arith.constant 1024 : i32
      %dma_start3A_292 = tpu.memref_slice %arg7[%dma_start3A_291] : memref<4096xf32, #tpu.memory_space<vmem>> -> memref<1024xf32, #tpu.memory_space<vmem>>
      %dma_start3A_293 = arith.constant 0 : i32
      %dma_start3A_294 = tpu.memref_slice %arg4[%select_n3A, %dma_start3A_290, %add3A_289, %dma_start3A_293] : memref<50x4x128x1024xf32, #tpu.memory_space<hbm>> -> memref<1x1x1x1024xf32, #tpu.memory_space<hbm>>
      %dma_start3A_295 = tpu.memref_squeeze %dma_start3A_294 : memref<1x1x1x1024xf32, #tpu.memory_space<hbm>> -> memref<1024xf32, #tpu.memory_space<hbm>>
      %dma_start3A_296 = arith.constant 0 : i32
      %dma_start3A_297 = tpu.memref_slice %arg4[%select_n3A, %dma_start3A_290, %add3A_289, %dma_start3A_296] : memref<50x4x128x1024xf32, #tpu.memory_space<hbm>> -> memref<1x1x1x1024xf32, #tpu.memory_space<hbm>>
      %dma_start3A_298 = tpu.memref_squeeze %dma_start3A_297 : memref<1x1x1x1024xf32, #tpu.memory_space<hbm>> -> memref<1024xf32, #tpu.memory_space<hbm>>
      %dma_start3A_299 = arith.constant 1024 : i32
      %dma_start3A_300 = tpu.memref_slice %arg7[%dma_start3A_299] : memref<4096xf32, #tpu.memory_space<vmem>> -> memref<1024xf32, #tpu.memory_space<vmem>>
      tpu.enqueue_dma source(%dma_start3A_300 : memref<1024xf32, #tpu.memory_space<vmem>>) target(%dma_start3A_298 : memref<1024xf32, #tpu.memory_space<hbm>>) target_semaphore(%arg13 : memref<!tpu.dma_semaphore, #tpu.memory_space<semaphore_mem>>)
      %add3A_301 = arith.addi %mul3A_2, %select_n3A_276 : i32
      %dma_start3A_302 = arith.constant 2 : i32
      %dma_start3A_303 = arith.constant 2048 : i32
      %dma_start3A_304 = tpu.memref_slice %arg7[%dma_start3A_303] : memref<4096xf32, #tpu.memory_space<vmem>> -> memref<1024xf32, #tpu.memory_space<vmem>>
      %dma_start3A_305 = arith.constant 0 : i32
      %dma_start3A_306 = tpu.memref_slice %arg4[%select_n3A, %dma_start3A_302, %add3A_301, %dma_start3A_305] : memref<50x4x128x1024xf32, #tpu.memory_space<hbm>> -> memref<1x1x1x1024xf32, #tpu.memory_space<hbm>>
      %dma_start3A_307 = tpu.memref_squeeze %dma_start3A_306 : memref<1x1x1x1024xf32, #tpu.memory_space<hbm>> -> memref<1024xf32, #tpu.memory_space<hbm>>
      %dma_start3A_308 = arith.constant 0 : i32
      %dma_start3A_309 = tpu.memref_slice %arg4[%select_n3A, %dma_start3A_302, %add3A_301, %dma_start3A_308] : memref<50x4x128x1024xf32, #tpu.memory_space<hbm>> -> memref<1x1x1x1024xf32, #tpu.memory_space<hbm>>
      %dma_start3A_310 = tpu.memref_squeeze %dma_start3A_309 : memref<1x1x1x1024xf32, #tpu.memory_space<hbm>> -> memref<1024xf32, #tpu.memory_space<hbm>>
      %dma_start3A_311 = arith.constant 2048 : i32
      %dma_start3A_312 = tpu.memref_slice %arg7[%dma_start3A_311] : memref<4096xf32, #tpu.memory_space<vmem>> -> memref<1024xf32, #tpu.memory_space<vmem>>
      tpu.enqueue_dma source(%dma_start3A_312 : memref<1024xf32, #tpu.memory_space<vmem>>) target(%dma_start3A_310 : memref<1024xf32, #tpu.memory_space<hbm>>) target_semaphore(%arg13 : memref<!tpu.dma_semaphore, #tpu.memory_space<semaphore_mem>>)
      %add3A_313 = arith.addi %mul3A_2, %select_n3A_276 : i32
      %dma_start3A_314 = arith.constant 3 : i32
      %dma_start3A_315 = arith.constant 3072 : i32
      %dma_start3A_316 = tpu.memref_slice %arg7[%dma_start3A_315] : memref<4096xf32, #tpu.memory_space<vmem>> -> memref<1024xf32, #tpu.memory_space<vmem>>
      %dma_start3A_317 = arith.constant 0 : i32
      %dma_start3A_318 = tpu.memref_slice %arg4[%select_n3A, %dma_start3A_314, %add3A_313, %dma_start3A_317] : memref<50x4x128x1024xf32, #tpu.memory_space<hbm>> -> memref<1x1x1x1024xf32, #tpu.memory_space<hbm>>
      %dma_start3A_319 = tpu.memref_squeeze %dma_start3A_318 : memref<1x1x1x1024xf32, #tpu.memory_space<hbm>> -> memref<1024xf32, #tpu.memory_space<hbm>>
      %dma_start3A_320 = arith.constant 0 : i32
      %dma_start3A_321 = tpu.memref_slice %arg4[%select_n3A, %dma_start3A_314, %add3A_313, %dma_start3A_320] : memref<50x4x128x1024xf32, #tpu.memory_space<hbm>> -> memref<1x1x1x1024xf32, #tpu.memory_space<hbm>>
      %dma_start3A_322 = tpu.memref_squeeze %dma_start3A_321 : memref<1x1x1x1024xf32, #tpu.memory_space<hbm>> -> memref<1024xf32, #tpu.memory_space<hbm>>
      %dma_start3A_323 = arith.constant 3072 : i32
      %dma_start3A_324 = tpu.memref_slice %arg7[%dma_start3A_323] : memref<4096xf32, #tpu.memory_space<vmem>> -> memref<1024xf32, #tpu.memory_space<vmem>>
      tpu.enqueue_dma source(%dma_start3A_324 : memref<1024xf32, #tpu.memory_space<vmem>>) target(%dma_start3A_322 : memref<1024xf32, #tpu.memory_space<hbm>>) target_semaphore(%arg13 : memref<!tpu.dma_semaphore, #tpu.memory_space<semaphore_mem>>)
      %add3A_325 = arith.constant 1 : i32
      %add3A_326 = arith.addi %add3A_215, %add3A_325 : i32
      %dma_wait3A_327 = arith.constant 1 : i32
      %dma_wait3A_328 = arith.constant 0 : i32
      %dma_wait3A_329 = arith.constant 0 : i32
      %dma_wait3A_330 = tpu.memref_slice %arg6[%dma_wait3A_327, %dma_wait3A_328, %dma_wait3A_329] : memref<4x128x32xf32, #tpu.memory_space<vmem>> -> memref<1x128x32xf32, #tpu.memory_space<vmem>>
      %dma_wait3A_331 = tpu.memref_squeeze %dma_wait3A_330 : memref<1x128x32xf32, #tpu.memory_space<vmem>> -> memref<128x32xf32, #tpu.memory_space<vmem>>
      %dma_wait3A_332 = arith.constant 0 : i32
      %dma_wait3A_333 = arith.constant 0 : i32
      %dma_wait3A_334 = tpu.memref_slice %arg3[%dma_wait3A_332, %dma_wait3A_333] : memref<1000000x32xf32, #tpu.memory_space<hbm>> -> memref<128x32xf32, #tpu.memory_space<hbm>>
      %dma_wait3A_335 = arith.constant 0 : i32
      %dma_wait3A_336 = arith.constant 0 : i32
      %dma_wait3A_337 = tpu.memref_slice %arg6[%dma_wait3A_327, %dma_wait3A_335, %dma_wait3A_336] : memref<4x128x32xf32, #tpu.memory_space<vmem>> -> memref<1x128x32xf32, #tpu.memory_space<vmem>>
      %dma_wait3A_338 = tpu.memref_squeeze %dma_wait3A_337 : memref<1x128x32xf32, #tpu.memory_space<vmem>> -> memref<128x32xf32, #tpu.memory_space<vmem>>
      %dma_wait3A_339 = arith.constant 0 : i32
      %dma_wait3A_340 = arith.constant 0 : i32
      %dma_wait3A_341 = tpu.memref_slice %arg3[%dma_wait3A_339, %dma_wait3A_340] : memref<1000000x32xf32, #tpu.memory_space<hbm>> -> memref<128x32xf32, #tpu.memory_space<hbm>>
      tpu.wait_dma2 semaphore(%arg10 : memref<!tpu.dma_semaphore, #tpu.memory_space<semaphore_mem>>) src(%dma_wait3A_341 : memref<128x32xf32, #tpu.memory_space<hbm>>) dst(%dma_wait3A_338 : memref<128x32xf32, #tpu.memory_space<vmem>>)
      %add3A_342 = arith.constant 3 : i32
      %add3A_343 = arith.addi %add3A_326, %add3A_342 : i32
      %lt3A_344 = arith.constant 200 : i32
      %lt3A_345 = arith.cmpi slt, %add3A_343, %lt3A_344 : i32
      %convert_element_type3A_346 = arith.extui %lt3A_345 : i1 to i32
      %cond3A_347 = arith.constant 0 : i32
      %cond3A_348 = arith.cmpi ne, %convert_element_type3A_346, %cond3A_347 : i32
      scf.if %cond3A_348 {
        %add3A_691 = arith.constant 3 : i32
        %add3A_692 = arith.addi %add3A_326, %add3A_691 : i32
        %jit3A_693 = arith.constant 4 : i32
        %div3A_694 = arith.divsi %add3A_692, %jit3A_693 : i32
        %sign3A_695 = arith.constant 0 : i32
        %sign3A_696 = arith.cmpi sgt, %add3A_692, %sign3A_695 : i32
        %sign3A_697 = arith.extui %sign3A_696 : i1 to i32
        %sign3A_698 = arith.constant 0 : i32
        %sign3A_699 = arith.cmpi slt, %add3A_692, %sign3A_698 : i32
        %sign3A_700 = arith.extui %sign3A_699 : i1 to i32
        %sign3A_701 = arith.subi %sign3A_697, %sign3A_700 : i32
        %sign3A_702 = arith.constant 0 : i32
        %sign3A_703 = arith.cmpi sgt, %jit3A_693, %sign3A_702 : i32
        %sign3A_704 = arith.extui %sign3A_703 : i1 to i32
        %sign3A_705 = arith.constant 0 : i32
        %sign3A_706 = arith.cmpi slt, %jit3A_693, %sign3A_705 : i32
        %sign3A_707 = arith.extui %sign3A_706 : i1 to i32
        %sign3A_708 = arith.subi %sign3A_704, %sign3A_707 : i32
        %ne3A_709 = arith.cmpi ne, %sign3A_701, %sign3A_708 : i32
        %rem3A_710 = arith.remsi %add3A_692, %jit3A_693 : i32
        %ne3A_711 = arith.constant 0 : i32
        %ne3A_712 = arith.cmpi ne, %rem3A_710, %ne3A_711 : i32
        %and3A_713 = arith.andi %ne3A_709, %ne3A_712 : i1
        %sub3A_714 = arith.constant 1 : i32
        %sub3A_715 = arith.subi %div3A_694, %sub3A_714 : i32
        %select_n3A_716 = arith.select %and3A_713, %sub3A_715, %div3A_694 : i32
        %jit3A_717 = arith.constant 4 : i32
        %eq3A_718 = arith.constant 0 : i32
        %eq3A_719 = arith.cmpi eq, %jit3A_717, %eq3A_718 : i32
        %jit3A_720 = arith.constant 1 : i32
        %select_n3A_721 = arith.select %eq3A_719, %jit3A_720, %jit3A_717 : i32
        %rem3A_722 = arith.remsi %add3A_692, %select_n3A_721 : i32
        %ne3A_723 = arith.constant 0 : i32
        %ne3A_724 = arith.cmpi ne, %rem3A_722, %ne3A_723 : i32
        %lt3A_725 = arith.constant 0 : i32
        %lt3A_726 = arith.cmpi slt, %rem3A_722, %lt3A_725 : i32
        %lt3A_727 = arith.constant 0 : i32
        %lt3A_728 = arith.cmpi slt, %select_n3A_721, %lt3A_727 : i32
        %ne3A_729 = arith.xori %lt3A_726, %lt3A_728 : i1
        %and3A_730 = arith.andi %ne3A_729, %ne3A_724 : i1
        %add3A_731 = arith.addi %rem3A_722, %select_n3A_721 : i32
        %select_n3A_732 = arith.select %and3A_730, %add3A_731, %rem3A_722 : i32
        %dma_start3A_733 = arith.constant 0 : i32
        %dma_start3A_734 = arith.constant 0 : i32
        %dma_start3A_735 = arith.constant 0 : i32
        %dma_start3A_736 = tpu.memref_slice %arg6[%dma_start3A_733, %dma_start3A_734, %dma_start3A_735] : memref<4x128x32xf32, #tpu.memory_space<vmem>> -> memref<1x128x32xf32, #tpu.memory_space<vmem>>
        %dma_start3A_737 = tpu.memref_squeeze %dma_start3A_736 : memref<1x128x32xf32, #tpu.memory_space<vmem>> -> memref<128x32xf32, #tpu.memory_space<vmem>>
        %dma_start3A_738 = arith.constant 0 : i32
        %dma_start3A_739 = tpu.memref_slice %arg5[%select_n3A_716, %select_n3A_732, %dma_start3A_738] : memref<50x4x128xi32, #tpu.memory_space<vmem>> -> memref<1x1x128xi32, #tpu.memory_space<vmem>>
        %dma_start3A_740 = tpu.memref_squeeze %dma_start3A_739 : memref<1x1x128xi32, #tpu.memory_space<vmem>> -> memref<128xi32, #tpu.memory_space<vmem>>
        %dma_start3A_741 = arith.constant 0 : i32
        %dma_start3A_742 = arith.constant 0 : i32
        %dma_start3A_743 = tpu.memref_slice %arg3[%dma_start3A_741, %dma_start3A_742] : memref<1000000x32xf32, #tpu.memory_space<hbm>> -> memref<1000000x32xf32, #tpu.memory_space<hbm>>
        tpu.enqueue_indirect_dma source(%dma_start3A_743 : memref<1000000x32xf32, #tpu.memory_space<hbm>>) target(%dma_start3A_737 : memref<128x32xf32, #tpu.memory_space<vmem>>) offsets(%dma_start3A_740 : memref<128xi32, #tpu.memory_space<vmem>>) semaphore(%arg9 : memref<!tpu.dma_semaphore, #tpu.memory_space<semaphore_mem>>)
      } else {
      }
      %ge3A_349 = arith.constant 2 : i32
      %ge3A_350 = arith.cmpi sge, %add3A_326, %ge3A_349 : i32
      %convert_element_type3A_351 = arith.extui %ge3A_350 : i1 to i32
      %cond3A_352 = arith.constant 0 : i32
      %cond3A_353 = arith.cmpi ne, %convert_element_type3A_351, %cond3A_352 : i32
      scf.if %cond3A_353 {
        %dma_wait3A_691 = arith.constant 0 : i32
        %dma_wait3A_692 = arith.constant 0 : i32
        %dma_wait3A_693 = arith.constant 0 : i32
        %dma_wait3A_694 = arith.constant 0 : i32
        %dma_wait3A_695 = tpu.memref_slice %arg8[%dma_wait3A_694] : memref<4096xf32, #tpu.memory_space<vmem>> -> memref<1024xf32, #tpu.memory_space<vmem>>
        %dma_wait3A_696 = arith.constant 0 : i32
        %dma_wait3A_697 = tpu.memref_slice %arg4[%dma_wait3A_691, %dma_wait3A_692, %dma_wait3A_693, %dma_wait3A_696] : memref<50x4x128x1024xf32, #tpu.memory_space<hbm>> -> memref<1x1x1x1024xf32, #tpu.memory_space<hbm>>
        %dma_wait3A_698 = tpu.memref_squeeze %dma_wait3A_697 : memref<1x1x1x1024xf32, #tpu.memory_space<hbm>> -> memref<1024xf32, #tpu.memory_space<hbm>>
        %dma_wait3A_699 = arith.constant 0 : i32
        %dma_wait3A_700 = tpu.memref_slice %arg8[%dma_wait3A_699] : memref<4096xf32, #tpu.memory_space<vmem>> -> memref<1024xf32, #tpu.memory_space<vmem>>
        %dma_wait3A_701 = arith.constant 0 : i32
        %dma_wait3A_702 = tpu.memref_slice %arg4[%dma_wait3A_691, %dma_wait3A_692, %dma_wait3A_693, %dma_wait3A_701] : memref<50x4x128x1024xf32, #tpu.memory_space<hbm>> -> memref<1x1x1x1024xf32, #tpu.memory_space<hbm>>
        %dma_wait3A_703 = tpu.memref_squeeze %dma_wait3A_702 : memref<1x1x1x1024xf32, #tpu.memory_space<hbm>> -> memref<1024xf32, #tpu.memory_space<hbm>>
        tpu.wait_dma2 semaphore(%arg14 : memref<!tpu.dma_semaphore, #tpu.memory_space<semaphore_mem>>) src(%dma_wait3A_703 : memref<1024xf32, #tpu.memory_space<hbm>>) dst(%dma_wait3A_700 : memref<1024xf32, #tpu.memory_space<vmem>>)
        %dma_wait3A_704 = arith.constant 0 : i32
        %dma_wait3A_705 = arith.constant 0 : i32
        %dma_wait3A_706 = arith.constant 0 : i32
        %dma_wait3A_707 = arith.constant 1024 : i32
        %dma_wait3A_708 = tpu.memref_slice %arg8[%dma_wait3A_707] : memref<4096xf32, #tpu.memory_space<vmem>> -> memref<1024xf32, #tpu.memory_space<vmem>>
        %dma_wait3A_709 = arith.constant 0 : i32
        %dma_wait3A_710 = tpu.memref_slice %arg4[%dma_wait3A_704, %dma_wait3A_705, %dma_wait3A_706, %dma_wait3A_709] : memref<50x4x128x1024xf32, #tpu.memory_space<hbm>> -> memref<1x1x1x1024xf32, #tpu.memory_space<hbm>>
        %dma_wait3A_711 = tpu.memref_squeeze %dma_wait3A_710 : memref<1x1x1x1024xf32, #tpu.memory_space<hbm>> -> memref<1024xf32, #tpu.memory_space<hbm>>
        %dma_wait3A_712 = arith.constant 1024 : i32
        %dma_wait3A_713 = tpu.memref_slice %arg8[%dma_wait3A_712] : memref<4096xf32, #tpu.memory_space<vmem>> -> memref<1024xf32, #tpu.memory_space<vmem>>
        %dma_wait3A_714 = arith.constant 0 : i32
        %dma_wait3A_715 = tpu.memref_slice %arg4[%dma_wait3A_704, %dma_wait3A_705, %dma_wait3A_706, %dma_wait3A_714] : memref<50x4x128x1024xf32, #tpu.memory_space<hbm>> -> memref<1x1x1x1024xf32, #tpu.memory_space<hbm>>
        %dma_wait3A_716 = tpu.memref_squeeze %dma_wait3A_715 : memref<1x1x1x1024xf32, #tpu.memory_space<hbm>> -> memref<1024xf32, #tpu.memory_space<hbm>>
        tpu.wait_dma2 semaphore(%arg14 : memref<!tpu.dma_semaphore, #tpu.memory_space<semaphore_mem>>) src(%dma_wait3A_716 : memref<1024xf32, #tpu.memory_space<hbm>>) dst(%dma_wait3A_713 : memref<1024xf32, #tpu.memory_space<vmem>>)
        %dma_wait3A_717 = arith.constant 0 : i32
        %dma_wait3A_718 = arith.constant 0 : i32
        %dma_wait3A_719 = arith.constant 0 : i32
        %dma_wait3A_720 = arith.constant 2048 : i32
        %dma_wait3A_721 = tpu.memref_slice %arg8[%dma_wait3A_720] : memref<4096xf32, #tpu.memory_space<vmem>> -> memref<1024xf32, #tpu.memory_space<vmem>>
        %dma_wait3A_722 = arith.constant 0 : i32
        %dma_wait3A_723 = tpu.memref_slice %arg4[%dma_wait3A_717, %dma_wait3A_718, %dma_wait3A_719, %dma_wait3A_722] : memref<50x4x128x1024xf32, #tpu.memory_space<hbm>> -> memref<1x1x1x1024xf32, #tpu.memory_space<hbm>>
        %dma_wait3A_724 = tpu.memref_squeeze %dma_wait3A_723 : memref<1x1x1x1024xf32, #tpu.memory_space<hbm>> -> memref<1024xf32, #tpu.memory_space<hbm>>
        %dma_wait3A_725 = arith.constant 2048 : i32
        %dma_wait3A_726 = tpu.memref_slice %arg8[%dma_wait3A_725] : memref<4096xf32, #tpu.memory_space<vmem>> -> memref<1024xf32, #tpu.memory_space<vmem>>
        %dma_wait3A_727 = arith.constant 0 : i32
        %dma_wait3A_728 = tpu.memref_slice %arg4[%dma_wait3A_717, %dma_wait3A_718, %dma_wait3A_719, %dma_wait3A_727] : memref<50x4x128x1024xf32, #tpu.memory_space<hbm>> -> memref<1x1x1x1024xf32, #tpu.memory_space<hbm>>
        %dma_wait3A_729 = tpu.memref_squeeze %dma_wait3A_728 : memref<1x1x1x1024xf32, #tpu.memory_space<hbm>> -> memref<1024xf32, #tpu.memory_space<hbm>>
        tpu.wait_dma2 semaphore(%arg14 : memref<!tpu.dma_semaphore, #tpu.memory_space<semaphore_mem>>) src(%dma_wait3A_729 : memref<1024xf32, #tpu.memory_space<hbm>>) dst(%dma_wait3A_726 : memref<1024xf32, #tpu.memory_space<vmem>>)
        %dma_wait3A_730 = arith.constant 0 : i32
        %dma_wait3A_731 = arith.constant 0 : i32
        %dma_wait3A_732 = arith.constant 0 : i32
        %dma_wait3A_733 = arith.constant 3072 : i32
        %dma_wait3A_734 = tpu.memref_slice %arg8[%dma_wait3A_733] : memref<4096xf32, #tpu.memory_space<vmem>> -> memref<1024xf32, #tpu.memory_space<vmem>>
        %dma_wait3A_735 = arith.constant 0 : i32
        %dma_wait3A_736 = tpu.memref_slice %arg4[%dma_wait3A_730, %dma_wait3A_731, %dma_wait3A_732, %dma_wait3A_735] : memref<50x4x128x1024xf32, #tpu.memory_space<hbm>> -> memref<1x1x1x1024xf32, #tpu.memory_space<hbm>>
        %dma_wait3A_737 = tpu.memref_squeeze %dma_wait3A_736 : memref<1x1x1x1024xf32, #tpu.memory_space<hbm>> -> memref<1024xf32, #tpu.memory_space<hbm>>
        %dma_wait3A_738 = arith.constant 3072 : i32
        %dma_wait3A_739 = tpu.memref_slice %arg8[%dma_wait3A_738] : memref<4096xf32, #tpu.memory_space<vmem>> -> memref<1024xf32, #tpu.memory_space<vmem>>
        %dma_wait3A_740 = arith.constant 0 : i32
        %dma_wait3A_741 = tpu.memref_slice %arg4[%dma_wait3A_730, %dma_wait3A_731, %dma_wait3A_732, %dma_wait3A_740] : memref<50x4x128x1024xf32, #tpu.memory_space<hbm>> -> memref<1x1x1x1024xf32, #tpu.memory_space<hbm>>
        %dma_wait3A_742 = tpu.memref_squeeze %dma_wait3A_741 : memref<1x1x1x1024xf32, #tpu.memory_space<hbm>> -> memref<1024xf32, #tpu.memory_space<hbm>>
        tpu.wait_dma2 semaphore(%arg14 : memref<!tpu.dma_semaphore, #tpu.memory_space<semaphore_mem>>) src(%dma_wait3A_742 : memref<1024xf32, #tpu.memory_space<hbm>>) dst(%dma_wait3A_739 : memref<1024xf32, #tpu.memory_space<vmem>>)
      } else {
      }
      %scan3A_354 = arith.constant 0 : i32
      %scan3A_355 = arith.constant 8 : i32
      %scan3A_356 = arith.addi %scan3A_354, %scan3A_355 : i32
      %scan3A_357 = arith.constant 1 : i32
      scf.for %scan3A_691 = %scan3A_354 to %scan3A_356 step %scan3A_357  : i32 {
        %mul3A_692 = arith.constant 1 : i32
        %mul3A_693 = arith.muli %scan3A_691, %mul3A_692 : i32
        %add3A_694 = arith.constant 0 : i32
        %add3A_695 = arith.addi %add3A_694, %mul3A_693 : i32
        %mul3A_696 = arith.constant 16 : i32
        %mul3A_697 = arith.muli %add3A_695, %mul3A_696 : i32
        %add3A_698 = vector.broadcast %mul3A_697 : i32 to vector<16xi32>
        %add3A_699 = arith.addi %iota3A, %add3A_698 : vector<16xi32>
        %gather3A = arith.constant 1 : i32
        %gather3A_700 = arith.constant 0 : i32
        %gather3A_701 = arith.constant 0 : i32
        %gather3A_702 = tpu.memref_slice %arg6[%gather3A, %gather3A_700, %gather3A_701] : memref<4x128x32xf32, #tpu.memory_space<vmem>> -> memref<1x128x32xf32, #tpu.memory_space<vmem>>
        %gather3A_703 = tpu.memref_squeeze %gather3A_702 : memref<1x128x32xf32, #tpu.memory_space<vmem>> -> memref<128x32xf32, #tpu.memory_space<vmem>>
        %gather3A_704 = tpu.vector_load_idx %gather3A_703[%add3A_699, %broadcast_in_dim3A_3] : memref<128x32xf32, #tpu.memory_space<vmem>>[vector<16xi32>, vector<16xi32>], vector<16xf32>,
        %mul3A_705 = arith.constant 5.65685415 : f32
        %mul3A_706 = vector.broadcast %mul3A_705 : f32 to vector<16xf32>
        %mul3A_707 = arith.mulf %gather3A_704, %mul3A_706 : vector<16xf32>
        %gather3A_708 = arith.constant 1 : i32
        %gather3A_709 = arith.constant 0 : i32
        %gather3A_710 = arith.constant 0 : i32
        %gather3A_711 = tpu.memref_slice %arg6[%gather3A_708, %gather3A_709, %gather3A_710] : memref<4x128x32xf32, #tpu.memory_space<vmem>> -> memref<1x128x32xf32, #tpu.memory_space<vmem>>
        %gather3A_712 = tpu.memref_squeeze %gather3A_711 : memref<1x128x32xf32, #tpu.memory_space<vmem>> -> memref<128x32xf32, #tpu.memory_space<vmem>>
        %gather3A_713 = tpu.vector_load_idx %gather3A_712[%add3A_699, %broadcast_in_dim3A_5] : memref<128x32xf32, #tpu.memory_space<vmem>>[vector<16xi32>, vector<16xi32>], vector<16xf32>,
        %mul3A_714 = arith.constant 5.65685415 : f32
        %mul3A_715 = vector.broadcast %mul3A_714 : f32 to vector<16xf32>
        %mul3A_716 = arith.mulf %gather3A_713, %mul3A_715 : vector<16xf32>
        %gather3A_717 = arith.constant 1 : i32
        %gather3A_718 = arith.constant 0 : i32
        %gather3A_719 = arith.constant 0 : i32
        %gather3A_720 = tpu.memref_slice %arg6[%gather3A_717, %gather3A_718, %gather3A_719] : memref<4x128x32xf32, #tpu.memory_space<vmem>> -> memref<1x128x32xf32, #tpu.memory_space<vmem>>
        %gather3A_721 = tpu.memref_squeeze %gather3A_720 : memref<1x128x32xf32, #tpu.memory_space<vmem>> -> memref<128x32xf32, #tpu.memory_space<vmem>>
        %gather3A_722 = tpu.vector_load_idx %gather3A_721[%add3A_699, %broadcast_in_dim3A_7] : memref<128x32xf32, #tpu.memory_space<vmem>>[vector<16xi32>, vector<16xi32>], vector<16xf32>,
        %mul3A_723 = arith.constant 5.65685415 : f32
        %mul3A_724 = vector.broadcast %mul3A_723 : f32 to vector<16xf32>
        %mul3A_725 = arith.mulf %gather3A_722, %mul3A_724 : vector<16xf32>
        %gather3A_726 = arith.constant 1 : i32
        %gather3A_727 = arith.constant 0 : i32
        %gather3A_728 = arith.constant 0 : i32
        %gather3A_729 = tpu.memref_slice %arg6[%gather3A_726, %gather3A_727, %gather3A_728] : memref<4x128x32xf32, #tpu.memory_space<vmem>> -> memref<1x128x32xf32, #tpu.memory_space<vmem>>
        %gather3A_730 = tpu.memref_squeeze %gather3A_729 : memref<1x128x32xf32, #tpu.memory_space<vmem>> -> memref<128x32xf32, #tpu.memory_space<vmem>>
        %gather3A_731 = tpu.vector_load_idx %gather3A_730[%add3A_699, %broadcast_in_dim3A_9] : memref<128x32xf32, #tpu.memory_space<vmem>>[vector<16xi32>, vector<16xi32>], vector<16xf32>,
        %mul3A_732 = arith.constant 5.65685415 : f32
        %mul3A_733 = vector.broadcast %mul3A_732 : f32 to vector<16xf32>
        %mul3A_734 = arith.mulf %gather3A_731, %mul3A_733 : vector<16xf32>
        %gather3A_735 = arith.constant 1 : i32
        %gather3A_736 = arith.constant 0 : i32
        %gather3A_737 = arith.constant 0 : i32
        %gather3A_738 = tpu.memref_slice %arg6[%gather3A_735, %gather3A_736, %gather3A_737] : memref<4x128x32xf32, #tpu.memory_space<vmem>> -> memref<1x128x32xf32, #tpu.memory_space<vmem>>
        %gather3A_739 = tpu.memref_squeeze %gather3A_738 : memref<1x128x32xf32, #tpu.memory_space<vmem>> -> memref<128x32xf32, #tpu.memory_space<vmem>>
        %gather3A_740 = tpu.vector_load_idx %gather3A_739[%add3A_699, %broadcast_in_dim3A_11] : memref<128x32xf32, #tpu.memory_space<vmem>>[vector<16xi32>, vector<16xi32>], vector<16xf32>,
        %mul3A_741 = arith.constant 5.65685415 : f32
        %mul3A_742 = vector.broadcast %mul3A_741 : f32 to vector<16xf32>
        %mul3A_743 = arith.mulf %gather3A_740, %mul3A_742 : vector<16xf32>
        %gather3A_744 = arith.constant 1 : i32
        %gather3A_745 = arith.constant 0 : i32
        %gather3A_746 = arith.constant 0 : i32
        %gather3A_747 = tpu.memref_slice %arg6[%gather3A_744, %gather3A_745, %gather3A_746] : memref<4x128x32xf32, #tpu.memory_space<vmem>> -> memref<1x128x32xf32, #tpu.memory_space<vmem>>
        %gather3A_748 = tpu.memref_squeeze %gather3A_747 : memref<1x128x32xf32, #tpu.memory_space<vmem>> -> memref<128x32xf32, #tpu.memory_space<vmem>>
        %gather3A_749 = tpu.vector_load_idx %gather3A_748[%add3A_699, %broadcast_in_dim3A_13] : memref<128x32xf32, #tpu.memory_space<vmem>>[vector<16xi32>, vector<16xi32>], vector<16xf32>,
        %mul3A_750 = arith.constant 5.65685415 : f32
        %mul3A_751 = vector.broadcast %mul3A_750 : f32 to vector<16xf32>
        %mul3A_752 = arith.mulf %gather3A_749, %mul3A_751 : vector<16xf32>
        %gather3A_753 = arith.constant 1 : i32
        %gather3A_754 = arith.constant 0 : i32
        %gather3A_755 = arith.constant 0 : i32
        %gather3A_756 = tpu.memref_slice %arg6[%gather3A_753, %gather3A_754, %gather3A_755] : memref<4x128x32xf32, #tpu.memory_space<vmem>> -> memref<1x128x32xf32, #tpu.memory_space<vmem>>
        %gather3A_757 = tpu.memref_squeeze %gather3A_756 : memref<1x128x32xf32, #tpu.memory_space<vmem>> -> memref<128x32xf32, #tpu.memory_space<vmem>>
        %gather3A_758 = tpu.vector_load_idx %gather3A_757[%add3A_699, %broadcast_in_dim3A_15] : memref<128x32xf32, #tpu.memory_space<vmem>>[vector<16xi32>, vector<16xi32>], vector<16xf32>,
        %mul3A_759 = arith.constant 5.65685415 : f32
        %mul3A_760 = vector.broadcast %mul3A_759 : f32 to vector<16xf32>
        %mul3A_761 = arith.mulf %gather3A_758, %mul3A_760 : vector<16xf32>
        %gather3A_762 = arith.constant 1 : i32
        %gather3A_763 = arith.constant 0 : i32
        %gather3A_764 = arith.constant 0 : i32
        %gather3A_765 = tpu.memref_slice %arg6[%gather3A_762, %gather3A_763, %gather3A_764] : memref<4x128x32xf32, #tpu.memory_space<vmem>> -> memref<1x128x32xf32, #tpu.memory_space<vmem>>
        %gather3A_766 = tpu.memref_squeeze %gather3A_765 : memref<1x128x32xf32, #tpu.memory_space<vmem>> -> memref<128x32xf32, #tpu.memory_space<vmem>>
        %gather3A_767 = tpu.vector_load_idx %gather3A_766[%add3A_699, %broadcast_in_dim3A_17] : memref<128x32xf32, #tpu.memory_space<vmem>>[vector<16xi32>, vector<16xi32>], vector<16xf32>,
        %mul3A_768 = arith.constant 5.65685415 : f32
        %mul3A_769 = vector.broadcast %mul3A_768 : f32 to vector<16xf32>
        %mul3A_770 = arith.mulf %gather3A_767, %mul3A_769 : vector<16xf32>
        %gather3A_771 = arith.constant 1 : i32
        %gather3A_772 = arith.constant 0 : i32
        %gather3A_773 = arith.constant 0 : i32
        %gather3A_774 = tpu.memref_slice %arg6[%gather3A_771, %gather3A_772, %gather3A_773] : memref<4x128x32xf32, #tpu.memory_space<vmem>> -> memref<1x128x32xf32, #tpu.memory_space<vmem>>
        %gather3A_775 = tpu.memref_squeeze %gather3A_774 : memref<1x128x32xf32, #tpu.memory_space<vmem>> -> memref<128x32xf32, #tpu.memory_space<vmem>>
        %gather3A_776 = tpu.vector_load_idx %gather3A_775[%add3A_699, %broadcast_in_dim3A_19] : memref<128x32xf32, #tpu.memory_space<vmem>>[vector<16xi32>, vector<16xi32>], vector<16xf32>,
        %mul3A_777 = arith.constant 5.65685415 : f32
        %mul3A_778 = vector.broadcast %mul3A_777 : f32 to vector<16xf32>
        %mul3A_779 = arith.mulf %gather3A_776, %mul3A_778 : vector<16xf32>
        %gather3A_780 = arith.constant 1 : i32
        %gather3A_781 = arith.constant 0 : i32
        %gather3A_782 = arith.constant 0 : i32
        %gather3A_783 = tpu.memref_slice %arg6[%gather3A_780, %gather3A_781, %gather3A_782] : memref<4x128x32xf32, #tpu.memory_space<vmem>> -> memref<1x128x32xf32, #tpu.memory_space<vmem>>
        %gather3A_784 = tpu.memref_squeeze %gather3A_783 : memref<1x128x32xf32, #tpu.memory_space<vmem>> -> memref<128x32xf32, #tpu.memory_space<vmem>>
        %gather3A_785 = tpu.vector_load_idx %gather3A_784[%add3A_699, %broadcast_in_dim3A_21] : memref<128x32xf32, #tpu.memory_space<vmem>>[vector<16xi32>, vector<16xi32>], vector<16xf32>,
        %mul3A_786 = arith.constant 5.65685415 : f32
        %mul3A_787 = vector.broadcast %mul3A_786 : f32 to vector<16xf32>
        %mul3A_788 = arith.mulf %gather3A_785, %mul3A_787 : vector<16xf32>
        %gather3A_789 = arith.constant 1 : i32
        %gather3A_790 = arith.constant 0 : i32
        %gather3A_791 = arith.constant 0 : i32
        %gather3A_792 = tpu.memref_slice %arg6[%gather3A_789, %gather3A_790, %gather3A_791] : memref<4x128x32xf32, #tpu.memory_space<vmem>> -> memref<1x128x32xf32, #tpu.memory_space<vmem>>
        %gather3A_793 = tpu.memref_squeeze %gather3A_792 : memref<1x128x32xf32, #tpu.memory_space<vmem>> -> memref<128x32xf32, #tpu.memory_space<vmem>>
        %gather3A_794 = tpu.vector_load_idx %gather3A_793[%add3A_699, %broadcast_in_dim3A_23] : memref<128x32xf32, #tpu.memory_space<vmem>>[vector<16xi32>, vector<16xi32>], vector<16xf32>,
        %mul3A_795 = arith.constant 5.65685415 : f32
        %mul3A_796 = vector.broadcast %mul3A_795 : f32 to vector<16xf32>
        %mul3A_797 = arith.mulf %gather3A_794, %mul3A_796 : vector<16xf32>
        %gather3A_798 = arith.constant 1 : i32
        %gather3A_799 = arith.constant 0 : i32
        %gather3A_800 = arith.constant 0 : i32
        %gather3A_801 = tpu.memref_slice %arg6[%gather3A_798, %gather3A_799, %gather3A_800] : memref<4x128x32xf32, #tpu.memory_space<vmem>> -> memref<1x128x32xf32, #tpu.memory_space<vmem>>
        %gather3A_802 = tpu.memref_squeeze %gather3A_801 : memref<1x128x32xf32, #tpu.memory_space<vmem>> -> memref<128x32xf32, #tpu.memory_space<vmem>>
        %gather3A_803 = tpu.vector_load_idx %gather3A_802[%add3A_699, %broadcast_in_dim3A_25] : memref<128x32xf32, #tpu.memory_space<vmem>>[vector<16xi32>, vector<16xi32>], vector<16xf32>,
        %mul3A_804 = arith.constant 5.65685415 : f32
        %mul3A_805 = vector.broadcast %mul3A_804 : f32 to vector<16xf32>
        %mul3A_806 = arith.mulf %gather3A_803, %mul3A_805 : vector<16xf32>
        %gather3A_807 = arith.constant 1 : i32
        %gather3A_808 = arith.constant 0 : i32
        %gather3A_809 = arith.constant 0 : i32
        %gather3A_810 = tpu.memref_slice %arg6[%gather3A_807, %gather3A_808, %gather3A_809] : memref<4x128x32xf32, #tpu.memory_space<vmem>> -> memref<1x128x32xf32, #tpu.memory_space<vmem>>
        %gather3A_811 = tpu.memref_squeeze %gather3A_810 : memref<1x128x32xf32, #tpu.memory_space<vmem>> -> memref<128x32xf32, #tpu.memory_space<vmem>>
        %gather3A_812 = tpu.vector_load_idx %gather3A_811[%add3A_699, %broadcast_in_dim3A_27] : memref<128x32xf32, #tpu.memory_space<vmem>>[vector<16xi32>, vector<16xi32>], vector<16xf32>,
        %mul3A_813 = arith.constant 5.65685415 : f32
        %mul3A_814 = vector.broadcast %mul3A_813 : f32 to vector<16xf32>
        %mul3A_815 = arith.mulf %gather3A_812, %mul3A_814 : vector<16xf32>
        %gather3A_816 = arith.constant 1 : i32
        %gather3A_817 = arith.constant 0 : i32
        %gather3A_818 = arith.constant 0 : i32
        %gather3A_819 = tpu.memref_slice %arg6[%gather3A_816, %gather3A_817, %gather3A_818] : memref<4x128x32xf32, #tpu.memory_space<vmem>> -> memref<1x128x32xf32, #tpu.memory_space<vmem>>
        %gather3A_820 = tpu.memref_squeeze %gather3A_819 : memref<1x128x32xf32, #tpu.memory_space<vmem>> -> memref<128x32xf32, #tpu.memory_space<vmem>>
        %gather3A_821 = tpu.vector_load_idx %gather3A_820[%add3A_699, %broadcast_in_dim3A_29] : memref<128x32xf32, #tpu.memory_space<vmem>>[vector<16xi32>, vector<16xi32>], vector<16xf32>,
        %mul3A_822 = arith.constant 5.65685415 : f32
        %mul3A_823 = vector.broadcast %mul3A_822 : f32 to vector<16xf32>
        %mul3A_824 = arith.mulf %gather3A_821, %mul3A_823 : vector<16xf32>
        %gather3A_825 = arith.constant 1 : i32
        %gather3A_826 = arith.constant 0 : i32
        %gather3A_827 = arith.constant 0 : i32
        %gather3A_828 = tpu.memref_slice %arg6[%gather3A_825, %gather3A_826, %gather3A_827] : memref<4x128x32xf32, #tpu.memory_space<vmem>> -> memref<1x128x32xf32, #tpu.memory_space<vmem>>
        %gather3A_829 = tpu.memref_squeeze %gather3A_828 : memref<1x128x32xf32, #tpu.memory_space<vmem>> -> memref<128x32xf32, #tpu.memory_space<vmem>>
        %gather3A_830 = tpu.vector_load_idx %gather3A_829[%add3A_699, %broadcast_in_dim3A_31] : memref<128x32xf32, #tpu.memory_space<vmem>>[vector<16xi32>, vector<16xi32>], vector<16xf32>,
        %mul3A_831 = arith.constant 5.65685415 : f32
        %mul3A_832 = vector.broadcast %mul3A_831 : f32 to vector<16xf32>
        %mul3A_833 = arith.mulf %gather3A_830, %mul3A_832 : vector<16xf32>
        %gather3A_834 = arith.constant 1 : i32
        %gather3A_835 = arith.constant 0 : i32
        %gather3A_836 = arith.constant 0 : i32
        %gather3A_837 = tpu.memref_slice %arg6[%gather3A_834, %gather3A_835, %gather3A_836] : memref<4x128x32xf32, #tpu.memory_space<vmem>> -> memref<1x128x32xf32, #tpu.memory_space<vmem>>
        %gather3A_838 = tpu.memref_squeeze %gather3A_837 : memref<1x128x32xf32, #tpu.memory_space<vmem>> -> memref<128x32xf32, #tpu.memory_space<vmem>>
        %gather3A_839 = tpu.vector_load_idx %gather3A_838[%add3A_699, %broadcast_in_dim3A_33] : memref<128x32xf32, #tpu.memory_space<vmem>>[vector<16xi32>, vector<16xi32>], vector<16xf32>,
        %mul3A_840 = arith.constant 5.65685415 : f32
        %mul3A_841 = vector.broadcast %mul3A_840 : f32 to vector<16xf32>
        %mul3A_842 = arith.mulf %gather3A_839, %mul3A_841 : vector<16xf32>
        %gather3A_843 = arith.constant 1 : i32
        %gather3A_844 = arith.constant 0 : i32
        %gather3A_845 = arith.constant 0 : i32
        %gather3A_846 = tpu.memref_slice %arg6[%gather3A_843, %gather3A_844, %gather3A_845] : memref<4x128x32xf32, #tpu.memory_space<vmem>> -> memref<1x128x32xf32, #tpu.memory_space<vmem>>
        %gather3A_847 = tpu.memref_squeeze %gather3A_846 : memref<1x128x32xf32, #tpu.memory_space<vmem>> -> memref<128x32xf32, #tpu.memory_space<vmem>>
        %gather3A_848 = tpu.vector_load_idx %gather3A_847[%add3A_699, %broadcast_in_dim3A_35] : memref<128x32xf32, #tpu.memory_space<vmem>>[vector<16xi32>, vector<16xi32>], vector<16xf32>,
        %mul3A_849 = arith.constant 5.65685415 : f32
        %mul3A_850 = vector.broadcast %mul3A_849 : f32 to vector<16xf32>
        %mul3A_851 = arith.mulf %gather3A_848, %mul3A_850 : vector<16xf32>
        %gather3A_852 = arith.constant 1 : i32
        %gather3A_853 = arith.constant 0 : i32
        %gather3A_854 = arith.constant 0 : i32
        %gather3A_855 = tpu.memref_slice %arg6[%gather3A_852, %gather3A_853, %gather3A_854] : memref<4x128x32xf32, #tpu.memory_space<vmem>> -> memref<1x128x32xf32, #tpu.memory_space<vmem>>
        %gather3A_856 = tpu.memref_squeeze %gather3A_855 : memref<1x128x32xf32, #tpu.memory_space<vmem>> -> memref<128x32xf32, #tpu.memory_space<vmem>>
        %gather3A_857 = tpu.vector_load_idx %gather3A_856[%add3A_699, %broadcast_in_dim3A_37] : memref<128x32xf32, #tpu.memory_space<vmem>>[vector<16xi32>, vector<16xi32>], vector<16xf32>,
        %mul3A_858 = arith.constant 5.65685415 : f32
        %mul3A_859 = vector.broadcast %mul3A_858 : f32 to vector<16xf32>
        %mul3A_860 = arith.mulf %gather3A_857, %mul3A_859 : vector<16xf32>
        %gather3A_861 = arith.constant 1 : i32
        %gather3A_862 = arith.constant 0 : i32
        %gather3A_863 = arith.constant 0 : i32
        %gather3A_864 = tpu.memref_slice %arg6[%gather3A_861, %gather3A_862, %gather3A_863] : memref<4x128x32xf32, #tpu.memory_space<vmem>> -> memref<1x128x32xf32, #tpu.memory_space<vmem>>
        %gather3A_865 = tpu.memref_squeeze %gather3A_864 : memref<1x128x32xf32, #tpu.memory_space<vmem>> -> memref<128x32xf32, #tpu.memory_space<vmem>>
        %gather3A_866 = tpu.vector_load_idx %gather3A_865[%add3A_699, %broadcast_in_dim3A_39] : memref<128x32xf32, #tpu.memory_space<vmem>>[vector<16xi32>, vector<16xi32>], vector<16xf32>,
        %mul3A_867 = arith.constant 5.65685415 : f32
        %mul3A_868 = vector.broadcast %mul3A_867 : f32 to vector<16xf32>
        %mul3A_869 = arith.mulf %gather3A_866, %mul3A_868 : vector<16xf32>
        %gather3A_870 = arith.constant 1 : i32
        %gather3A_871 = arith.constant 0 : i32
        %gather3A_872 = arith.constant 0 : i32
        %gather3A_873 = tpu.memref_slice %arg6[%gather3A_870, %gather3A_871, %gather3A_872] : memref<4x128x32xf32, #tpu.memory_space<vmem>> -> memref<1x128x32xf32, #tpu.memory_space<vmem>>
        %gather3A_874 = tpu.memref_squeeze %gather3A_873 : memref<1x128x32xf32, #tpu.memory_space<vmem>> -> memref<128x32xf32, #tpu.memory_space<vmem>>
        %gather3A_875 = tpu.vector_load_idx %gather3A_874[%add3A_699, %broadcast_in_dim3A_41] : memref<128x32xf32, #tpu.memory_space<vmem>>[vector<16xi32>, vector<16xi32>], vector<16xf32>,
        %mul3A_876 = arith.constant 5.65685415 : f32
        %mul3A_877 = vector.broadcast %mul3A_876 : f32 to vector<16xf32>
        %mul3A_878 = arith.mulf %gather3A_875, %mul3A_877 : vector<16xf32>
        %gather3A_879 = arith.constant 1 : i32
        %gather3A_880 = arith.constant 0 : i32
        %gather3A_881 = arith.constant 0 : i32
        %gather3A_882 = tpu.memref_slice %arg6[%gather3A_879, %gather3A_880, %gather3A_881] : memref<4x128x32xf32, #tpu.memory_space<vmem>> -> memref<1x128x32xf32, #tpu.memory_space<vmem>>
        %gather3A_883 = tpu.memref_squeeze %gather3A_882 : memref<1x128x32xf32, #tpu.memory_space<vmem>> -> memref<128x32xf32, #tpu.memory_space<vmem>>
        %gather3A_884 = tpu.vector_load_idx %gather3A_883[%add3A_699, %broadcast_in_dim3A_43] : memref<128x32xf32, #tpu.memory_space<vmem>>[vector<16xi32>, vector<16xi32>], vector<16xf32>,
        %mul3A_885 = arith.constant 5.65685415 : f32
        %mul3A_886 = vector.broadcast %mul3A_885 : f32 to vector<16xf32>
        %mul3A_887 = arith.mulf %gather3A_884, %mul3A_886 : vector<16xf32>
        %gather3A_888 = arith.constant 1 : i32
        %gather3A_889 = arith.constant 0 : i32
        %gather3A_890 = arith.constant 0 : i32
        %gather3A_891 = tpu.memref_slice %arg6[%gather3A_888, %gather3A_889, %gather3A_890] : memref<4x128x32xf32, #tpu.memory_space<vmem>> -> memref<1x128x32xf32, #tpu.memory_space<vmem>>
        %gather3A_892 = tpu.memref_squeeze %gather3A_891 : memref<1x128x32xf32, #tpu.memory_space<vmem>> -> memref<128x32xf32, #tpu.memory_space<vmem>>
        %gather3A_893 = tpu.vector_load_idx %gather3A_892[%add3A_699, %broadcast_in_dim3A_45] : memref<128x32xf32, #tpu.memory_space<vmem>>[vector<16xi32>, vector<16xi32>], vector<16xf32>,
        %mul3A_894 = arith.constant 5.65685415 : f32
        %mul3A_895 = vector.broadcast %mul3A_894 : f32 to vector<16xf32>
        %mul3A_896 = arith.mulf %gather3A_893, %mul3A_895 : vector<16xf32>
        %gather3A_897 = arith.constant 1 : i32
        %gather3A_898 = arith.constant 0 : i32
        %gather3A_899 = arith.constant 0 : i32
        %gather3A_900 = tpu.memref_slice %arg6[%gather3A_897, %gather3A_898, %gather3A_899] : memref<4x128x32xf32, #tpu.memory_space<vmem>> -> memref<1x128x32xf32, #tpu.memory_space<vmem>>
        %gather3A_901 = tpu.memref_squeeze %gather3A_900 : memref<1x128x32xf32, #tpu.memory_space<vmem>> -> memref<128x32xf32, #tpu.memory_space<vmem>>
        %gather3A_902 = tpu.vector_load_idx %gather3A_901[%add3A_699, %broadcast_in_dim3A_47] : memref<128x32xf32, #tpu.memory_space<vmem>>[vector<16xi32>, vector<16xi32>], vector<16xf32>,
        %mul3A_903 = arith.constant 5.65685415 : f32
        %mul3A_904 = vector.broadcast %mul3A_903 : f32 to vector<16xf32>
        %mul3A_905 = arith.mulf %gather3A_902, %mul3A_904 : vector<16xf32>
        %gather3A_906 = arith.constant 1 : i32
        %gather3A_907 = arith.constant 0 : i32
        %gather3A_908 = arith.constant 0 : i32
        %gather3A_909 = tpu.memref_slice %arg6[%gather3A_906, %gather3A_907, %gather3A_908] : memref<4x128x32xf32, #tpu.memory_space<vmem>> -> memref<1x128x32xf32, #tpu.memory_space<vmem>>
        %gather3A_910 = tpu.memref_squeeze %gather3A_909 : memref<1x128x32xf32, #tpu.memory_space<vmem>> -> memref<128x32xf32, #tpu.memory_space<vmem>>
        %gather3A_911 = tpu.vector_load_idx %gather3A_910[%add3A_699, %broadcast_in_dim3A_49] : memref<128x32xf32, #tpu.memory_space<vmem>>[vector<16xi32>, vector<16xi32>], vector<16xf32>,
        %mul3A_912 = arith.constant 5.65685415 : f32
        %mul3A_913 = vector.broadcast %mul3A_912 : f32 to vector<16xf32>
        %mul3A_914 = arith.mulf %gather3A_911, %mul3A_913 : vector<16xf32>
        %gather3A_915 = arith.constant 1 : i32
        %gather3A_916 = arith.constant 0 : i32
        %gather3A_917 = arith.constant 0 : i32
        %gather3A_918 = tpu.memref_slice %arg6[%gather3A_915, %gather3A_916, %gather3A_917] : memref<4x128x32xf32, #tpu.memory_space<vmem>> -> memref<1x128x32xf32, #tpu.memory_space<vmem>>
        %gather3A_919 = tpu.memref_squeeze %gather3A_918 : memref<1x128x32xf32, #tpu.memory_space<vmem>> -> memref<128x32xf32, #tpu.memory_space<vmem>>
        %gather3A_920 = tpu.vector_load_idx %gather3A_919[%add3A_699, %broadcast_in_dim3A_51] : memref<128x32xf32, #tpu.memory_space<vmem>>[vector<16xi32>, vector<16xi32>], vector<16xf32>,
        %mul3A_921 = arith.constant 5.65685415 : f32
        %mul3A_922 = vector.broadcast %mul3A_921 : f32 to vector<16xf32>
        %mul3A_923 = arith.mulf %gather3A_920, %mul3A_922 : vector<16xf32>
        %gather3A_924 = arith.constant 1 : i32
        %gather3A_925 = arith.constant 0 : i32
        %gather3A_926 = arith.constant 0 : i32
        %gather3A_927 = tpu.memref_slice %arg6[%gather3A_924, %gather3A_925, %gather3A_926] : memref<4x128x32xf32, #tpu.memory_space<vmem>> -> memref<1x128x32xf32, #tpu.memory_space<vmem>>
        %gather3A_928 = tpu.memref_squeeze %gather3A_927 : memref<1x128x32xf32, #tpu.memory_space<vmem>> -> memref<128x32xf32, #tpu.memory_space<vmem>>
        %gather3A_929 = tpu.vector_load_idx %gather3A_928[%add3A_699, %broadcast_in_dim3A_53] : memref<128x32xf32, #tpu.memory_space<vmem>>[vector<16xi32>, vector<16xi32>], vector<16xf32>,
        %mul3A_930 = arith.constant 5.65685415 : f32
        %mul3A_931 = vector.broadcast %mul3A_930 : f32 to vector<16xf32>
        %mul3A_932 = arith.mulf %gather3A_929, %mul3A_931 : vector<16xf32>
        %gather3A_933 = arith.constant 1 : i32
        %gather3A_934 = arith.constant 0 : i32
        %gather3A_935 = arith.constant 0 : i32
        %gather3A_936 = tpu.memref_slice %arg6[%gather3A_933, %gather3A_934, %gather3A_935] : memref<4x128x32xf32, #tpu.memory_space<vmem>> -> memref<1x128x32xf32, #tpu.memory_space<vmem>>
        %gather3A_937 = tpu.memref_squeeze %gather3A_936 : memref<1x128x32xf32, #tpu.memory_space<vmem>> -> memref<128x32xf32, #tpu.memory_space<vmem>>
        %gather3A_938 = tpu.vector_load_idx %gather3A_937[%add3A_699, %broadcast_in_dim3A_55] : memref<128x32xf32, #tpu.memory_space<vmem>>[vector<16xi32>, vector<16xi32>], vector<16xf32>,
        %mul3A_939 = arith.constant 5.65685415 : f32
        %mul3A_940 = vector.broadcast %mul3A_939 : f32 to vector<16xf32>
        %mul3A_941 = arith.mulf %gather3A_938, %mul3A_940 : vector<16xf32>
        %gather3A_942 = arith.constant 1 : i32
        %gather3A_943 = arith.constant 0 : i32
        %gather3A_944 = arith.constant 0 : i32
        %gather3A_945 = tpu.memref_slice %arg6[%gather3A_942, %gather3A_943, %gather3A_944] : memref<4x128x32xf32, #tpu.memory_space<vmem>> -> memref<1x128x32xf32, #tpu.memory_space<vmem>>
        %gather3A_946 = tpu.memref_squeeze %gather3A_945 : memref<1x128x32xf32, #tpu.memory_space<vmem>> -> memref<128x32xf32, #tpu.memory_space<vmem>>
        %gather3A_947 = tpu.vector_load_idx %gather3A_946[%add3A_699, %broadcast_in_dim3A_57] : memref<128x32xf32, #tpu.memory_space<vmem>>[vector<16xi32>, vector<16xi32>], vector<16xf32>,
        %mul3A_948 = arith.constant 5.65685415 : f32
        %mul3A_949 = vector.broadcast %mul3A_948 : f32 to vector<16xf32>
        %mul3A_950 = arith.mulf %gather3A_947, %mul3A_949 : vector<16xf32>
        %gather3A_951 = arith.constant 1 : i32
        %gather3A_952 = arith.constant 0 : i32
        %gather3A_953 = arith.constant 0 : i32
        %gather3A_954 = tpu.memref_slice %arg6[%gather3A_951, %gather3A_952, %gather3A_953] : memref<4x128x32xf32, #tpu.memory_space<vmem>> -> memref<1x128x32xf32, #tpu.memory_space<vmem>>
        %gather3A_955 = tpu.memref_squeeze %gather3A_954 : memref<1x128x32xf32, #tpu.memory_space<vmem>> -> memref<128x32xf32, #tpu.memory_space<vmem>>
        %gather3A_956 = tpu.vector_load_idx %gather3A_955[%add3A_699, %broadcast_in_dim3A_59] : memref<128x32xf32, #tpu.memory_space<vmem>>[vector<16xi32>, vector<16xi32>], vector<16xf32>,
        %mul3A_957 = arith.constant 5.65685415 : f32
        %mul3A_958 = vector.broadcast %mul3A_957 : f32 to vector<16xf32>
        %mul3A_959 = arith.mulf %gather3A_956, %mul3A_958 : vector<16xf32>
        %gather3A_960 = arith.constant 1 : i32
        %gather3A_961 = arith.constant 0 : i32
        %gather3A_962 = arith.constant 0 : i32
        %gather3A_963 = tpu.memref_slice %arg6[%gather3A_960, %gather3A_961, %gather3A_962] : memref<4x128x32xf32, #tpu.memory_space<vmem>> -> memref<1x128x32xf32, #tpu.memory_space<vmem>>
        %gather3A_964 = tpu.memref_squeeze %gather3A_963 : memref<1x128x32xf32, #tpu.memory_space<vmem>> -> memref<128x32xf32, #tpu.memory_space<vmem>>
        %gather3A_965 = tpu.vector_load_idx %gather3A_964[%add3A_699, %broadcast_in_dim3A_61] : memref<128x32xf32, #tpu.memory_space<vmem>>[vector<16xi32>, vector<16xi32>], vector<16xf32>,
        %mul3A_966 = arith.constant 5.65685415 : f32
        %mul3A_967 = vector.broadcast %mul3A_966 : f32 to vector<16xf32>
        %mul3A_968 = arith.mulf %gather3A_965, %mul3A_967 : vector<16xf32>
        %gather3A_969 = arith.constant 1 : i32
        %gather3A_970 = arith.constant 0 : i32
        %gather3A_971 = arith.constant 0 : i32
        %gather3A_972 = tpu.memref_slice %arg6[%gather3A_969, %gather3A_970, %gather3A_971] : memref<4x128x32xf32, #tpu.memory_space<vmem>> -> memref<1x128x32xf32, #tpu.memory_space<vmem>>
        %gather3A_973 = tpu.memref_squeeze %gather3A_972 : memref<1x128x32xf32, #tpu.memory_space<vmem>> -> memref<128x32xf32, #tpu.memory_space<vmem>>
        %gather3A_974 = tpu.vector_load_idx %gather3A_973[%add3A_699, %broadcast_in_dim3A_63] : memref<128x32xf32, #tpu.memory_space<vmem>>[vector<16xi32>, vector<16xi32>], vector<16xf32>,
        %mul3A_975 = arith.constant 5.65685415 : f32
        %mul3A_976 = vector.broadcast %mul3A_975 : f32 to vector<16xf32>
        %mul3A_977 = arith.mulf %gather3A_974, %mul3A_976 : vector<16xf32>
        %gather3A_978 = arith.constant 1 : i32
        %gather3A_979 = arith.constant 0 : i32
        %gather3A_980 = arith.constant 0 : i32
        %gather3A_981 = tpu.memref_slice %arg6[%gather3A_978, %gather3A_979, %gather3A_980] : memref<4x128x32xf32, #tpu.memory_space<vmem>> -> memref<1x128x32xf32, #tpu.memory_space<vmem>>
        %gather3A_982 = tpu.memref_squeeze %gather3A_981 : memref<1x128x32xf32, #tpu.memory_space<vmem>> -> memref<128x32xf32, #tpu.memory_space<vmem>>
        %gather3A_983 = tpu.vector_load_idx %gather3A_982[%add3A_699, %broadcast_in_dim3A_65] : memref<128x32xf32, #tpu.memory_space<vmem>>[vector<16xi32>, vector<16xi32>], vector<16xf32>,
        %mul3A_984 = arith.constant 5.65685415 : f32
        %mul3A_985 = vector.broadcast %mul3A_984 : f32 to vector<16xf32>
        %mul3A_986 = arith.mulf %gather3A_983, %mul3A_985 : vector<16xf32>
        %mul3A_987 = arith.constant 16 : i32
        %mul3A_988 = arith.muli %add3A_695, %mul3A_987 : i32
        %add3A_989 = arith.constant 0 : i32
        %add3A_990 = arith.addi %add3A_989, %mul3A_988 : i32
        %swap3A = arith.index_cast %add3A_990 : i32 to index
        %swap3A_991 = tpu.vector_load %arg8[%swap3A] {strides = array<i32>} : memref<4096xf32, #tpu.memory_space<vmem>>, vector<16xf32>,
        tpu.vector_store %arg8[%swap3A], %mul3A_707 {strides = array<i32>} : memref<4096xf32, #tpu.memory_space<vmem>>, vector<16xf32>,
        %mul3A_992 = arith.constant 16 : i32
        %mul3A_993 = arith.muli %add3A_695, %mul3A_992 : i32
        %add3A_994 = arith.constant 128 : i32
        %add3A_995 = arith.addi %add3A_994, %mul3A_993 : i32
        %swap3A_996 = arith.index_cast %add3A_995 : i32 to index
        %swap3A_997 = tpu.vector_load %arg8[%swap3A_996] {strides = array<i32>} : memref<4096xf32, #tpu.memory_space<vmem>>, vector<16xf32>,
        tpu.vector_store %arg8[%swap3A_996], %mul3A_716 {strides = array<i32>} : memref<4096xf32, #tpu.memory_space<vmem>>, vector<16xf32>,
        %mul3A_998 = arith.constant 16 : i32
        %mul3A_999 = arith.muli %add3A_695, %mul3A_998 : i32
        %add3A_1000 = arith.constant 256 : i32
        %add3A_1001 = arith.addi %add3A_1000, %mul3A_999 : i32
        %swap3A_1002 = arith.index_cast %add3A_1001 : i32 to index
        %swap3A_1003 = tpu.vector_load %arg8[%swap3A_1002] {strides = array<i32>} : memref<4096xf32, #tpu.memory_space<vmem>>, vector<16xf32>,
        tpu.vector_store %arg8[%swap3A_1002], %mul3A_725 {strides = array<i32>} : memref<4096xf32, #tpu.memory_space<vmem>>, vector<16xf32>,
        %mul3A_1004 = arith.constant 16 : i32
        %mul3A_1005 = arith.muli %add3A_695, %mul3A_1004 : i32
        %add3A_1006 = arith.constant 384 : i32
        %add3A_1007 = arith.addi %add3A_1006, %mul3A_1005 : i32
        %swap3A_1008 = arith.index_cast %add3A_1007 : i32 to index
        %swap3A_1009 = tpu.vector_load %arg8[%swap3A_1008] {strides = array<i32>} : memref<4096xf32, #tpu.memory_space<vmem>>, vector<16xf32>,
        tpu.vector_store %arg8[%swap3A_1008], %mul3A_734 {strides = array<i32>} : memref<4096xf32, #tpu.memory_space<vmem>>, vector<16xf32>,
        %mul3A_1010 = arith.constant 16 : i32
        %mul3A_1011 = arith.muli %add3A_695, %mul3A_1010 : i32
        %add3A_1012 = arith.constant 512 : i32
        %add3A_1013 = arith.addi %add3A_1012, %mul3A_1011 : i32
        %swap3A_1014 = arith.index_cast %add3A_1013 : i32 to index
        %swap3A_1015 = tpu.vector_load %arg8[%swap3A_1014] {strides = array<i32>} : memref<4096xf32, #tpu.memory_space<vmem>>, vector<16xf32>,
        tpu.vector_store %arg8[%swap3A_1014], %mul3A_743 {strides = array<i32>} : memref<4096xf32, #tpu.memory_space<vmem>>, vector<16xf32>,
        %mul3A_1016 = arith.constant 16 : i32
        %mul3A_1017 = arith.muli %add3A_695, %mul3A_1016 : i32
        %add3A_1018 = arith.constant 640 : i32
        %add3A_1019 = arith.addi %add3A_1018, %mul3A_1017 : i32
        %swap3A_1020 = arith.index_cast %add3A_1019 : i32 to index
        %swap3A_1021 = tpu.vector_load %arg8[%swap3A_1020] {strides = array<i32>} : memref<4096xf32, #tpu.memory_space<vmem>>, vector<16xf32>,
        tpu.vector_store %arg8[%swap3A_1020], %mul3A_752 {strides = array<i32>} : memref<4096xf32, #tpu.memory_space<vmem>>, vector<16xf32>,
        %mul3A_1022 = arith.constant 16 : i32
        %mul3A_1023 = arith.muli %add3A_695, %mul3A_1022 : i32
        %add3A_1024 = arith.constant 768 : i32
        %add3A_1025 = arith.addi %add3A_1024, %mul3A_1023 : i32
        %swap3A_1026 = arith.index_cast %add3A_1025 : i32 to index
        %swap3A_1027 = tpu.vector_load %arg8[%swap3A_1026] {strides = array<i32>} : memref<4096xf32, #tpu.memory_space<vmem>>, vector<16xf32>,
        tpu.vector_store %arg8[%swap3A_1026], %mul3A_761 {strides = array<i32>} : memref<4096xf32, #tpu.memory_space<vmem>>, vector<16xf32>,
        %mul3A_1028 = arith.constant 16 : i32
        %mul3A_1029 = arith.muli %add3A_695, %mul3A_1028 : i32
        %add3A_1030 = arith.constant 896 : i32
        %add3A_1031 = arith.addi %add3A_1030, %mul3A_1029 : i32
        %swap3A_1032 = arith.index_cast %add3A_1031 : i32 to index
        %swap3A_1033 = tpu.vector_load %arg8[%swap3A_1032] {strides = array<i32>} : memref<4096xf32, #tpu.memory_space<vmem>>, vector<16xf32>,
        tpu.vector_store %arg8[%swap3A_1032], %mul3A_770 {strides = array<i32>} : memref<4096xf32, #tpu.memory_space<vmem>>, vector<16xf32>,
        %mul3A_1034 = arith.constant 16 : i32
        %mul3A_1035 = arith.muli %add3A_695, %mul3A_1034 : i32
        %add3A_1036 = arith.constant 1024 : i32
        %add3A_1037 = arith.addi %add3A_1036, %mul3A_1035 : i32
        %swap3A_1038 = arith.index_cast %add3A_1037 : i32 to index
        %swap3A_1039 = tpu.vector_load %arg8[%swap3A_1038] {strides = array<i32>} : memref<4096xf32, #tpu.memory_space<vmem>>, vector<16xf32>,
        tpu.vector_store %arg8[%swap3A_1038], %mul3A_779 {strides = array<i32>} : memref<4096xf32, #tpu.memory_space<vmem>>, vector<16xf32>,
        %mul3A_1040 = arith.constant 16 : i32
        %mul3A_1041 = arith.muli %add3A_695, %mul3A_1040 : i32
        %add3A_1042 = arith.constant 1152 : i32
        %add3A_1043 = arith.addi %add3A_1042, %mul3A_1041 : i32
        %swap3A_1044 = arith.index_cast %add3A_1043 : i32 to index
        %swap3A_1045 = tpu.vector_load %arg8[%swap3A_1044] {strides = array<i32>} : memref<4096xf32, #tpu.memory_space<vmem>>, vector<16xf32>,
        tpu.vector_store %arg8[%swap3A_1044], %mul3A_788 {strides = array<i32>} : memref<4096xf32, #tpu.memory_space<vmem>>, vector<16xf32>,
        %mul3A_1046 = arith.constant 16 : i32
        %mul3A_1047 = arith.muli %add3A_695, %mul3A_1046 : i32
        %add3A_1048 = arith.constant 1280 : i32
        %add3A_1049 = arith.addi %add3A_1048, %mul3A_1047 : i32
        %swap3A_1050 = arith.index_cast %add3A_1049 : i32 to index
        %swap3A_1051 = tpu.vector_load %arg8[%swap3A_1050] {strides = array<i32>} : memref<4096xf32, #tpu.memory_space<vmem>>, vector<16xf32>,
        tpu.vector_store %arg8[%swap3A_1050], %mul3A_797 {strides = array<i32>} : memref<4096xf32, #tpu.memory_space<vmem>>, vector<16xf32>,
        %mul3A_1052 = arith.constant 16 : i32
        %mul3A_1053 = arith.muli %add3A_695, %mul3A_1052 : i32
        %add3A_1054 = arith.constant 1408 : i32
        %add3A_1055 = arith.addi %add3A_1054, %mul3A_1053 : i32
        %swap3A_1056 = arith.index_cast %add3A_1055 : i32 to index
        %swap3A_1057 = tpu.vector_load %arg8[%swap3A_1056] {strides = array<i32>} : memref<4096xf32, #tpu.memory_space<vmem>>, vector<16xf32>,
        tpu.vector_store %arg8[%swap3A_1056], %mul3A_806 {strides = array<i32>} : memref<4096xf32, #tpu.memory_space<vmem>>, vector<16xf32>,
        %mul3A_1058 = arith.constant 16 : i32
        %mul3A_1059 = arith.muli %add3A_695, %mul3A_1058 : i32
        %add3A_1060 = arith.constant 1536 : i32
        %add3A_1061 = arith.addi %add3A_1060, %mul3A_1059 : i32
        %swap3A_1062 = arith.index_cast %add3A_1061 : i32 to index
        %swap3A_1063 = tpu.vector_load %arg8[%swap3A_1062] {strides = array<i32>} : memref<4096xf32, #tpu.memory_space<vmem>>, vector<16xf32>,
        tpu.vector_store %arg8[%swap3A_1062], %mul3A_815 {strides = array<i32>} : memref<4096xf32, #tpu.memory_space<vmem>>, vector<16xf32>,
        %mul3A_1064 = arith.constant 16 : i32
        %mul3A_1065 = arith.muli %add3A_695, %mul3A_1064 : i32
        %add3A_1066 = arith.constant 1664 : i32
        %add3A_1067 = arith.addi %add3A_1066, %mul3A_1065 : i32
        %swap3A_1068 = arith.index_cast %add3A_1067 : i32 to index
        %swap3A_1069 = tpu.vector_load %arg8[%swap3A_1068] {strides = array<i32>} : memref<4096xf32, #tpu.memory_space<vmem>>, vector<16xf32>,
        tpu.vector_store %arg8[%swap3A_1068], %mul3A_824 {strides = array<i32>} : memref<4096xf32, #tpu.memory_space<vmem>>, vector<16xf32>,
        %mul3A_1070 = arith.constant 16 : i32
        %mul3A_1071 = arith.muli %add3A_695, %mul3A_1070 : i32
        %add3A_1072 = arith.constant 1792 : i32
        %add3A_1073 = arith.addi %add3A_1072, %mul3A_1071 : i32
        %swap3A_1074 = arith.index_cast %add3A_1073 : i32 to index
        %swap3A_1075 = tpu.vector_load %arg8[%swap3A_1074] {strides = array<i32>} : memref<4096xf32, #tpu.memory_space<vmem>>, vector<16xf32>,
        tpu.vector_store %arg8[%swap3A_1074], %mul3A_833 {strides = array<i32>} : memref<4096xf32, #tpu.memory_space<vmem>>, vector<16xf32>,
        %mul3A_1076 = arith.constant 16 : i32
        %mul3A_1077 = arith.muli %add3A_695, %mul3A_1076 : i32
        %add3A_1078 = arith.constant 1920 : i32
        %add3A_1079 = arith.addi %add3A_1078, %mul3A_1077 : i32
        %swap3A_1080 = arith.index_cast %add3A_1079 : i32 to index
        %swap3A_1081 = tpu.vector_load %arg8[%swap3A_1080] {strides = array<i32>} : memref<4096xf32, #tpu.memory_space<vmem>>, vector<16xf32>,
        tpu.vector_store %arg8[%swap3A_1080], %mul3A_842 {strides = array<i32>} : memref<4096xf32, #tpu.memory_space<vmem>>, vector<16xf32>,
        %mul3A_1082 = arith.constant 16 : i32
        %mul3A_1083 = arith.muli %add3A_695, %mul3A_1082 : i32
        %add3A_1084 = arith.constant 2048 : i32
        %add3A_1085 = arith.addi %add3A_1084, %mul3A_1083 : i32
        %swap3A_1086 = arith.index_cast %add3A_1085 : i32 to index
        %swap3A_1087 = tpu.vector_load %arg8[%swap3A_1086] {strides = array<i32>} : memref<4096xf32, #tpu.memory_space<vmem>>, vector<16xf32>,
        tpu.vector_store %arg8[%swap3A_1086], %mul3A_851 {strides = array<i32>} : memref<4096xf32, #tpu.memory_space<vmem>>, vector<16xf32>,
        %mul3A_1088 = arith.constant 16 : i32
        %mul3A_1089 = arith.muli %add3A_695, %mul3A_1088 : i32
        %add3A_1090 = arith.constant 2176 : i32
        %add3A_1091 = arith.addi %add3A_1090, %mul3A_1089 : i32
        %swap3A_1092 = arith.index_cast %add3A_1091 : i32 to index
        %swap3A_1093 = tpu.vector_load %arg8[%swap3A_1092] {strides = array<i32>} : memref<4096xf32, #tpu.memory_space<vmem>>, vector<16xf32>,
        tpu.vector_store %arg8[%swap3A_1092], %mul3A_860 {strides = array<i32>} : memref<4096xf32, #tpu.memory_space<vmem>>, vector<16xf32>,
        %mul3A_1094 = arith.constant 16 : i32
        %mul3A_1095 = arith.muli %add3A_695, %mul3A_1094 : i32
        %add3A_1096 = arith.constant 2304 : i32
        %add3A_1097 = arith.addi %add3A_1096, %mul3A_1095 : i32
        %swap3A_1098 = arith.index_cast %add3A_1097 : i32 to index
        %swap3A_1099 = tpu.vector_load %arg8[%swap3A_1098] {strides = array<i32>} : memref<4096xf32, #tpu.memory_space<vmem>>, vector<16xf32>,
        tpu.vector_store %arg8[%swap3A_1098], %mul3A_869 {strides = array<i32>} : memref<4096xf32, #tpu.memory_space<vmem>>, vector<16xf32>,
        %mul3A_1100 = arith.constant 16 : i32
        %mul3A_1101 = arith.muli %add3A_695, %mul3A_1100 : i32
        %add3A_1102 = arith.constant 2432 : i32
        %add3A_1103 = arith.addi %add3A_1102, %mul3A_1101 : i32
        %swap3A_1104 = arith.index_cast %add3A_1103 : i32 to index
        %swap3A_1105 = tpu.vector_load %arg8[%swap3A_1104] {strides = array<i32>} : memref<4096xf32, #tpu.memory_space<vmem>>, vector<16xf32>,
        tpu.vector_store %arg8[%swap3A_1104], %mul3A_878 {strides = array<i32>} : memref<4096xf32, #tpu.memory_space<vmem>>, vector<16xf32>,
        %mul3A_1106 = arith.constant 16 : i32
        %mul3A_1107 = arith.muli %add3A_695, %mul3A_1106 : i32
        %add3A_1108 = arith.constant 2560 : i32
        %add3A_1109 = arith.addi %add3A_1108, %mul3A_1107 : i32
        %swap3A_1110 = arith.index_cast %add3A_1109 : i32 to index
        %swap3A_1111 = tpu.vector_load %arg8[%swap3A_1110] {strides = array<i32>} : memref<4096xf32, #tpu.memory_space<vmem>>, vector<16xf32>,
        tpu.vector_store %arg8[%swap3A_1110], %mul3A_887 {strides = array<i32>} : memref<4096xf32, #tpu.memory_space<vmem>>, vector<16xf32>,
        %mul3A_1112 = arith.constant 16 : i32
        %mul3A_1113 = arith.muli %add3A_695, %mul3A_1112 : i32
        %add3A_1114 = arith.constant 2688 : i32
        %add3A_1115 = arith.addi %add3A_1114, %mul3A_1113 : i32
        %swap3A_1116 = arith.index_cast %add3A_1115 : i32 to index
        %swap3A_1117 = tpu.vector_load %arg8[%swap3A_1116] {strides = array<i32>} : memref<4096xf32, #tpu.memory_space<vmem>>, vector<16xf32>,
        tpu.vector_store %arg8[%swap3A_1116], %mul3A_896 {strides = array<i32>} : memref<4096xf32, #tpu.memory_space<vmem>>, vector<16xf32>,
        %mul3A_1118 = arith.constant 16 : i32
        %mul3A_1119 = arith.muli %add3A_695, %mul3A_1118 : i32
        %add3A_1120 = arith.constant 2816 : i32
        %add3A_1121 = arith.addi %add3A_1120, %mul3A_1119 : i32
        %swap3A_1122 = arith.index_cast %add3A_1121 : i32 to index
        %swap3A_1123 = tpu.vector_load %arg8[%swap3A_1122] {strides = array<i32>} : memref<4096xf32, #tpu.memory_space<vmem>>, vector<16xf32>,
        tpu.vector_store %arg8[%swap3A_1122], %mul3A_905 {strides = array<i32>} : memref<4096xf32, #tpu.memory_space<vmem>>, vector<16xf32>,
        %mul3A_1124 = arith.constant 16 : i32
        %mul3A_1125 = arith.muli %add3A_695, %mul3A_1124 : i32
        %add3A_1126 = arith.constant 2944 : i32
        %add3A_1127 = arith.addi %add3A_1126, %mul3A_1125 : i32
        %swap3A_1128 = arith.index_cast %add3A_1127 : i32 to index
        %swap3A_1129 = tpu.vector_load %arg8[%swap3A_1128] {strides = array<i32>} : memref<4096xf32, #tpu.memory_space<vmem>>, vector<16xf32>,
        tpu.vector_store %arg8[%swap3A_1128], %mul3A_914 {strides = array<i32>} : memref<4096xf32, #tpu.memory_space<vmem>>, vector<16xf32>,
        %mul3A_1130 = arith.constant 16 : i32
        %mul3A_1131 = arith.muli %add3A_695, %mul3A_1130 : i32
        %add3A_1132 = arith.constant 3072 : i32
        %add3A_1133 = arith.addi %add3A_1132, %mul3A_1131 : i32
        %swap3A_1134 = arith.index_cast %add3A_1133 : i32 to index
        %swap3A_1135 = tpu.vector_load %arg8[%swap3A_1134] {strides = array<i32>} : memref<4096xf32, #tpu.memory_space<vmem>>, vector<16xf32>,
        tpu.vector_store %arg8[%swap3A_1134], %mul3A_923 {strides = array<i32>} : memref<4096xf32, #tpu.memory_space<vmem>>, vector<16xf32>,
        %mul3A_1136 = arith.constant 16 : i32
        %mul3A_1137 = arith.muli %add3A_695, %mul3A_1136 : i32
        %add3A_1138 = arith.constant 3200 : i32
        %add3A_1139 = arith.addi %add3A_1138, %mul3A_1137 : i32
        %swap3A_1140 = arith.index_cast %add3A_1139 : i32 to index
        %swap3A_1141 = tpu.vector_load %arg8[%swap3A_1140] {strides = array<i32>} : memref<4096xf32, #tpu.memory_space<vmem>>, vector<16xf32>,
        tpu.vector_store %arg8[%swap3A_1140], %mul3A_932 {strides = array<i32>} : memref<4096xf32, #tpu.memory_space<vmem>>, vector<16xf32>,
        %mul3A_1142 = arith.constant 16 : i32
        %mul3A_1143 = arith.muli %add3A_695, %mul3A_1142 : i32
        %add3A_1144 = arith.constant 3328 : i32
        %add3A_1145 = arith.addi %add3A_1144, %mul3A_1143 : i32
        %swap3A_1146 = arith.index_cast %add3A_1145 : i32 to index
        %swap3A_1147 = tpu.vector_load %arg8[%swap3A_1146] {strides = array<i32>} : memref<4096xf32, #tpu.memory_space<vmem>>, vector<16xf32>,
        tpu.vector_store %arg8[%swap3A_1146], %mul3A_941 {strides = array<i32>} : memref<4096xf32, #tpu.memory_space<vmem>>, vector<16xf32>,
        %mul3A_1148 = arith.constant 16 : i32
        %mul3A_1149 = arith.muli %add3A_695, %mul3A_1148 : i32
        %add3A_1150 = arith.constant 3456 : i32
        %add3A_1151 = arith.addi %add3A_1150, %mul3A_1149 : i32
        %swap3A_1152 = arith.index_cast %add3A_1151 : i32 to index
        %swap3A_1153 = tpu.vector_load %arg8[%swap3A_1152] {strides = array<i32>} : memref<4096xf32, #tpu.memory_space<vmem>>, vector<16xf32>,
        tpu.vector_store %arg8[%swap3A_1152], %mul3A_950 {strides = array<i32>} : memref<4096xf32, #tpu.memory_space<vmem>>, vector<16xf32>,
        %mul3A_1154 = arith.constant 16 : i32
        %mul3A_1155 = arith.muli %add3A_695, %mul3A_1154 : i32
        %add3A_1156 = arith.constant 3584 : i32
        %add3A_1157 = arith.addi %add3A_1156, %mul3A_1155 : i32
        %swap3A_1158 = arith.index_cast %add3A_1157 : i32 to index
        %swap3A_1159 = tpu.vector_load %arg8[%swap3A_1158] {strides = array<i32>} : memref<4096xf32, #tpu.memory_space<vmem>>, vector<16xf32>,
        tpu.vector_store %arg8[%swap3A_1158], %mul3A_959 {strides = array<i32>} : memref<4096xf32, #tpu.memory_space<vmem>>, vector<16xf32>,
        %mul3A_1160 = arith.constant 16 : i32
        %mul3A_1161 = arith.muli %add3A_695, %mul3A_1160 : i32
        %add3A_1162 = arith.constant 3712 : i32
        %add3A_1163 = arith.addi %add3A_1162, %mul3A_1161 : i32
        %swap3A_1164 = arith.index_cast %add3A_1163 : i32 to index
        %swap3A_1165 = tpu.vector_load %arg8[%swap3A_1164] {strides = array<i32>} : memref<4096xf32, #tpu.memory_space<vmem>>, vector<16xf32>,
        tpu.vector_store %arg8[%swap3A_1164], %mul3A_968 {strides = array<i32>} : memref<4096xf32, #tpu.memory_space<vmem>>, vector<16xf32>,
        %mul3A_1166 = arith.constant 16 : i32
        %mul3A_1167 = arith.muli %add3A_695, %mul3A_1166 : i32
        %add3A_1168 = arith.constant 3840 : i32
        %add3A_1169 = arith.addi %add3A_1168, %mul3A_1167 : i32
        %swap3A_1170 = arith.index_cast %add3A_1169 : i32 to index
        %swap3A_1171 = tpu.vector_load %arg8[%swap3A_1170] {strides = array<i32>} : memref<4096xf32, #tpu.memory_space<vmem>>, vector<16xf32>,
        tpu.vector_store %arg8[%swap3A_1170], %mul3A_977 {strides = array<i32>} : memref<4096xf32, #tpu.memory_space<vmem>>, vector<16xf32>,
        %mul3A_1172 = arith.constant 16 : i32
        %mul3A_1173 = arith.muli %add3A_695, %mul3A_1172 : i32
        %add3A_1174 = arith.constant 3968 : i32
        %add3A_1175 = arith.addi %add3A_1174, %mul3A_1173 : i32
        %swap3A_1176 = arith.index_cast %add3A_1175 : i32 to index
        %swap3A_1177 = tpu.vector_load %arg8[%swap3A_1176] {strides = array<i32>} : memref<4096xf32, #tpu.memory_space<vmem>>, vector<16xf32>,
        tpu.vector_store %arg8[%swap3A_1176], %mul3A_986 {strides = array<i32>} : memref<4096xf32, #tpu.memory_space<vmem>>, vector<16xf32>,
      }
      %scan3A_358 = arith.constant 8 : i32
      %jit3A_359 = arith.constant 4 : i32
      %div3A_360 = arith.divsi %add3A_326, %jit3A_359 : i32
      %sign3A_361 = arith.constant 0 : i32
      %sign3A_362 = arith.cmpi sgt, %add3A_326, %sign3A_361 : i32
      %sign3A_363 = arith.extui %sign3A_362 : i1 to i32
      %sign3A_364 = arith.constant 0 : i32
      %sign3A_365 = arith.cmpi slt, %add3A_326, %sign3A_364 : i32
      %sign3A_366 = arith.extui %sign3A_365 : i1 to i32
      %sign3A_367 = arith.subi %sign3A_363, %sign3A_366 : i32
      %sign3A_368 = arith.constant 0 : i32
      %sign3A_369 = arith.cmpi sgt, %jit3A_359, %sign3A_368 : i32
      %sign3A_370 = arith.extui %sign3A_369 : i1 to i32
      %sign3A_371 = arith.constant 0 : i32
      %sign3A_372 = arith.cmpi slt, %jit3A_359, %sign3A_371 : i32
      %sign3A_373 = arith.extui %sign3A_372 : i1 to i32
      %sign3A_374 = arith.subi %sign3A_370, %sign3A_373 : i32
      %ne3A_375 = arith.cmpi ne, %sign3A_367, %sign3A_374 : i32
      %rem3A_376 = arith.remsi %add3A_326, %jit3A_359 : i32
      %ne3A_377 = arith.constant 0 : i32
      %ne3A_378 = arith.cmpi ne, %rem3A_376, %ne3A_377 : i32
      %and3A_379 = arith.andi %ne3A_375, %ne3A_378 : i1
      %sub3A_380 = arith.constant 1 : i32
      %sub3A_381 = arith.subi %div3A_360, %sub3A_380 : i32
      %select_n3A_382 = arith.select %and3A_379, %sub3A_381, %div3A_360 : i32
      %jit3A_383 = arith.constant 4 : i32
      %eq3A_384 = arith.constant 0 : i32
      %eq3A_385 = arith.cmpi eq, %jit3A_383, %eq3A_384 : i32
      %jit3A_386 = arith.constant 1 : i32
      %select_n3A_387 = arith.select %eq3A_385, %jit3A_386, %jit3A_383 : i32
      %rem3A_388 = arith.remsi %add3A_326, %select_n3A_387 : i32
      %ne3A_389 = arith.constant 0 : i32
      %ne3A_390 = arith.cmpi ne, %rem3A_388, %ne3A_389 : i32
      %lt3A_391 = arith.constant 0 : i32
      %lt3A_392 = arith.cmpi slt, %rem3A_388, %lt3A_391 : i32
      %lt3A_393 = arith.constant 0 : i32
      %lt3A_394 = arith.cmpi slt, %select_n3A_387, %lt3A_393 : i32
      %ne3A_395 = arith.xori %lt3A_392, %lt3A_394 : i1
      %and3A_396 = arith.andi %ne3A_395, %ne3A_390 : i1
      %add3A_397 = arith.addi %rem3A_388, %select_n3A_387 : i32
      %select_n3A_398 = arith.select %and3A_396, %add3A_397, %rem3A_388 : i32
      %add3A_399 = arith.addi %mul3A_2, %select_n3A_398 : i32
      %dma_start3A_400 = arith.constant 0 : i32
      %dma_start3A_401 = arith.constant 0 : i32
      %dma_start3A_402 = tpu.memref_slice %arg8[%dma_start3A_401] : memref<4096xf32, #tpu.memory_space<vmem>> -> memref<1024xf32, #tpu.memory_space<vmem>>
      %dma_start3A_403 = arith.constant 0 : i32
      %dma_start3A_404 = tpu.memref_slice %arg4[%select_n3A_382, %dma_start3A_400, %add3A_399, %dma_start3A_403] : memref<50x4x128x1024xf32, #tpu.memory_space<hbm>> -> memref<1x1x1x1024xf32, #tpu.memory_space<hbm>>
      %dma_start3A_405 = tpu.memref_squeeze %dma_start3A_404 : memref<1x1x1x1024xf32, #tpu.memory_space<hbm>> -> memref<1024xf32, #tpu.memory_space<hbm>>
      %dma_start3A_406 = arith.constant 0 : i32
      %dma_start3A_407 = tpu.memref_slice %arg4[%select_n3A_382, %dma_start3A_400, %add3A_399, %dma_start3A_406] : memref<50x4x128x1024xf32, #tpu.memory_space<hbm>> -> memref<1x1x1x1024xf32, #tpu.memory_space<hbm>>
      %dma_start3A_408 = tpu.memref_squeeze %dma_start3A_407 : memref<1x1x1x1024xf32, #tpu.memory_space<hbm>> -> memref<1024xf32, #tpu.memory_space<hbm>>
      %dma_start3A_409 = arith.constant 0 : i32
      %dma_start3A_410 = tpu.memref_slice %arg8[%dma_start3A_409] : memref<4096xf32, #tpu.memory_space<vmem>> -> memref<1024xf32, #tpu.memory_space<vmem>>
      tpu.enqueue_dma source(%dma_start3A_410 : memref<1024xf32, #tpu.memory_space<vmem>>) target(%dma_start3A_408 : memref<1024xf32, #tpu.memory_space<hbm>>) target_semaphore(%arg14 : memref<!tpu.dma_semaphore, #tpu.memory_space<semaphore_mem>>)
      %add3A_411 = arith.addi %mul3A_2, %select_n3A_398 : i32
      %dma_start3A_412 = arith.constant 1 : i32
      %dma_start3A_413 = arith.constant 1024 : i32
      %dma_start3A_414 = tpu.memref_slice %arg8[%dma_start3A_413] : memref<4096xf32, #tpu.memory_space<vmem>> -> memref<1024xf32, #tpu.memory_space<vmem>>
      %dma_start3A_415 = arith.constant 0 : i32
      %dma_start3A_416 = tpu.memref_slice %arg4[%select_n3A_382, %dma_start3A_412, %add3A_411, %dma_start3A_415] : memref<50x4x128x1024xf32, #tpu.memory_space<hbm>> -> memref<1x1x1x1024xf32, #tpu.memory_space<hbm>>
      %dma_start3A_417 = tpu.memref_squeeze %dma_start3A_416 : memref<1x1x1x1024xf32, #tpu.memory_space<hbm>> -> memref<1024xf32, #tpu.memory_space<hbm>>
      %dma_start3A_418 = arith.constant 0 : i32
      %dma_start3A_419 = tpu.memref_slice %arg4[%select_n3A_382, %dma_start3A_412, %add3A_411, %dma_start3A_418] : memref<50x4x128x1024xf32, #tpu.memory_space<hbm>> -> memref<1x1x1x1024xf32, #tpu.memory_space<hbm>>
      %dma_start3A_420 = tpu.memref_squeeze %dma_start3A_419 : memref<1x1x1x1024xf32, #tpu.memory_space<hbm>> -> memref<1024xf32, #tpu.memory_space<hbm>>
      %dma_start3A_421 = arith.constant 1024 : i32
      %dma_start3A_422 = tpu.memref_slice %arg8[%dma_start3A_421] : memref<4096xf32, #tpu.memory_space<vmem>> -> memref<1024xf32, #tpu.memory_space<vmem>>
      tpu.enqueue_dma source(%dma_start3A_422 : memref<1024xf32, #tpu.memory_space<vmem>>) target(%dma_start3A_420 : memref<1024xf32, #tpu.memory_space<hbm>>) target_semaphore(%arg14 : memref<!tpu.dma_semaphore, #tpu.memory_space<semaphore_mem>>)
      %add3A_423 = arith.addi %mul3A_2, %select_n3A_398 : i32
      %dma_start3A_424 = arith.constant 2 : i32
      %dma_start3A_425 = arith.constant 2048 : i32
      %dma_start3A_426 = tpu.memref_slice %arg8[%dma_start3A_425] : memref<4096xf32, #tpu.memory_space<vmem>> -> memref<1024xf32, #tpu.memory_space<vmem>>
      %dma_start3A_427 = arith.constant 0 : i32
      %dma_start3A_428 = tpu.memref_slice %arg4[%select_n3A_382, %dma_start3A_424, %add3A_423, %dma_start3A_427] : memref<50x4x128x1024xf32, #tpu.memory_space<hbm>> -> memref<1x1x1x1024xf32, #tpu.memory_space<hbm>>
      %dma_start3A_429 = tpu.memref_squeeze %dma_start3A_428 : memref<1x1x1x1024xf32, #tpu.memory_space<hbm>> -> memref<1024xf32, #tpu.memory_space<hbm>>
      %dma_start3A_430 = arith.constant 0 : i32
      %dma_start3A_431 = tpu.memref_slice %arg4[%select_n3A_382, %dma_start3A_424, %add3A_423, %dma_start3A_430] : memref<50x4x128x1024xf32, #tpu.memory_space<hbm>> -> memref<1x1x1x1024xf32, #tpu.memory_space<hbm>>
      %dma_start3A_432 = tpu.memref_squeeze %dma_start3A_431 : memref<1x1x1x1024xf32, #tpu.memory_space<hbm>> -> memref<1024xf32, #tpu.memory_space<hbm>>
      %dma_start3A_433 = arith.constant 2048 : i32
      %dma_start3A_434 = tpu.memref_slice %arg8[%dma_start3A_433] : memref<4096xf32, #tpu.memory_space<vmem>> -> memref<1024xf32, #tpu.memory_space<vmem>>
      tpu.enqueue_dma source(%dma_start3A_434 : memref<1024xf32, #tpu.memory_space<vmem>>) target(%dma_start3A_432 : memref<1024xf32, #tpu.memory_space<hbm>>) target_semaphore(%arg14 : memref<!tpu.dma_semaphore, #tpu.memory_space<semaphore_mem>>)
      %add3A_435 = arith.addi %mul3A_2, %select_n3A_398 : i32
      %dma_start3A_436 = arith.constant 3 : i32
      %dma_start3A_437 = arith.constant 3072 : i32
      %dma_start3A_438 = tpu.memref_slice %arg8[%dma_start3A_437] : memref<4096xf32, #tpu.memory_space<vmem>> -> memref<1024xf32, #tpu.memory_space<vmem>>
      %dma_start3A_439 = arith.constant 0 : i32
      %dma_start3A_440 = tpu.memref_slice %arg4[%select_n3A_382, %dma_start3A_436, %add3A_435, %dma_start3A_439] : memref<50x4x128x1024xf32, #tpu.memory_space<hbm>> -> memref<1x1x1x1024xf32, #tpu.memory_space<hbm>>
      %dma_start3A_441 = tpu.memref_squeeze %dma_start3A_440 : memref<1x1x1x1024xf32, #tpu.memory_space<hbm>> -> memref<1024xf32, #tpu.memory_space<hbm>>
      %dma_start3A_442 = arith.constant 0 : i32
      %dma_start3A_443 = tpu.memref_slice %arg4[%select_n3A_382, %dma_start3A_436, %add3A_435, %dma_start3A_442] : memref<50x4x128x1024xf32, #tpu.memory_space<hbm>> -> memref<1x1x1x1024xf32, #tpu.memory_space<hbm>>
      %dma_start3A_444 = tpu.memref_squeeze %dma_start3A_443 : memref<1x1x1x1024xf32, #tpu.memory_space<hbm>> -> memref<1024xf32, #tpu.memory_space<hbm>>
      %dma_start3A_445 = arith.constant 3072 : i32
      %dma_start3A_446 = tpu.memref_slice %arg8[%dma_start3A_445] : memref<4096xf32, #tpu.memory_space<vmem>> -> memref<1024xf32, #tpu.memory_space<vmem>>
      tpu.enqueue_dma source(%dma_start3A_446 : memref<1024xf32, #tpu.memory_space<vmem>>) target(%dma_start3A_444 : memref<1024xf32, #tpu.memory_space<hbm>>) target_semaphore(%arg14 : memref<!tpu.dma_semaphore, #tpu.memory_space<semaphore_mem>>)
      %add3A_447 = arith.constant 2 : i32
      %add3A_448 = arith.addi %add3A_215, %add3A_447 : i32
      %dma_wait3A_449 = arith.constant 2 : i32
      %dma_wait3A_450 = arith.constant 0 : i32
      %dma_wait3A_451 = arith.constant 0 : i32
      %dma_wait3A_452 = tpu.memref_slice %arg6[%dma_wait3A_449, %dma_wait3A_450, %dma_wait3A_451] : memref<4x128x32xf32, #tpu.memory_space<vmem>> -> memref<1x128x32xf32, #tpu.memory_space<vmem>>
      %dma_wait3A_453 = tpu.memref_squeeze %dma_wait3A_452 : memref<1x128x32xf32, #tpu.memory_space<vmem>> -> memref<128x32xf32, #tpu.memory_space<vmem>>
      %dma_wait3A_454 = arith.constant 0 : i32
      %dma_wait3A_455 = arith.constant 0 : i32
      %dma_wait3A_456 = tpu.memref_slice %arg3[%dma_wait3A_454, %dma_wait3A_455] : memref<1000000x32xf32, #tpu.memory_space<hbm>> -> memref<128x32xf32, #tpu.memory_space<hbm>>
      %dma_wait3A_457 = arith.constant 0 : i32
      %dma_wait3A_458 = arith.constant 0 : i32
      %dma_wait3A_459 = tpu.memref_slice %arg6[%dma_wait3A_449, %dma_wait3A_457, %dma_wait3A_458] : memref<4x128x32xf32, #tpu.memory_space<vmem>> -> memref<1x128x32xf32, #tpu.memory_space<vmem>>
      %dma_wait3A_460 = tpu.memref_squeeze %dma_wait3A_459 : memref<1x128x32xf32, #tpu.memory_space<vmem>> -> memref<128x32xf32, #tpu.memory_space<vmem>>
      %dma_wait3A_461 = arith.constant 0 : i32
      %dma_wait3A_462 = arith.constant 0 : i32
      %dma_wait3A_463 = tpu.memref_slice %arg3[%dma_wait3A_461, %dma_wait3A_462] : memref<1000000x32xf32, #tpu.memory_space<hbm>> -> memref<128x32xf32, #tpu.memory_space<hbm>>
      tpu.wait_dma2 semaphore(%arg11 : memref<!tpu.dma_semaphore, #tpu.memory_space<semaphore_mem>>) src(%dma_wait3A_463 : memref<128x32xf32, #tpu.memory_space<hbm>>) dst(%dma_wait3A_460 : memref<128x32xf32, #tpu.memory_space<vmem>>)
      %add3A_464 = arith.constant 3 : i32
      %add3A_465 = arith.addi %add3A_448, %add3A_464 : i32
      %lt3A_466 = arith.constant 200 : i32
      %lt3A_467 = arith.cmpi slt, %add3A_465, %lt3A_466 : i32
      %convert_element_type3A_468 = arith.extui %lt3A_467 : i1 to i32
      %cond3A_469 = arith.constant 0 : i32
      %cond3A_470 = arith.cmpi ne, %convert_element_type3A_468, %cond3A_469 : i32
      scf.if %cond3A_470 {
        %add3A_691 = arith.constant 3 : i32
        %add3A_692 = arith.addi %add3A_448, %add3A_691 : i32
        %jit3A_693 = arith.constant 4 : i32
        %div3A_694 = arith.divsi %add3A_692, %jit3A_693 : i32
        %sign3A_695 = arith.constant 0 : i32
        %sign3A_696 = arith.cmpi sgt, %add3A_692, %sign3A_695 : i32
        %sign3A_697 = arith.extui %sign3A_696 : i1 to i32
        %sign3A_698 = arith.constant 0 : i32
        %sign3A_699 = arith.cmpi slt, %add3A_692, %sign3A_698 : i32
        %sign3A_700 = arith.extui %sign3A_699 : i1 to i32
        %sign3A_701 = arith.subi %sign3A_697, %sign3A_700 : i32
        %sign3A_702 = arith.constant 0 : i32
        %sign3A_703 = arith.cmpi sgt, %jit3A_693, %sign3A_702 : i32
        %sign3A_704 = arith.extui %sign3A_703 : i1 to i32
        %sign3A_705 = arith.constant 0 : i32
        %sign3A_706 = arith.cmpi slt, %jit3A_693, %sign3A_705 : i32
        %sign3A_707 = arith.extui %sign3A_706 : i1 to i32
        %sign3A_708 = arith.subi %sign3A_704, %sign3A_707 : i32
        %ne3A_709 = arith.cmpi ne, %sign3A_701, %sign3A_708 : i32
        %rem3A_710 = arith.remsi %add3A_692, %jit3A_693 : i32
        %ne3A_711 = arith.constant 0 : i32
        %ne3A_712 = arith.cmpi ne, %rem3A_710, %ne3A_711 : i32
        %and3A_713 = arith.andi %ne3A_709, %ne3A_712 : i1
        %sub3A_714 = arith.constant 1 : i32
        %sub3A_715 = arith.subi %div3A_694, %sub3A_714 : i32
        %select_n3A_716 = arith.select %and3A_713, %sub3A_715, %div3A_694 : i32
        %jit3A_717 = arith.constant 4 : i32
        %eq3A_718 = arith.constant 0 : i32
        %eq3A_719 = arith.cmpi eq, %jit3A_717, %eq3A_718 : i32
        %jit3A_720 = arith.constant 1 : i32
        %select_n3A_721 = arith.select %eq3A_719, %jit3A_720, %jit3A_717 : i32
        %rem3A_722 = arith.remsi %add3A_692, %select_n3A_721 : i32
        %ne3A_723 = arith.constant 0 : i32
        %ne3A_724 = arith.cmpi ne, %rem3A_722, %ne3A_723 : i32
        %lt3A_725 = arith.constant 0 : i32
        %lt3A_726 = arith.cmpi slt, %rem3A_722, %lt3A_725 : i32
        %lt3A_727 = arith.constant 0 : i32
        %lt3A_728 = arith.cmpi slt, %select_n3A_721, %lt3A_727 : i32
        %ne3A_729 = arith.xori %lt3A_726, %lt3A_728 : i1
        %and3A_730 = arith.andi %ne3A_729, %ne3A_724 : i1
        %add3A_731 = arith.addi %rem3A_722, %select_n3A_721 : i32
        %select_n3A_732 = arith.select %and3A_730, %add3A_731, %rem3A_722 : i32
        %dma_start3A_733 = arith.constant 1 : i32
        %dma_start3A_734 = arith.constant 0 : i32
        %dma_start3A_735 = arith.constant 0 : i32
        %dma_start3A_736 = tpu.memref_slice %arg6[%dma_start3A_733, %dma_start3A_734, %dma_start3A_735] : memref<4x128x32xf32, #tpu.memory_space<vmem>> -> memref<1x128x32xf32, #tpu.memory_space<vmem>>
        %dma_start3A_737 = tpu.memref_squeeze %dma_start3A_736 : memref<1x128x32xf32, #tpu.memory_space<vmem>> -> memref<128x32xf32, #tpu.memory_space<vmem>>
        %dma_start3A_738 = arith.constant 0 : i32
        %dma_start3A_739 = tpu.memref_slice %arg5[%select_n3A_716, %select_n3A_732, %dma_start3A_738] : memref<50x4x128xi32, #tpu.memory_space<vmem>> -> memref<1x1x128xi32, #tpu.memory_space<vmem>>
        %dma_start3A_740 = tpu.memref_squeeze %dma_start3A_739 : memref<1x1x128xi32, #tpu.memory_space<vmem>> -> memref<128xi32, #tpu.memory_space<vmem>>
        %dma_start3A_741 = arith.constant 0 : i32
        %dma_start3A_742 = arith.constant 0 : i32
        %dma_start3A_743 = tpu.memref_slice %arg3[%dma_start3A_741, %dma_start3A_742] : memref<1000000x32xf32, #tpu.memory_space<hbm>> -> memref<1000000x32xf32, #tpu.memory_space<hbm>>
        tpu.enqueue_indirect_dma source(%dma_start3A_743 : memref<1000000x32xf32, #tpu.memory_space<hbm>>) target(%dma_start3A_737 : memref<128x32xf32, #tpu.memory_space<vmem>>) offsets(%dma_start3A_740 : memref<128xi32, #tpu.memory_space<vmem>>) semaphore(%arg10 : memref<!tpu.dma_semaphore, #tpu.memory_space<semaphore_mem>>)
      } else {
      }
      %ge3A_471 = arith.constant 2 : i32
      %ge3A_472 = arith.cmpi sge, %add3A_448, %ge3A_471 : i32
      %convert_element_type3A_473 = arith.extui %ge3A_472 : i1 to i32
      %cond3A_474 = arith.constant 0 : i32
      %cond3A_475 = arith.cmpi ne, %convert_element_type3A_473, %cond3A_474 : i32
      scf.if %cond3A_475 {
        %dma_wait3A_691 = arith.constant 0 : i32
        %dma_wait3A_692 = arith.constant 0 : i32
        %dma_wait3A_693 = arith.constant 0 : i32
        %dma_wait3A_694 = arith.constant 0 : i32
        %dma_wait3A_695 = tpu.memref_slice %arg7[%dma_wait3A_694] : memref<4096xf32, #tpu.memory_space<vmem>> -> memref<1024xf32, #tpu.memory_space<vmem>>
        %dma_wait3A_696 = arith.constant 0 : i32
        %dma_wait3A_697 = tpu.memref_slice %arg4[%dma_wait3A_691, %dma_wait3A_692, %dma_wait3A_693, %dma_wait3A_696] : memref<50x4x128x1024xf32, #tpu.memory_space<hbm>> -> memref<1x1x1x1024xf32, #tpu.memory_space<hbm>>
        %dma_wait3A_698 = tpu.memref_squeeze %dma_wait3A_697 : memref<1x1x1x1024xf32, #tpu.memory_space<hbm>> -> memref<1024xf32, #tpu.memory_space<hbm>>
        %dma_wait3A_699 = arith.constant 0 : i32
        %dma_wait3A_700 = tpu.memref_slice %arg7[%dma_wait3A_699] : memref<4096xf32, #tpu.memory_space<vmem>> -> memref<1024xf32, #tpu.memory_space<vmem>>
        %dma_wait3A_701 = arith.constant 0 : i32
        %dma_wait3A_702 = tpu.memref_slice %arg4[%dma_wait3A_691, %dma_wait3A_692, %dma_wait3A_693, %dma_wait3A_701] : memref<50x4x128x1024xf32, #tpu.memory_space<hbm>> -> memref<1x1x1x1024xf32, #tpu.memory_space<hbm>>
        %dma_wait3A_703 = tpu.memref_squeeze %dma_wait3A_702 : memref<1x1x1x1024xf32, #tpu.memory_space<hbm>> -> memref<1024xf32, #tpu.memory_space<hbm>>
        tpu.wait_dma2 semaphore(%arg13 : memref<!tpu.dma_semaphore, #tpu.memory_space<semaphore_mem>>) src(%dma_wait3A_703 : memref<1024xf32, #tpu.memory_space<hbm>>) dst(%dma_wait3A_700 : memref<1024xf32, #tpu.memory_space<vmem>>)
        %dma_wait3A_704 = arith.constant 0 : i32
        %dma_wait3A_705 = arith.constant 0 : i32
        %dma_wait3A_706 = arith.constant 0 : i32
        %dma_wait3A_707 = arith.constant 1024 : i32
        %dma_wait3A_708 = tpu.memref_slice %arg7[%dma_wait3A_707] : memref<4096xf32, #tpu.memory_space<vmem>> -> memref<1024xf32, #tpu.memory_space<vmem>>
        %dma_wait3A_709 = arith.constant 0 : i32
        %dma_wait3A_710 = tpu.memref_slice %arg4[%dma_wait3A_704, %dma_wait3A_705, %dma_wait3A_706, %dma_wait3A_709] : memref<50x4x128x1024xf32, #tpu.memory_space<hbm>> -> memref<1x1x1x1024xf32, #tpu.memory_space<hbm>>
        %dma_wait3A_711 = tpu.memref_squeeze %dma_wait3A_710 : memref<1x1x1x1024xf32, #tpu.memory_space<hbm>> -> memref<1024xf32, #tpu.memory_space<hbm>>
        %dma_wait3A_712 = arith.constant 1024 : i32
        %dma_wait3A_713 = tpu.memref_slice %arg7[%dma_wait3A_712] : memref<4096xf32, #tpu.memory_space<vmem>> -> memref<1024xf32, #tpu.memory_space<vmem>>
        %dma_wait3A_714 = arith.constant 0 : i32
        %dma_wait3A_715 = tpu.memref_slice %arg4[%dma_wait3A_704, %dma_wait3A_705, %dma_wait3A_706, %dma_wait3A_714] : memref<50x4x128x1024xf32, #tpu.memory_space<hbm>> -> memref<1x1x1x1024xf32, #tpu.memory_space<hbm>>
        %dma_wait3A_716 = tpu.memref_squeeze %dma_wait3A_715 : memref<1x1x1x1024xf32, #tpu.memory_space<hbm>> -> memref<1024xf32, #tpu.memory_space<hbm>>
        tpu.wait_dma2 semaphore(%arg13 : memref<!tpu.dma_semaphore, #tpu.memory_space<semaphore_mem>>) src(%dma_wait3A_716 : memref<1024xf32, #tpu.memory_space<hbm>>) dst(%dma_wait3A_713 : memref<1024xf32, #tpu.memory_space<vmem>>)
        %dma_wait3A_717 = arith.constant 0 : i32
        %dma_wait3A_718 = arith.constant 0 : i32
        %dma_wait3A_719 = arith.constant 0 : i32
        %dma_wait3A_720 = arith.constant 2048 : i32
        %dma_wait3A_721 = tpu.memref_slice %arg7[%dma_wait3A_720] : memref<4096xf32, #tpu.memory_space<vmem>> -> memref<1024xf32, #tpu.memory_space<vmem>>
        %dma_wait3A_722 = arith.constant 0 : i32
        %dma_wait3A_723 = tpu.memref_slice %arg4[%dma_wait3A_717, %dma_wait3A_718, %dma_wait3A_719, %dma_wait3A_722] : memref<50x4x128x1024xf32, #tpu.memory_space<hbm>> -> memref<1x1x1x1024xf32, #tpu.memory_space<hbm>>
        %dma_wait3A_724 = tpu.memref_squeeze %dma_wait3A_723 : memref<1x1x1x1024xf32, #tpu.memory_space<hbm>> -> memref<1024xf32, #tpu.memory_space<hbm>>
        %dma_wait3A_725 = arith.constant 2048 : i32
        %dma_wait3A_726 = tpu.memref_slice %arg7[%dma_wait3A_725] : memref<4096xf32, #tpu.memory_space<vmem>> -> memref<1024xf32, #tpu.memory_space<vmem>>
        %dma_wait3A_727 = arith.constant 0 : i32
        %dma_wait3A_728 = tpu.memref_slice %arg4[%dma_wait3A_717, %dma_wait3A_718, %dma_wait3A_719, %dma_wait3A_727] : memref<50x4x128x1024xf32, #tpu.memory_space<hbm>> -> memref<1x1x1x1024xf32, #tpu.memory_space<hbm>>
        %dma_wait3A_729 = tpu.memref_squeeze %dma_wait3A_728 : memref<1x1x1x1024xf32, #tpu.memory_space<hbm>> -> memref<1024xf32, #tpu.memory_space<hbm>>
        tpu.wait_dma2 semaphore(%arg13 : memref<!tpu.dma_semaphore, #tpu.memory_space<semaphore_mem>>) src(%dma_wait3A_729 : memref<1024xf32, #tpu.memory_space<hbm>>) dst(%dma_wait3A_726 : memref<1024xf32, #tpu.memory_space<vmem>>)
        %dma_wait3A_730 = arith.constant 0 : i32
        %dma_wait3A_731 = arith.constant 0 : i32
        %dma_wait3A_732 = arith.constant 0 : i32
        %dma_wait3A_733 = arith.constant 3072 : i32
        %dma_wait3A_734 = tpu.memref_slice %arg7[%dma_wait3A_733] : memref<4096xf32, #tpu.memory_space<vmem>> -> memref<1024xf32, #tpu.memory_space<vmem>>
        %dma_wait3A_735 = arith.constant 0 : i32
        %dma_wait3A_736 = tpu.memref_slice %arg4[%dma_wait3A_730, %dma_wait3A_731, %dma_wait3A_732, %dma_wait3A_735] : memref<50x4x128x1024xf32, #tpu.memory_space<hbm>> -> memref<1x1x1x1024xf32, #tpu.memory_space<hbm>>
        %dma_wait3A_737 = tpu.memref_squeeze %dma_wait3A_736 : memref<1x1x1x1024xf32, #tpu.memory_space<hbm>> -> memref<1024xf32, #tpu.memory_space<hbm>>
        %dma_wait3A_738 = arith.constant 3072 : i32
        %dma_wait3A_739 = tpu.memref_slice %arg7[%dma_wait3A_738] : memref<4096xf32, #tpu.memory_space<vmem>> -> memref<1024xf32, #tpu.memory_space<vmem>>
        %dma_wait3A_740 = arith.constant 0 : i32
        %dma_wait3A_741 = tpu.memref_slice %arg4[%dma_wait3A_730, %dma_wait3A_731, %dma_wait3A_732, %dma_wait3A_740] : memref<50x4x128x1024xf32, #tpu.memory_space<hbm>> -> memref<1x1x1x1024xf32, #tpu.memory_space<hbm>>
        %dma_wait3A_742 = tpu.memref_squeeze %dma_wait3A_741 : memref<1x1x1x1024xf32, #tpu.memory_space<hbm>> -> memref<1024xf32, #tpu.memory_space<hbm>>
        tpu.wait_dma2 semaphore(%arg13 : memref<!tpu.dma_semaphore, #tpu.memory_space<semaphore_mem>>) src(%dma_wait3A_742 : memref<1024xf32, #tpu.memory_space<hbm>>) dst(%dma_wait3A_739 : memref<1024xf32, #tpu.memory_space<vmem>>)
      } else {
      }
      %scan3A_476 = arith.constant 0 : i32
      %scan3A_477 = arith.constant 8 : i32
      %scan3A_478 = arith.addi %scan3A_476, %scan3A_477 : i32
      %scan3A_479 = arith.constant 1 : i32
      scf.for %scan3A_691 = %scan3A_476 to %scan3A_478 step %scan3A_479  : i32 {
        %mul3A_692 = arith.constant 1 : i32
        %mul3A_693 = arith.muli %scan3A_691, %mul3A_692 : i32
        %add3A_694 = arith.constant 0 : i32
        %add3A_695 = arith.addi %add3A_694, %mul3A_693 : i32
        %mul3A_696 = arith.constant 16 : i32
        %mul3A_697 = arith.muli %add3A_695, %mul3A_696 : i32
        %add3A_698 = vector.broadcast %mul3A_697 : i32 to vector<16xi32>
        %add3A_699 = arith.addi %iota3A, %add3A_698 : vector<16xi32>
        %gather3A = arith.constant 2 : i32
        %gather3A_700 = arith.constant 0 : i32
        %gather3A_701 = arith.constant 0 : i32
        %gather3A_702 = tpu.memref_slice %arg6[%gather3A, %gather3A_700, %gather3A_701] : memref<4x128x32xf32, #tpu.memory_space<vmem>> -> memref<1x128x32xf32, #tpu.memory_space<vmem>>
        %gather3A_703 = tpu.memref_squeeze %gather3A_702 : memref<1x128x32xf32, #tpu.memory_space<vmem>> -> memref<128x32xf32, #tpu.memory_space<vmem>>
        %gather3A_704 = tpu.vector_load_idx %gather3A_703[%add3A_699, %broadcast_in_dim3A_3] : memref<128x32xf32, #tpu.memory_space<vmem>>[vector<16xi32>, vector<16xi32>], vector<16xf32>,
        %mul3A_705 = arith.constant 5.65685415 : f32
        %mul3A_706 = vector.broadcast %mul3A_705 : f32 to vector<16xf32>
        %mul3A_707 = arith.mulf %gather3A_704, %mul3A_706 : vector<16xf32>
        %gather3A_708 = arith.constant 2 : i32
        %gather3A_709 = arith.constant 0 : i32
        %gather3A_710 = arith.constant 0 : i32
        %gather3A_711 = tpu.memref_slice %arg6[%gather3A_708, %gather3A_709, %gather3A_710] : memref<4x128x32xf32, #tpu.memory_space<vmem>> -> memref<1x128x32xf32, #tpu.memory_space<vmem>>
        %gather3A_712 = tpu.memref_squeeze %gather3A_711 : memref<1x128x32xf32, #tpu.memory_space<vmem>> -> memref<128x32xf32, #tpu.memory_space<vmem>>
        %gather3A_713 = tpu.vector_load_idx %gather3A_712[%add3A_699, %broadcast_in_dim3A_5] : memref<128x32xf32, #tpu.memory_space<vmem>>[vector<16xi32>, vector<16xi32>], vector<16xf32>,
        %mul3A_714 = arith.constant 5.65685415 : f32
        %mul3A_715 = vector.broadcast %mul3A_714 : f32 to vector<16xf32>
        %mul3A_716 = arith.mulf %gather3A_713, %mul3A_715 : vector<16xf32>
        %gather3A_717 = arith.constant 2 : i32
        %gather3A_718 = arith.constant 0 : i32
        %gather3A_719 = arith.constant 0 : i32
        %gather3A_720 = tpu.memref_slice %arg6[%gather3A_717, %gather3A_718, %gather3A_719] : memref<4x128x32xf32, #tpu.memory_space<vmem>> -> memref<1x128x32xf32, #tpu.memory_space<vmem>>
        %gather3A_721 = tpu.memref_squeeze %gather3A_720 : memref<1x128x32xf32, #tpu.memory_space<vmem>> -> memref<128x32xf32, #tpu.memory_space<vmem>>
        %gather3A_722 = tpu.vector_load_idx %gather3A_721[%add3A_699, %broadcast_in_dim3A_7] : memref<128x32xf32, #tpu.memory_space<vmem>>[vector<16xi32>, vector<16xi32>], vector<16xf32>,
        %mul3A_723 = arith.constant 5.65685415 : f32
        %mul3A_724 = vector.broadcast %mul3A_723 : f32 to vector<16xf32>
        %mul3A_725 = arith.mulf %gather3A_722, %mul3A_724 : vector<16xf32>
        %gather3A_726 = arith.constant 2 : i32
        %gather3A_727 = arith.constant 0 : i32
        %gather3A_728 = arith.constant 0 : i32
        %gather3A_729 = tpu.memref_slice %arg6[%gather3A_726, %gather3A_727, %gather3A_728] : memref<4x128x32xf32, #tpu.memory_space<vmem>> -> memref<1x128x32xf32, #tpu.memory_space<vmem>>
        %gather3A_730 = tpu.memref_squeeze %gather3A_729 : memref<1x128x32xf32, #tpu.memory_space<vmem>> -> memref<128x32xf32, #tpu.memory_space<vmem>>
        %gather3A_731 = tpu.vector_load_idx %gather3A_730[%add3A_699, %broadcast_in_dim3A_9] : memref<128x32xf32, #tpu.memory_space<vmem>>[vector<16xi32>, vector<16xi32>], vector<16xf32>,
        %mul3A_732 = arith.constant 5.65685415 : f32
        %mul3A_733 = vector.broadcast %mul3A_732 : f32 to vector<16xf32>
        %mul3A_734 = arith.mulf %gather3A_731, %mul3A_733 : vector<16xf32>
        %gather3A_735 = arith.constant 2 : i32
        %gather3A_736 = arith.constant 0 : i32
        %gather3A_737 = arith.constant 0 : i32
        %gather3A_738 = tpu.memref_slice %arg6[%gather3A_735, %gather3A_736, %gather3A_737] : memref<4x128x32xf32, #tpu.memory_space<vmem>> -> memref<1x128x32xf32, #tpu.memory_space<vmem>>
        %gather3A_739 = tpu.memref_squeeze %gather3A_738 : memref<1x128x32xf32, #tpu.memory_space<vmem>> -> memref<128x32xf32, #tpu.memory_space<vmem>>
        %gather3A_740 = tpu.vector_load_idx %gather3A_739[%add3A_699, %broadcast_in_dim3A_11] : memref<128x32xf32, #tpu.memory_space<vmem>>[vector<16xi32>, vector<16xi32>], vector<16xf32>,
        %mul3A_741 = arith.constant 5.65685415 : f32
        %mul3A_742 = vector.broadcast %mul3A_741 : f32 to vector<16xf32>
        %mul3A_743 = arith.mulf %gather3A_740, %mul3A_742 : vector<16xf32>
        %gather3A_744 = arith.constant 2 : i32
        %gather3A_745 = arith.constant 0 : i32
        %gather3A_746 = arith.constant 0 : i32
        %gather3A_747 = tpu.memref_slice %arg6[%gather3A_744, %gather3A_745, %gather3A_746] : memref<4x128x32xf32, #tpu.memory_space<vmem>> -> memref<1x128x32xf32, #tpu.memory_space<vmem>>
        %gather3A_748 = tpu.memref_squeeze %gather3A_747 : memref<1x128x32xf32, #tpu.memory_space<vmem>> -> memref<128x32xf32, #tpu.memory_space<vmem>>
        %gather3A_749 = tpu.vector_load_idx %gather3A_748[%add3A_699, %broadcast_in_dim3A_13] : memref<128x32xf32, #tpu.memory_space<vmem>>[vector<16xi32>, vector<16xi32>], vector<16xf32>,
        %mul3A_750 = arith.constant 5.65685415 : f32
        %mul3A_751 = vector.broadcast %mul3A_750 : f32 to vector<16xf32>
        %mul3A_752 = arith.mulf %gather3A_749, %mul3A_751 : vector<16xf32>
        %gather3A_753 = arith.constant 2 : i32
        %gather3A_754 = arith.constant 0 : i32
        %gather3A_755 = arith.constant 0 : i32
        %gather3A_756 = tpu.memref_slice %arg6[%gather3A_753, %gather3A_754, %gather3A_755] : memref<4x128x32xf32, #tpu.memory_space<vmem>> -> memref<1x128x32xf32, #tpu.memory_space<vmem>>
        %gather3A_757 = tpu.memref_squeeze %gather3A_756 : memref<1x128x32xf32, #tpu.memory_space<vmem>> -> memref<128x32xf32, #tpu.memory_space<vmem>>
        %gather3A_758 = tpu.vector_load_idx %gather3A_757[%add3A_699, %broadcast_in_dim3A_15] : memref<128x32xf32, #tpu.memory_space<vmem>>[vector<16xi32>, vector<16xi32>], vector<16xf32>,
        %mul3A_759 = arith.constant 5.65685415 : f32
        %mul3A_760 = vector.broadcast %mul3A_759 : f32 to vector<16xf32>
        %mul3A_761 = arith.mulf %gather3A_758, %mul3A_760 : vector<16xf32>
        %gather3A_762 = arith.constant 2 : i32
        %gather3A_763 = arith.constant 0 : i32
        %gather3A_764 = arith.constant 0 : i32
        %gather3A_765 = tpu.memref_slice %arg6[%gather3A_762, %gather3A_763, %gather3A_764] : memref<4x128x32xf32, #tpu.memory_space<vmem>> -> memref<1x128x32xf32, #tpu.memory_space<vmem>>
        %gather3A_766 = tpu.memref_squeeze %gather3A_765 : memref<1x128x32xf32, #tpu.memory_space<vmem>> -> memref<128x32xf32, #tpu.memory_space<vmem>>
        %gather3A_767 = tpu.vector_load_idx %gather3A_766[%add3A_699, %broadcast_in_dim3A_17] : memref<128x32xf32, #tpu.memory_space<vmem>>[vector<16xi32>, vector<16xi32>], vector<16xf32>,
        %mul3A_768 = arith.constant 5.65685415 : f32
        %mul3A_769 = vector.broadcast %mul3A_768 : f32 to vector<16xf32>
        %mul3A_770 = arith.mulf %gather3A_767, %mul3A_769 : vector<16xf32>
        %gather3A_771 = arith.constant 2 : i32
        %gather3A_772 = arith.constant 0 : i32
        %gather3A_773 = arith.constant 0 : i32
        %gather3A_774 = tpu.memref_slice %arg6[%gather3A_771, %gather3A_772, %gather3A_773] : memref<4x128x32xf32, #tpu.memory_space<vmem>> -> memref<1x128x32xf32, #tpu.memory_space<vmem>>
        %gather3A_775 = tpu.memref_squeeze %gather3A_774 : memref<1x128x32xf32, #tpu.memory_space<vmem>> -> memref<128x32xf32, #tpu.memory_space<vmem>>
        %gather3A_776 = tpu.vector_load_idx %gather3A_775[%add3A_699, %broadcast_in_dim3A_19] : memref<128x32xf32, #tpu.memory_space<vmem>>[vector<16xi32>, vector<16xi32>], vector<16xf32>,
        %mul3A_777 = arith.constant 5.65685415 : f32
        %mul3A_778 = vector.broadcast %mul3A_777 : f32 to vector<16xf32>
        %mul3A_779 = arith.mulf %gather3A_776, %mul3A_778 : vector<16xf32>
        %gather3A_780 = arith.constant 2 : i32
        %gather3A_781 = arith.constant 0 : i32
        %gather3A_782 = arith.constant 0 : i32
        %gather3A_783 = tpu.memref_slice %arg6[%gather3A_780, %gather3A_781, %gather3A_782] : memref<4x128x32xf32, #tpu.memory_space<vmem>> -> memref<1x128x32xf32, #tpu.memory_space<vmem>>
        %gather3A_784 = tpu.memref_squeeze %gather3A_783 : memref<1x128x32xf32, #tpu.memory_space<vmem>> -> memref<128x32xf32, #tpu.memory_space<vmem>>
        %gather3A_785 = tpu.vector_load_idx %gather3A_784[%add3A_699, %broadcast_in_dim3A_21] : memref<128x32xf32, #tpu.memory_space<vmem>>[vector<16xi32>, vector<16xi32>], vector<16xf32>,
        %mul3A_786 = arith.constant 5.65685415 : f32
        %mul3A_787 = vector.broadcast %mul3A_786 : f32 to vector<16xf32>
        %mul3A_788 = arith.mulf %gather3A_785, %mul3A_787 : vector<16xf32>
        %gather3A_789 = arith.constant 2 : i32
        %gather3A_790 = arith.constant 0 : i32
        %gather3A_791 = arith.constant 0 : i32
        %gather3A_792 = tpu.memref_slice %arg6[%gather3A_789, %gather3A_790, %gather3A_791] : memref<4x128x32xf32, #tpu.memory_space<vmem>> -> memref<1x128x32xf32, #tpu.memory_space<vmem>>
        %gather3A_793 = tpu.memref_squeeze %gather3A_792 : memref<1x128x32xf32, #tpu.memory_space<vmem>> -> memref<128x32xf32, #tpu.memory_space<vmem>>
        %gather3A_794 = tpu.vector_load_idx %gather3A_793[%add3A_699, %broadcast_in_dim3A_23] : memref<128x32xf32, #tpu.memory_space<vmem>>[vector<16xi32>, vector<16xi32>], vector<16xf32>,
        %mul3A_795 = arith.constant 5.65685415 : f32
        %mul3A_796 = vector.broadcast %mul3A_795 : f32 to vector<16xf32>
        %mul3A_797 = arith.mulf %gather3A_794, %mul3A_796 : vector<16xf32>
        %gather3A_798 = arith.constant 2 : i32
        %gather3A_799 = arith.constant 0 : i32
        %gather3A_800 = arith.constant 0 : i32
        %gather3A_801 = tpu.memref_slice %arg6[%gather3A_798, %gather3A_799, %gather3A_800] : memref<4x128x32xf32, #tpu.memory_space<vmem>> -> memref<1x128x32xf32, #tpu.memory_space<vmem>>
        %gather3A_802 = tpu.memref_squeeze %gather3A_801 : memref<1x128x32xf32, #tpu.memory_space<vmem>> -> memref<128x32xf32, #tpu.memory_space<vmem>>
        %gather3A_803 = tpu.vector_load_idx %gather3A_802[%add3A_699, %broadcast_in_dim3A_25] : memref<128x32xf32, #tpu.memory_space<vmem>>[vector<16xi32>, vector<16xi32>], vector<16xf32>,
        %mul3A_804 = arith.constant 5.65685415 : f32
        %mul3A_805 = vector.broadcast %mul3A_804 : f32 to vector<16xf32>
        %mul3A_806 = arith.mulf %gather3A_803, %mul3A_805 : vector<16xf32>
        %gather3A_807 = arith.constant 2 : i32
        %gather3A_808 = arith.constant 0 : i32
        %gather3A_809 = arith.constant 0 : i32
        %gather3A_810 = tpu.memref_slice %arg6[%gather3A_807, %gather3A_808, %gather3A_809] : memref<4x128x32xf32, #tpu.memory_space<vmem>> -> memref<1x128x32xf32, #tpu.memory_space<vmem>>
        %gather3A_811 = tpu.memref_squeeze %gather3A_810 : memref<1x128x32xf32, #tpu.memory_space<vmem>> -> memref<128x32xf32, #tpu.memory_space<vmem>>
        %gather3A_812 = tpu.vector_load_idx %gather3A_811[%add3A_699, %broadcast_in_dim3A_27] : memref<128x32xf32, #tpu.memory_space<vmem>>[vector<16xi32>, vector<16xi32>], vector<16xf32>,
        %mul3A_813 = arith.constant 5.65685415 : f32
        %mul3A_814 = vector.broadcast %mul3A_813 : f32 to vector<16xf32>
        %mul3A_815 = arith.mulf %gather3A_812, %mul3A_814 : vector<16xf32>
        %gather3A_816 = arith.constant 2 : i32
        %gather3A_817 = arith.constant 0 : i32
        %gather3A_818 = arith.constant 0 : i32
        %gather3A_819 = tpu.memref_slice %arg6[%gather3A_816, %gather3A_817, %gather3A_818] : memref<4x128x32xf32, #tpu.memory_space<vmem>> -> memref<1x128x32xf32, #tpu.memory_space<vmem>>
        %gather3A_820 = tpu.memref_squeeze %gather3A_819 : memref<1x128x32xf32, #tpu.memory_space<vmem>> -> memref<128x32xf32, #tpu.memory_space<vmem>>
        %gather3A_821 = tpu.vector_load_idx %gather3A_820[%add3A_699, %broadcast_in_dim3A_29] : memref<128x32xf32, #tpu.memory_space<vmem>>[vector<16xi32>, vector<16xi32>], vector<16xf32>,
        %mul3A_822 = arith.constant 5.65685415 : f32
        %mul3A_823 = vector.broadcast %mul3A_822 : f32 to vector<16xf32>
        %mul3A_824 = arith.mulf %gather3A_821, %mul3A_823 : vector<16xf32>
        %gather3A_825 = arith.constant 2 : i32
        %gather3A_826 = arith.constant 0 : i32
        %gather3A_827 = arith.constant 0 : i32
        %gather3A_828 = tpu.memref_slice %arg6[%gather3A_825, %gather3A_826, %gather3A_827] : memref<4x128x32xf32, #tpu.memory_space<vmem>> -> memref<1x128x32xf32, #tpu.memory_space<vmem>>
        %gather3A_829 = tpu.memref_squeeze %gather3A_828 : memref<1x128x32xf32, #tpu.memory_space<vmem>> -> memref<128x32xf32, #tpu.memory_space<vmem>>
        %gather3A_830 = tpu.vector_load_idx %gather3A_829[%add3A_699, %broadcast_in_dim3A_31] : memref<128x32xf32, #tpu.memory_space<vmem>>[vector<16xi32>, vector<16xi32>], vector<16xf32>,
        %mul3A_831 = arith.constant 5.65685415 : f32
        %mul3A_832 = vector.broadcast %mul3A_831 : f32 to vector<16xf32>
        %mul3A_833 = arith.mulf %gather3A_830, %mul3A_832 : vector<16xf32>
        %gather3A_834 = arith.constant 2 : i32
        %gather3A_835 = arith.constant 0 : i32
        %gather3A_836 = arith.constant 0 : i32
        %gather3A_837 = tpu.memref_slice %arg6[%gather3A_834, %gather3A_835, %gather3A_836] : memref<4x128x32xf32, #tpu.memory_space<vmem>> -> memref<1x128x32xf32, #tpu.memory_space<vmem>>
        %gather3A_838 = tpu.memref_squeeze %gather3A_837 : memref<1x128x32xf32, #tpu.memory_space<vmem>> -> memref<128x32xf32, #tpu.memory_space<vmem>>
        %gather3A_839 = tpu.vector_load_idx %gather3A_838[%add3A_699, %broadcast_in_dim3A_33] : memref<128x32xf32, #tpu.memory_space<vmem>>[vector<16xi32>, vector<16xi32>], vector<16xf32>,
        %mul3A_840 = arith.constant 5.65685415 : f32
        %mul3A_841 = vector.broadcast %mul3A_840 : f32 to vector<16xf32>
        %mul3A_842 = arith.mulf %gather3A_839, %mul3A_841 : vector<16xf32>
        %gather3A_843 = arith.constant 2 : i32
        %gather3A_844 = arith.constant 0 : i32
        %gather3A_845 = arith.constant 0 : i32
        %gather3A_846 = tpu.memref_slice %arg6[%gather3A_843, %gather3A_844, %gather3A_845] : memref<4x128x32xf32, #tpu.memory_space<vmem>> -> memref<1x128x32xf32, #tpu.memory_space<vmem>>
        %gather3A_847 = tpu.memref_squeeze %gather3A_846 : memref<1x128x32xf32, #tpu.memory_space<vmem>> -> memref<128x32xf32, #tpu.memory_space<vmem>>
        %gather3A_848 = tpu.vector_load_idx %gather3A_847[%add3A_699, %broadcast_in_dim3A_35] : memref<128x32xf32, #tpu.memory_space<vmem>>[vector<16xi32>, vector<16xi32>], vector<16xf32>,
        %mul3A_849 = arith.constant 5.65685415 : f32
        %mul3A_850 = vector.broadcast %mul3A_849 : f32 to vector<16xf32>
        %mul3A_851 = arith.mulf %gather3A_848, %mul3A_850 : vector<16xf32>
        %gather3A_852 = arith.constant 2 : i32
        %gather3A_853 = arith.constant 0 : i32
        %gather3A_854 = arith.constant 0 : i32
        %gather3A_855 = tpu.memref_slice %arg6[%gather3A_852, %gather3A_853, %gather3A_854] : memref<4x128x32xf32, #tpu.memory_space<vmem>> -> memref<1x128x32xf32, #tpu.memory_space<vmem>>
        %gather3A_856 = tpu.memref_squeeze %gather3A_855 : memref<1x128x32xf32, #tpu.memory_space<vmem>> -> memref<128x32xf32, #tpu.memory_space<vmem>>
        %gather3A_857 = tpu.vector_load_idx %gather3A_856[%add3A_699, %broadcast_in_dim3A_37] : memref<128x32xf32, #tpu.memory_space<vmem>>[vector<16xi32>, vector<16xi32>], vector<16xf32>,
        %mul3A_858 = arith.constant 5.65685415 : f32
        %mul3A_859 = vector.broadcast %mul3A_858 : f32 to vector<16xf32>
        %mul3A_860 = arith.mulf %gather3A_857, %mul3A_859 : vector<16xf32>
        %gather3A_861 = arith.constant 2 : i32
        %gather3A_862 = arith.constant 0 : i32
        %gather3A_863 = arith.constant 0 : i32
        %gather3A_864 = tpu.memref_slice %arg6[%gather3A_861, %gather3A_862, %gather3A_863] : memref<4x128x32xf32, #tpu.memory_space<vmem>> -> memref<1x128x32xf32, #tpu.memory_space<vmem>>
        %gather3A_865 = tpu.memref_squeeze %gather3A_864 : memref<1x128x32xf32, #tpu.memory_space<vmem>> -> memref<128x32xf32, #tpu.memory_space<vmem>>
        %gather3A_866 = tpu.vector_load_idx %gather3A_865[%add3A_699, %broadcast_in_dim3A_39] : memref<128x32xf32, #tpu.memory_space<vmem>>[vector<16xi32>, vector<16xi32>], vector<16xf32>,
        %mul3A_867 = arith.constant 5.65685415 : f32
        %mul3A_868 = vector.broadcast %mul3A_867 : f32 to vector<16xf32>
        %mul3A_869 = arith.mulf %gather3A_866, %mul3A_868 : vector<16xf32>
        %gather3A_870 = arith.constant 2 : i32
        %gather3A_871 = arith.constant 0 : i32
        %gather3A_872 = arith.constant 0 : i32
        %gather3A_873 = tpu.memref_slice %arg6[%gather3A_870, %gather3A_871, %gather3A_872] : memref<4x128x32xf32, #tpu.memory_space<vmem>> -> memref<1x128x32xf32, #tpu.memory_space<vmem>>
        %gather3A_874 = tpu.memref_squeeze %gather3A_873 : memref<1x128x32xf32, #tpu.memory_space<vmem>> -> memref<128x32xf32, #tpu.memory_space<vmem>>
        %gather3A_875 = tpu.vector_load_idx %gather3A_874[%add3A_699, %broadcast_in_dim3A_41] : memref<128x32xf32, #tpu.memory_space<vmem>>[vector<16xi32>, vector<16xi32>], vector<16xf32>,
        %mul3A_876 = arith.constant 5.65685415 : f32
        %mul3A_877 = vector.broadcast %mul3A_876 : f32 to vector<16xf32>
        %mul3A_878 = arith.mulf %gather3A_875, %mul3A_877 : vector<16xf32>
        %gather3A_879 = arith.constant 2 : i32
        %gather3A_880 = arith.constant 0 : i32
        %gather3A_881 = arith.constant 0 : i32
        %gather3A_882 = tpu.memref_slice %arg6[%gather3A_879, %gather3A_880, %gather3A_881] : memref<4x128x32xf32, #tpu.memory_space<vmem>> -> memref<1x128x32xf32, #tpu.memory_space<vmem>>
        %gather3A_883 = tpu.memref_squeeze %gather3A_882 : memref<1x128x32xf32, #tpu.memory_space<vmem>> -> memref<128x32xf32, #tpu.memory_space<vmem>>
        %gather3A_884 = tpu.vector_load_idx %gather3A_883[%add3A_699, %broadcast_in_dim3A_43] : memref<128x32xf32, #tpu.memory_space<vmem>>[vector<16xi32>, vector<16xi32>], vector<16xf32>,
        %mul3A_885 = arith.constant 5.65685415 : f32
        %mul3A_886 = vector.broadcast %mul3A_885 : f32 to vector<16xf32>
        %mul3A_887 = arith.mulf %gather3A_884, %mul3A_886 : vector<16xf32>
        %gather3A_888 = arith.constant 2 : i32
        %gather3A_889 = arith.constant 0 : i32
        %gather3A_890 = arith.constant 0 : i32
        %gather3A_891 = tpu.memref_slice %arg6[%gather3A_888, %gather3A_889, %gather3A_890] : memref<4x128x32xf32, #tpu.memory_space<vmem>> -> memref<1x128x32xf32, #tpu.memory_space<vmem>>
        %gather3A_892 = tpu.memref_squeeze %gather3A_891 : memref<1x128x32xf32, #tpu.memory_space<vmem>> -> memref<128x32xf32, #tpu.memory_space<vmem>>
        %gather3A_893 = tpu.vector_load_idx %gather3A_892[%add3A_699, %broadcast_in_dim3A_45] : memref<128x32xf32, #tpu.memory_space<vmem>>[vector<16xi32>, vector<16xi32>], vector<16xf32>,
        %mul3A_894 = arith.constant 5.65685415 : f32
        %mul3A_895 = vector.broadcast %mul3A_894 : f32 to vector<16xf32>
        %mul3A_896 = arith.mulf %gather3A_893, %mul3A_895 : vector<16xf32>
        %gather3A_897 = arith.constant 2 : i32
        %gather3A_898 = arith.constant 0 : i32
        %gather3A_899 = arith.constant 0 : i32
        %gather3A_900 = tpu.memref_slice %arg6[%gather3A_897, %gather3A_898, %gather3A_899] : memref<4x128x32xf32, #tpu.memory_space<vmem>> -> memref<1x128x32xf32, #tpu.memory_space<vmem>>
        %gather3A_901 = tpu.memref_squeeze %gather3A_900 : memref<1x128x32xf32, #tpu.memory_space<vmem>> -> memref<128x32xf32, #tpu.memory_space<vmem>>
        %gather3A_902 = tpu.vector_load_idx %gather3A_901[%add3A_699, %broadcast_in_dim3A_47] : memref<128x32xf32, #tpu.memory_space<vmem>>[vector<16xi32>, vector<16xi32>], vector<16xf32>,
        %mul3A_903 = arith.constant 5.65685415 : f32
        %mul3A_904 = vector.broadcast %mul3A_903 : f32 to vector<16xf32>
        %mul3A_905 = arith.mulf %gather3A_902, %mul3A_904 : vector<16xf32>
        %gather3A_906 = arith.constant 2 : i32
        %gather3A_907 = arith.constant 0 : i32
        %gather3A_908 = arith.constant 0 : i32
        %gather3A_909 = tpu.memref_slice %arg6[%gather3A_906, %gather3A_907, %gather3A_908] : memref<4x128x32xf32, #tpu.memory_space<vmem>> -> memref<1x128x32xf32, #tpu.memory_space<vmem>>
        %gather3A_910 = tpu.memref_squeeze %gather3A_909 : memref<1x128x32xf32, #tpu.memory_space<vmem>> -> memref<128x32xf32, #tpu.memory_space<vmem>>
        %gather3A_911 = tpu.vector_load_idx %gather3A_910[%add3A_699, %broadcast_in_dim3A_49] : memref<128x32xf32, #tpu.memory_space<vmem>>[vector<16xi32>, vector<16xi32>], vector<16xf32>,
        %mul3A_912 = arith.constant 5.65685415 : f32
        %mul3A_913 = vector.broadcast %mul3A_912 : f32 to vector<16xf32>
        %mul3A_914 = arith.mulf %gather3A_911, %mul3A_913 : vector<16xf32>
        %gather3A_915 = arith.constant 2 : i32
        %gather3A_916 = arith.constant 0 : i32
        %gather3A_917 = arith.constant 0 : i32
        %gather3A_918 = tpu.memref_slice %arg6[%gather3A_915, %gather3A_916, %gather3A_917] : memref<4x128x32xf32, #tpu.memory_space<vmem>> -> memref<1x128x32xf32, #tpu.memory_space<vmem>>
        %gather3A_919 = tpu.memref_squeeze %gather3A_918 : memref<1x128x32xf32, #tpu.memory_space<vmem>> -> memref<128x32xf32, #tpu.memory_space<vmem>>
        %gather3A_920 = tpu.vector_load_idx %gather3A_919[%add3A_699, %broadcast_in_dim3A_51] : memref<128x32xf32, #tpu.memory_space<vmem>>[vector<16xi32>, vector<16xi32>], vector<16xf32>,
        %mul3A_921 = arith.constant 5.65685415 : f32
        %mul3A_922 = vector.broadcast %mul3A_921 : f32 to vector<16xf32>
        %mul3A_923 = arith.mulf %gather3A_920, %mul3A_922 : vector<16xf32>
        %gather3A_924 = arith.constant 2 : i32
        %gather3A_925 = arith.constant 0 : i32
        %gather3A_926 = arith.constant 0 : i32
        %gather3A_927 = tpu.memref_slice %arg6[%gather3A_924, %gather3A_925, %gather3A_926] : memref<4x128x32xf32, #tpu.memory_space<vmem>> -> memref<1x128x32xf32, #tpu.memory_space<vmem>>
        %gather3A_928 = tpu.memref_squeeze %gather3A_927 : memref<1x128x32xf32, #tpu.memory_space<vmem>> -> memref<128x32xf32, #tpu.memory_space<vmem>>
        %gather3A_929 = tpu.vector_load_idx %gather3A_928[%add3A_699, %broadcast_in_dim3A_53] : memref<128x32xf32, #tpu.memory_space<vmem>>[vector<16xi32>, vector<16xi32>], vector<16xf32>,
        %mul3A_930 = arith.constant 5.65685415 : f32
        %mul3A_931 = vector.broadcast %mul3A_930 : f32 to vector<16xf32>
        %mul3A_932 = arith.mulf %gather3A_929, %mul3A_931 : vector<16xf32>
        %gather3A_933 = arith.constant 2 : i32
        %gather3A_934 = arith.constant 0 : i32
        %gather3A_935 = arith.constant 0 : i32
        %gather3A_936 = tpu.memref_slice %arg6[%gather3A_933, %gather3A_934, %gather3A_935] : memref<4x128x32xf32, #tpu.memory_space<vmem>> -> memref<1x128x32xf32, #tpu.memory_space<vmem>>
        %gather3A_937 = tpu.memref_squeeze %gather3A_936 : memref<1x128x32xf32, #tpu.memory_space<vmem>> -> memref<128x32xf32, #tpu.memory_space<vmem>>
        %gather3A_938 = tpu.vector_load_idx %gather3A_937[%add3A_699, %broadcast_in_dim3A_55] : memref<128x32xf32, #tpu.memory_space<vmem>>[vector<16xi32>, vector<16xi32>], vector<16xf32>,
        %mul3A_939 = arith.constant 5.65685415 : f32
        %mul3A_940 = vector.broadcast %mul3A_939 : f32 to vector<16xf32>
        %mul3A_941 = arith.mulf %gather3A_938, %mul3A_940 : vector<16xf32>
        %gather3A_942 = arith.constant 2 : i32
        %gather3A_943 = arith.constant 0 : i32
        %gather3A_944 = arith.constant 0 : i32
        %gather3A_945 = tpu.memref_slice %arg6[%gather3A_942, %gather3A_943, %gather3A_944] : memref<4x128x32xf32, #tpu.memory_space<vmem>> -> memref<1x128x32xf32, #tpu.memory_space<vmem>>
        %gather3A_946 = tpu.memref_squeeze %gather3A_945 : memref<1x128x32xf32, #tpu.memory_space<vmem>> -> memref<128x32xf32, #tpu.memory_space<vmem>>
        %gather3A_947 = tpu.vector_load_idx %gather3A_946[%add3A_699, %broadcast_in_dim3A_57] : memref<128x32xf32, #tpu.memory_space<vmem>>[vector<16xi32>, vector<16xi32>], vector<16xf32>,
        %mul3A_948 = arith.constant 5.65685415 : f32
        %mul3A_949 = vector.broadcast %mul3A_948 : f32 to vector<16xf32>
        %mul3A_950 = arith.mulf %gather3A_947, %mul3A_949 : vector<16xf32>
        %gather3A_951 = arith.constant 2 : i32
        %gather3A_952 = arith.constant 0 : i32
        %gather3A_953 = arith.constant 0 : i32
        %gather3A_954 = tpu.memref_slice %arg6[%gather3A_951, %gather3A_952, %gather3A_953] : memref<4x128x32xf32, #tpu.memory_space<vmem>> -> memref<1x128x32xf32, #tpu.memory_space<vmem>>
        %gather3A_955 = tpu.memref_squeeze %gather3A_954 : memref<1x128x32xf32, #tpu.memory_space<vmem>> -> memref<128x32xf32, #tpu.memory_space<vmem>>
        %gather3A_956 = tpu.vector_load_idx %gather3A_955[%add3A_699, %broadcast_in_dim3A_59] : memref<128x32xf32, #tpu.memory_space<vmem>>[vector<16xi32>, vector<16xi32>], vector<16xf32>,
        %mul3A_957 = arith.constant 5.65685415 : f32
        %mul3A_958 = vector.broadcast %mul3A_957 : f32 to vector<16xf32>
        %mul3A_959 = arith.mulf %gather3A_956, %mul3A_958 : vector<16xf32>
        %gather3A_960 = arith.constant 2 : i32
        %gather3A_961 = arith.constant 0 : i32
        %gather3A_962 = arith.constant 0 : i32
        %gather3A_963 = tpu.memref_slice %arg6[%gather3A_960, %gather3A_961, %gather3A_962] : memref<4x128x32xf32, #tpu.memory_space<vmem>> -> memref<1x128x32xf32, #tpu.memory_space<vmem>>
        %gather3A_964 = tpu.memref_squeeze %gather3A_963 : memref<1x128x32xf32, #tpu.memory_space<vmem>> -> memref<128x32xf32, #tpu.memory_space<vmem>>
        %gather3A_965 = tpu.vector_load_idx %gather3A_964[%add3A_699, %broadcast_in_dim3A_61] : memref<128x32xf32, #tpu.memory_space<vmem>>[vector<16xi32>, vector<16xi32>], vector<16xf32>,
        %mul3A_966 = arith.constant 5.65685415 : f32
        %mul3A_967 = vector.broadcast %mul3A_966 : f32 to vector<16xf32>
        %mul3A_968 = arith.mulf %gather3A_965, %mul3A_967 : vector<16xf32>
        %gather3A_969 = arith.constant 2 : i32
        %gather3A_970 = arith.constant 0 : i32
        %gather3A_971 = arith.constant 0 : i32
        %gather3A_972 = tpu.memref_slice %arg6[%gather3A_969, %gather3A_970, %gather3A_971] : memref<4x128x32xf32, #tpu.memory_space<vmem>> -> memref<1x128x32xf32, #tpu.memory_space<vmem>>
        %gather3A_973 = tpu.memref_squeeze %gather3A_972 : memref<1x128x32xf32, #tpu.memory_space<vmem>> -> memref<128x32xf32, #tpu.memory_space<vmem>>
        %gather3A_974 = tpu.vector_load_idx %gather3A_973[%add3A_699, %broadcast_in_dim3A_63] : memref<128x32xf32, #tpu.memory_space<vmem>>[vector<16xi32>, vector<16xi32>], vector<16xf32>,
        %mul3A_975 = arith.constant 5.65685415 : f32
        %mul3A_976 = vector.broadcast %mul3A_975 : f32 to vector<16xf32>
        %mul3A_977 = arith.mulf %gather3A_974, %mul3A_976 : vector<16xf32>
        %gather3A_978 = arith.constant 2 : i32
        %gather3A_979 = arith.constant 0 : i32
        %gather3A_980 = arith.constant 0 : i32
        %gather3A_981 = tpu.memref_slice %arg6[%gather3A_978, %gather3A_979, %gather3A_980] : memref<4x128x32xf32, #tpu.memory_space<vmem>> -> memref<1x128x32xf32, #tpu.memory_space<vmem>>
        %gather3A_982 = tpu.memref_squeeze %gather3A_981 : memref<1x128x32xf32, #tpu.memory_space<vmem>> -> memref<128x32xf32, #tpu.memory_space<vmem>>
        %gather3A_983 = tpu.vector_load_idx %gather3A_982[%add3A_699, %broadcast_in_dim3A_65] : memref<128x32xf32, #tpu.memory_space<vmem>>[vector<16xi32>, vector<16xi32>], vector<16xf32>,
        %mul3A_984 = arith.constant 5.65685415 : f32
        %mul3A_985 = vector.broadcast %mul3A_984 : f32 to vector<16xf32>
        %mul3A_986 = arith.mulf %gather3A_983, %mul3A_985 : vector<16xf32>
        %mul3A_987 = arith.constant 16 : i32
        %mul3A_988 = arith.muli %add3A_695, %mul3A_987 : i32
        %add3A_989 = arith.constant 0 : i32
        %add3A_990 = arith.addi %add3A_989, %mul3A_988 : i32
        %swap3A = arith.index_cast %add3A_990 : i32 to index
        %swap3A_991 = tpu.vector_load %arg7[%swap3A] {strides = array<i32>} : memref<4096xf32, #tpu.memory_space<vmem>>, vector<16xf32>,
        tpu.vector_store %arg7[%swap3A], %mul3A_707 {strides = array<i32>} : memref<4096xf32, #tpu.memory_space<vmem>>, vector<16xf32>,
        %mul3A_992 = arith.constant 16 : i32
        %mul3A_993 = arith.muli %add3A_695, %mul3A_992 : i32
        %add3A_994 = arith.constant 128 : i32
        %add3A_995 = arith.addi %add3A_994, %mul3A_993 : i32
        %swap3A_996 = arith.index_cast %add3A_995 : i32 to index
        %swap3A_997 = tpu.vector_load %arg7[%swap3A_996] {strides = array<i32>} : memref<4096xf32, #tpu.memory_space<vmem>>, vector<16xf32>,
        tpu.vector_store %arg7[%swap3A_996], %mul3A_716 {strides = array<i32>} : memref<4096xf32, #tpu.memory_space<vmem>>, vector<16xf32>,
        %mul3A_998 = arith.constant 16 : i32
        %mul3A_999 = arith.muli %add3A_695, %mul3A_998 : i32
        %add3A_1000 = arith.constant 256 : i32
        %add3A_1001 = arith.addi %add3A_1000, %mul3A_999 : i32
        %swap3A_1002 = arith.index_cast %add3A_1001 : i32 to index
        %swap3A_1003 = tpu.vector_load %arg7[%swap3A_1002] {strides = array<i32>} : memref<4096xf32, #tpu.memory_space<vmem>>, vector<16xf32>,
        tpu.vector_store %arg7[%swap3A_1002], %mul3A_725 {strides = array<i32>} : memref<4096xf32, #tpu.memory_space<vmem>>, vector<16xf32>,
        %mul3A_1004 = arith.constant 16 : i32
        %mul3A_1005 = arith.muli %add3A_695, %mul3A_1004 : i32
        %add3A_1006 = arith.constant 384 : i32
        %add3A_1007 = arith.addi %add3A_1006, %mul3A_1005 : i32
        %swap3A_1008 = arith.index_cast %add3A_1007 : i32 to index
        %swap3A_1009 = tpu.vector_load %arg7[%swap3A_1008] {strides = array<i32>} : memref<4096xf32, #tpu.memory_space<vmem>>, vector<16xf32>,
        tpu.vector_store %arg7[%swap3A_1008], %mul3A_734 {strides = array<i32>} : memref<4096xf32, #tpu.memory_space<vmem>>, vector<16xf32>,
        %mul3A_1010 = arith.constant 16 : i32
        %mul3A_1011 = arith.muli %add3A_695, %mul3A_1010 : i32
        %add3A_1012 = arith.constant 512 : i32
        %add3A_1013 = arith.addi %add3A_1012, %mul3A_1011 : i32
        %swap3A_1014 = arith.index_cast %add3A_1013 : i32 to index
        %swap3A_1015 = tpu.vector_load %arg7[%swap3A_1014] {strides = array<i32>} : memref<4096xf32, #tpu.memory_space<vmem>>, vector<16xf32>,
        tpu.vector_store %arg7[%swap3A_1014], %mul3A_743 {strides = array<i32>} : memref<4096xf32, #tpu.memory_space<vmem>>, vector<16xf32>,
        %mul3A_1016 = arith.constant 16 : i32
        %mul3A_1017 = arith.muli %add3A_695, %mul3A_1016 : i32
        %add3A_1018 = arith.constant 640 : i32
        %add3A_1019 = arith.addi %add3A_1018, %mul3A_1017 : i32
        %swap3A_1020 = arith.index_cast %add3A_1019 : i32 to index
        %swap3A_1021 = tpu.vector_load %arg7[%swap3A_1020] {strides = array<i32>} : memref<4096xf32, #tpu.memory_space<vmem>>, vector<16xf32>,
        tpu.vector_store %arg7[%swap3A_1020], %mul3A_752 {strides = array<i32>} : memref<4096xf32, #tpu.memory_space<vmem>>, vector<16xf32>,
        %mul3A_1022 = arith.constant 16 : i32
        %mul3A_1023 = arith.muli %add3A_695, %mul3A_1022 : i32
        %add3A_1024 = arith.constant 768 : i32
        %add3A_1025 = arith.addi %add3A_1024, %mul3A_1023 : i32
        %swap3A_1026 = arith.index_cast %add3A_1025 : i32 to index
        %swap3A_1027 = tpu.vector_load %arg7[%swap3A_1026] {strides = array<i32>} : memref<4096xf32, #tpu.memory_space<vmem>>, vector<16xf32>,
        tpu.vector_store %arg7[%swap3A_1026], %mul3A_761 {strides = array<i32>} : memref<4096xf32, #tpu.memory_space<vmem>>, vector<16xf32>,
        %mul3A_1028 = arith.constant 16 : i32
        %mul3A_1029 = arith.muli %add3A_695, %mul3A_1028 : i32
        %add3A_1030 = arith.constant 896 : i32
        %add3A_1031 = arith.addi %add3A_1030, %mul3A_1029 : i32
        %swap3A_1032 = arith.index_cast %add3A_1031 : i32 to index
        %swap3A_1033 = tpu.vector_load %arg7[%swap3A_1032] {strides = array<i32>} : memref<4096xf32, #tpu.memory_space<vmem>>, vector<16xf32>,
        tpu.vector_store %arg7[%swap3A_1032], %mul3A_770 {strides = array<i32>} : memref<4096xf32, #tpu.memory_space<vmem>>, vector<16xf32>,
        %mul3A_1034 = arith.constant 16 : i32
        %mul3A_1035 = arith.muli %add3A_695, %mul3A_1034 : i32
        %add3A_1036 = arith.constant 1024 : i32
        %add3A_1037 = arith.addi %add3A_1036, %mul3A_1035 : i32
        %swap3A_1038 = arith.index_cast %add3A_1037 : i32 to index
        %swap3A_1039 = tpu.vector_load %arg7[%swap3A_1038] {strides = array<i32>} : memref<4096xf32, #tpu.memory_space<vmem>>, vector<16xf32>,
        tpu.vector_store %arg7[%swap3A_1038], %mul3A_779 {strides = array<i32>} : memref<4096xf32, #tpu.memory_space<vmem>>, vector<16xf32>,
        %mul3A_1040 = arith.constant 16 : i32
        %mul3A_1041 = arith.muli %add3A_695, %mul3A_1040 : i32
        %add3A_1042 = arith.constant 1152 : i32
        %add3A_1043 = arith.addi %add3A_1042, %mul3A_1041 : i32
        %swap3A_1044 = arith.index_cast %add3A_1043 : i32 to index
        %swap3A_1045 = tpu.vector_load %arg7[%swap3A_1044] {strides = array<i32>} : memref<4096xf32, #tpu.memory_space<vmem>>, vector<16xf32>,
        tpu.vector_store %arg7[%swap3A_1044], %mul3A_788 {strides = array<i32>} : memref<4096xf32, #tpu.memory_space<vmem>>, vector<16xf32>,
        %mul3A_1046 = arith.constant 16 : i32
        %mul3A_1047 = arith.muli %add3A_695, %mul3A_1046 : i32
        %add3A_1048 = arith.constant 1280 : i32
        %add3A_1049 = arith.addi %add3A_1048, %mul3A_1047 : i32
        %swap3A_1050 = arith.index_cast %add3A_1049 : i32 to index
        %swap3A_1051 = tpu.vector_load %arg7[%swap3A_1050] {strides = array<i32>} : memref<4096xf32, #tpu.memory_space<vmem>>, vector<16xf32>,
        tpu.vector_store %arg7[%swap3A_1050], %mul3A_797 {strides = array<i32>} : memref<4096xf32, #tpu.memory_space<vmem>>, vector<16xf32>,
        %mul3A_1052 = arith.constant 16 : i32
        %mul3A_1053 = arith.muli %add3A_695, %mul3A_1052 : i32
        %add3A_1054 = arith.constant 1408 : i32
        %add3A_1055 = arith.addi %add3A_1054, %mul3A_1053 : i32
        %swap3A_1056 = arith.index_cast %add3A_1055 : i32 to index
        %swap3A_1057 = tpu.vector_load %arg7[%swap3A_1056] {strides = array<i32>} : memref<4096xf32, #tpu.memory_space<vmem>>, vector<16xf32>,
        tpu.vector_store %arg7[%swap3A_1056], %mul3A_806 {strides = array<i32>} : memref<4096xf32, #tpu.memory_space<vmem>>, vector<16xf32>,
        %mul3A_1058 = arith.constant 16 : i32
        %mul3A_1059 = arith.muli %add3A_695, %mul3A_1058 : i32
        %add3A_1060 = arith.constant 1536 : i32
        %add3A_1061 = arith.addi %add3A_1060, %mul3A_1059 : i32
        %swap3A_1062 = arith.index_cast %add3A_1061 : i32 to index
        %swap3A_1063 = tpu.vector_load %arg7[%swap3A_1062] {strides = array<i32>} : memref<4096xf32, #tpu.memory_space<vmem>>, vector<16xf32>,
        tpu.vector_store %arg7[%swap3A_1062], %mul3A_815 {strides = array<i32>} : memref<4096xf32, #tpu.memory_space<vmem>>, vector<16xf32>,
        %mul3A_1064 = arith.constant 16 : i32
        %mul3A_1065 = arith.muli %add3A_695, %mul3A_1064 : i32
        %add3A_1066 = arith.constant 1664 : i32
        %add3A_1067 = arith.addi %add3A_1066, %mul3A_1065 : i32
        %swap3A_1068 = arith.index_cast %add3A_1067 : i32 to index
        %swap3A_1069 = tpu.vector_load %arg7[%swap3A_1068] {strides = array<i32>} : memref<4096xf32, #tpu.memory_space<vmem>>, vector<16xf32>,
        tpu.vector_store %arg7[%swap3A_1068], %mul3A_824 {strides = array<i32>} : memref<4096xf32, #tpu.memory_space<vmem>>, vector<16xf32>,
        %mul3A_1070 = arith.constant 16 : i32
        %mul3A_1071 = arith.muli %add3A_695, %mul3A_1070 : i32
        %add3A_1072 = arith.constant 1792 : i32
        %add3A_1073 = arith.addi %add3A_1072, %mul3A_1071 : i32
        %swap3A_1074 = arith.index_cast %add3A_1073 : i32 to index
        %swap3A_1075 = tpu.vector_load %arg7[%swap3A_1074] {strides = array<i32>} : memref<4096xf32, #tpu.memory_space<vmem>>, vector<16xf32>,
        tpu.vector_store %arg7[%swap3A_1074], %mul3A_833 {strides = array<i32>} : memref<4096xf32, #tpu.memory_space<vmem>>, vector<16xf32>,
        %mul3A_1076 = arith.constant 16 : i32
        %mul3A_1077 = arith.muli %add3A_695, %mul3A_1076 : i32
        %add3A_1078 = arith.constant 1920 : i32
        %add3A_1079 = arith.addi %add3A_1078, %mul3A_1077 : i32
        %swap3A_1080 = arith.index_cast %add3A_1079 : i32 to index
        %swap3A_1081 = tpu.vector_load %arg7[%swap3A_1080] {strides = array<i32>} : memref<4096xf32, #tpu.memory_space<vmem>>, vector<16xf32>,
        tpu.vector_store %arg7[%swap3A_1080], %mul3A_842 {strides = array<i32>} : memref<4096xf32, #tpu.memory_space<vmem>>, vector<16xf32>,
        %mul3A_1082 = arith.constant 16 : i32
        %mul3A_1083 = arith.muli %add3A_695, %mul3A_1082 : i32
        %add3A_1084 = arith.constant 2048 : i32
        %add3A_1085 = arith.addi %add3A_1084, %mul3A_1083 : i32
        %swap3A_1086 = arith.index_cast %add3A_1085 : i32 to index
        %swap3A_1087 = tpu.vector_load %arg7[%swap3A_1086] {strides = array<i32>} : memref<4096xf32, #tpu.memory_space<vmem>>, vector<16xf32>,
        tpu.vector_store %arg7[%swap3A_1086], %mul3A_851 {strides = array<i32>} : memref<4096xf32, #tpu.memory_space<vmem>>, vector<16xf32>,
        %mul3A_1088 = arith.constant 16 : i32
        %mul3A_1089 = arith.muli %add3A_695, %mul3A_1088 : i32
        %add3A_1090 = arith.constant 2176 : i32
        %add3A_1091 = arith.addi %add3A_1090, %mul3A_1089 : i32
        %swap3A_1092 = arith.index_cast %add3A_1091 : i32 to index
        %swap3A_1093 = tpu.vector_load %arg7[%swap3A_1092] {strides = array<i32>} : memref<4096xf32, #tpu.memory_space<vmem>>, vector<16xf32>,
        tpu.vector_store %arg7[%swap3A_1092], %mul3A_860 {strides = array<i32>} : memref<4096xf32, #tpu.memory_space<vmem>>, vector<16xf32>,
        %mul3A_1094 = arith.constant 16 : i32
        %mul3A_1095 = arith.muli %add3A_695, %mul3A_1094 : i32
        %add3A_1096 = arith.constant 2304 : i32
        %add3A_1097 = arith.addi %add3A_1096, %mul3A_1095 : i32
        %swap3A_1098 = arith.index_cast %add3A_1097 : i32 to index
        %swap3A_1099 = tpu.vector_load %arg7[%swap3A_1098] {strides = array<i32>} : memref<4096xf32, #tpu.memory_space<vmem>>, vector<16xf32>,
        tpu.vector_store %arg7[%swap3A_1098], %mul3A_869 {strides = array<i32>} : memref<4096xf32, #tpu.memory_space<vmem>>, vector<16xf32>,
        %mul3A_1100 = arith.constant 16 : i32
        %mul3A_1101 = arith.muli %add3A_695, %mul3A_1100 : i32
        %add3A_1102 = arith.constant 2432 : i32
        %add3A_1103 = arith.addi %add3A_1102, %mul3A_1101 : i32
        %swap3A_1104 = arith.index_cast %add3A_1103 : i32 to index
        %swap3A_1105 = tpu.vector_load %arg7[%swap3A_1104] {strides = array<i32>} : memref<4096xf32, #tpu.memory_space<vmem>>, vector<16xf32>,
        tpu.vector_store %arg7[%swap3A_1104], %mul3A_878 {strides = array<i32>} : memref<4096xf32, #tpu.memory_space<vmem>>, vector<16xf32>,
        %mul3A_1106 = arith.constant 16 : i32
        %mul3A_1107 = arith.muli %add3A_695, %mul3A_1106 : i32
        %add3A_1108 = arith.constant 2560 : i32
        %add3A_1109 = arith.addi %add3A_1108, %mul3A_1107 : i32
        %swap3A_1110 = arith.index_cast %add3A_1109 : i32 to index
        %swap3A_1111 = tpu.vector_load %arg7[%swap3A_1110] {strides = array<i32>} : memref<4096xf32, #tpu.memory_space<vmem>>, vector<16xf32>,
        tpu.vector_store %arg7[%swap3A_1110], %mul3A_887 {strides = array<i32>} : memref<4096xf32, #tpu.memory_space<vmem>>, vector<16xf32>,
        %mul3A_1112 = arith.constant 16 : i32
        %mul3A_1113 = arith.muli %add3A_695, %mul3A_1112 : i32
        %add3A_1114 = arith.constant 2688 : i32
        %add3A_1115 = arith.addi %add3A_1114, %mul3A_1113 : i32
        %swap3A_1116 = arith.index_cast %add3A_1115 : i32 to index
        %swap3A_1117 = tpu.vector_load %arg7[%swap3A_1116] {strides = array<i32>} : memref<4096xf32, #tpu.memory_space<vmem>>, vector<16xf32>,
        tpu.vector_store %arg7[%swap3A_1116], %mul3A_896 {strides = array<i32>} : memref<4096xf32, #tpu.memory_space<vmem>>, vector<16xf32>,
        %mul3A_1118 = arith.constant 16 : i32
        %mul3A_1119 = arith.muli %add3A_695, %mul3A_1118 : i32
        %add3A_1120 = arith.constant 2816 : i32
        %add3A_1121 = arith.addi %add3A_1120, %mul3A_1119 : i32
        %swap3A_1122 = arith.index_cast %add3A_1121 : i32 to index
        %swap3A_1123 = tpu.vector_load %arg7[%swap3A_1122] {strides = array<i32>} : memref<4096xf32, #tpu.memory_space<vmem>>, vector<16xf32>,
        tpu.vector_store %arg7[%swap3A_1122], %mul3A_905 {strides = array<i32>} : memref<4096xf32, #tpu.memory_space<vmem>>, vector<16xf32>,
        %mul3A_1124 = arith.constant 16 : i32
        %mul3A_1125 = arith.muli %add3A_695, %mul3A_1124 : i32
        %add3A_1126 = arith.constant 2944 : i32
        %add3A_1127 = arith.addi %add3A_1126, %mul3A_1125 : i32
        %swap3A_1128 = arith.index_cast %add3A_1127 : i32 to index
        %swap3A_1129 = tpu.vector_load %arg7[%swap3A_1128] {strides = array<i32>} : memref<4096xf32, #tpu.memory_space<vmem>>, vector<16xf32>,
        tpu.vector_store %arg7[%swap3A_1128], %mul3A_914 {strides = array<i32>} : memref<4096xf32, #tpu.memory_space<vmem>>, vector<16xf32>,
        %mul3A_1130 = arith.constant 16 : i32
        %mul3A_1131 = arith.muli %add3A_695, %mul3A_1130 : i32
        %add3A_1132 = arith.constant 3072 : i32
        %add3A_1133 = arith.addi %add3A_1132, %mul3A_1131 : i32
        %swap3A_1134 = arith.index_cast %add3A_1133 : i32 to index
        %swap3A_1135 = tpu.vector_load %arg7[%swap3A_1134] {strides = array<i32>} : memref<4096xf32, #tpu.memory_space<vmem>>, vector<16xf32>,
        tpu.vector_store %arg7[%swap3A_1134], %mul3A_923 {strides = array<i32>} : memref<4096xf32, #tpu.memory_space<vmem>>, vector<16xf32>,
        %mul3A_1136 = arith.constant 16 : i32
        %mul3A_1137 = arith.muli %add3A_695, %mul3A_1136 : i32
        %add3A_1138 = arith.constant 3200 : i32
        %add3A_1139 = arith.addi %add3A_1138, %mul3A_1137 : i32
        %swap3A_1140 = arith.index_cast %add3A_1139 : i32 to index
        %swap3A_1141 = tpu.vector_load %arg7[%swap3A_1140] {strides = array<i32>} : memref<4096xf32, #tpu.memory_space<vmem>>, vector<16xf32>,
        tpu.vector_store %arg7[%swap3A_1140], %mul3A_932 {strides = array<i32>} : memref<4096xf32, #tpu.memory_space<vmem>>, vector<16xf32>,
        %mul3A_1142 = arith.constant 16 : i32
        %mul3A_1143 = arith.muli %add3A_695, %mul3A_1142 : i32
        %add3A_1144 = arith.constant 3328 : i32
        %add3A_1145 = arith.addi %add3A_1144, %mul3A_1143 : i32
        %swap3A_1146 = arith.index_cast %add3A_1145 : i32 to index
        %swap3A_1147 = tpu.vector_load %arg7[%swap3A_1146] {strides = array<i32>} : memref<4096xf32, #tpu.memory_space<vmem>>, vector<16xf32>,
        tpu.vector_store %arg7[%swap3A_1146], %mul3A_941 {strides = array<i32>} : memref<4096xf32, #tpu.memory_space<vmem>>, vector<16xf32>,
        %mul3A_1148 = arith.constant 16 : i32
        %mul3A_1149 = arith.muli %add3A_695, %mul3A_1148 : i32
        %add3A_1150 = arith.constant 3456 : i32
        %add3A_1151 = arith.addi %add3A_1150, %mul3A_1149 : i32
        %swap3A_1152 = arith.index_cast %add3A_1151 : i32 to index
        %swap3A_1153 = tpu.vector_load %arg7[%swap3A_1152] {strides = array<i32>} : memref<4096xf32, #tpu.memory_space<vmem>>, vector<16xf32>,
        tpu.vector_store %arg7[%swap3A_1152], %mul3A_950 {strides = array<i32>} : memref<4096xf32, #tpu.memory_space<vmem>>, vector<16xf32>,
        %mul3A_1154 = arith.constant 16 : i32
        %mul3A_1155 = arith.muli %add3A_695, %mul3A_1154 : i32
        %add3A_1156 = arith.constant 3584 : i32
        %add3A_1157 = arith.addi %add3A_1156, %mul3A_1155 : i32
        %swap3A_1158 = arith.index_cast %add3A_1157 : i32 to index
        %swap3A_1159 = tpu.vector_load %arg7[%swap3A_1158] {strides = array<i32>} : memref<4096xf32, #tpu.memory_space<vmem>>, vector<16xf32>,
        tpu.vector_store %arg7[%swap3A_1158], %mul3A_959 {strides = array<i32>} : memref<4096xf32, #tpu.memory_space<vmem>>, vector<16xf32>,
        %mul3A_1160 = arith.constant 16 : i32
        %mul3A_1161 = arith.muli %add3A_695, %mul3A_1160 : i32
        %add3A_1162 = arith.constant 3712 : i32
        %add3A_1163 = arith.addi %add3A_1162, %mul3A_1161 : i32
        %swap3A_1164 = arith.index_cast %add3A_1163 : i32 to index
        %swap3A_1165 = tpu.vector_load %arg7[%swap3A_1164] {strides = array<i32>} : memref<4096xf32, #tpu.memory_space<vmem>>, vector<16xf32>,
        tpu.vector_store %arg7[%swap3A_1164], %mul3A_968 {strides = array<i32>} : memref<4096xf32, #tpu.memory_space<vmem>>, vector<16xf32>,
        %mul3A_1166 = arith.constant 16 : i32
        %mul3A_1167 = arith.muli %add3A_695, %mul3A_1166 : i32
        %add3A_1168 = arith.constant 3840 : i32
        %add3A_1169 = arith.addi %add3A_1168, %mul3A_1167 : i32
        %swap3A_1170 = arith.index_cast %add3A_1169 : i32 to index
        %swap3A_1171 = tpu.vector_load %arg7[%swap3A_1170] {strides = array<i32>} : memref<4096xf32, #tpu.memory_space<vmem>>, vector<16xf32>,
        tpu.vector_store %arg7[%swap3A_1170], %mul3A_977 {strides = array<i32>} : memref<4096xf32, #tpu.memory_space<vmem>>, vector<16xf32>,
        %mul3A_1172 = arith.constant 16 : i32
        %mul3A_1173 = arith.muli %add3A_695, %mul3A_1172 : i32
        %add3A_1174 = arith.constant 3968 : i32
        %add3A_1175 = arith.addi %add3A_1174, %mul3A_1173 : i32
        %swap3A_1176 = arith.index_cast %add3A_1175 : i32 to index
        %swap3A_1177 = tpu.vector_load %arg7[%swap3A_1176] {strides = array<i32>} : memref<4096xf32, #tpu.memory_space<vmem>>, vector<16xf32>,
        tpu.vector_store %arg7[%swap3A_1176], %mul3A_986 {strides = array<i32>} : memref<4096xf32, #tpu.memory_space<vmem>>, vector<16xf32>,
      }
      %scan3A_480 = arith.constant 8 : i32
      %jit3A_481 = arith.constant 4 : i32
      %div3A_482 = arith.divsi %add3A_448, %jit3A_481 : i32
      %sign3A_483 = arith.constant 0 : i32
      %sign3A_484 = arith.cmpi sgt, %add3A_448, %sign3A_483 : i32
      %sign3A_485 = arith.extui %sign3A_484 : i1 to i32
      %sign3A_486 = arith.constant 0 : i32
      %sign3A_487 = arith.cmpi slt, %add3A_448, %sign3A_486 : i32
      %sign3A_488 = arith.extui %sign3A_487 : i1 to i32
      %sign3A_489 = arith.subi %sign3A_485, %sign3A_488 : i32
      %sign3A_490 = arith.constant 0 : i32
      %sign3A_491 = arith.cmpi sgt, %jit3A_481, %sign3A_490 : i32
      %sign3A_492 = arith.extui %sign3A_491 : i1 to i32
      %sign3A_493 = arith.constant 0 : i32
      %sign3A_494 = arith.cmpi slt, %jit3A_481, %sign3A_493 : i32
      %sign3A_495 = arith.extui %sign3A_494 : i1 to i32
      %sign3A_496 = arith.subi %sign3A_492, %sign3A_495 : i32
      %ne3A_497 = arith.cmpi ne, %sign3A_489, %sign3A_496 : i32
      %rem3A_498 = arith.remsi %add3A_448, %jit3A_481 : i32
      %ne3A_499 = arith.constant 0 : i32
      %ne3A_500 = arith.cmpi ne, %rem3A_498, %ne3A_499 : i32
      %and3A_501 = arith.andi %ne3A_497, %ne3A_500 : i1
      %sub3A_502 = arith.constant 1 : i32
      %sub3A_503 = arith.subi %div3A_482, %sub3A_502 : i32
      %select_n3A_504 = arith.select %and3A_501, %sub3A_503, %div3A_482 : i32
      %jit3A_505 = arith.constant 4 : i32
      %eq3A_506 = arith.constant 0 : i32
      %eq3A_507 = arith.cmpi eq, %jit3A_505, %eq3A_506 : i32
      %jit3A_508 = arith.constant 1 : i32
      %select_n3A_509 = arith.select %eq3A_507, %jit3A_508, %jit3A_505 : i32
      %rem3A_510 = arith.remsi %add3A_448, %select_n3A_509 : i32
      %ne3A_511 = arith.constant 0 : i32
      %ne3A_512 = arith.cmpi ne, %rem3A_510, %ne3A_511 : i32
      %lt3A_513 = arith.constant 0 : i32
      %lt3A_514 = arith.cmpi slt, %rem3A_510, %lt3A_513 : i32
      %lt3A_515 = arith.constant 0 : i32
      %lt3A_516 = arith.cmpi slt, %select_n3A_509, %lt3A_515 : i32
      %ne3A_517 = arith.xori %lt3A_514, %lt3A_516 : i1
      %and3A_518 = arith.andi %ne3A_517, %ne3A_512 : i1
      %add3A_519 = arith.addi %rem3A_510, %select_n3A_509 : i32
      %select_n3A_520 = arith.select %and3A_518, %add3A_519, %rem3A_510 : i32
      %add3A_521 = arith.addi %mul3A_2, %select_n3A_520 : i32
      %dma_start3A_522 = arith.constant 0 : i32
      %dma_start3A_523 = arith.constant 0 : i32
      %dma_start3A_524 = tpu.memref_slice %arg7[%dma_start3A_523] : memref<4096xf32, #tpu.memory_space<vmem>> -> memref<1024xf32, #tpu.memory_space<vmem>>
      %dma_start3A_525 = arith.constant 0 : i32
      %dma_start3A_526 = tpu.memref_slice %arg4[%select_n3A_504, %dma_start3A_522, %add3A_521, %dma_start3A_525] : memref<50x4x128x1024xf32, #tpu.memory_space<hbm>> -> memref<1x1x1x1024xf32, #tpu.memory_space<hbm>>
      %dma_start3A_527 = tpu.memref_squeeze %dma_start3A_526 : memref<1x1x1x1024xf32, #tpu.memory_space<hbm>> -> memref<1024xf32, #tpu.memory_space<hbm>>
      %dma_start3A_528 = arith.constant 0 : i32
      %dma_start3A_529 = tpu.memref_slice %arg4[%select_n3A_504, %dma_start3A_522, %add3A_521, %dma_start3A_528] : memref<50x4x128x1024xf32, #tpu.memory_space<hbm>> -> memref<1x1x1x1024xf32, #tpu.memory_space<hbm>>
      %dma_start3A_530 = tpu.memref_squeeze %dma_start3A_529 : memref<1x1x1x1024xf32, #tpu.memory_space<hbm>> -> memref<1024xf32, #tpu.memory_space<hbm>>
      %dma_start3A_531 = arith.constant 0 : i32
      %dma_start3A_532 = tpu.memref_slice %arg7[%dma_start3A_531] : memref<4096xf32, #tpu.memory_space<vmem>> -> memref<1024xf32, #tpu.memory_space<vmem>>
      tpu.enqueue_dma source(%dma_start3A_532 : memref<1024xf32, #tpu.memory_space<vmem>>) target(%dma_start3A_530 : memref<1024xf32, #tpu.memory_space<hbm>>) target_semaphore(%arg13 : memref<!tpu.dma_semaphore, #tpu.memory_space<semaphore_mem>>)
      %add3A_533 = arith.addi %mul3A_2, %select_n3A_520 : i32
      %dma_start3A_534 = arith.constant 1 : i32
      %dma_start3A_535 = arith.constant 1024 : i32
      %dma_start3A_536 = tpu.memref_slice %arg7[%dma_start3A_535] : memref<4096xf32, #tpu.memory_space<vmem>> -> memref<1024xf32, #tpu.memory_space<vmem>>
      %dma_start3A_537 = arith.constant 0 : i32
      %dma_start3A_538 = tpu.memref_slice %arg4[%select_n3A_504, %dma_start3A_534, %add3A_533, %dma_start3A_537] : memref<50x4x128x1024xf32, #tpu.memory_space<hbm>> -> memref<1x1x1x1024xf32, #tpu.memory_space<hbm>>
      %dma_start3A_539 = tpu.memref_squeeze %dma_start3A_538 : memref<1x1x1x1024xf32, #tpu.memory_space<hbm>> -> memref<1024xf32, #tpu.memory_space<hbm>>
      %dma_start3A_540 = arith.constant 0 : i32
      %dma_start3A_541 = tpu.memref_slice %arg4[%select_n3A_504, %dma_start3A_534, %add3A_533, %dma_start3A_540] : memref<50x4x128x1024xf32, #tpu.memory_space<hbm>> -> memref<1x1x1x1024xf32, #tpu.memory_space<hbm>>
      %dma_start3A_542 = tpu.memref_squeeze %dma_start3A_541 : memref<1x1x1x1024xf32, #tpu.memory_space<hbm>> -> memref<1024xf32, #tpu.memory_space<hbm>>
      %dma_start3A_543 = arith.constant 1024 : i32
      %dma_start3A_544 = tpu.memref_slice %arg7[%dma_start3A_543] : memref<4096xf32, #tpu.memory_space<vmem>> -> memref<1024xf32, #tpu.memory_space<vmem>>
      tpu.enqueue_dma source(%dma_start3A_544 : memref<1024xf32, #tpu.memory_space<vmem>>) target(%dma_start3A_542 : memref<1024xf32, #tpu.memory_space<hbm>>) target_semaphore(%arg13 : memref<!tpu.dma_semaphore, #tpu.memory_space<semaphore_mem>>)
      %add3A_545 = arith.addi %mul3A_2, %select_n3A_520 : i32
      %dma_start3A_546 = arith.constant 2 : i32
      %dma_start3A_547 = arith.constant 2048 : i32
      %dma_start3A_548 = tpu.memref_slice %arg7[%dma_start3A_547] : memref<4096xf32, #tpu.memory_space<vmem>> -> memref<1024xf32, #tpu.memory_space<vmem>>
      %dma_start3A_549 = arith.constant 0 : i32
      %dma_start3A_550 = tpu.memref_slice %arg4[%select_n3A_504, %dma_start3A_546, %add3A_545, %dma_start3A_549] : memref<50x4x128x1024xf32, #tpu.memory_space<hbm>> -> memref<1x1x1x1024xf32, #tpu.memory_space<hbm>>
      %dma_start3A_551 = tpu.memref_squeeze %dma_start3A_550 : memref<1x1x1x1024xf32, #tpu.memory_space<hbm>> -> memref<1024xf32, #tpu.memory_space<hbm>>
      %dma_start3A_552 = arith.constant 0 : i32
      %dma_start3A_553 = tpu.memref_slice %arg4[%select_n3A_504, %dma_start3A_546, %add3A_545, %dma_start3A_552] : memref<50x4x128x1024xf32, #tpu.memory_space<hbm>> -> memref<1x1x1x1024xf32, #tpu.memory_space<hbm>>
      %dma_start3A_554 = tpu.memref_squeeze %dma_start3A_553 : memref<1x1x1x1024xf32, #tpu.memory_space<hbm>> -> memref<1024xf32, #tpu.memory_space<hbm>>
      %dma_start3A_555 = arith.constant 2048 : i32
      %dma_start3A_556 = tpu.memref_slice %arg7[%dma_start3A_555] : memref<4096xf32, #tpu.memory_space<vmem>> -> memref<1024xf32, #tpu.memory_space<vmem>>
      tpu.enqueue_dma source(%dma_start3A_556 : memref<1024xf32, #tpu.memory_space<vmem>>) target(%dma_start3A_554 : memref<1024xf32, #tpu.memory_space<hbm>>) target_semaphore(%arg13 : memref<!tpu.dma_semaphore, #tpu.memory_space<semaphore_mem>>)
      %add3A_557 = arith.addi %mul3A_2, %select_n3A_520 : i32
      %dma_start3A_558 = arith.constant 3 : i32
      %dma_start3A_559 = arith.constant 3072 : i32
      %dma_start3A_560 = tpu.memref_slice %arg7[%dma_start3A_559] : memref<4096xf32, #tpu.memory_space<vmem>> -> memref<1024xf32, #tpu.memory_space<vmem>>
      %dma_start3A_561 = arith.constant 0 : i32
      %dma_start3A_562 = tpu.memref_slice %arg4[%select_n3A_504, %dma_start3A_558, %add3A_557, %dma_start3A_561] : memref<50x4x128x1024xf32, #tpu.memory_space<hbm>> -> memref<1x1x1x1024xf32, #tpu.memory_space<hbm>>
      %dma_start3A_563 = tpu.memref_squeeze %dma_start3A_562 : memref<1x1x1x1024xf32, #tpu.memory_space<hbm>> -> memref<1024xf32, #tpu.memory_space<hbm>>
      %dma_start3A_564 = arith.constant 0 : i32
      %dma_start3A_565 = tpu.memref_slice %arg4[%select_n3A_504, %dma_start3A_558, %add3A_557, %dma_start3A_564] : memref<50x4x128x1024xf32, #tpu.memory_space<hbm>> -> memref<1x1x1x1024xf32, #tpu.memory_space<hbm>>
      %dma_start3A_566 = tpu.memref_squeeze %dma_start3A_565 : memref<1x1x1x1024xf32, #tpu.memory_space<hbm>> -> memref<1024xf32, #tpu.memory_space<hbm>>
      %dma_start3A_567 = arith.constant 3072 : i32
      %dma_start3A_568 = tpu.memref_slice %arg7[%dma_start3A_567] : memref<4096xf32, #tpu.memory_space<vmem>> -> memref<1024xf32, #tpu.memory_space<vmem>>
      tpu.enqueue_dma source(%dma_start3A_568 : memref<1024xf32, #tpu.memory_space<vmem>>) target(%dma_start3A_566 : memref<1024xf32, #tpu.memory_space<hbm>>) target_semaphore(%arg13 : memref<!tpu.dma_semaphore, #tpu.memory_space<semaphore_mem>>)
      %add3A_569 = arith.constant 3 : i32
      %add3A_570 = arith.addi %add3A_215, %add3A_569 : i32
      %dma_wait3A_571 = arith.constant 3 : i32
      %dma_wait3A_572 = arith.constant 0 : i32
      %dma_wait3A_573 = arith.constant 0 : i32
      %dma_wait3A_574 = tpu.memref_slice %arg6[%dma_wait3A_571, %dma_wait3A_572, %dma_wait3A_573] : memref<4x128x32xf32, #tpu.memory_space<vmem>> -> memref<1x128x32xf32, #tpu.memory_space<vmem>>
      %dma_wait3A_575 = tpu.memref_squeeze %dma_wait3A_574 : memref<1x128x32xf32, #tpu.memory_space<vmem>> -> memref<128x32xf32, #tpu.memory_space<vmem>>
      %dma_wait3A_576 = arith.constant 0 : i32
      %dma_wait3A_577 = arith.constant 0 : i32
      %dma_wait3A_578 = tpu.memref_slice %arg3[%dma_wait3A_576, %dma_wait3A_577] : memref<1000000x32xf32, #tpu.memory_space<hbm>> -> memref<128x32xf32, #tpu.memory_space<hbm>>
      %dma_wait3A_579 = arith.constant 0 : i32
      %dma_wait3A_580 = arith.constant 0 : i32
      %dma_wait3A_581 = tpu.memref_slice %arg6[%dma_wait3A_571, %dma_wait3A_579, %dma_wait3A_580] : memref<4x128x32xf32, #tpu.memory_space<vmem>> -> memref<1x128x32xf32, #tpu.memory_space<vmem>>
      %dma_wait3A_582 = tpu.memref_squeeze %dma_wait3A_581 : memref<1x128x32xf32, #tpu.memory_space<vmem>> -> memref<128x32xf32, #tpu.memory_space<vmem>>
      %dma_wait3A_583 = arith.constant 0 : i32
      %dma_wait3A_584 = arith.constant 0 : i32
      %dma_wait3A_585 = tpu.memref_slice %arg3[%dma_wait3A_583, %dma_wait3A_584] : memref<1000000x32xf32, #tpu.memory_space<hbm>> -> memref<128x32xf32, #tpu.memory_space<hbm>>
      tpu.wait_dma2 semaphore(%arg12 : memref<!tpu.dma_semaphore, #tpu.memory_space<semaphore_mem>>) src(%dma_wait3A_585 : memref<128x32xf32, #tpu.memory_space<hbm>>) dst(%dma_wait3A_582 : memref<128x32xf32, #tpu.memory_space<vmem>>)
      %add3A_586 = arith.constant 3 : i32
      %add3A_587 = arith.addi %add3A_570, %add3A_586 : i32
      %lt3A_588 = arith.constant 200 : i32
      %lt3A_589 = arith.cmpi slt, %add3A_587, %lt3A_588 : i32
      %convert_element_type3A_590 = arith.extui %lt3A_589 : i1 to i32
      %cond3A_591 = arith.constant 0 : i32
      %cond3A_592 = arith.cmpi ne, %convert_element_type3A_590, %cond3A_591 : i32
      scf.if %cond3A_592 {
        %add3A_691 = arith.constant 3 : i32
        %add3A_692 = arith.addi %add3A_570, %add3A_691 : i32
        %jit3A_693 = arith.constant 4 : i32
        %div3A_694 = arith.divsi %add3A_692, %jit3A_693 : i32
        %sign3A_695 = arith.constant 0 : i32
        %sign3A_696 = arith.cmpi sgt, %add3A_692, %sign3A_695 : i32
        %sign3A_697 = arith.extui %sign3A_696 : i1 to i32
        %sign3A_698 = arith.constant 0 : i32
        %sign3A_699 = arith.cmpi slt, %add3A_692, %sign3A_698 : i32
        %sign3A_700 = arith.extui %sign3A_699 : i1 to i32
        %sign3A_701 = arith.subi %sign3A_697, %sign3A_700 : i32
        %sign3A_702 = arith.constant 0 : i32
        %sign3A_703 = arith.cmpi sgt, %jit3A_693, %sign3A_702 : i32
        %sign3A_704 = arith.extui %sign3A_703 : i1 to i32
        %sign3A_705 = arith.constant 0 : i32
        %sign3A_706 = arith.cmpi slt, %jit3A_693, %sign3A_705 : i32
        %sign3A_707 = arith.extui %sign3A_706 : i1 to i32
        %sign3A_708 = arith.subi %sign3A_704, %sign3A_707 : i32
        %ne3A_709 = arith.cmpi ne, %sign3A_701, %sign3A_708 : i32
        %rem3A_710 = arith.remsi %add3A_692, %jit3A_693 : i32
        %ne3A_711 = arith.constant 0 : i32
        %ne3A_712 = arith.cmpi ne, %rem3A_710, %ne3A_711 : i32
        %and3A_713 = arith.andi %ne3A_709, %ne3A_712 : i1
        %sub3A_714 = arith.constant 1 : i32
        %sub3A_715 = arith.subi %div3A_694, %sub3A_714 : i32
        %select_n3A_716 = arith.select %and3A_713, %sub3A_715, %div3A_694 : i32
        %jit3A_717 = arith.constant 4 : i32
        %eq3A_718 = arith.constant 0 : i32
        %eq3A_719 = arith.cmpi eq, %jit3A_717, %eq3A_718 : i32
        %jit3A_720 = arith.constant 1 : i32
        %select_n3A_721 = arith.select %eq3A_719, %jit3A_720, %jit3A_717 : i32
        %rem3A_722 = arith.remsi %add3A_692, %select_n3A_721 : i32
        %ne3A_723 = arith.constant 0 : i32
        %ne3A_724 = arith.cmpi ne, %rem3A_722, %ne3A_723 : i32
        %lt3A_725 = arith.constant 0 : i32
        %lt3A_726 = arith.cmpi slt, %rem3A_722, %lt3A_725 : i32
        %lt3A_727 = arith.constant 0 : i32
        %lt3A_728 = arith.cmpi slt, %select_n3A_721, %lt3A_727 : i32
        %ne3A_729 = arith.xori %lt3A_726, %lt3A_728 : i1
        %and3A_730 = arith.andi %ne3A_729, %ne3A_724 : i1
        %add3A_731 = arith.addi %rem3A_722, %select_n3A_721 : i32
        %select_n3A_732 = arith.select %and3A_730, %add3A_731, %rem3A_722 : i32
        %dma_start3A_733 = arith.constant 2 : i32
        %dma_start3A_734 = arith.constant 0 : i32
        %dma_start3A_735 = arith.constant 0 : i32
        %dma_start3A_736 = tpu.memref_slice %arg6[%dma_start3A_733, %dma_start3A_734, %dma_start3A_735] : memref<4x128x32xf32, #tpu.memory_space<vmem>> -> memref<1x128x32xf32, #tpu.memory_space<vmem>>
        %dma_start3A_737 = tpu.memref_squeeze %dma_start3A_736 : memref<1x128x32xf32, #tpu.memory_space<vmem>> -> memref<128x32xf32, #tpu.memory_space<vmem>>
        %dma_start3A_738 = arith.constant 0 : i32
        %dma_start3A_739 = tpu.memref_slice %arg5[%select_n3A_716, %select_n3A_732, %dma_start3A_738] : memref<50x4x128xi32, #tpu.memory_space<vmem>> -> memref<1x1x128xi32, #tpu.memory_space<vmem>>
        %dma_start3A_740 = tpu.memref_squeeze %dma_start3A_739 : memref<1x1x128xi32, #tpu.memory_space<vmem>> -> memref<128xi32, #tpu.memory_space<vmem>>
        %dma_start3A_741 = arith.constant 0 : i32
        %dma_start3A_742 = arith.constant 0 : i32
        %dma_start3A_743 = tpu.memref_slice %arg3[%dma_start3A_741, %dma_start3A_742] : memref<1000000x32xf32, #tpu.memory_space<hbm>> -> memref<1000000x32xf32, #tpu.memory_space<hbm>>
        tpu.enqueue_indirect_dma source(%dma_start3A_743 : memref<1000000x32xf32, #tpu.memory_space<hbm>>) target(%dma_start3A_737 : memref<128x32xf32, #tpu.memory_space<vmem>>) offsets(%dma_start3A_740 : memref<128xi32, #tpu.memory_space<vmem>>) semaphore(%arg11 : memref<!tpu.dma_semaphore, #tpu.memory_space<semaphore_mem>>)
      } else {
      }
      %ge3A_593 = arith.constant 2 : i32
      %ge3A_594 = arith.cmpi sge, %add3A_570, %ge3A_593 : i32
      %convert_element_type3A_595 = arith.extui %ge3A_594 : i1 to i32
      %cond3A_596 = arith.constant 0 : i32
      %cond3A_597 = arith.cmpi ne, %convert_element_type3A_595, %cond3A_596 : i32
      scf.if %cond3A_597 {
        %dma_wait3A_691 = arith.constant 0 : i32
        %dma_wait3A_692 = arith.constant 0 : i32
        %dma_wait3A_693 = arith.constant 0 : i32
        %dma_wait3A_694 = arith.constant 0 : i32
        %dma_wait3A_695 = tpu.memref_slice %arg8[%dma_wait3A_694] : memref<4096xf32, #tpu.memory_space<vmem>> -> memref<1024xf32, #tpu.memory_space<vmem>>
        %dma_wait3A_696 = arith.constant 0 : i32
        %dma_wait3A_697 = tpu.memref_slice %arg4[%dma_wait3A_691, %dma_wait3A_692, %dma_wait3A_693, %dma_wait3A_696] : memref<50x4x128x1024xf32, #tpu.memory_space<hbm>> -> memref<1x1x1x1024xf32, #tpu.memory_space<hbm>>
        %dma_wait3A_698 = tpu.memref_squeeze %dma_wait3A_697 : memref<1x1x1x1024xf32, #tpu.memory_space<hbm>> -> memref<1024xf32, #tpu.memory_space<hbm>>
        %dma_wait3A_699 = arith.constant 0 : i32
        %dma_wait3A_700 = tpu.memref_slice %arg8[%dma_wait3A_699] : memref<4096xf32, #tpu.memory_space<vmem>> -> memref<1024xf32, #tpu.memory_space<vmem>>
        %dma_wait3A_701 = arith.constant 0 : i32
        %dma_wait3A_702 = tpu.memref_slice %arg4[%dma_wait3A_691, %dma_wait3A_692, %dma_wait3A_693, %dma_wait3A_701] : memref<50x4x128x1024xf32, #tpu.memory_space<hbm>> -> memref<1x1x1x1024xf32, #tpu.memory_space<hbm>>
        %dma_wait3A_703 = tpu.memref_squeeze %dma_wait3A_702 : memref<1x1x1x1024xf32, #tpu.memory_space<hbm>> -> memref<1024xf32, #tpu.memory_space<hbm>>
        tpu.wait_dma2 semaphore(%arg14 : memref<!tpu.dma_semaphore, #tpu.memory_space<semaphore_mem>>) src(%dma_wait3A_703 : memref<1024xf32, #tpu.memory_space<hbm>>) dst(%dma_wait3A_700 : memref<1024xf32, #tpu.memory_space<vmem>>)
        %dma_wait3A_704 = arith.constant 0 : i32
        %dma_wait3A_705 = arith.constant 0 : i32
        %dma_wait3A_706 = arith.constant 0 : i32
        %dma_wait3A_707 = arith.constant 1024 : i32
        %dma_wait3A_708 = tpu.memref_slice %arg8[%dma_wait3A_707] : memref<4096xf32, #tpu.memory_space<vmem>> -> memref<1024xf32, #tpu.memory_space<vmem>>
        %dma_wait3A_709 = arith.constant 0 : i32
        %dma_wait3A_710 = tpu.memref_slice %arg4[%dma_wait3A_704, %dma_wait3A_705, %dma_wait3A_706, %dma_wait3A_709] : memref<50x4x128x1024xf32, #tpu.memory_space<hbm>> -> memref<1x1x1x1024xf32, #tpu.memory_space<hbm>>
        %dma_wait3A_711 = tpu.memref_squeeze %dma_wait3A_710 : memref<1x1x1x1024xf32, #tpu.memory_space<hbm>> -> memref<1024xf32, #tpu.memory_space<hbm>>
        %dma_wait3A_712 = arith.constant 1024 : i32
        %dma_wait3A_713 = tpu.memref_slice %arg8[%dma_wait3A_712] : memref<4096xf32, #tpu.memory_space<vmem>> -> memref<1024xf32, #tpu.memory_space<vmem>>
        %dma_wait3A_714 = arith.constant 0 : i32
        %dma_wait3A_715 = tpu.memref_slice %arg4[%dma_wait3A_704, %dma_wait3A_705, %dma_wait3A_706, %dma_wait3A_714] : memref<50x4x128x1024xf32, #tpu.memory_space<hbm>> -> memref<1x1x1x1024xf32, #tpu.memory_space<hbm>>
        %dma_wait3A_716 = tpu.memref_squeeze %dma_wait3A_715 : memref<1x1x1x1024xf32, #tpu.memory_space<hbm>> -> memref<1024xf32, #tpu.memory_space<hbm>>
        tpu.wait_dma2 semaphore(%arg14 : memref<!tpu.dma_semaphore, #tpu.memory_space<semaphore_mem>>) src(%dma_wait3A_716 : memref<1024xf32, #tpu.memory_space<hbm>>) dst(%dma_wait3A_713 : memref<1024xf32, #tpu.memory_space<vmem>>)
        %dma_wait3A_717 = arith.constant 0 : i32
        %dma_wait3A_718 = arith.constant 0 : i32
        %dma_wait3A_719 = arith.constant 0 : i32
        %dma_wait3A_720 = arith.constant 2048 : i32
        %dma_wait3A_721 = tpu.memref_slice %arg8[%dma_wait3A_720] : memref<4096xf32, #tpu.memory_space<vmem>> -> memref<1024xf32, #tpu.memory_space<vmem>>
        %dma_wait3A_722 = arith.constant 0 : i32
        %dma_wait3A_723 = tpu.memref_slice %arg4[%dma_wait3A_717, %dma_wait3A_718, %dma_wait3A_719, %dma_wait3A_722] : memref<50x4x128x1024xf32, #tpu.memory_space<hbm>> -> memref<1x1x1x1024xf32, #tpu.memory_space<hbm>>
        %dma_wait3A_724 = tpu.memref_squeeze %dma_wait3A_723 : memref<1x1x1x1024xf32, #tpu.memory_space<hbm>> -> memref<1024xf32, #tpu.memory_space<hbm>>
        %dma_wait3A_725 = arith.constant 2048 : i32
        %dma_wait3A_726 = tpu.memref_slice %arg8[%dma_wait3A_725] : memref<4096xf32, #tpu.memory_space<vmem>> -> memref<1024xf32, #tpu.memory_space<vmem>>
        %dma_wait3A_727 = arith.constant 0 : i32
        %dma_wait3A_728 = tpu.memref_slice %arg4[%dma_wait3A_717, %dma_wait3A_718, %dma_wait3A_719, %dma_wait3A_727] : memref<50x4x128x1024xf32, #tpu.memory_space<hbm>> -> memref<1x1x1x1024xf32, #tpu.memory_space<hbm>>
        %dma_wait3A_729 = tpu.memref_squeeze %dma_wait3A_728 : memref<1x1x1x1024xf32, #tpu.memory_space<hbm>> -> memref<1024xf32, #tpu.memory_space<hbm>>
        tpu.wait_dma2 semaphore(%arg14 : memref<!tpu.dma_semaphore, #tpu.memory_space<semaphore_mem>>) src(%dma_wait3A_729 : memref<1024xf32, #tpu.memory_space<hbm>>) dst(%dma_wait3A_726 : memref<1024xf32, #tpu.memory_space<vmem>>)
        %dma_wait3A_730 = arith.constant 0 : i32
        %dma_wait3A_731 = arith.constant 0 : i32
        %dma_wait3A_732 = arith.constant 0 : i32
        %dma_wait3A_733 = arith.constant 3072 : i32
        %dma_wait3A_734 = tpu.memref_slice %arg8[%dma_wait3A_733] : memref<4096xf32, #tpu.memory_space<vmem>> -> memref<1024xf32, #tpu.memory_space<vmem>>
        %dma_wait3A_735 = arith.constant 0 : i32
        %dma_wait3A_736 = tpu.memref_slice %arg4[%dma_wait3A_730, %dma_wait3A_731, %dma_wait3A_732, %dma_wait3A_735] : memref<50x4x128x1024xf32, #tpu.memory_space<hbm>> -> memref<1x1x1x1024xf32, #tpu.memory_space<hbm>>
        %dma_wait3A_737 = tpu.memref_squeeze %dma_wait3A_736 : memref<1x1x1x1024xf32, #tpu.memory_space<hbm>> -> memref<1024xf32, #tpu.memory_space<hbm>>
        %dma_wait3A_738 = arith.constant 3072 : i32
        %dma_wait3A_739 = tpu.memref_slice %arg8[%dma_wait3A_738] : memref<4096xf32, #tpu.memory_space<vmem>> -> memref<1024xf32, #tpu.memory_space<vmem>>
        %dma_wait3A_740 = arith.constant 0 : i32
        %dma_wait3A_741 = tpu.memref_slice %arg4[%dma_wait3A_730, %dma_wait3A_731, %dma_wait3A_732, %dma_wait3A_740] : memref<50x4x128x1024xf32, #tpu.memory_space<hbm>> -> memref<1x1x1x1024xf32, #tpu.memory_space<hbm>>
        %dma_wait3A_742 = tpu.memref_squeeze %dma_wait3A_741 : memref<1x1x1x1024xf32, #tpu.memory_space<hbm>> -> memref<1024xf32, #tpu.memory_space<hbm>>
        tpu.wait_dma2 semaphore(%arg14 : memref<!tpu.dma_semaphore, #tpu.memory_space<semaphore_mem>>) src(%dma_wait3A_742 : memref<1024xf32, #tpu.memory_space<hbm>>) dst(%dma_wait3A_739 : memref<1024xf32, #tpu.memory_space<vmem>>)
      } else {
      }
      %scan3A_598 = arith.constant 0 : i32
      %scan3A_599 = arith.constant 8 : i32
      %scan3A_600 = arith.addi %scan3A_598, %scan3A_599 : i32
      %scan3A_601 = arith.constant 1 : i32
      scf.for %scan3A_691 = %scan3A_598 to %scan3A_600 step %scan3A_601  : i32 {
        %mul3A_692 = arith.constant 1 : i32
        %mul3A_693 = arith.muli %scan3A_691, %mul3A_692 : i32
        %add3A_694 = arith.constant 0 : i32
        %add3A_695 = arith.addi %add3A_694, %mul3A_693 : i32
        %mul3A_696 = arith.constant 16 : i32
        %mul3A_697 = arith.muli %add3A_695, %mul3A_696 : i32
        %add3A_698 = vector.broadcast %mul3A_697 : i32 to vector<16xi32>
        %add3A_699 = arith.addi %iota3A, %add3A_698 : vector<16xi32>
        %gather3A = arith.constant 3 : i32
        %gather3A_700 = arith.constant 0 : i32
        %gather3A_701 = arith.constant 0 : i32
        %gather3A_702 = tpu.memref_slice %arg6[%gather3A, %gather3A_700, %gather3A_701] : memref<4x128x32xf32, #tpu.memory_space<vmem>> -> memref<1x128x32xf32, #tpu.memory_space<vmem>>
        %gather3A_703 = tpu.memref_squeeze %gather3A_702 : memref<1x128x32xf32, #tpu.memory_space<vmem>> -> memref<128x32xf32, #tpu.memory_space<vmem>>
        %gather3A_704 = tpu.vector_load_idx %gather3A_703[%add3A_699, %broadcast_in_dim3A_3] : memref<128x32xf32, #tpu.memory_space<vmem>>[vector<16xi32>, vector<16xi32>], vector<16xf32>,
        %mul3A_705 = arith.constant 5.65685415 : f32
        %mul3A_706 = vector.broadcast %mul3A_705 : f32 to vector<16xf32>
        %mul3A_707 = arith.mulf %gather3A_704, %mul3A_706 : vector<16xf32>
        %gather3A_708 = arith.constant 3 : i32
        %gather3A_709 = arith.constant 0 : i32
        %gather3A_710 = arith.constant 0 : i32
        %gather3A_711 = tpu.memref_slice %arg6[%gather3A_708, %gather3A_709, %gather3A_710] : memref<4x128x32xf32, #tpu.memory_space<vmem>> -> memref<1x128x32xf32, #tpu.memory_space<vmem>>
        %gather3A_712 = tpu.memref_squeeze %gather3A_711 : memref<1x128x32xf32, #tpu.memory_space<vmem>> -> memref<128x32xf32, #tpu.memory_space<vmem>>
        %gather3A_713 = tpu.vector_load_idx %gather3A_712[%add3A_699, %broadcast_in_dim3A_5] : memref<128x32xf32, #tpu.memory_space<vmem>>[vector<16xi32>, vector<16xi32>], vector<16xf32>,
        %mul3A_714 = arith.constant 5.65685415 : f32
        %mul3A_715 = vector.broadcast %mul3A_714 : f32 to vector<16xf32>
        %mul3A_716 = arith.mulf %gather3A_713, %mul3A_715 : vector<16xf32>
        %gather3A_717 = arith.constant 3 : i32
        %gather3A_718 = arith.constant 0 : i32
        %gather3A_719 = arith.constant 0 : i32
        %gather3A_720 = tpu.memref_slice %arg6[%gather3A_717, %gather3A_718, %gather3A_719] : memref<4x128x32xf32, #tpu.memory_space<vmem>> -> memref<1x128x32xf32, #tpu.memory_space<vmem>>
        %gather3A_721 = tpu.memref_squeeze %gather3A_720 : memref<1x128x32xf32, #tpu.memory_space<vmem>> -> memref<128x32xf32, #tpu.memory_space<vmem>>
        %gather3A_722 = tpu.vector_load_idx %gather3A_721[%add3A_699, %broadcast_in_dim3A_7] : memref<128x32xf32, #tpu.memory_space<vmem>>[vector<16xi32>, vector<16xi32>], vector<16xf32>,
        %mul3A_723 = arith.constant 5.65685415 : f32
        %mul3A_724 = vector.broadcast %mul3A_723 : f32 to vector<16xf32>
        %mul3A_725 = arith.mulf %gather3A_722, %mul3A_724 : vector<16xf32>
        %gather3A_726 = arith.constant 3 : i32
        %gather3A_727 = arith.constant 0 : i32
        %gather3A_728 = arith.constant 0 : i32
        %gather3A_729 = tpu.memref_slice %arg6[%gather3A_726, %gather3A_727, %gather3A_728] : memref<4x128x32xf32, #tpu.memory_space<vmem>> -> memref<1x128x32xf32, #tpu.memory_space<vmem>>
        %gather3A_730 = tpu.memref_squeeze %gather3A_729 : memref<1x128x32xf32, #tpu.memory_space<vmem>> -> memref<128x32xf32, #tpu.memory_space<vmem>>
        %gather3A_731 = tpu.vector_load_idx %gather3A_730[%add3A_699, %broadcast_in_dim3A_9] : memref<128x32xf32, #tpu.memory_space<vmem>>[vector<16xi32>, vector<16xi32>], vector<16xf32>,
        %mul3A_732 = arith.constant 5.65685415 : f32
        %mul3A_733 = vector.broadcast %mul3A_732 : f32 to vector<16xf32>
        %mul3A_734 = arith.mulf %gather3A_731, %mul3A_733 : vector<16xf32>
        %gather3A_735 = arith.constant 3 : i32
        %gather3A_736 = arith.constant 0 : i32
        %gather3A_737 = arith.constant 0 : i32
        %gather3A_738 = tpu.memref_slice %arg6[%gather3A_735, %gather3A_736, %gather3A_737] : memref<4x128x32xf32, #tpu.memory_space<vmem>> -> memref<1x128x32xf32, #tpu.memory_space<vmem>>
        %gather3A_739 = tpu.memref_squeeze %gather3A_738 : memref<1x128x32xf32, #tpu.memory_space<vmem>> -> memref<128x32xf32, #tpu.memory_space<vmem>>
        %gather3A_740 = tpu.vector_load_idx %gather3A_739[%add3A_699, %broadcast_in_dim3A_11] : memref<128x32xf32, #tpu.memory_space<vmem>>[vector<16xi32>, vector<16xi32>], vector<16xf32>,
        %mul3A_741 = arith.constant 5.65685415 : f32
        %mul3A_742 = vector.broadcast %mul3A_741 : f32 to vector<16xf32>
        %mul3A_743 = arith.mulf %gather3A_740, %mul3A_742 : vector<16xf32>
        %gather3A_744 = arith.constant 3 : i32
        %gather3A_745 = arith.constant 0 : i32
        %gather3A_746 = arith.constant 0 : i32
        %gather3A_747 = tpu.memref_slice %arg6[%gather3A_744, %gather3A_745, %gather3A_746] : memref<4x128x32xf32, #tpu.memory_space<vmem>> -> memref<1x128x32xf32, #tpu.memory_space<vmem>>
        %gather3A_748 = tpu.memref_squeeze %gather3A_747 : memref<1x128x32xf32, #tpu.memory_space<vmem>> -> memref<128x32xf32, #tpu.memory_space<vmem>>
        %gather3A_749 = tpu.vector_load_idx %gather3A_748[%add3A_699, %broadcast_in_dim3A_13] : memref<128x32xf32, #tpu.memory_space<vmem>>[vector<16xi32>, vector<16xi32>], vector<16xf32>,
        %mul3A_750 = arith.constant 5.65685415 : f32
        %mul3A_751 = vector.broadcast %mul3A_750 : f32 to vector<16xf32>
        %mul3A_752 = arith.mulf %gather3A_749, %mul3A_751 : vector<16xf32>
        %gather3A_753 = arith.constant 3 : i32
        %gather3A_754 = arith.constant 0 : i32
        %gather3A_755 = arith.constant 0 : i32
        %gather3A_756 = tpu.memref_slice %arg6[%gather3A_753, %gather3A_754, %gather3A_755] : memref<4x128x32xf32, #tpu.memory_space<vmem>> -> memref<1x128x32xf32, #tpu.memory_space<vmem>>
        %gather3A_757 = tpu.memref_squeeze %gather3A_756 : memref<1x128x32xf32, #tpu.memory_space<vmem>> -> memref<128x32xf32, #tpu.memory_space<vmem>>
        %gather3A_758 = tpu.vector_load_idx %gather3A_757[%add3A_699, %broadcast_in_dim3A_15] : memref<128x32xf32, #tpu.memory_space<vmem>>[vector<16xi32>, vector<16xi32>], vector<16xf32>,
        %mul3A_759 = arith.constant 5.65685415 : f32
        %mul3A_760 = vector.broadcast %mul3A_759 : f32 to vector<16xf32>
        %mul3A_761 = arith.mulf %gather3A_758, %mul3A_760 : vector<16xf32>
        %gather3A_762 = arith.constant 3 : i32
        %gather3A_763 = arith.constant 0 : i32
        %gather3A_764 = arith.constant 0 : i32
        %gather3A_765 = tpu.memref_slice %arg6[%gather3A_762, %gather3A_763, %gather3A_764] : memref<4x128x32xf32, #tpu.memory_space<vmem>> -> memref<1x128x32xf32, #tpu.memory_space<vmem>>
        %gather3A_766 = tpu.memref_squeeze %gather3A_765 : memref<1x128x32xf32, #tpu.memory_space<vmem>> -> memref<128x32xf32, #tpu.memory_space<vmem>>
        %gather3A_767 = tpu.vector_load_idx %gather3A_766[%add3A_699, %broadcast_in_dim3A_17] : memref<128x32xf32, #tpu.memory_space<vmem>>[vector<16xi32>, vector<16xi32>], vector<16xf32>,
        %mul3A_768 = arith.constant 5.65685415 : f32
        %mul3A_769 = vector.broadcast %mul3A_768 : f32 to vector<16xf32>
        %mul3A_770 = arith.mulf %gather3A_767, %mul3A_769 : vector<16xf32>
        %gather3A_771 = arith.constant 3 : i32
        %gather3A_772 = arith.constant 0 : i32
        %gather3A_773 = arith.constant 0 : i32
        %gather3A_774 = tpu.memref_slice %arg6[%gather3A_771, %gather3A_772, %gather3A_773] : memref<4x128x32xf32, #tpu.memory_space<vmem>> -> memref<1x128x32xf32, #tpu.memory_space<vmem>>
        %gather3A_775 = tpu.memref_squeeze %gather3A_774 : memref<1x128x32xf32, #tpu.memory_space<vmem>> -> memref<128x32xf32, #tpu.memory_space<vmem>>
        %gather3A_776 = tpu.vector_load_idx %gather3A_775[%add3A_699, %broadcast_in_dim3A_19] : memref<128x32xf32, #tpu.memory_space<vmem>>[vector<16xi32>, vector<16xi32>], vector<16xf32>,
        %mul3A_777 = arith.constant 5.65685415 : f32
        %mul3A_778 = vector.broadcast %mul3A_777 : f32 to vector<16xf32>
        %mul3A_779 = arith.mulf %gather3A_776, %mul3A_778 : vector<16xf32>
        %gather3A_780 = arith.constant 3 : i32
        %gather3A_781 = arith.constant 0 : i32
        %gather3A_782 = arith.constant 0 : i32
        %gather3A_783 = tpu.memref_slice %arg6[%gather3A_780, %gather3A_781, %gather3A_782] : memref<4x128x32xf32, #tpu.memory_space<vmem>> -> memref<1x128x32xf32, #tpu.memory_space<vmem>>
        %gather3A_784 = tpu.memref_squeeze %gather3A_783 : memref<1x128x32xf32, #tpu.memory_space<vmem>> -> memref<128x32xf32, #tpu.memory_space<vmem>>
        %gather3A_785 = tpu.vector_load_idx %gather3A_784[%add3A_699, %broadcast_in_dim3A_21] : memref<128x32xf32, #tpu.memory_space<vmem>>[vector<16xi32>, vector<16xi32>], vector<16xf32>,
        %mul3A_786 = arith.constant 5.65685415 : f32
        %mul3A_787 = vector.broadcast %mul3A_786 : f32 to vector<16xf32>
        %mul3A_788 = arith.mulf %gather3A_785, %mul3A_787 : vector<16xf32>
        %gather3A_789 = arith.constant 3 : i32
        %gather3A_790 = arith.constant 0 : i32
        %gather3A_791 = arith.constant 0 : i32
        %gather3A_792 = tpu.memref_slice %arg6[%gather3A_789, %gather3A_790, %gather3A_791] : memref<4x128x32xf32, #tpu.memory_space<vmem>> -> memref<1x128x32xf32, #tpu.memory_space<vmem>>
        %gather3A_793 = tpu.memref_squeeze %gather3A_792 : memref<1x128x32xf32, #tpu.memory_space<vmem>> -> memref<128x32xf32, #tpu.memory_space<vmem>>
        %gather3A_794 = tpu.vector_load_idx %gather3A_793[%add3A_699, %broadcast_in_dim3A_23] : memref<128x32xf32, #tpu.memory_space<vmem>>[vector<16xi32>, vector<16xi32>], vector<16xf32>,
        %mul3A_795 = arith.constant 5.65685415 : f32
        %mul3A_796 = vector.broadcast %mul3A_795 : f32 to vector<16xf32>
        %mul3A_797 = arith.mulf %gather3A_794, %mul3A_796 : vector<16xf32>
        %gather3A_798 = arith.constant 3 : i32
        %gather3A_799 = arith.constant 0 : i32
        %gather3A_800 = arith.constant 0 : i32
        %gather3A_801 = tpu.memref_slice %arg6[%gather3A_798, %gather3A_799, %gather3A_800] : memref<4x128x32xf32, #tpu.memory_space<vmem>> -> memref<1x128x32xf32, #tpu.memory_space<vmem>>
        %gather3A_802 = tpu.memref_squeeze %gather3A_801 : memref<1x128x32xf32, #tpu.memory_space<vmem>> -> memref<128x32xf32, #tpu.memory_space<vmem>>
        %gather3A_803 = tpu.vector_load_idx %gather3A_802[%add3A_699, %broadcast_in_dim3A_25] : memref<128x32xf32, #tpu.memory_space<vmem>>[vector<16xi32>, vector<16xi32>], vector<16xf32>,
        %mul3A_804 = arith.constant 5.65685415 : f32
        %mul3A_805 = vector.broadcast %mul3A_804 : f32 to vector<16xf32>
        %mul3A_806 = arith.mulf %gather3A_803, %mul3A_805 : vector<16xf32>
        %gather3A_807 = arith.constant 3 : i32
        %gather3A_808 = arith.constant 0 : i32
        %gather3A_809 = arith.constant 0 : i32
        %gather3A_810 = tpu.memref_slice %arg6[%gather3A_807, %gather3A_808, %gather3A_809] : memref<4x128x32xf32, #tpu.memory_space<vmem>> -> memref<1x128x32xf32, #tpu.memory_space<vmem>>
        %gather3A_811 = tpu.memref_squeeze %gather3A_810 : memref<1x128x32xf32, #tpu.memory_space<vmem>> -> memref<128x32xf32, #tpu.memory_space<vmem>>
        %gather3A_812 = tpu.vector_load_idx %gather3A_811[%add3A_699, %broadcast_in_dim3A_27] : memref<128x32xf32, #tpu.memory_space<vmem>>[vector<16xi32>, vector<16xi32>], vector<16xf32>,
        %mul3A_813 = arith.constant 5.65685415 : f32
        %mul3A_814 = vector.broadcast %mul3A_813 : f32 to vector<16xf32>
        %mul3A_815 = arith.mulf %gather3A_812, %mul3A_814 : vector<16xf32>
        %gather3A_816 = arith.constant 3 : i32
        %gather3A_817 = arith.constant 0 : i32
        %gather3A_818 = arith.constant 0 : i32
        %gather3A_819 = tpu.memref_slice %arg6[%gather3A_816, %gather3A_817, %gather3A_818] : memref<4x128x32xf32, #tpu.memory_space<vmem>> -> memref<1x128x32xf32, #tpu.memory_space<vmem>>
        %gather3A_820 = tpu.memref_squeeze %gather3A_819 : memref<1x128x32xf32, #tpu.memory_space<vmem>> -> memref<128x32xf32, #tpu.memory_space<vmem>>
        %gather3A_821 = tpu.vector_load_idx %gather3A_820[%add3A_699, %broadcast_in_dim3A_29] : memref<128x32xf32, #tpu.memory_space<vmem>>[vector<16xi32>, vector<16xi32>], vector<16xf32>,
        %mul3A_822 = arith.constant 5.65685415 : f32
        %mul3A_823 = vector.broadcast %mul3A_822 : f32 to vector<16xf32>
        %mul3A_824 = arith.mulf %gather3A_821, %mul3A_823 : vector<16xf32>
        %gather3A_825 = arith.constant 3 : i32
        %gather3A_826 = arith.constant 0 : i32
        %gather3A_827 = arith.constant 0 : i32
        %gather3A_828 = tpu.memref_slice %arg6[%gather3A_825, %gather3A_826, %gather3A_827] : memref<4x128x32xf32, #tpu.memory_space<vmem>> -> memref<1x128x32xf32, #tpu.memory_space<vmem>>
        %gather3A_829 = tpu.memref_squeeze %gather3A_828 : memref<1x128x32xf32, #tpu.memory_space<vmem>> -> memref<128x32xf32, #tpu.memory_space<vmem>>
        %gather3A_830 = tpu.vector_load_idx %gather3A_829[%add3A_699, %broadcast_in_dim3A_31] : memref<128x32xf32, #tpu.memory_space<vmem>>[vector<16xi32>, vector<16xi32>], vector<16xf32>,
        %mul3A_831 = arith.constant 5.65685415 : f32
        %mul3A_832 = vector.broadcast %mul3A_831 : f32 to vector<16xf32>
        %mul3A_833 = arith.mulf %gather3A_830, %mul3A_832 : vector<16xf32>
        %gather3A_834 = arith.constant 3 : i32
        %gather3A_835 = arith.constant 0 : i32
        %gather3A_836 = arith.constant 0 : i32
        %gather3A_837 = tpu.memref_slice %arg6[%gather3A_834, %gather3A_835, %gather3A_836] : memref<4x128x32xf32, #tpu.memory_space<vmem>> -> memref<1x128x32xf32, #tpu.memory_space<vmem>>
        %gather3A_838 = tpu.memref_squeeze %gather3A_837 : memref<1x128x32xf32, #tpu.memory_space<vmem>> -> memref<128x32xf32, #tpu.memory_space<vmem>>
        %gather3A_839 = tpu.vector_load_idx %gather3A_838[%add3A_699, %broadcast_in_dim3A_33] : memref<128x32xf32, #tpu.memory_space<vmem>>[vector<16xi32>, vector<16xi32>], vector<16xf32>,
        %mul3A_840 = arith.constant 5.65685415 : f32
        %mul3A_841 = vector.broadcast %mul3A_840 : f32 to vector<16xf32>
        %mul3A_842 = arith.mulf %gather3A_839, %mul3A_841 : vector<16xf32>
        %gather3A_843 = arith.constant 3 : i32
        %gather3A_844 = arith.constant 0 : i32
        %gather3A_845 = arith.constant 0 : i32
        %gather3A_846 = tpu.memref_slice %arg6[%gather3A_843, %gather3A_844, %gather3A_845] : memref<4x128x32xf32, #tpu.memory_space<vmem>> -> memref<1x128x32xf32, #tpu.memory_space<vmem>>
        %gather3A_847 = tpu.memref_squeeze %gather3A_846 : memref<1x128x32xf32, #tpu.memory_space<vmem>> -> memref<128x32xf32, #tpu.memory_space<vmem>>
        %gather3A_848 = tpu.vector_load_idx %gather3A_847[%add3A_699, %broadcast_in_dim3A_35] : memref<128x32xf32, #tpu.memory_space<vmem>>[vector<16xi32>, vector<16xi32>], vector<16xf32>,
        %mul3A_849 = arith.constant 5.65685415 : f32
        %mul3A_850 = vector.broadcast %mul3A_849 : f32 to vector<16xf32>
        %mul3A_851 = arith.mulf %gather3A_848, %mul3A_850 : vector<16xf32>
        %gather3A_852 = arith.constant 3 : i32
        %gather3A_853 = arith.constant 0 : i32
        %gather3A_854 = arith.constant 0 : i32
        %gather3A_855 = tpu.memref_slice %arg6[%gather3A_852, %gather3A_853, %gather3A_854] : memref<4x128x32xf32, #tpu.memory_space<vmem>> -> memref<1x128x32xf32, #tpu.memory_space<vmem>>
        %gather3A_856 = tpu.memref_squeeze %gather3A_855 : memref<1x128x32xf32, #tpu.memory_space<vmem>> -> memref<128x32xf32, #tpu.memory_space<vmem>>
        %gather3A_857 = tpu.vector_load_idx %gather3A_856[%add3A_699, %broadcast_in_dim3A_37] : memref<128x32xf32, #tpu.memory_space<vmem>>[vector<16xi32>, vector<16xi32>], vector<16xf32>,
        %mul3A_858 = arith.constant 5.65685415 : f32
        %mul3A_859 = vector.broadcast %mul3A_858 : f32 to vector<16xf32>
        %mul3A_860 = arith.mulf %gather3A_857, %mul3A_859 : vector<16xf32>
        %gather3A_861 = arith.constant 3 : i32
        %gather3A_862 = arith.constant 0 : i32
        %gather3A_863 = arith.constant 0 : i32
        %gather3A_864 = tpu.memref_slice %arg6[%gather3A_861, %gather3A_862, %gather3A_863] : memref<4x128x32xf32, #tpu.memory_space<vmem>> -> memref<1x128x32xf32, #tpu.memory_space<vmem>>
        %gather3A_865 = tpu.memref_squeeze %gather3A_864 : memref<1x128x32xf32, #tpu.memory_space<vmem>> -> memref<128x32xf32, #tpu.memory_space<vmem>>
        %gather3A_866 = tpu.vector_load_idx %gather3A_865[%add3A_699, %broadcast_in_dim3A_39] : memref<128x32xf32, #tpu.memory_space<vmem>>[vector<16xi32>, vector<16xi32>], vector<16xf32>,
        %mul3A_867 = arith.constant 5.65685415 : f32
        %mul3A_868 = vector.broadcast %mul3A_867 : f32 to vector<16xf32>
        %mul3A_869 = arith.mulf %gather3A_866, %mul3A_868 : vector<16xf32>
        %gather3A_870 = arith.constant 3 : i32
        %gather3A_871 = arith.constant 0 : i32
        %gather3A_872 = arith.constant 0 : i32
        %gather3A_873 = tpu.memref_slice %arg6[%gather3A_870, %gather3A_871, %gather3A_872] : memref<4x128x32xf32, #tpu.memory_space<vmem>> -> memref<1x128x32xf32, #tpu.memory_space<vmem>>
        %gather3A_874 = tpu.memref_squeeze %gather3A_873 : memref<1x128x32xf32, #tpu.memory_space<vmem>> -> memref<128x32xf32, #tpu.memory_space<vmem>>
        %gather3A_875 = tpu.vector_load_idx %gather3A_874[%add3A_699, %broadcast_in_dim3A_41] : memref<128x32xf32, #tpu.memory_space<vmem>>[vector<16xi32>, vector<16xi32>], vector<16xf32>,
        %mul3A_876 = arith.constant 5.65685415 : f32
        %mul3A_877 = vector.broadcast %mul3A_876 : f32 to vector<16xf32>
        %mul3A_878 = arith.mulf %gather3A_875, %mul3A_877 : vector<16xf32>
        %gather3A_879 = arith.constant 3 : i32
        %gather3A_880 = arith.constant 0 : i32
        %gather3A_881 = arith.constant 0 : i32
        %gather3A_882 = tpu.memref_slice %arg6[%gather3A_879, %gather3A_880, %gather3A_881] : memref<4x128x32xf32, #tpu.memory_space<vmem>> -> memref<1x128x32xf32, #tpu.memory_space<vmem>>
        %gather3A_883 = tpu.memref_squeeze %gather3A_882 : memref<1x128x32xf32, #tpu.memory_space<vmem>> -> memref<128x32xf32, #tpu.memory_space<vmem>>
        %gather3A_884 = tpu.vector_load_idx %gather3A_883[%add3A_699, %broadcast_in_dim3A_43] : memref<128x32xf32, #tpu.memory_space<vmem>>[vector<16xi32>, vector<16xi32>], vector<16xf32>,
        %mul3A_885 = arith.constant 5.65685415 : f32
        %mul3A_886 = vector.broadcast %mul3A_885 : f32 to vector<16xf32>
        %mul3A_887 = arith.mulf %gather3A_884, %mul3A_886 : vector<16xf32>
        %gather3A_888 = arith.constant 3 : i32
        %gather3A_889 = arith.constant 0 : i32
        %gather3A_890 = arith.constant 0 : i32
        %gather3A_891 = tpu.memref_slice %arg6[%gather3A_888, %gather3A_889, %gather3A_890] : memref<4x128x32xf32, #tpu.memory_space<vmem>> -> memref<1x128x32xf32, #tpu.memory_space<vmem>>
        %gather3A_892 = tpu.memref_squeeze %gather3A_891 : memref<1x128x32xf32, #tpu.memory_space<vmem>> -> memref<128x32xf32, #tpu.memory_space<vmem>>
        %gather3A_893 = tpu.vector_load_idx %gather3A_892[%add3A_699, %broadcast_in_dim3A_45] : memref<128x32xf32, #tpu.memory_space<vmem>>[vector<16xi32>, vector<16xi32>], vector<16xf32>,
        %mul3A_894 = arith.constant 5.65685415 : f32
        %mul3A_895 = vector.broadcast %mul3A_894 : f32 to vector<16xf32>
        %mul3A_896 = arith.mulf %gather3A_893, %mul3A_895 : vector<16xf32>
        %gather3A_897 = arith.constant 3 : i32
        %gather3A_898 = arith.constant 0 : i32
        %gather3A_899 = arith.constant 0 : i32
        %gather3A_900 = tpu.memref_slice %arg6[%gather3A_897, %gather3A_898, %gather3A_899] : memref<4x128x32xf32, #tpu.memory_space<vmem>> -> memref<1x128x32xf32, #tpu.memory_space<vmem>>
        %gather3A_901 = tpu.memref_squeeze %gather3A_900 : memref<1x128x32xf32, #tpu.memory_space<vmem>> -> memref<128x32xf32, #tpu.memory_space<vmem>>
        %gather3A_902 = tpu.vector_load_idx %gather3A_901[%add3A_699, %broadcast_in_dim3A_47] : memref<128x32xf32, #tpu.memory_space<vmem>>[vector<16xi32>, vector<16xi32>], vector<16xf32>,
        %mul3A_903 = arith.constant 5.65685415 : f32
        %mul3A_904 = vector.broadcast %mul3A_903 : f32 to vector<16xf32>
        %mul3A_905 = arith.mulf %gather3A_902, %mul3A_904 : vector<16xf32>
        %gather3A_906 = arith.constant 3 : i32
        %gather3A_907 = arith.constant 0 : i32
        %gather3A_908 = arith.constant 0 : i32
        %gather3A_909 = tpu.memref_slice %arg6[%gather3A_906, %gather3A_907, %gather3A_908] : memref<4x128x32xf32, #tpu.memory_space<vmem>> -> memref<1x128x32xf32, #tpu.memory_space<vmem>>
        %gather3A_910 = tpu.memref_squeeze %gather3A_909 : memref<1x128x32xf32, #tpu.memory_space<vmem>> -> memref<128x32xf32, #tpu.memory_space<vmem>>
        %gather3A_911 = tpu.vector_load_idx %gather3A_910[%add3A_699, %broadcast_in_dim3A_49] : memref<128x32xf32, #tpu.memory_space<vmem>>[vector<16xi32>, vector<16xi32>], vector<16xf32>,
        %mul3A_912 = arith.constant 5.65685415 : f32
        %mul3A_913 = vector.broadcast %mul3A_912 : f32 to vector<16xf32>
        %mul3A_914 = arith.mulf %gather3A_911, %mul3A_913 : vector<16xf32>
        %gather3A_915 = arith.constant 3 : i32
        %gather3A_916 = arith.constant 0 : i32
        %gather3A_917 = arith.constant 0 : i32
        %gather3A_918 = tpu.memref_slice %arg6[%gather3A_915, %gather3A_916, %gather3A_917] : memref<4x128x32xf32, #tpu.memory_space<vmem>> -> memref<1x128x32xf32, #tpu.memory_space<vmem>>
        %gather3A_919 = tpu.memref_squeeze %gather3A_918 : memref<1x128x32xf32, #tpu.memory_space<vmem>> -> memref<128x32xf32, #tpu.memory_space<vmem>>
        %gather3A_920 = tpu.vector_load_idx %gather3A_919[%add3A_699, %broadcast_in_dim3A_51] : memref<128x32xf32, #tpu.memory_space<vmem>>[vector<16xi32>, vector<16xi32>], vector<16xf32>,
        %mul3A_921 = arith.constant 5.65685415 : f32
        %mul3A_922 = vector.broadcast %mul3A_921 : f32 to vector<16xf32>
        %mul3A_923 = arith.mulf %gather3A_920, %mul3A_922 : vector<16xf32>
        %gather3A_924 = arith.constant 3 : i32
        %gather3A_925 = arith.constant 0 : i32
        %gather3A_926 = arith.constant 0 : i32
        %gather3A_927 = tpu.memref_slice %arg6[%gather3A_924, %gather3A_925, %gather3A_926] : memref<4x128x32xf32, #tpu.memory_space<vmem>> -> memref<1x128x32xf32, #tpu.memory_space<vmem>>
        %gather3A_928 = tpu.memref_squeeze %gather3A_927 : memref<1x128x32xf32, #tpu.memory_space<vmem>> -> memref<128x32xf32, #tpu.memory_space<vmem>>
        %gather3A_929 = tpu.vector_load_idx %gather3A_928[%add3A_699, %broadcast_in_dim3A_53] : memref<128x32xf32, #tpu.memory_space<vmem>>[vector<16xi32>, vector<16xi32>], vector<16xf32>,
        %mul3A_930 = arith.constant 5.65685415 : f32
        %mul3A_931 = vector.broadcast %mul3A_930 : f32 to vector<16xf32>
        %mul3A_932 = arith.mulf %gather3A_929, %mul3A_931 : vector<16xf32>
        %gather3A_933 = arith.constant 3 : i32
        %gather3A_934 = arith.constant 0 : i32
        %gather3A_935 = arith.constant 0 : i32
        %gather3A_936 = tpu.memref_slice %arg6[%gather3A_933, %gather3A_934, %gather3A_935] : memref<4x128x32xf32, #tpu.memory_space<vmem>> -> memref<1x128x32xf32, #tpu.memory_space<vmem>>
        %gather3A_937 = tpu.memref_squeeze %gather3A_936 : memref<1x128x32xf32, #tpu.memory_space<vmem>> -> memref<128x32xf32, #tpu.memory_space<vmem>>
        %gather3A_938 = tpu.vector_load_idx %gather3A_937[%add3A_699, %broadcast_in_dim3A_55] : memref<128x32xf32, #tpu.memory_space<vmem>>[vector<16xi32>, vector<16xi32>], vector<16xf32>,
        %mul3A_939 = arith.constant 5.65685415 : f32
        %mul3A_940 = vector.broadcast %mul3A_939 : f32 to vector<16xf32>
        %mul3A_941 = arith.mulf %gather3A_938, %mul3A_940 : vector<16xf32>
        %gather3A_942 = arith.constant 3 : i32
        %gather3A_943 = arith.constant 0 : i32
        %gather3A_944 = arith.constant 0 : i32
        %gather3A_945 = tpu.memref_slice %arg6[%gather3A_942, %gather3A_943, %gather3A_944] : memref<4x128x32xf32, #tpu.memory_space<vmem>> -> memref<1x128x32xf32, #tpu.memory_space<vmem>>
        %gather3A_946 = tpu.memref_squeeze %gather3A_945 : memref<1x128x32xf32, #tpu.memory_space<vmem>> -> memref<128x32xf32, #tpu.memory_space<vmem>>
        %gather3A_947 = tpu.vector_load_idx %gather3A_946[%add3A_699, %broadcast_in_dim3A_57] : memref<128x32xf32, #tpu.memory_space<vmem>>[vector<16xi32>, vector<16xi32>], vector<16xf32>,
        %mul3A_948 = arith.constant 5.65685415 : f32
        %mul3A_949 = vector.broadcast %mul3A_948 : f32 to vector<16xf32>
        %mul3A_950 = arith.mulf %gather3A_947, %mul3A_949 : vector<16xf32>
        %gather3A_951 = arith.constant 3 : i32
        %gather3A_952 = arith.constant 0 : i32
        %gather3A_953 = arith.constant 0 : i32
        %gather3A_954 = tpu.memref_slice %arg6[%gather3A_951, %gather3A_952, %gather3A_953] : memref<4x128x32xf32, #tpu.memory_space<vmem>> -> memref<1x128x32xf32, #tpu.memory_space<vmem>>
        %gather3A_955 = tpu.memref_squeeze %gather3A_954 : memref<1x128x32xf32, #tpu.memory_space<vmem>> -> memref<128x32xf32, #tpu.memory_space<vmem>>
        %gather3A_956 = tpu.vector_load_idx %gather3A_955[%add3A_699, %broadcast_in_dim3A_59] : memref<128x32xf32, #tpu.memory_space<vmem>>[vector<16xi32>, vector<16xi32>], vector<16xf32>,
        %mul3A_957 = arith.constant 5.65685415 : f32
        %mul3A_958 = vector.broadcast %mul3A_957 : f32 to vector<16xf32>
        %mul3A_959 = arith.mulf %gather3A_956, %mul3A_958 : vector<16xf32>
        %gather3A_960 = arith.constant 3 : i32
        %gather3A_961 = arith.constant 0 : i32
        %gather3A_962 = arith.constant 0 : i32
        %gather3A_963 = tpu.memref_slice %arg6[%gather3A_960, %gather3A_961, %gather3A_962] : memref<4x128x32xf32, #tpu.memory_space<vmem>> -> memref<1x128x32xf32, #tpu.memory_space<vmem>>
        %gather3A_964 = tpu.memref_squeeze %gather3A_963 : memref<1x128x32xf32, #tpu.memory_space<vmem>> -> memref<128x32xf32, #tpu.memory_space<vmem>>
        %gather3A_965 = tpu.vector_load_idx %gather3A_964[%add3A_699, %broadcast_in_dim3A_61] : memref<128x32xf32, #tpu.memory_space<vmem>>[vector<16xi32>, vector<16xi32>], vector<16xf32>,
        %mul3A_966 = arith.constant 5.65685415 : f32
        %mul3A_967 = vector.broadcast %mul3A_966 : f32 to vector<16xf32>
        %mul3A_968 = arith.mulf %gather3A_965, %mul3A_967 : vector<16xf32>
        %gather3A_969 = arith.constant 3 : i32
        %gather3A_970 = arith.constant 0 : i32
        %gather3A_971 = arith.constant 0 : i32
        %gather3A_972 = tpu.memref_slice %arg6[%gather3A_969, %gather3A_970, %gather3A_971] : memref<4x128x32xf32, #tpu.memory_space<vmem>> -> memref<1x128x32xf32, #tpu.memory_space<vmem>>
        %gather3A_973 = tpu.memref_squeeze %gather3A_972 : memref<1x128x32xf32, #tpu.memory_space<vmem>> -> memref<128x32xf32, #tpu.memory_space<vmem>>
        %gather3A_974 = tpu.vector_load_idx %gather3A_973[%add3A_699, %broadcast_in_dim3A_63] : memref<128x32xf32, #tpu.memory_space<vmem>>[vector<16xi32>, vector<16xi32>], vector<16xf32>,
        %mul3A_975 = arith.constant 5.65685415 : f32
        %mul3A_976 = vector.broadcast %mul3A_975 : f32 to vector<16xf32>
        %mul3A_977 = arith.mulf %gather3A_974, %mul3A_976 : vector<16xf32>
        %gather3A_978 = arith.constant 3 : i32
        %gather3A_979 = arith.constant 0 : i32
        %gather3A_980 = arith.constant 0 : i32
        %gather3A_981 = tpu.memref_slice %arg6[%gather3A_978, %gather3A_979, %gather3A_980] : memref<4x128x32xf32, #tpu.memory_space<vmem>> -> memref<1x128x32xf32, #tpu.memory_space<vmem>>
        %gather3A_982 = tpu.memref_squeeze %gather3A_981 : memref<1x128x32xf32, #tpu.memory_space<vmem>> -> memref<128x32xf32, #tpu.memory_space<vmem>>
        %gather3A_983 = tpu.vector_load_idx %gather3A_982[%add3A_699, %broadcast_in_dim3A_65] : memref<128x32xf32, #tpu.memory_space<vmem>>[vector<16xi32>, vector<16xi32>], vector<16xf32>,
        %mul3A_984 = arith.constant 5.65685415 : f32
        %mul3A_985 = vector.broadcast %mul3A_984 : f32 to vector<16xf32>
        %mul3A_986 = arith.mulf %gather3A_983, %mul3A_985 : vector<16xf32>
        %mul3A_987 = arith.constant 16 : i32
        %mul3A_988 = arith.muli %add3A_695, %mul3A_987 : i32
        %add3A_989 = arith.constant 0 : i32
        %add3A_990 = arith.addi %add3A_989, %mul3A_988 : i32
        %swap3A = arith.index_cast %add3A_990 : i32 to index
        %swap3A_991 = tpu.vector_load %arg8[%swap3A] {strides = array<i32>} : memref<4096xf32, #tpu.memory_space<vmem>>, vector<16xf32>,
        tpu.vector_store %arg8[%swap3A], %mul3A_707 {strides = array<i32>} : memref<4096xf32, #tpu.memory_space<vmem>>, vector<16xf32>,
        %mul3A_992 = arith.constant 16 : i32
        %mul3A_993 = arith.muli %add3A_695, %mul3A_992 : i32
        %add3A_994 = arith.constant 128 : i32
        %add3A_995 = arith.addi %add3A_994, %mul3A_993 : i32
        %swap3A_996 = arith.index_cast %add3A_995 : i32 to index
        %swap3A_997 = tpu.vector_load %arg8[%swap3A_996] {strides = array<i32>} : memref<4096xf32, #tpu.memory_space<vmem>>, vector<16xf32>,
        tpu.vector_store %arg8[%swap3A_996], %mul3A_716 {strides = array<i32>} : memref<4096xf32, #tpu.memory_space<vmem>>, vector<16xf32>,
        %mul3A_998 = arith.constant 16 : i32
        %mul3A_999 = arith.muli %add3A_695, %mul3A_998 : i32
        %add3A_1000 = arith.constant 256 : i32
        %add3A_1001 = arith.addi %add3A_1000, %mul3A_999 : i32
        %swap3A_1002 = arith.index_cast %add3A_1001 : i32 to index
        %swap3A_1003 = tpu.vector_load %arg8[%swap3A_1002] {strides = array<i32>} : memref<4096xf32, #tpu.memory_space<vmem>>, vector<16xf32>,
        tpu.vector_store %arg8[%swap3A_1002], %mul3A_725 {strides = array<i32>} : memref<4096xf32, #tpu.memory_space<vmem>>, vector<16xf32>,
        %mul3A_1004 = arith.constant 16 : i32
        %mul3A_1005 = arith.muli %add3A_695, %mul3A_1004 : i32
        %add3A_1006 = arith.constant 384 : i32
        %add3A_1007 = arith.addi %add3A_1006, %mul3A_1005 : i32
        %swap3A_1008 = arith.index_cast %add3A_1007 : i32 to index
        %swap3A_1009 = tpu.vector_load %arg8[%swap3A_1008] {strides = array<i32>} : memref<4096xf32, #tpu.memory_space<vmem>>, vector<16xf32>,
        tpu.vector_store %arg8[%swap3A_1008], %mul3A_734 {strides = array<i32>} : memref<4096xf32, #tpu.memory_space<vmem>>, vector<16xf32>,
        %mul3A_1010 = arith.constant 16 : i32
        %mul3A_1011 = arith.muli %add3A_695, %mul3A_1010 : i32
        %add3A_1012 = arith.constant 512 : i32
        %add3A_1013 = arith.addi %add3A_1012, %mul3A_1011 : i32
        %swap3A_1014 = arith.index_cast %add3A_1013 : i32 to index
        %swap3A_1015 = tpu.vector_load %arg8[%swap3A_1014] {strides = array<i32>} : memref<4096xf32, #tpu.memory_space<vmem>>, vector<16xf32>,
        tpu.vector_store %arg8[%swap3A_1014], %mul3A_743 {strides = array<i32>} : memref<4096xf32, #tpu.memory_space<vmem>>, vector<16xf32>,
        %mul3A_1016 = arith.constant 16 : i32
        %mul3A_1017 = arith.muli %add3A_695, %mul3A_1016 : i32
        %add3A_1018 = arith.constant 640 : i32
        %add3A_1019 = arith.addi %add3A_1018, %mul3A_1017 : i32
        %swap3A_1020 = arith.index_cast %add3A_1019 : i32 to index
        %swap3A_1021 = tpu.vector_load %arg8[%swap3A_1020] {strides = array<i32>} : memref<4096xf32, #tpu.memory_space<vmem>>, vector<16xf32>,
        tpu.vector_store %arg8[%swap3A_1020], %mul3A_752 {strides = array<i32>} : memref<4096xf32, #tpu.memory_space<vmem>>, vector<16xf32>,
        %mul3A_1022 = arith.constant 16 : i32
        %mul3A_1023 = arith.muli %add3A_695, %mul3A_1022 : i32
        %add3A_1024 = arith.constant 768 : i32
        %add3A_1025 = arith.addi %add3A_1024, %mul3A_1023 : i32
        %swap3A_1026 = arith.index_cast %add3A_1025 : i32 to index
        %swap3A_1027 = tpu.vector_load %arg8[%swap3A_1026] {strides = array<i32>} : memref<4096xf32, #tpu.memory_space<vmem>>, vector<16xf32>,
        tpu.vector_store %arg8[%swap3A_1026], %mul3A_761 {strides = array<i32>} : memref<4096xf32, #tpu.memory_space<vmem>>, vector<16xf32>,
        %mul3A_1028 = arith.constant 16 : i32
        %mul3A_1029 = arith.muli %add3A_695, %mul3A_1028 : i32
        %add3A_1030 = arith.constant 896 : i32
        %add3A_1031 = arith.addi %add3A_1030, %mul3A_1029 : i32
        %swap3A_1032 = arith.index_cast %add3A_1031 : i32 to index
        %swap3A_1033 = tpu.vector_load %arg8[%swap3A_1032] {strides = array<i32>} : memref<4096xf32, #tpu.memory_space<vmem>>, vector<16xf32>,
        tpu.vector_store %arg8[%swap3A_1032], %mul3A_770 {strides = array<i32>} : memref<4096xf32, #tpu.memory_space<vmem>>, vector<16xf32>,
        %mul3A_1034 = arith.constant 16 : i32
        %mul3A_1035 = arith.muli %add3A_695, %mul3A_1034 : i32
        %add3A_1036 = arith.constant 1024 : i32
        %add3A_1037 = arith.addi %add3A_1036, %mul3A_1035 : i32
        %swap3A_1038 = arith.index_cast %add3A_1037 : i32 to index
        %swap3A_1039 = tpu.vector_load %arg8[%swap3A_1038] {strides = array<i32>} : memref<4096xf32, #tpu.memory_space<vmem>>, vector<16xf32>,
        tpu.vector_store %arg8[%swap3A_1038], %mul3A_779 {strides = array<i32>} : memref<4096xf32, #tpu.memory_space<vmem>>, vector<16xf32>,
        %mul3A_1040 = arith.constant 16 : i32
        %mul3A_1041 = arith.muli %add3A_695, %mul3A_1040 : i32
        %add3A_1042 = arith.constant 1152 : i32
        %add3A_1043 = arith.addi %add3A_1042, %mul3A_1041 : i32
        %swap3A_1044 = arith.index_cast %add3A_1043 : i32 to index
        %swap3A_1045 = tpu.vector_load %arg8[%swap3A_1044] {strides = array<i32>} : memref<4096xf32, #tpu.memory_space<vmem>>, vector<16xf32>,
        tpu.vector_store %arg8[%swap3A_1044], %mul3A_788 {strides = array<i32>} : memref<4096xf32, #tpu.memory_space<vmem>>, vector<16xf32>,
        %mul3A_1046 = arith.constant 16 : i32
        %mul3A_1047 = arith.muli %add3A_695, %mul3A_1046 : i32
        %add3A_1048 = arith.constant 1280 : i32
        %add3A_1049 = arith.addi %add3A_1048, %mul3A_1047 : i32
        %swap3A_1050 = arith.index_cast %add3A_1049 : i32 to index
        %swap3A_1051 = tpu.vector_load %arg8[%swap3A_1050] {strides = array<i32>} : memref<4096xf32, #tpu.memory_space<vmem>>, vector<16xf32>,
        tpu.vector_store %arg8[%swap3A_1050], %mul3A_797 {strides = array<i32>} : memref<4096xf32, #tpu.memory_space<vmem>>, vector<16xf32>,
        %mul3A_1052 = arith.constant 16 : i32
        %mul3A_1053 = arith.muli %add3A_695, %mul3A_1052 : i32
        %add3A_1054 = arith.constant 1408 : i32
        %add3A_1055 = arith.addi %add3A_1054, %mul3A_1053 : i32
        %swap3A_1056 = arith.index_cast %add3A_1055 : i32 to index
        %swap3A_1057 = tpu.vector_load %arg8[%swap3A_1056] {strides = array<i32>} : memref<4096xf32, #tpu.memory_space<vmem>>, vector<16xf32>,
        tpu.vector_store %arg8[%swap3A_1056], %mul3A_806 {strides = array<i32>} : memref<4096xf32, #tpu.memory_space<vmem>>, vector<16xf32>,
        %mul3A_1058 = arith.constant 16 : i32
        %mul3A_1059 = arith.muli %add3A_695, %mul3A_1058 : i32
        %add3A_1060 = arith.constant 1536 : i32
        %add3A_1061 = arith.addi %add3A_1060, %mul3A_1059 : i32
        %swap3A_1062 = arith.index_cast %add3A_1061 : i32 to index
        %swap3A_1063 = tpu.vector_load %arg8[%swap3A_1062] {strides = array<i32>} : memref<4096xf32, #tpu.memory_space<vmem>>, vector<16xf32>,
        tpu.vector_store %arg8[%swap3A_1062], %mul3A_815 {strides = array<i32>} : memref<4096xf32, #tpu.memory_space<vmem>>, vector<16xf32>,
        %mul3A_1064 = arith.constant 16 : i32
        %mul3A_1065 = arith.muli %add3A_695, %mul3A_1064 : i32
        %add3A_1066 = arith.constant 1664 : i32
        %add3A_1067 = arith.addi %add3A_1066, %mul3A_1065 : i32
        %swap3A_1068 = arith.index_cast %add3A_1067 : i32 to index
        %swap3A_1069 = tpu.vector_load %arg8[%swap3A_1068] {strides = array<i32>} : memref<4096xf32, #tpu.memory_space<vmem>>, vector<16xf32>,
        tpu.vector_store %arg8[%swap3A_1068], %mul3A_824 {strides = array<i32>} : memref<4096xf32, #tpu.memory_space<vmem>>, vector<16xf32>,
        %mul3A_1070 = arith.constant 16 : i32
        %mul3A_1071 = arith.muli %add3A_695, %mul3A_1070 : i32
        %add3A_1072 = arith.constant 1792 : i32
        %add3A_1073 = arith.addi %add3A_1072, %mul3A_1071 : i32
        %swap3A_1074 = arith.index_cast %add3A_1073 : i32 to index
        %swap3A_1075 = tpu.vector_load %arg8[%swap3A_1074] {strides = array<i32>} : memref<4096xf32, #tpu.memory_space<vmem>>, vector<16xf32>,
        tpu.vector_store %arg8[%swap3A_1074], %mul3A_833 {strides = array<i32>} : memref<4096xf32, #tpu.memory_space<vmem>>, vector<16xf32>,
        %mul3A_1076 = arith.constant 16 : i32
        %mul3A_1077 = arith.muli %add3A_695, %mul3A_1076 : i32
        %add3A_1078 = arith.constant 1920 : i32
        %add3A_1079 = arith.addi %add3A_1078, %mul3A_1077 : i32
        %swap3A_1080 = arith.index_cast %add3A_1079 : i32 to index
        %swap3A_1081 = tpu.vector_load %arg8[%swap3A_1080] {strides = array<i32>} : memref<4096xf32, #tpu.memory_space<vmem>>, vector<16xf32>,
        tpu.vector_store %arg8[%swap3A_1080], %mul3A_842 {strides = array<i32>} : memref<4096xf32, #tpu.memory_space<vmem>>, vector<16xf32>,
        %mul3A_1082 = arith.constant 16 : i32
        %mul3A_1083 = arith.muli %add3A_695, %mul3A_1082 : i32
        %add3A_1084 = arith.constant 2048 : i32
        %add3A_1085 = arith.addi %add3A_1084, %mul3A_1083 : i32
        %swap3A_1086 = arith.index_cast %add3A_1085 : i32 to index
        %swap3A_1087 = tpu.vector_load %arg8[%swap3A_1086] {strides = array<i32>} : memref<4096xf32, #tpu.memory_space<vmem>>, vector<16xf32>,
        tpu.vector_store %arg8[%swap3A_1086], %mul3A_851 {strides = array<i32>} : memref<4096xf32, #tpu.memory_space<vmem>>, vector<16xf32>,
        %mul3A_1088 = arith.constant 16 : i32
        %mul3A_1089 = arith.muli %add3A_695, %mul3A_1088 : i32
        %add3A_1090 = arith.constant 2176 : i32
        %add3A_1091 = arith.addi %add3A_1090, %mul3A_1089 : i32
        %swap3A_1092 = arith.index_cast %add3A_1091 : i32 to index
        %swap3A_1093 = tpu.vector_load %arg8[%swap3A_1092] {strides = array<i32>} : memref<4096xf32, #tpu.memory_space<vmem>>, vector<16xf32>,
        tpu.vector_store %arg8[%swap3A_1092], %mul3A_860 {strides = array<i32>} : memref<4096xf32, #tpu.memory_space<vmem>>, vector<16xf32>,
        %mul3A_1094 = arith.constant 16 : i32
        %mul3A_1095 = arith.muli %add3A_695, %mul3A_1094 : i32
        %add3A_1096 = arith.constant 2304 : i32
        %add3A_1097 = arith.addi %add3A_1096, %mul3A_1095 : i32
        %swap3A_1098 = arith.index_cast %add3A_1097 : i32 to index
        %swap3A_1099 = tpu.vector_load %arg8[%swap3A_1098] {strides = array<i32>} : memref<4096xf32, #tpu.memory_space<vmem>>, vector<16xf32>,
        tpu.vector_store %arg8[%swap3A_1098], %mul3A_869 {strides = array<i32>} : memref<4096xf32, #tpu.memory_space<vmem>>, vector<16xf32>,
        %mul3A_1100 = arith.constant 16 : i32
        %mul3A_1101 = arith.muli %add3A_695, %mul3A_1100 : i32
        %add3A_1102 = arith.constant 2432 : i32
        %add3A_1103 = arith.addi %add3A_1102, %mul3A_1101 : i32
        %swap3A_1104 = arith.index_cast %add3A_1103 : i32 to index
        %swap3A_1105 = tpu.vector_load %arg8[%swap3A_1104] {strides = array<i32>} : memref<4096xf32, #tpu.memory_space<vmem>>, vector<16xf32>,
        tpu.vector_store %arg8[%swap3A_1104], %mul3A_878 {strides = array<i32>} : memref<4096xf32, #tpu.memory_space<vmem>>, vector<16xf32>,
        %mul3A_1106 = arith.constant 16 : i32
        %mul3A_1107 = arith.muli %add3A_695, %mul3A_1106 : i32
        %add3A_1108 = arith.constant 2560 : i32
        %add3A_1109 = arith.addi %add3A_1108, %mul3A_1107 : i32
        %swap3A_1110 = arith.index_cast %add3A_1109 : i32 to index
        %swap3A_1111 = tpu.vector_load %arg8[%swap3A_1110] {strides = array<i32>} : memref<4096xf32, #tpu.memory_space<vmem>>, vector<16xf32>,
        tpu.vector_store %arg8[%swap3A_1110], %mul3A_887 {strides = array<i32>} : memref<4096xf32, #tpu.memory_space<vmem>>, vector<16xf32>,
        %mul3A_1112 = arith.constant 16 : i32
        %mul3A_1113 = arith.muli %add3A_695, %mul3A_1112 : i32
        %add3A_1114 = arith.constant 2688 : i32
        %add3A_1115 = arith.addi %add3A_1114, %mul3A_1113 : i32
        %swap3A_1116 = arith.index_cast %add3A_1115 : i32 to index
        %swap3A_1117 = tpu.vector_load %arg8[%swap3A_1116] {strides = array<i32>} : memref<4096xf32, #tpu.memory_space<vmem>>, vector<16xf32>,
        tpu.vector_store %arg8[%swap3A_1116], %mul3A_896 {strides = array<i32>} : memref<4096xf32, #tpu.memory_space<vmem>>, vector<16xf32>,
        %mul3A_1118 = arith.constant 16 : i32
        %mul3A_1119 = arith.muli %add3A_695, %mul3A_1118 : i32
        %add3A_1120 = arith.constant 2816 : i32
        %add3A_1121 = arith.addi %add3A_1120, %mul3A_1119 : i32
        %swap3A_1122 = arith.index_cast %add3A_1121 : i32 to index
        %swap3A_1123 = tpu.vector_load %arg8[%swap3A_1122] {strides = array<i32>} : memref<4096xf32, #tpu.memory_space<vmem>>, vector<16xf32>,
        tpu.vector_store %arg8[%swap3A_1122], %mul3A_905 {strides = array<i32>} : memref<4096xf32, #tpu.memory_space<vmem>>, vector<16xf32>,
        %mul3A_1124 = arith.constant 16 : i32
        %mul3A_1125 = arith.muli %add3A_695, %mul3A_1124 : i32
        %add3A_1126 = arith.constant 2944 : i32
        %add3A_1127 = arith.addi %add3A_1126, %mul3A_1125 : i32
        %swap3A_1128 = arith.index_cast %add3A_1127 : i32 to index
        %swap3A_1129 = tpu.vector_load %arg8[%swap3A_1128] {strides = array<i32>} : memref<4096xf32, #tpu.memory_space<vmem>>, vector<16xf32>,
        tpu.vector_store %arg8[%swap3A_1128], %mul3A_914 {strides = array<i32>} : memref<4096xf32, #tpu.memory_space<vmem>>, vector<16xf32>,
        %mul3A_1130 = arith.constant 16 : i32
        %mul3A_1131 = arith.muli %add3A_695, %mul3A_1130 : i32
        %add3A_1132 = arith.constant 3072 : i32
        %add3A_1133 = arith.addi %add3A_1132, %mul3A_1131 : i32
        %swap3A_1134 = arith.index_cast %add3A_1133 : i32 to index
        %swap3A_1135 = tpu.vector_load %arg8[%swap3A_1134] {strides = array<i32>} : memref<4096xf32, #tpu.memory_space<vmem>>, vector<16xf32>,
        tpu.vector_store %arg8[%swap3A_1134], %mul3A_923 {strides = array<i32>} : memref<4096xf32, #tpu.memory_space<vmem>>, vector<16xf32>,
        %mul3A_1136 = arith.constant 16 : i32
        %mul3A_1137 = arith.muli %add3A_695, %mul3A_1136 : i32
        %add3A_1138 = arith.constant 3200 : i32
        %add3A_1139 = arith.addi %add3A_1138, %mul3A_1137 : i32
        %swap3A_1140 = arith.index_cast %add3A_1139 : i32 to index
        %swap3A_1141 = tpu.vector_load %arg8[%swap3A_1140] {strides = array<i32>} : memref<4096xf32, #tpu.memory_space<vmem>>, vector<16xf32>,
        tpu.vector_store %arg8[%swap3A_1140], %mul3A_932 {strides = array<i32>} : memref<4096xf32, #tpu.memory_space<vmem>>, vector<16xf32>,
        %mul3A_1142 = arith.constant 16 : i32
        %mul3A_1143 = arith.muli %add3A_695, %mul3A_1142 : i32
        %add3A_1144 = arith.constant 3328 : i32
        %add3A_1145 = arith.addi %add3A_1144, %mul3A_1143 : i32
        %swap3A_1146 = arith.index_cast %add3A_1145 : i32 to index
        %swap3A_1147 = tpu.vector_load %arg8[%swap3A_1146] {strides = array<i32>} : memref<4096xf32, #tpu.memory_space<vmem>>, vector<16xf32>,
        tpu.vector_store %arg8[%swap3A_1146], %mul3A_941 {strides = array<i32>} : memref<4096xf32, #tpu.memory_space<vmem>>, vector<16xf32>,
        %mul3A_1148 = arith.constant 16 : i32
        %mul3A_1149 = arith.muli %add3A_695, %mul3A_1148 : i32
        %add3A_1150 = arith.constant 3456 : i32
        %add3A_1151 = arith.addi %add3A_1150, %mul3A_1149 : i32
        %swap3A_1152 = arith.index_cast %add3A_1151 : i32 to index
        %swap3A_1153 = tpu.vector_load %arg8[%swap3A_1152] {strides = array<i32>} : memref<4096xf32, #tpu.memory_space<vmem>>, vector<16xf32>,
        tpu.vector_store %arg8[%swap3A_1152], %mul3A_950 {strides = array<i32>} : memref<4096xf32, #tpu.memory_space<vmem>>, vector<16xf32>,
        %mul3A_1154 = arith.constant 16 : i32
        %mul3A_1155 = arith.muli %add3A_695, %mul3A_1154 : i32
        %add3A_1156 = arith.constant 3584 : i32
        %add3A_1157 = arith.addi %add3A_1156, %mul3A_1155 : i32
        %swap3A_1158 = arith.index_cast %add3A_1157 : i32 to index
        %swap3A_1159 = tpu.vector_load %arg8[%swap3A_1158] {strides = array<i32>} : memref<4096xf32, #tpu.memory_space<vmem>>, vector<16xf32>,
        tpu.vector_store %arg8[%swap3A_1158], %mul3A_959 {strides = array<i32>} : memref<4096xf32, #tpu.memory_space<vmem>>, vector<16xf32>,
        %mul3A_1160 = arith.constant 16 : i32
        %mul3A_1161 = arith.muli %add3A_695, %mul3A_1160 : i32
        %add3A_1162 = arith.constant 3712 : i32
        %add3A_1163 = arith.addi %add3A_1162, %mul3A_1161 : i32
        %swap3A_1164 = arith.index_cast %add3A_1163 : i32 to index
        %swap3A_1165 = tpu.vector_load %arg8[%swap3A_1164] {strides = array<i32>} : memref<4096xf32, #tpu.memory_space<vmem>>, vector<16xf32>,
        tpu.vector_store %arg8[%swap3A_1164], %mul3A_968 {strides = array<i32>} : memref<4096xf32, #tpu.memory_space<vmem>>, vector<16xf32>,
        %mul3A_1166 = arith.constant 16 : i32
        %mul3A_1167 = arith.muli %add3A_695, %mul3A_1166 : i32
        %add3A_1168 = arith.constant 3840 : i32
        %add3A_1169 = arith.addi %add3A_1168, %mul3A_1167 : i32
        %swap3A_1170 = arith.index_cast %add3A_1169 : i32 to index
        %swap3A_1171 = tpu.vector_load %arg8[%swap3A_1170] {strides = array<i32>} : memref<4096xf32, #tpu.memory_space<vmem>>, vector<16xf32>,
        tpu.vector_store %arg8[%swap3A_1170], %mul3A_977 {strides = array<i32>} : memref<4096xf32, #tpu.memory_space<vmem>>, vector<16xf32>,
        %mul3A_1172 = arith.constant 16 : i32
        %mul3A_1173 = arith.muli %add3A_695, %mul3A_1172 : i32
        %add3A_1174 = arith.constant 3968 : i32
        %add3A_1175 = arith.addi %add3A_1174, %mul3A_1173 : i32
        %swap3A_1176 = arith.index_cast %add3A_1175 : i32 to index
        %swap3A_1177 = tpu.vector_load %arg8[%swap3A_1176] {strides = array<i32>} : memref<4096xf32, #tpu.memory_space<vmem>>, vector<16xf32>,
        tpu.vector_store %arg8[%swap3A_1176], %mul3A_986 {strides = array<i32>} : memref<4096xf32, #tpu.memory_space<vmem>>, vector<16xf32>,
      }
      %scan3A_602 = arith.constant 8 : i32
      %jit3A_603 = arith.constant 4 : i32
      %div3A_604 = arith.divsi %add3A_570, %jit3A_603 : i32
      %sign3A_605 = arith.constant 0 : i32
      %sign3A_606 = arith.cmpi sgt, %add3A_570, %sign3A_605 : i32
      %sign3A_607 = arith.extui %sign3A_606 : i1 to i32
      %sign3A_608 = arith.constant 0 : i32
      %sign3A_609 = arith.cmpi slt, %add3A_570, %sign3A_608 : i32
      %sign3A_610 = arith.extui %sign3A_609 : i1 to i32
      %sign3A_611 = arith.subi %sign3A_607, %sign3A_610 : i32
      %sign3A_612 = arith.constant 0 : i32
      %sign3A_613 = arith.cmpi sgt, %jit3A_603, %sign3A_612 : i32
      %sign3A_614 = arith.extui %sign3A_613 : i1 to i32
      %sign3A_615 = arith.constant 0 : i32
      %sign3A_616 = arith.cmpi slt, %jit3A_603, %sign3A_615 : i32
      %sign3A_617 = arith.extui %sign3A_616 : i1 to i32
      %sign3A_618 = arith.subi %sign3A_614, %sign3A_617 : i32
      %ne3A_619 = arith.cmpi ne, %sign3A_611, %sign3A_618 : i32
      %rem3A_620 = arith.remsi %add3A_570, %jit3A_603 : i32
      %ne3A_621 = arith.constant 0 : i32
      %ne3A_622 = arith.cmpi ne, %rem3A_620, %ne3A_621 : i32
      %and3A_623 = arith.andi %ne3A_619, %ne3A_622 : i1
      %sub3A_624 = arith.constant 1 : i32
      %sub3A_625 = arith.subi %div3A_604, %sub3A_624 : i32
      %select_n3A_626 = arith.select %and3A_623, %sub3A_625, %div3A_604 : i32
      %jit3A_627 = arith.constant 4 : i32
      %eq3A_628 = arith.constant 0 : i32
      %eq3A_629 = arith.cmpi eq, %jit3A_627, %eq3A_628 : i32
      %jit3A_630 = arith.constant 1 : i32
      %select_n3A_631 = arith.select %eq3A_629, %jit3A_630, %jit3A_627 : i32
      %rem3A_632 = arith.remsi %add3A_570, %select_n3A_631 : i32
      %ne3A_633 = arith.constant 0 : i32
      %ne3A_634 = arith.cmpi ne, %rem3A_632, %ne3A_633 : i32
      %lt3A_635 = arith.constant 0 : i32
      %lt3A_636 = arith.cmpi slt, %rem3A_632, %lt3A_635 : i32
      %lt3A_637 = arith.constant 0 : i32
      %lt3A_638 = arith.cmpi slt, %select_n3A_631, %lt3A_637 : i32
      %ne3A_639 = arith.xori %lt3A_636, %lt3A_638 : i1
      %and3A_640 = arith.andi %ne3A_639, %ne3A_634 : i1
      %add3A_641 = arith.addi %rem3A_632, %select_n3A_631 : i32
      %select_n3A_642 = arith.select %and3A_640, %add3A_641, %rem3A_632 : i32
      %add3A_643 = arith.addi %mul3A_2, %select_n3A_642 : i32
      %dma_start3A_644 = arith.constant 0 : i32
      %dma_start3A_645 = arith.constant 0 : i32
      %dma_start3A_646 = tpu.memref_slice %arg8[%dma_start3A_645] : memref<4096xf32, #tpu.memory_space<vmem>> -> memref<1024xf32, #tpu.memory_space<vmem>>
      %dma_start3A_647 = arith.constant 0 : i32
      %dma_start3A_648 = tpu.memref_slice %arg4[%select_n3A_626, %dma_start3A_644, %add3A_643, %dma_start3A_647] : memref<50x4x128x1024xf32, #tpu.memory_space<hbm>> -> memref<1x1x1x1024xf32, #tpu.memory_space<hbm>>
      %dma_start3A_649 = tpu.memref_squeeze %dma_start3A_648 : memref<1x1x1x1024xf32, #tpu.memory_space<hbm>> -> memref<1024xf32, #tpu.memory_space<hbm>>
      %dma_start3A_650 = arith.constant 0 : i32
      %dma_start3A_651 = tpu.memref_slice %arg4[%select_n3A_626, %dma_start3A_644, %add3A_643, %dma_start3A_650] : memref<50x4x128x1024xf32, #tpu.memory_space<hbm>> -> memref<1x1x1x1024xf32, #tpu.memory_space<hbm>>
      %dma_start3A_652 = tpu.memref_squeeze %dma_start3A_651 : memref<1x1x1x1024xf32, #tpu.memory_space<hbm>> -> memref<1024xf32, #tpu.memory_space<hbm>>
      %dma_start3A_653 = arith.constant 0 : i32
      %dma_start3A_654 = tpu.memref_slice %arg8[%dma_start3A_653] : memref<4096xf32, #tpu.memory_space<vmem>> -> memref<1024xf32, #tpu.memory_space<vmem>>
      tpu.enqueue_dma source(%dma_start3A_654 : memref<1024xf32, #tpu.memory_space<vmem>>) target(%dma_start3A_652 : memref<1024xf32, #tpu.memory_space<hbm>>) target_semaphore(%arg14 : memref<!tpu.dma_semaphore, #tpu.memory_space<semaphore_mem>>)
      %add3A_655 = arith.addi %mul3A_2, %select_n3A_642 : i32
      %dma_start3A_656 = arith.constant 1 : i32
      %dma_start3A_657 = arith.constant 1024 : i32
      %dma_start3A_658 = tpu.memref_slice %arg8[%dma_start3A_657] : memref<4096xf32, #tpu.memory_space<vmem>> -> memref<1024xf32, #tpu.memory_space<vmem>>
      %dma_start3A_659 = arith.constant 0 : i32
      %dma_start3A_660 = tpu.memref_slice %arg4[%select_n3A_626, %dma_start3A_656, %add3A_655, %dma_start3A_659] : memref<50x4x128x1024xf32, #tpu.memory_space<hbm>> -> memref<1x1x1x1024xf32, #tpu.memory_space<hbm>>
      %dma_start3A_661 = tpu.memref_squeeze %dma_start3A_660 : memref<1x1x1x1024xf32, #tpu.memory_space<hbm>> -> memref<1024xf32, #tpu.memory_space<hbm>>
      %dma_start3A_662 = arith.constant 0 : i32
      %dma_start3A_663 = tpu.memref_slice %arg4[%select_n3A_626, %dma_start3A_656, %add3A_655, %dma_start3A_662] : memref<50x4x128x1024xf32, #tpu.memory_space<hbm>> -> memref<1x1x1x1024xf32, #tpu.memory_space<hbm>>
      %dma_start3A_664 = tpu.memref_squeeze %dma_start3A_663 : memref<1x1x1x1024xf32, #tpu.memory_space<hbm>> -> memref<1024xf32, #tpu.memory_space<hbm>>
      %dma_start3A_665 = arith.constant 1024 : i32
      %dma_start3A_666 = tpu.memref_slice %arg8[%dma_start3A_665] : memref<4096xf32, #tpu.memory_space<vmem>> -> memref<1024xf32, #tpu.memory_space<vmem>>
      tpu.enqueue_dma source(%dma_start3A_666 : memref<1024xf32, #tpu.memory_space<vmem>>) target(%dma_start3A_664 : memref<1024xf32, #tpu.memory_space<hbm>>) target_semaphore(%arg14 : memref<!tpu.dma_semaphore, #tpu.memory_space<semaphore_mem>>)
      %add3A_667 = arith.addi %mul3A_2, %select_n3A_642 : i32
      %dma_start3A_668 = arith.constant 2 : i32
      %dma_start3A_669 = arith.constant 2048 : i32
      %dma_start3A_670 = tpu.memref_slice %arg8[%dma_start3A_669] : memref<4096xf32, #tpu.memory_space<vmem>> -> memref<1024xf32, #tpu.memory_space<vmem>>
      %dma_start3A_671 = arith.constant 0 : i32
      %dma_start3A_672 = tpu.memref_slice %arg4[%select_n3A_626, %dma_start3A_668, %add3A_667, %dma_start3A_671] : memref<50x4x128x1024xf32, #tpu.memory_space<hbm>> -> memref<1x1x1x1024xf32, #tpu.memory_space<hbm>>
      %dma_start3A_673 = tpu.memref_squeeze %dma_start3A_672 : memref<1x1x1x1024xf32, #tpu.memory_space<hbm>> -> memref<1024xf32, #tpu.memory_space<hbm>>
      %dma_start3A_674 = arith.constant 0 : i32
      %dma_start3A_675 = tpu.memref_slice %arg4[%select_n3A_626, %dma_start3A_668, %add3A_667, %dma_start3A_674] : memref<50x4x128x1024xf32, #tpu.memory_space<hbm>> -> memref<1x1x1x1024xf32, #tpu.memory_space<hbm>>
      %dma_start3A_676 = tpu.memref_squeeze %dma_start3A_675 : memref<1x1x1x1024xf32, #tpu.memory_space<hbm>> -> memref<1024xf32, #tpu.memory_space<hbm>>
      %dma_start3A_677 = arith.constant 2048 : i32
      %dma_start3A_678 = tpu.memref_slice %arg8[%dma_start3A_677] : memref<4096xf32, #tpu.memory_space<vmem>> -> memref<1024xf32, #tpu.memory_space<vmem>>
      tpu.enqueue_dma source(%dma_start3A_678 : memref<1024xf32, #tpu.memory_space<vmem>>) target(%dma_start3A_676 : memref<1024xf32, #tpu.memory_space<hbm>>) target_semaphore(%arg14 : memref<!tpu.dma_semaphore, #tpu.memory_space<semaphore_mem>>)
      %add3A_679 = arith.addi %mul3A_2, %select_n3A_642 : i32
      %dma_start3A_680 = arith.constant 3 : i32
      %dma_start3A_681 = arith.constant 3072 : i32
      %dma_start3A_682 = tpu.memref_slice %arg8[%dma_start3A_681] : memref<4096xf32, #tpu.memory_space<vmem>> -> memref<1024xf32, #tpu.memory_space<vmem>>
      %dma_start3A_683 = arith.constant 0 : i32
      %dma_start3A_684 = tpu.memref_slice %arg4[%select_n3A_626, %dma_start3A_680, %add3A_679, %dma_start3A_683] : memref<50x4x128x1024xf32, #tpu.memory_space<hbm>> -> memref<1x1x1x1024xf32, #tpu.memory_space<hbm>>
      %dma_start3A_685 = tpu.memref_squeeze %dma_start3A_684 : memref<1x1x1x1024xf32, #tpu.memory_space<hbm>> -> memref<1024xf32, #tpu.memory_space<hbm>>
      %dma_start3A_686 = arith.constant 0 : i32
      %dma_start3A_687 = tpu.memref_slice %arg4[%select_n3A_626, %dma_start3A_680, %add3A_679, %dma_start3A_686] : memref<50x4x128x1024xf32, #tpu.memory_space<hbm>> -> memref<1x1x1x1024xf32, #tpu.memory_space<hbm>>
      %dma_start3A_688 = tpu.memref_squeeze %dma_start3A_687 : memref<1x1x1x1024xf32, #tpu.memory_space<hbm>> -> memref<1024xf32, #tpu.memory_space<hbm>>
      %dma_start3A_689 = arith.constant 3072 : i32
      %dma_start3A_690 = tpu.memref_slice %arg8[%dma_start3A_689] : memref<4096xf32, #tpu.memory_space<vmem>> -> memref<1024xf32, #tpu.memory_space<vmem>>
      tpu.enqueue_dma source(%dma_start3A_690 : memref<1024xf32, #tpu.memory_space<vmem>>) target(%dma_start3A_688 : memref<1024xf32, #tpu.memory_space<hbm>>) target_semaphore(%arg14 : memref<!tpu.dma_semaphore, #tpu.memory_space<semaphore_mem>>)
    }
    %scan3A_107 = arith.constant 50 : i32
    %dma_wait3A = arith.constant 0 : i32
    %dma_wait3A_108 = arith.constant 0 : i32
    %dma_wait3A_109 = arith.constant 0 : i32
    %dma_wait3A_110 = arith.constant 0 : i32
    %dma_wait3A_111 = tpu.memref_slice %arg7[%dma_wait3A_110] : memref<4096xf32, #tpu.memory_space<vmem>> -> memref<1024xf32, #tpu.memory_space<vmem>>
    %dma_wait3A_112 = arith.constant 0 : i32
    %dma_wait3A_113 = tpu.memref_slice %arg4[%dma_wait3A, %dma_wait3A_108, %dma_wait3A_109, %dma_wait3A_112] : memref<50x4x128x1024xf32, #tpu.memory_space<hbm>> -> memref<1x1x1x1024xf32, #tpu.memory_space<hbm>>
    %dma_wait3A_114 = tpu.memref_squeeze %dma_wait3A_113 : memref<1x1x1x1024xf32, #tpu.memory_space<hbm>> -> memref<1024xf32, #tpu.memory_space<hbm>>
    %dma_wait3A_115 = arith.constant 0 : i32
    %dma_wait3A_116 = tpu.memref_slice %arg7[%dma_wait3A_115] : memref<4096xf32, #tpu.memory_space<vmem>> -> memref<1024xf32, #tpu.memory_space<vmem>>
    %dma_wait3A_117 = arith.constant 0 : i32
    %dma_wait3A_118 = tpu.memref_slice %arg4[%dma_wait3A, %dma_wait3A_108, %dma_wait3A_109, %dma_wait3A_117] : memref<50x4x128x1024xf32, #tpu.memory_space<hbm>> -> memref<1x1x1x1024xf32, #tpu.memory_space<hbm>>
    %dma_wait3A_119 = tpu.memref_squeeze %dma_wait3A_118 : memref<1x1x1x1024xf32, #tpu.memory_space<hbm>> -> memref<1024xf32, #tpu.memory_space<hbm>>
    tpu.wait_dma2 semaphore(%arg13 : memref<!tpu.dma_semaphore, #tpu.memory_space<semaphore_mem>>) src(%dma_wait3A_119 : memref<1024xf32, #tpu.memory_space<hbm>>) dst(%dma_wait3A_116 : memref<1024xf32, #tpu.memory_space<vmem>>)
    %dma_wait3A_120 = arith.constant 0 : i32
    %dma_wait3A_121 = arith.constant 0 : i32
    %dma_wait3A_122 = arith.constant 0 : i32
    %dma_wait3A_123 = arith.constant 1024 : i32
    %dma_wait3A_124 = tpu.memref_slice %arg7[%dma_wait3A_123] : memref<4096xf32, #tpu.memory_space<vmem>> -> memref<1024xf32, #tpu.memory_space<vmem>>
    %dma_wait3A_125 = arith.constant 0 : i32
    %dma_wait3A_126 = tpu.memref_slice %arg4[%dma_wait3A_120, %dma_wait3A_121, %dma_wait3A_122, %dma_wait3A_125] : memref<50x4x128x1024xf32, #tpu.memory_space<hbm>> -> memref<1x1x1x1024xf32, #tpu.memory_space<hbm>>
    %dma_wait3A_127 = tpu.memref_squeeze %dma_wait3A_126 : memref<1x1x1x1024xf32, #tpu.memory_space<hbm>> -> memref<1024xf32, #tpu.memory_space<hbm>>
    %dma_wait3A_128 = arith.constant 1024 : i32
    %dma_wait3A_129 = tpu.memref_slice %arg7[%dma_wait3A_128] : memref<4096xf32, #tpu.memory_space<vmem>> -> memref<1024xf32, #tpu.memory_space<vmem>>
    %dma_wait3A_130 = arith.constant 0 : i32
    %dma_wait3A_131 = tpu.memref_slice %arg4[%dma_wait3A_120, %dma_wait3A_121, %dma_wait3A_122, %dma_wait3A_130] : memref<50x4x128x1024xf32, #tpu.memory_space<hbm>> -> memref<1x1x1x1024xf32, #tpu.memory_space<hbm>>
    %dma_wait3A_132 = tpu.memref_squeeze %dma_wait3A_131 : memref<1x1x1x1024xf32, #tpu.memory_space<hbm>> -> memref<1024xf32, #tpu.memory_space<hbm>>
    tpu.wait_dma2 semaphore(%arg13 : memref<!tpu.dma_semaphore, #tpu.memory_space<semaphore_mem>>) src(%dma_wait3A_132 : memref<1024xf32, #tpu.memory_space<hbm>>) dst(%dma_wait3A_129 : memref<1024xf32, #tpu.memory_space<vmem>>)
    %dma_wait3A_133 = arith.constant 0 : i32
    %dma_wait3A_134 = arith.constant 0 : i32
    %dma_wait3A_135 = arith.constant 0 : i32
    %dma_wait3A_136 = arith.constant 2048 : i32
    %dma_wait3A_137 = tpu.memref_slice %arg7[%dma_wait3A_136] : memref<4096xf32, #tpu.memory_space<vmem>> -> memref<1024xf32, #tpu.memory_space<vmem>>
    %dma_wait3A_138 = arith.constant 0 : i32
    %dma_wait3A_139 = tpu.memref_slice %arg4[%dma_wait3A_133, %dma_wait3A_134, %dma_wait3A_135, %dma_wait3A_138] : memref<50x4x128x1024xf32, #tpu.memory_space<hbm>> -> memref<1x1x1x1024xf32, #tpu.memory_space<hbm>>
    %dma_wait3A_140 = tpu.memref_squeeze %dma_wait3A_139 : memref<1x1x1x1024xf32, #tpu.memory_space<hbm>> -> memref<1024xf32, #tpu.memory_space<hbm>>
    %dma_wait3A_141 = arith.constant 2048 : i32
    %dma_wait3A_142 = tpu.memref_slice %arg7[%dma_wait3A_141] : memref<4096xf32, #tpu.memory_space<vmem>> -> memref<1024xf32, #tpu.memory_space<vmem>>
    %dma_wait3A_143 = arith.constant 0 : i32
    %dma_wait3A_144 = tpu.memref_slice %arg4[%dma_wait3A_133, %dma_wait3A_134, %dma_wait3A_135, %dma_wait3A_143] : memref<50x4x128x1024xf32, #tpu.memory_space<hbm>> -> memref<1x1x1x1024xf32, #tpu.memory_space<hbm>>
    %dma_wait3A_145 = tpu.memref_squeeze %dma_wait3A_144 : memref<1x1x1x1024xf32, #tpu.memory_space<hbm>> -> memref<1024xf32, #tpu.memory_space<hbm>>
    tpu.wait_dma2 semaphore(%arg13 : memref<!tpu.dma_semaphore, #tpu.memory_space<semaphore_mem>>) src(%dma_wait3A_145 : memref<1024xf32, #tpu.memory_space<hbm>>) dst(%dma_wait3A_142 : memref<1024xf32, #tpu.memory_space<vmem>>)
    %dma_wait3A_146 = arith.constant 0 : i32
    %dma_wait3A_147 = arith.constant 0 : i32
    %dma_wait3A_148 = arith.constant 0 : i32
    %dma_wait3A_149 = arith.constant 3072 : i32
    %dma_wait3A_150 = tpu.memref_slice %arg7[%dma_wait3A_149] : memref<4096xf32, #tpu.memory_space<vmem>> -> memref<1024xf32, #tpu.memory_space<vmem>>
    %dma_wait3A_151 = arith.constant 0 : i32
    %dma_wait3A_152 = tpu.memref_slice %arg4[%dma_wait3A_146, %dma_wait3A_147, %dma_wait3A_148, %dma_wait3A_151] : memref<50x4x128x1024xf32, #tpu.memory_space<hbm>> -> memref<1x1x1x1024xf32, #tpu.memory_space<hbm>>
    %dma_wait3A_153 = tpu.memref_squeeze %dma_wait3A_152 : memref<1x1x1x1024xf32, #tpu.memory_space<hbm>> -> memref<1024xf32, #tpu.memory_space<hbm>>
    %dma_wait3A_154 = arith.constant 3072 : i32
    %dma_wait3A_155 = tpu.memref_slice %arg7[%dma_wait3A_154] : memref<4096xf32, #tpu.memory_space<vmem>> -> memref<1024xf32, #tpu.memory_space<vmem>>
    %dma_wait3A_156 = arith.constant 0 : i32
    %dma_wait3A_157 = tpu.memref_slice %arg4[%dma_wait3A_146, %dma_wait3A_147, %dma_wait3A_148, %dma_wait3A_156] : memref<50x4x128x1024xf32, #tpu.memory_space<hbm>> -> memref<1x1x1x1024xf32, #tpu.memory_space<hbm>>
    %dma_wait3A_158 = tpu.memref_squeeze %dma_wait3A_157 : memref<1x1x1x1024xf32, #tpu.memory_space<hbm>> -> memref<1024xf32, #tpu.memory_space<hbm>>
    tpu.wait_dma2 semaphore(%arg13 : memref<!tpu.dma_semaphore, #tpu.memory_space<semaphore_mem>>) src(%dma_wait3A_158 : memref<1024xf32, #tpu.memory_space<hbm>>) dst(%dma_wait3A_155 : memref<1024xf32, #tpu.memory_space<vmem>>)
    %dma_wait3A_159 = arith.constant 0 : i32
    %dma_wait3A_160 = arith.constant 0 : i32
    %dma_wait3A_161 = arith.constant 0 : i32
    %dma_wait3A_162 = arith.constant 0 : i32
    %dma_wait3A_163 = tpu.memref_slice %arg8[%dma_wait3A_162] : memref<4096xf32, #tpu.memory_space<vmem>> -> memref<1024xf32, #tpu.memory_space<vmem>>
    %dma_wait3A_164 = arith.constant 0 : i32
    %dma_wait3A_165 = tpu.memref_slice %arg4[%dma_wait3A_159, %dma_wait3A_160, %dma_wait3A_161, %dma_wait3A_164] : memref<50x4x128x1024xf32, #tpu.memory_space<hbm>> -> memref<1x1x1x1024xf32, #tpu.memory_space<hbm>>
    %dma_wait3A_166 = tpu.memref_squeeze %dma_wait3A_165 : memref<1x1x1x1024xf32, #tpu.memory_space<hbm>> -> memref<1024xf32, #tpu.memory_space<hbm>>
    %dma_wait3A_167 = arith.constant 0 : i32
    %dma_wait3A_168 = tpu.memref_slice %arg8[%dma_wait3A_167] : memref<4096xf32, #tpu.memory_space<vmem>> -> memref<1024xf32, #tpu.memory_space<vmem>>
    %dma_wait3A_169 = arith.constant 0 : i32
    %dma_wait3A_170 = tpu.memref_slice %arg4[%dma_wait3A_159, %dma_wait3A_160, %dma_wait3A_161, %dma_wait3A_169] : memref<50x4x128x1024xf32, #tpu.memory_space<hbm>> -> memref<1x1x1x1024xf32, #tpu.memory_space<hbm>>
    %dma_wait3A_171 = tpu.memref_squeeze %dma_wait3A_170 : memref<1x1x1x1024xf32, #tpu.memory_space<hbm>> -> memref<1024xf32, #tpu.memory_space<hbm>>
    tpu.wait_dma2 semaphore(%arg14 : memref<!tpu.dma_semaphore, #tpu.memory_space<semaphore_mem>>) src(%dma_wait3A_171 : memref<1024xf32, #tpu.memory_space<hbm>>) dst(%dma_wait3A_168 : memref<1024xf32, #tpu.memory_space<vmem>>)
    %dma_wait3A_172 = arith.constant 0 : i32
    %dma_wait3A_173 = arith.constant 0 : i32
    %dma_wait3A_174 = arith.constant 0 : i32
    %dma_wait3A_175 = arith.constant 1024 : i32
    %dma_wait3A_176 = tpu.memref_slice %arg8[%dma_wait3A_175] : memref<4096xf32, #tpu.memory_space<vmem>> -> memref<1024xf32, #tpu.memory_space<vmem>>
    %dma_wait3A_177 = arith.constant 0 : i32
    %dma_wait3A_178 = tpu.memref_slice %arg4[%dma_wait3A_172, %dma_wait3A_173, %dma_wait3A_174, %dma_wait3A_177] : memref<50x4x128x1024xf32, #tpu.memory_space<hbm>> -> memref<1x1x1x1024xf32, #tpu.memory_space<hbm>>
    %dma_wait3A_179 = tpu.memref_squeeze %dma_wait3A_178 : memref<1x1x1x1024xf32, #tpu.memory_space<hbm>> -> memref<1024xf32, #tpu.memory_space<hbm>>
    %dma_wait3A_180 = arith.constant 1024 : i32
    %dma_wait3A_181 = tpu.memref_slice %arg8[%dma_wait3A_180] : memref<4096xf32, #tpu.memory_space<vmem>> -> memref<1024xf32, #tpu.memory_space<vmem>>
    %dma_wait3A_182 = arith.constant 0 : i32
    %dma_wait3A_183 = tpu.memref_slice %arg4[%dma_wait3A_172, %dma_wait3A_173, %dma_wait3A_174, %dma_wait3A_182] : memref<50x4x128x1024xf32, #tpu.memory_space<hbm>> -> memref<1x1x1x1024xf32, #tpu.memory_space<hbm>>
    %dma_wait3A_184 = tpu.memref_squeeze %dma_wait3A_183 : memref<1x1x1x1024xf32, #tpu.memory_space<hbm>> -> memref<1024xf32, #tpu.memory_space<hbm>>
    tpu.wait_dma2 semaphore(%arg14 : memref<!tpu.dma_semaphore, #tpu.memory_space<semaphore_mem>>) src(%dma_wait3A_184 : memref<1024xf32, #tpu.memory_space<hbm>>) dst(%dma_wait3A_181 : memref<1024xf32, #tpu.memory_space<vmem>>)
    %dma_wait3A_185 = arith.constant 0 : i32
    %dma_wait3A_186 = arith.constant 0 : i32
    %dma_wait3A_187 = arith.constant 0 : i32
    %dma_wait3A_188 = arith.constant 2048 : i32
    %dma_wait3A_189 = tpu.memref_slice %arg8[%dma_wait3A_188] : memref<4096xf32, #tpu.memory_space<vmem>> -> memref<1024xf32, #tpu.memory_space<vmem>>
    %dma_wait3A_190 = arith.constant 0 : i32
    %dma_wait3A_191 = tpu.memref_slice %arg4[%dma_wait3A_185, %dma_wait3A_186, %dma_wait3A_187, %dma_wait3A_190] : memref<50x4x128x1024xf32, #tpu.memory_space<hbm>> -> memref<1x1x1x1024xf32, #tpu.memory_space<hbm>>
    %dma_wait3A_192 = tpu.memref_squeeze %dma_wait3A_191 : memref<1x1x1x1024xf32, #tpu.memory_space<hbm>> -> memref<1024xf32, #tpu.memory_space<hbm>>
    %dma_wait3A_193 = arith.constant 2048 : i32
    %dma_wait3A_194 = tpu.memref_slice %arg8[%dma_wait3A_193] : memref<4096xf32, #tpu.memory_space<vmem>> -> memref<1024xf32, #tpu.memory_space<vmem>>
    %dma_wait3A_195 = arith.constant 0 : i32
    %dma_wait3A_196 = tpu.memref_slice %arg4[%dma_wait3A_185, %dma_wait3A_186, %dma_wait3A_187, %dma_wait3A_195] : memref<50x4x128x1024xf32, #tpu.memory_space<hbm>> -> memref<1x1x1x1024xf32, #tpu.memory_space<hbm>>
    %dma_wait3A_197 = tpu.memref_squeeze %dma_wait3A_196 : memref<1x1x1x1024xf32, #tpu.memory_space<hbm>> -> memref<1024xf32, #tpu.memory_space<hbm>>
    tpu.wait_dma2 semaphore(%arg14 : memref<!tpu.dma_semaphore, #tpu.memory_space<semaphore_mem>>) src(%dma_wait3A_197 : memref<1024xf32, #tpu.memory_space<hbm>>) dst(%dma_wait3A_194 : memref<1024xf32, #tpu.memory_space<vmem>>)
    %dma_wait3A_198 = arith.constant 0 : i32
    %dma_wait3A_199 = arith.constant 0 : i32
    %dma_wait3A_200 = arith.constant 0 : i32
    %dma_wait3A_201 = arith.constant 3072 : i32
    %dma_wait3A_202 = tpu.memref_slice %arg8[%dma_wait3A_201] : memref<4096xf32, #tpu.memory_space<vmem>> -> memref<1024xf32, #tpu.memory_space<vmem>>
    %dma_wait3A_203 = arith.constant 0 : i32
    %dma_wait3A_204 = tpu.memref_slice %arg4[%dma_wait3A_198, %dma_wait3A_199, %dma_wait3A_200, %dma_wait3A_203] : memref<50x4x128x1024xf32, #tpu.memory_space<hbm>> -> memref<1x1x1x1024xf32, #tpu.memory_space<hbm>>
    %dma_wait3A_205 = tpu.memref_squeeze %dma_wait3A_204 : memref<1x1x1x1024xf32, #tpu.memory_space<hbm>> -> memref<1024xf32, #tpu.memory_space<hbm>>
    %dma_wait3A_206 = arith.constant 3072 : i32
    %dma_wait3A_207 = tpu.memref_slice %arg8[%dma_wait3A_206] : memref<4096xf32, #tpu.memory_space<vmem>> -> memref<1024xf32, #tpu.memory_space<vmem>>
    %dma_wait3A_208 = arith.constant 0 : i32
    %dma_wait3A_209 = tpu.memref_slice %arg4[%dma_wait3A_198, %dma_wait3A_199, %dma_wait3A_200, %dma_wait3A_208] : memref<50x4x128x1024xf32, #tpu.memory_space<hbm>> -> memref<1x1x1x1024xf32, #tpu.memory_space<hbm>>
    %dma_wait3A_210 = tpu.memref_squeeze %dma_wait3A_209 : memref<1x1x1x1024xf32, #tpu.memory_space<hbm>> -> memref<1024xf32, #tpu.memory_space<hbm>>
    tpu.wait_dma2 semaphore(%arg14 : memref<!tpu.dma_semaphore, #tpu.memory_space<semaphore_mem>>) src(%dma_wait3A_210 : memref<1024xf32, #tpu.memory_space<hbm>>) dst(%dma_wait3A_207 : memref<1024xf32, #tpu.memory_space<vmem>>)
    return
  }
}

</mosaic_0001>

<sc_bundles>
// kernel: kernel.3.cloned.1.call-start
scs
__scs_entry_jumppad:
0x0: {  	(pc) =	sbr.rel $0x88, $3  }
0x1: {  	(tag) =	ssettag $0x0;
	lr =	simm.s32 $0x1  }
0x2: {  	[smem:$0x3F9F] =	sst lr;
	_ =	strace $0xD0000000  }
0x3: {  	_ = 	snop  }
0x4: {  	_ = 	snop  }
0x5: {  	_ = 	snop  }
0x6: {  	_ = 	snop  }
0x7: {  	_ = 	snop  }
__scs_overlays_trampoline_lowered:
0x8: {  	[smem:$0x3FAE] =	sst s0  }
0x9: {  	[smem:$0x3FAF] =	sst s1  }
0xa: {  	[smem:$0x3FB0] =	sst s2  }
0xb: {  	[smem:$0x3FB1] =	sst s3  }
0xc: {  	[smem:$0x3FB2] =	sst s4  }
0xd: {  	[smem:$0x3FB3] =	sst s5  }
0xe: {  	[smem:$0x3FB4] =	sst s6  }
0xf: {  	[smem:$0x3FB5] =	sst s7  }
0x10: {  	[smem:$0x3FB6] =	sst s8  }
0x11: {  	[smem:$0x3FB7] =	sst s9;
	s0 =	simm.s32 @!p0 $0x0  }
0x12: {  	s1 =	sld [smem:$0x3F9D];
	s0 =	simm.s32 @p0 $0x1  }
0x13: {  	[smem:$0x3FB8] =	sst s0;
	s0 =	simm.s32 @!p1 $0x0  }
0x14: {  	s2 =	sld [smem:$0x3F9C];
	s0 =	simm.s32 @p1 $0x1  }
0x15: {  	[smem:$0x3FB9] =	sst s0;
	s0 =	simm.s32 @!p2 $0x0  }
0x16: {  	s3 =	sld [smem:$0x3FDB];
	s0 =	simm.s32 @p2 $0x1  }
0x17: {  	s4 =	simm.s32 $0x1BF5;
	[smem:$0x3FBB] =	sst s0  }
0x18: {  	s0 =	sld [smem:$0x3F9E];
	_ =	swait.ge [sflag:s4], $0x0  }
0x19: {  	s7 =	sld [smem:$0x3F9F]  }
0x1a: {  	s8 =	sadd.s32 $0xFFFFE003, lr  }
0x1b: {  	s9 =	sadd.s32 $0xFFFFFEF7, lr;
	s5 =	simm.s32 $0xFFFFFFFF;
	p2 =	slt.u32 s8, $0xFFFFF086  }
0x1c: {  	p1 =	slt.u32 s9, $0xF7A;
	s5 =	simm.s32 @!p2 $0x0  }
0x1d: {  	s5 =	simm.s32 @p1 $0x1;
	p0 =	seq.s32 s7, s2  }
0x1e: {  	s7 =	smul.u32 @!p0 $0xF7A, s2;
	p2 =	seq.s32 @!p0 s5, $0x0  }
0x1f: {  	s9 =	smul.u32 $0xF7A, s1;
	s8 =	simm.s32 @!p0 $0x1BF5;
	p2 =	por !p2, p0  }
0x20: {  	[sflag:s8] =	ssyncset.s32 @!p0 $0xFFFFF086;
	s6 =	sadd.s32 @!p0 s3, s7;
	s7 =	simm.s32 @!p0 $0x108  }
0x21: {  	s3 =	sadd.s32 s3, s9;
	s6 =	sadd.s32 @!p0 $0x88, s6;
	s7 =	simm.s32 @p2 $0x1082  }
0x22: {  	[simem:s7], [sflag:s8] =	dma.local @!p0 [hbm:s6], $0xF7A  }
0x23: {  	s9 =	sor.u32 $0xD0000000, s2;
	s6 =	simm.s32 $0x108;
	_ =	swait.ge @!p0 [sflag:s8], $0x0  }
0x24: {  	s3 =	sadd.s32 $0x88, s3;
	s6 =	simm.s32 @!p1 $0x1082;
	[sflag:s4] =	ssyncset.s32 $0xFFFFF086  }
0x25: {  	[simem:s6], [sflag:s4] =	dma.local [hbm:s3], $0xF7A  }
0x26: {  	[smem:$0x3F9F] =	sst s1;
	(tag) =	ssettag s2;
	_ =	strace s9  }
0x27: {  	s1 =	sld [smem:$0x3FAF]  }
0x28: {  	s2 =	sld [smem:$0x3FB0]  }
0x29: {  	s4 =	sld [smem:$0x3FB2]  }
0x2a: {  	p0 =	seq.s32 s5, $0x0;
	s5 =	sld [smem:$0x3FB3]  }
0x2b: {  	s6 =	sld [smem:$0x3FB4]  }
0x2c: {  	s7 =	sld [smem:$0x3FB5]  }
0x2d: {  	s3 =	simm.s32 $0x108;
	s8 =	sld [smem:$0x3FB6]  }
0x2e: {  	s3 =	simm.s32 @!p0 $0x1082;
	s9 =	sld [smem:$0x3FB7]  }
0x2f: {  	lr =	sadd.s32 s0, s3;
	s0 =	sld [smem:$0x3FAE]  }
0x30: {  	s3 =	sld [smem:$0x3FB1]  }
0x31: {  	[smem:$0x3FBA] =	sst s10  }
0x32: {  	s10 =	sld [smem:$0x3FB8];
	_ =	sdelay $0x3  }
0x33: {  	p0 =	seq.s32 s10, $0x1;
	s10 =	sld [smem:$0x3FBA];
	_ =	sdelay $0x3  }
0x34: {  	[smem:$0x3FBA] =	sst s10  }
0x35: {  	s10 =	sld [smem:$0x3FB9];
	_ =	sdelay $0x3  }
0x36: {  	p1 =	seq.s32 s10, $0x1;
	s10 =	sld [smem:$0x3FBA];
	_ =	sdelay $0x3  }
0x37: {  	[smem:$0x3FBA] =	sst s10  }
0x38: {  	s10 =	sld [smem:$0x3FBB]  }
0x39: {  	_ = 	snop;
	(pc) =	sbr.ind lr, $3  }
0x3a: {  	_ = 	snop  }
0x3b: {  	_ = 	snop  }
0x3c: {  	p2 =	seq.s32 s10, $0x1;
	s10 =	sld [smem:$0x3FBA]  }
0x3d: {  	_ =	shalt  }
0x3e: {  	_ =	shalt  }
0x3f: {  	_ =	shalt  }
0x40: {  	_ =	shalt  }
0x41: {  	_ =	shalt  }
0x42: {  	_ =	shalt  }
0x43: {  	_ =	shalt  }
0x44: {  	_ =	shalt  }
0x45: {  	_ =	shalt  }
0x46: {  	_ =	shalt  }
0x47: {  	_ =	shalt  }
0x48: {  	_ =	shalt  }
0x49: {  	_ =	shalt  }
0x4a: {  	_ =	shalt  }
0x4b: {  	_ =	shalt  }
0x4c: {  	_ =	shalt  }
0x4d: {  	_ =	shalt  }
0x4e: {  	_ =	shalt  }
0x4f: {  	_ =	shalt  }
0x50: {  	_ =	shalt  }
0x51: {  	_ =	shalt  }
0x52: {  	_ =	shalt  }
0x53: {  	_ =	shalt  }
0x54: {  	_ =	shalt  }
0x55: {  	_ =	shalt  }
0x56: {  	_ =	shalt  }
0x57: {  	_ =	shalt  }
0x58: {  	_ =	shalt  }
0x59: {  	_ =	shalt  }
0x5a: {  	_ =	shalt  }
0x5b: {  	_ =	shalt  }
0x5c: {  	_ =	shalt  }
0x5d: {  	_ =	shalt  }
0x5e: {  	_ =	shalt  }
0x5f: {  	_ =	shalt  }
0x60: {  	_ =	shalt  }
0x61: {  	_ =	shalt  }
0x62: {  	_ =	shalt  }
0x63: {  	_ =	shalt  }
0x64: {  	_ =	shalt  }
0x65: {  	_ =	shalt  }
0x66: {  	_ =	shalt  }
0x67: {  	_ =	shalt  }
0x68: {  	_ =	shalt  }
0x69: {  	_ =	shalt  }
0x6a: {  	_ =	shalt  }
0x6b: {  	_ =	shalt  }
0x6c: {  	_ =	shalt  }
0x6d: {  	_ =	shalt  }
0x6e: {  	_ =	shalt  }
0x6f: {  	_ =	shalt  }
0x70: {  	_ =	shalt  }
0x71: {  	_ =	shalt  }
0x72: {  	_ =	shalt  }
0x73: {  	_ =	shalt  }
0x74: {  	_ =	shalt  }
0x75: {  	_ =	shalt  }
0x76: {  	_ =	shalt  }
0x77: {  	_ =	shalt  }
0x78: {  	_ =	shalt  }
0x79: {  	_ =	shalt  }
0x7a: {  	_ =	shalt  }
0x7b: {  	_ =	shalt  }
0x7c: {  	_ =	shalt  }
0x7d: {  	_ =	shalt  }
0x7e: {  	_ =	shalt  }
0x7f: {  	_ =	shalt  }
0x80: {  	_ =	shalt  }
0x81: {  	_ =	shalt  }
0x82: {  	_ =	shalt  }
0x83: {  	_ =	shalt  }
0x84: {  	_ =	shalt  }
0x85: {  	_ =	shalt  }
0x86: {  	_ =	shalt  }
0x87: {  	_ =	shalt  }
.Lfunc_end0:
.L_simem_size_0:
called_computation_lowered:
.L_overlay_start_0:
0x88: {  	s2 =	sld [smem:$0x3FD9]  }
0x89: {  	s3 =	sld [smem:$0x3FFE];
	_ =	sdelay $0x1  }
0x8a: {  	s1 =	srdreg.scid  }
0x8b: {  	s0 =	sand.u32 $0x1, s1  }
0x8c: {  	s17 =	sshll.u32 s0, $0xA;
	s2 =	sadd.s32 s3, s2  }
0x8d: {  	s2 =	sadd.s32 s2, s17  }
0x8e: {  	[smem:$0x3FC6] =	sst s2  }
0x8f: {  	_ = 	snop  }
0x90: {  	s2 =	sld [smem:$0x3FD0];
	(tm) =	ssettm $0x1  }
0x91: {  	s18 =	sld [smem:$0x3FFB];
	_ =	sdelay $0x3  }
0x92: {  	_ =	strace s18  }
0x93: {  	s3 =	sld [smem:$0x3FFC];
	_ =	sdelay $0x3  }
0x94: {  	_ =	strace s3  }
0x95: {  	s3 =	sld [smem:$0x3FFD];
	_ =	sdelay $0x3  }
0x96: {  	_ =	strace s3  }
0x97: {  	_ =	strace $0x8FFFFFFF  }
0x98: {  	s19 =	sld [smem:$0x3FDB];
	_ =	sdelay $0x1  }
0x99: {  	s4 =	simm.s32 $_scs_section_size  }
0x9a: {  	s5 =	simm.s32 $_size__tile_overlayer_lowered;
	s6 =	simm.s32 $_tile_overlayer_lowered  }
0x9b: {  	s22 =	simm.s32 $0x1BFF;
	s21 =	sshll.u32 s6, $0x1;
	s3 =	sadd.s32 s4, s19  }
0x9c: {  	s7 =	simm.s32 $0x0;
	s20 =	sshll.u32 s5, $0x1;
	s5 =	sadd.s32 s21, s3  }
0x9d: {  	[timem:s7], [sflag:s22] =	dma.local [hbm:s5], s20  }
0x9e: {  	_ =	swait.ge [sflag:s22], s20  }
0x9f: {  	s4 =	ssub.s32 $0x0, s20;
	[sflag:s22] =	ssyncset.done $0x0  }
0xa0: {  	[sflag:s22] =	ssyncadd.s32 s4;
	_ =	sdelay $0x1  }
0xa1: {  	s23 =	simm.s32 $0x1B8B  }
0xa2: {  	_ =	swait.ge [sflag:s23], $0x1  }
0xa3: {  	[sflag:s23] =	ssyncset.done $0x0  }
0xa4: {  	s25 =	simm.s32 $0x1B8E;
	s24 =	sld [smem:$0x3FFE];
	[sflag:s23] =	ssyncadd.s32 $0xFFFFFFFF  }
0xa5: {  	s26 =	simm.s32 $execute0_lowered;
	[smem:$0x3FD2] =	sst s25  }
0xa6: {  	s5 =	sshll.u32 s26, $0x1;
	_ =	strace $0x80000046;
	[dreg:$0x1] =	wrdreg $0xFFFFFFFF  }
0xa7: {  	s28 =	simm.s32 $_size_execute0_lowered;
	s3 =	sadd.s32 s3, s5;
	[dreg:$0x0] =	wrdreg $0x0  }
0xa8: {  	s5 =	sshll.u32 s28, $0x1;
	[dreg:$0x2] =	wrdreg s3  }
0xa9: {  	[dreg:$0x3] =	wrdreg s5  }
0xaa: {  	[dreg:$0x4] =	wrdreg $0xC0  }
0xab: {  	_ =	task [dreg:s7], $0x5FFFF  }
0xac: {  	[dreg:$0x1] =	wrdreg $0xFFFFFFFF  }
0xad: {  	[dreg:$0x0] =	wrdreg $0x60  }
0xae: {  	[dreg:$0x2] =	wrdreg s24  }
0xaf: {  	[dreg:$0x3] =	wrdreg s2  }
0xb0: {  	[dreg:$0x4] =	wrdreg $0x9  }
0xb1: {  	_ =	task.clear_ibuf [dreg:s7], $0x5FFFF;
	_ =	strace $0x90000046  }
0xb2: {  	s29 =	simm.s32 $0x9;
	_ =	strace $0x80000048  }
0xb3: {  	_ =	swait.ge [sflag:s29], $0x1  }
0xb4: {  	[sflag:s29] =	ssyncadd.s32 $0xFFFFFFFF  }
0xb5: {  	_ =	strace $0x90000048  }
0xb6: {  	_ =	sfence  }
0xb7: {  	s30 =	sld [smem:$0x0];
	_ =	sdelay $0x2  }
0xb8: {  	s31 =	sshll.u32 s1, $0xD;
	s1 =	sshrl.u32 s1, $0x2  }
0xb9: {  	s3 =	sand.u32 $0x4000, s31;
	s1 =	sadd.s32 s1, s30  }
0xba: {  	s0 =	sor.u32 s3, s0;
	s1 =	sshll.u32 s1, $0x11  }
0xbb: {  	s0 =	sor.u32 s1, s0  }
0xbc: {  	s0 =	sadd.s32 $0x8F2B, s0  }
0xbd: {  	[sflag:s0] =	ssyncadd.remote.s32 $0x1  }
0xbe: {  	_ =	sfence.sel $0xFFFF  }
0xbf: {  	[dreg:$0x0] =	wrdreg $0xFFFFFFFF;
	(pc) =	sbr.abs _section_cstart, $3  }
0xc0: {  	[dreg:$0x1] =	wrdreg $0xFFFFFFFF  }
0xc1: {  	_ =	task.clear_ibuf [dreg:s7], $0x2FFFF;
	_ =	strace $0x9FFFFFFF  }
0xc2: {  	(tm) =	ssettm $0x7FFFFFFF  }
0xc3: {  	_ =	shalt  }
tec
execute0_lowered:
.L_overlay_start_1:
0x0: {  	(tag) =	ssettag $0x1  }
0x1: {  	s0 =	rddreg [dreg:$0x0]  }
0x2: {  	s2 =	rddreg [dreg:$0x1];
	s1 =	srdreg.scid  }
0x3: {  	s4 =	stileid.u32;
	s3 =	simm.s32 $0x0;
	s18 =	simm.s32 $0x6400  }
0x4: {  	s19 =	simm.s32 $0x7400;
	s28 =	simm.s32 $0xB000;
	s29 =	simm.s32 $0x2  }
0x5: {  	s30 =	simm.s32 $0xB400;
	s31 =	simm.s32 $0xB800;
	s14 =	simm.s32 $0x3  }
0x6: {  	s15 =	simm.s32 $0x5;
	s20 =	simm.s32 $0x4;
	s1 =	sand.u32 $0x1, s1  }
0x7: {  	s4 =	sshll.u32 s4, $0x3;
	[smem:$0x7FF] =	sst s3;
	s24 =	sadd.s32 $0x4000, s2  }
0x8: {  	s25 =	sadd.s32 $0x8000, s2;
	_ =	strace $0x80000047;
	[dreg:$0x4] =	wrdreg s24  }
0x9: {  	s26 =	sadd.s32 $0xC000, s2;
	s5 =	sshll.u32 s1, $0x2;
	[dreg:$0x5] =	wrdreg s25  }
0xa: {  	s1 =	ssub.s32 $0x2, s1;
	[dreg:$0x6] =	wrdreg s26;
	s24 =	simm.s32 $0xA400  }
0xb: {  	s25 =	simm.s32 $0xA800;
	s5 =	sor.u32 s5, s4;
	s6 =	sshrl.u32 s1, $0x1  }
0xc: {  	s26 =	simm.s32 $0xAC00;
	s4 =	sshll.u32 s5, $0x4;
	s21 =	ssub.s32 s1, s6  }
0xd: {  	s23 =	sshll.u32 s5, $0xA;
	s1 =	simm.s32 $0xC000;
	s5 =	simm.s32 $0x6  }
0xe: {  	s7 =	sadd.s32 s4, s0;
	s4 =	sadd.s32 $0xF42A00, s0;
	s10 =	sor.u32 $0x400, s23  }
0xf: {  	s11 =	sor.u32 $0x800, s23;
	s9 =	smov.u32 s23;
	s12 =	sor.u32 $0xC00, s23  }
0x10: {  	s0 =	smax.u32 s21, $0x1;
	s21 =	simm.s32 $0x8400;
	s23 =	simm.s32 $0x9400  }
0x11: {  	v0 =	vlaneseq.u32;
	s22 =	sadd.s32 $0x600, s7;
	[dreg:$0x7] =	wrdreg s0;
	s0 =	simm.s32 $0xBC00  }
0x12: {  	v0 =	vmul.u32 $0x20, v0;
	s7 =	simm.s32 $0x0;
	[dreg:$0x3] =	wrdreg s22;
	s22 =	simm.s32 $0x1  }
.LBB2_1:
0x13: {  	[dreg:$0x8] =	wrdreg s7  }
0x14: {  	s6 =	rddreg [dreg:$0x3]  }
0x15: {  	s17 =	simm.s32 $0x200;
	s8 =	simm.s32 $0x4000;
	s13 =	simm.s32 $0x7  }
0x16: {  	[tilespmem:s3], [sflag:$0x7] =	stream.strided.gather [hbm4b:s6+s17], $0x6400, s8, s17, $0x38;
	[tilespmem:$0xC400] =	vst v63  }
0x17: {  	_ =	swait.ge [sflag:s13], $0x6400  }
0x18: {  	[sflag:s13] =	ssyncset.done $0x0  }
0x19: {  	s16 =	simm.s32 $0x80;
	[sflag:s13] =	ssyncadd.s32 $0xFFFF9C00  }
0x1a: {  	[tilespmem:s18], [sflag:$0x1] =	stream.indirect.gather [hbm4b:s4+s16], $0x20, s3, s16, $0xb8;
	[tilespmem:$0xC400] =	vst v63  }
0x1b: {  	_ = 	snop  }
0x1c: {  	[tilespmem:s19], [sflag:$0x2] =	stream.indirect.gather [hbm4b:s4+s16], $0x20, s16, s16, $0xb8;
	[tilespmem:$0xC400] =	vst v63  }
0x1d: {  	s17 =	simm.s32 $0x100  }
0x1e: {  	[tilespmem:s21], [sflag:$0x3] =	stream.indirect.gather [hbm4b:s4+s16], $0x20, s17, s16, $0xb8;
	[tilespmem:$0xC400] =	vst v63  }
0x1f: {  	s16 =	simm.s32 $0x0  }
.LBB2_2:
0x20: {  	_ =	swait.ge [sflag:s22], $0x1000;
	s7 =	sshll.u32 s16, $0x9  }
0x21: {  	s6 =	simm.s32 $0x80;
	[sflag:s22] =	ssyncset.done $0x0;
	s13 =	sand.u32 $0x3FFFFE00, s7  }
0x22: {  	p0 =	seq.s32 s16, $0x0;
	[sflag:s22] =	ssyncadd.s32 $0xFFFFF000;
	s7 =	sor.u32 $0x180, s13  }
0x23: {  	[tilespmem:s23], [sflag:$0x4] =	stream.indirect.gather [hbm4b:s4+s6], $0x20, s7, s6, $0xb8;
	[tilespmem:$0xC400] =	vst v63  }
0x24: {  	s7 =	simm.s32 @!p0 $0x5  }
0x25: {  	_ =	swait.ge @!p0 [sflag:s7], $0x400  }
0x26: {  	[sflag:s7] =	ssyncset.done @!p0 $0x0  }
0x27: {  	[sflag:s7] =	ssyncadd.s32 @!p0 $0xFFFFFC00  }
0x28: {  	_ =	swait.ge @!p0 [sflag:s7], $0x400  }
0x29: {  	[sflag:s7] =	ssyncset.done @!p0 $0x0  }
0x2a: {  	[sflag:s7] =	ssyncadd.s32 @!p0 $0xFFFFFC00  }
0x2b: {  	_ =	swait.ge @!p0 [sflag:s7], $0x400  }
0x2c: {  	[sflag:s7] =	ssyncset.done @!p0 $0x0  }
0x2d: {  	[sflag:s7] =	ssyncadd.s32 @!p0 $0xFFFFFC00  }
0x2e: {  	_ =	swait.ge @!p0 [sflag:s7], $0x400  }
0x2f: {  	[sflag:s7] =	ssyncset.done @!p0 $0x0  }
0x30: {  	s17 =	simm.s32 $0x0;
	[sflag:s7] =	ssyncadd.s32 @!p0 $0xFFFFFC00;
	s7 =	simm.s32 $0xAC00  }
.LBB2_3:
0x31: {  	v1 =	vmov s17  }
0x32: {  	v1 =	vshll.u32 v1, $0x5  }
0x33: {  	v1 =	vor.u32 v0, v1  }
0x34: {  	v2 =	vor.u32 $0x1, v1  }
0x35: {  	v3 =	vor.u32 $0x2, v1  }
0x36: {  	v4 =	vor.u32 $0x3, v1  }
0x37: {  	v5 =	vor.u32 $0x4, v1  }
0x38: {  	v7 =	vor.u32 $0x5, v1;
	v6 =	vld.idx.msk [tilespmem:v1+s18+$0x0], $0xffff  }
0x39: {  	v8 =	vor.u32 $0x6, v1;
	v2 =	vld.idx.msk [tilespmem:v2+s18+$0x0], $0xffff  }
0x3a: {  	v9 =	vor.u32 $0x7, v1;
	v3 =	vld.idx.msk [tilespmem:v3+s18+$0x0], $0xffff  }
0x3b: {  	v10 =	vor.u32 $0x8, v1;
	v4 =	vld.idx.msk [tilespmem:v4+s18+$0x0], $0xffff  }
0x3c: {  	v11 =	vor.u32 $0x9, v1;
	v5 =	vld.idx.msk [tilespmem:v5+s18+$0x0], $0xffff  }
0x3d: {  	v12 =	vor.u32 $0xA, v1;
	v7 =	vld.idx.msk [tilespmem:v7+s18+$0x0], $0xffff  }
0x3e: {  	v13 =	vor.u32 $0xB, v1;
	v8 =	vld.idx.msk [tilespmem:v8+s18+$0x0], $0xffff  }
0x3f: {  	v14 =	vor.u32 $0xC, v1;
	v9 =	vld.idx.msk [tilespmem:v9+s18+$0x0], $0xffff  }
0x40: {  	v15 =	vor.u32 $0xD, v1;
	v10 =	vld.idx.msk [tilespmem:v10+s18+$0x0], $0xffff  }
0x41: {  	v16 =	vor.u32 $0xE, v1;
	v11 =	vld.idx.msk [tilespmem:v11+s18+$0x0], $0xffff  }
0x42: {  	v17 =	vor.u32 $0xF, v1;
	v12 =	vld.idx.msk [tilespmem:v12+s18+$0x0], $0xffff  }
0x43: {  	v18 =	vor.u32 $0x10, v1;
	v13 =	vld.idx.msk [tilespmem:v13+s18+$0x0], $0xffff  }
0x44: {  	v19 =	vor.u32 $0x11, v1;
	v14 =	vld.idx.msk [tilespmem:v14+s18+$0x0], $0xffff  }
0x45: {  	v20 =	vor.u32 $0x12, v1;
	v15 =	vld.idx.msk [tilespmem:v15+s18+$0x0], $0xffff  }
0x46: {  	v21 =	vor.u32 $0x13, v1;
	v16 =	vld.idx.msk [tilespmem:v16+s18+$0x0], $0xffff  }
0x47: {  	v22 =	vor.u32 $0x14, v1;
	v17 =	vld.idx.msk [tilespmem:v17+s18+$0x0], $0xffff  }
0x48: {  	v23 =	vor.u32 $0x15, v1;
	v18 =	vld.idx.msk [tilespmem:v18+s18+$0x0], $0xffff  }
0x49: {  	v24 =	vor.u32 $0x16, v1;
	v19 =	vld.idx.msk [tilespmem:v19+s18+$0x0], $0xffff  }
0x4a: {  	v25 =	vor.u32 $0x17, v1;
	v20 =	vld.idx.msk [tilespmem:v20+s18+$0x0], $0xffff  }
0x4b: {  	v26 =	vor.u32 $0x18, v1;
	v21 =	vld.idx.msk [tilespmem:v21+s18+$0x0], $0xffff  }
0x4c: {  	v27 =	vor.u32 $0x19, v1;
	v22 =	vld.idx.msk [tilespmem:v22+s18+$0x0], $0xffff  }
0x4d: {  	v28 =	vor.u32 $0x1A, v1;
	v23 =	vld.idx.msk [tilespmem:v23+s18+$0x0], $0xffff  }
0x4e: {  	v29 =	vor.u32 $0x1B, v1;
	v24 =	vld.idx.msk [tilespmem:v24+s18+$0x0], $0xffff  }
0x4f: {  	v30 =	vor.u32 $0x1C, v1;
	v25 =	vld.idx.msk [tilespmem:v25+s18+$0x0], $0xffff  }
0x50: {  	v31 =	vor.u32 $0x1D, v1;
	v26 =	vld.idx.msk [tilespmem:v26+s18+$0x0], $0xffff  }
0x51: {  	v32 =	vor.u32 $0x1E, v1;
	v27 =	vld.idx.msk [tilespmem:v27+s18+$0x0], $0xffff  }
0x52: {  	v1 =	vor.u32 $0x1F, v1;
	v28 =	vld.idx.msk [tilespmem:v28+s18+$0x0], $0xffff  }
0x53: {  	v29 =	vld.idx.msk [tilespmem:v29+s18+$0x0], $0xffff  }
0x54: {  	v30 =	vld.idx.msk [tilespmem:v30+s18+$0x0], $0xffff  }
0x55: {  	v31 =	vld.idx.msk [tilespmem:v31+s18+$0x0], $0xffff;
	v6 =	vmul.f32 $5.656854150e+00, v6  }
0x56: {  	v32 =	vld.idx.msk [tilespmem:v32+s18+$0x0], $0xffff;
	v2 =	vmul.f32 $5.656854150e+00, v2  }
0x57: {  	v1 =	vld.idx.msk [tilespmem:v1+s18+$0x0], $0xffff;
	v3 =	vmul.f32 $5.656854150e+00, v3;
	[tilespmem:s7+$0xFFFFF800] =	vst v6  }
0x58: {  	v4 =	vmul.f32 $5.656854150e+00, v4;
	[tilespmem:s7+$0xFFFFF880] =	vst v2  }
0x59: {  	v55 =	vmul.f32 $5.656854150e+00, v8;
	[tilespmem:s7+$0xFFFFF900] =	vst v3  }
0x5a: {  	v56 =	vmul.f32 $5.656854150e+00, v11;
	[tilespmem:s7+$0xFFFFF980] =	vst v4  }
0x5b: {  	v57 =	vmul.f32 $5.656854150e+00, v14;
	[tilespmem:s7+$0xFFFFFB00] =	vst v55  }
0x5c: {  	v58 =	vmul.f32 $5.656854150e+00, v17;
	[tilespmem:s7+$0xFFFFFC80] =	vst v56  }
0x5d: {  	v59 =	vmul.f32 $5.656854150e+00, v20;
	[tilespmem:s7+$0xFFFFFE00] =	vst v57  }
0x5e: {  	v60 =	vmul.f32 $5.656854150e+00, v23;
	[tilespmem:s7+$0xFFFFFF80] =	vst v58  }
0x5f: {  	v61 =	vmul.f32 $5.656854150e+00, v26;
	[tilespmem:s7+$0x100] =	vst v59  }
0x60: {  	v62 =	vmul.f32 $5.656854150e+00, v29;
	[tilespmem:s7+$0x280] =	vst v60  }
0x61: {  	v63 =	vmul.f32 $5.656854150e+00, v32;
	[tilespmem:s7+$0x400] =	vst v61  }
0x62: {  	v2 =	vmul.f32 $5.656854150e+00, v5;
	[tilespmem:s7+$0x580] =	vst v62  }
0x63: {  	v3 =	vmul.f32 $5.656854150e+00, v7;
	[tilespmem:s7+$0x700] =	vst v63  }
0x64: {  	[tilespmem:s7+$0xFFFFFA00] =	vst v2;
	v2 =	vmul.f32 $5.656854150e+00, v9  }
0x65: {  	[tilespmem:s7+$0xFFFFFA80] =	vst v3;
	v3 =	vmul.f32 $5.656854150e+00, v10  }
0x66: {  	v1 =	vmul.f32 $5.656854150e+00, v1;
	[tilespmem:s7+$0xFFFFFB80] =	vst v2  }
0x67: {  	v2 =	vmul.f32 $5.656854150e+00, v12;
	[tilespmem:s7+$0xFFFFFC00] =	vst v3  }
0x68: {  	v3 =	vmul.f32 $5.656854150e+00, v13;
	[tilespmem:s7+$0x780] =	vst v1  }
0x69: {  	[tilespmem:s7+$0xFFFFFD00] =	vst v2;
	v2 =	vmul.f32 $5.656854150e+00, v15  }
0x6a: {  	[tilespmem:s7+$0xFFFFFD80] =	vst v3;
	v3 =	vmul.f32 $5.656854150e+00, v16  }
0x6b: {  	[tilespmem:s7+$0xFFFFFE80] =	vst v2;
	v2 =	vmul.f32 $5.656854150e+00, v18  }
0x6c: {  	[tilespmem:s7+$0xFFFFFF00] =	vst v3;
	v3 =	vmul.f32 $5.656854150e+00, v19  }
0x6d: {  	[tilespmem:s7+$0x0] =	vst v2;
	v2 =	vmul.f32 $5.656854150e+00, v21  }
0x6e: {  	[tilespmem:s7+$0x80] =	vst v3;
	v3 =	vmul.f32 $5.656854150e+00, v22  }
0x6f: {  	[tilespmem:s7+$0x180] =	vst v2;
	v2 =	vmul.f32 $5.656854150e+00, v24  }
0x70: {  	[tilespmem:s7+$0x200] =	vst v3;
	v3 =	vmul.f32 $5.656854150e+00, v25  }
0x71: {  	p0 =	sne.s32 s17, $0x70;
	[tilespmem:s7+$0x300] =	vst v2;
	v2 =	vmul.f32 $5.656854150e+00, v27  }
.Ltmp0:
0x72: {  	[tilespmem:s7+$0x380] =	vst v3;
	v3 =	vmul.f32 $5.656854150e+00, v28;
	(pc) =	sbr.rel @p0 .LBB2_3-.Ltmp0, $4  }
0x73: {  	[tilespmem:s7+$0x480] =	vst v2;
	v2 =	vmul.f32 $5.656854150e+00, v30  }
0x74: {  	[tilespmem:s7+$0x500] =	vst v3;
	v3 =	vmul.f32 $5.656854150e+00, v31  }
0x75: {  	[tilespmem:s7+$0x600] =	vst v2  }
0x76: {  	s17 =	sadd.s32 $0x10, s17;
	[tilespmem:s7+$0x680] =	vst v3;
	s7 =	sadd.s32 $0x10, s7  }
0x77: {  	s17 =	sshll.u32 s16, $0x13  }
0x78: {  	s7 =	sor.u32 s9, s17  }
0x79: {  	s7 =	sshrl.u32 s7, $0x3  }
0x7a: {  	s6 =	rddreg [dreg:$0x4];
	s8 =	sadd.s32 s2, s7  }
0x7b: {  	[hbm4b:s8+s3] =	stream.linear.scatter [tilespmem:s24], [sflag:$0x5], $0x400, $0x38;
	[tilespmem:$0xC400] =	vst v63  }
0x7c: {  	s6 =	sadd.s32 s7, s6;
	s8 =	rddreg [dreg:$0x5]  }
0x7d: {  	[hbm4b:s6+s3] =	stream.linear.scatter [tilespmem:s25], [sflag:$0x5], $0x400, $0x38;
	[tilespmem:$0xC400] =	vst v63  }
0x7e: {  	s6 =	sadd.s32 s7, s8;
	s8 =	rddreg [dreg:$0x6]  }
0x7f: {  	[hbm4b:s6+s3] =	stream.linear.scatter [tilespmem:s26], [sflag:$0x5], $0x400, $0x38;
	[tilespmem:$0xC400] =	vst v63  }
0x80: {  	p0 =	seq.s32 s16, $0x31;
	s7 =	sadd.s32 s7, s8  }
0x81: {  	[hbm4b:s7+s3] =	stream.linear.scatter [tilespmem:s28], [sflag:$0x5], $0x400, $0x38;
	[tilespmem:$0xC400] =	vst v63  }
0x82: {  	p1 =	seq.s32 @!p0 s16, $0x0;
	_ =	swait.ge [sflag:s29], $0x1000  }
0x83: {  	p1 =	por p0, !p1;
	s8 =	simm.s32 @!p0 $0x80;
	[sflag:s29] =	ssyncset.done $0x0  }
0x84: {  	s6 =	simm.s32 @!p0 $0x6400;
	s7 =	sadd.s32 @!p0 $0x200, s13;
	[sflag:s29] =	ssyncadd.s32 $0xFFFFF000  }
0x85: {  	[tilespmem:s6], [sflag:$0x1] =	stream.indirect.gather @!p0 [hbm4b:s4+s8], $0x20, s7, s8, $0xb8;
	[tilespmem:$0xC400] =	vst v63  }
0x86: {  	_ =	swait.ge @p1 [sflag:s5], $0x400  }
0x87: {  	[sflag:s5] =	ssyncset.done @p1 $0x0  }
0x88: {  	[sflag:s5] =	ssyncadd.s32 @p1 $0xFFFFFC00  }
0x89: {  	_ =	swait.ge @p1 [sflag:s5], $0x400  }
0x8a: {  	[sflag:s5] =	ssyncset.done @p1 $0x0  }
0x8b: {  	[sflag:s5] =	ssyncadd.s32 @p1 $0xFFFFFC00  }
0x8c: {  	_ =	swait.ge @p1 [sflag:s5], $0x400  }
0x8d: {  	[sflag:s5] =	ssyncset.done @p1 $0x0  }
0x8e: {  	[sflag:s5] =	ssyncadd.s32 @p1 $0xFFFFFC00  }
0x8f: {  	_ =	swait.ge @p1 [sflag:s5], $0x400  }
0x90: {  	[sflag:s5] =	ssyncset.done @p1 $0x0  }
0x91: {  	s7 =	simm.s32 $0x0;
	s8 =	simm.s32 $0xBC00;
	[sflag:s5] =	ssyncadd.s32 @p1 $0xFFFFFC00  }
.LBB2_5:
0x92: {  	v1 =	vmov s7  }
0x93: {  	v1 =	vshll.u32 v1, $0x5  }
0x94: {  	v1 =	vor.u32 v0, v1  }
0x95: {  	v2 =	vor.u32 $0x1, v1  }
0x96: {  	v3 =	vor.u32 $0x2, v1  }
0x97: {  	v4 =	vor.u32 $0x3, v1  }
0x98: {  	v5 =	vor.u32 $0x4, v1  }
0x99: {  	v7 =	vor.u32 $0x5, v1;
	v6 =	vld.idx.msk [tilespmem:v1+s19+$0x0], $0xffff  }
0x9a: {  	v8 =	vor.u32 $0x6, v1;
	v2 =	vld.idx.msk [tilespmem:v2+s19+$0x0], $0xffff  }
0x9b: {  	v9 =	vor.u32 $0x7, v1;
	v3 =	vld.idx.msk [tilespmem:v3+s19+$0x0], $0xffff  }
0x9c: {  	v10 =	vor.u32 $0x8, v1;
	v4 =	vld.idx.msk [tilespmem:v4+s19+$0x0], $0xffff  }
0x9d: {  	v11 =	vor.u32 $0x9, v1;
	v5 =	vld.idx.msk [tilespmem:v5+s19+$0x0], $0xffff  }
0x9e: {  	v12 =	vor.u32 $0xA, v1;
	v7 =	vld.idx.msk [tilespmem:v7+s19+$0x0], $0xffff  }
0x9f: {  	v13 =	vor.u32 $0xB, v1;
	v8 =	vld.idx.msk [tilespmem:v8+s19+$0x0], $0xffff  }
0xa0: {  	v14 =	vor.u32 $0xC, v1;
	v9 =	vld.idx.msk [tilespmem:v9+s19+$0x0], $0xffff  }
0xa1: {  	v15 =	vor.u32 $0xD, v1;
	v10 =	vld.idx.msk [tilespmem:v10+s19+$0x0], $0xffff  }
0xa2: {  	v16 =	vor.u32 $0xE, v1;
	v11 =	vld.idx.msk [tilespmem:v11+s19+$0x0], $0xffff  }
0xa3: {  	v17 =	vor.u32 $0xF, v1;
	v12 =	vld.idx.msk [tilespmem:v12+s19+$0x0], $0xffff  }
0xa4: {  	v18 =	vor.u32 $0x10, v1;
	v13 =	vld.idx.msk [tilespmem:v13+s19+$0x0], $0xffff  }
0xa5: {  	v19 =	vor.u32 $0x11, v1;
	v14 =	vld.idx.msk [tilespmem:v14+s19+$0x0], $0xffff  }
0xa6: {  	v20 =	vor.u32 $0x12, v1;
	v15 =	vld.idx.msk [tilespmem:v15+s19+$0x0], $0xffff  }
0xa7: {  	v21 =	vor.u32 $0x13, v1;
	v16 =	vld.idx.msk [tilespmem:v16+s19+$0x0], $0xffff  }
0xa8: {  	v22 =	vor.u32 $0x14, v1;
	v17 =	vld.idx.msk [tilespmem:v17+s19+$0x0], $0xffff  }
0xa9: {  	v23 =	vor.u32 $0x15, v1;
	v18 =	vld.idx.msk [tilespmem:v18+s19+$0x0], $0xffff  }
0xaa: {  	v24 =	vor.u32 $0x16, v1;
	v19 =	vld.idx.msk [tilespmem:v19+s19+$0x0], $0xffff  }
0xab: {  	v25 =	vor.u32 $0x17, v1;
	v20 =	vld.idx.msk [tilespmem:v20+s19+$0x0], $0xffff  }
0xac: {  	v26 =	vor.u32 $0x18, v1;
	v21 =	vld.idx.msk [tilespmem:v21+s19+$0x0], $0xffff  }
0xad: {  	v27 =	vor.u32 $0x19, v1;
	v22 =	vld.idx.msk [tilespmem:v22+s19+$0x0], $0xffff  }
0xae: {  	v28 =	vor.u32 $0x1A, v1;
	v23 =	vld.idx.msk [tilespmem:v23+s19+$0x0], $0xffff  }
0xaf: {  	v29 =	vor.u32 $0x1B, v1;
	v24 =	vld.idx.msk [tilespmem:v24+s19+$0x0], $0xffff  }
0xb0: {  	v30 =	vor.u32 $0x1C, v1;
	v25 =	vld.idx.msk [tilespmem:v25+s19+$0x0], $0xffff  }
0xb1: {  	v31 =	vor.u32 $0x1D, v1;
	v26 =	vld.idx.msk [tilespmem:v26+s19+$0x0], $0xffff  }
0xb2: {  	v32 =	vor.u32 $0x1E, v1;
	v27 =	vld.idx.msk [tilespmem:v27+s19+$0x0], $0xffff  }
0xb3: {  	v1 =	vor.u32 $0x1F, v1;
	v28 =	vld.idx.msk [tilespmem:v28+s19+$0x0], $0xffff  }
0xb4: {  	v29 =	vld.idx.msk [tilespmem:v29+s19+$0x0], $0xffff  }
0xb5: {  	v30 =	vld.idx.msk [tilespmem:v30+s19+$0x0], $0xffff  }
0xb6: {  	v31 =	vld.idx.msk [tilespmem:v31+s19+$0x0], $0xffff;
	v6 =	vmul.f32 $5.656854150e+00, v6  }
0xb7: {  	v32 =	vld.idx.msk [tilespmem:v32+s19+$0x0], $0xffff;
	v2 =	vmul.f32 $5.656854150e+00, v2  }
0xb8: {  	v1 =	vld.idx.msk [tilespmem:v1+s19+$0x0], $0xffff;
	v3 =	vmul.f32 $5.656854150e+00, v3;
	[tilespmem:s8+$0xFFFFF800] =	vst v6  }
0xb9: {  	v4 =	vmul.f32 $5.656854150e+00, v4;
	[tilespmem:s8+$0xFFFFF880] =	vst v2  }
0xba: {  	v55 =	vmul.f32 $5.656854150e+00, v8;
	[tilespmem:s8+$0xFFFFF900] =	vst v3  }
0xbb: {  	v56 =	vmul.f32 $5.656854150e+00, v11;
	[tilespmem:s8+$0xFFFFF980] =	vst v4  }
0xbc: {  	v57 =	vmul.f32 $5.656854150e+00, v14;
	[tilespmem:s8+$0xFFFFFB00] =	vst v55  }
0xbd: {  	v58 =	vmul.f32 $5.656854150e+00, v17;
	[tilespmem:s8+$0xFFFFFC80] =	vst v56  }
0xbe: {  	v59 =	vmul.f32 $5.656854150e+00, v20;
	[tilespmem:s8+$0xFFFFFE00] =	vst v57  }
0xbf: {  	v60 =	vmul.f32 $5.656854150e+00, v23;
	[tilespmem:s8+$0xFFFFFF80] =	vst v58  }
0xc0: {  	v61 =	vmul.f32 $5.656854150e+00, v26;
	[tilespmem:s8+$0x100] =	vst v59  }
0xc1: {  	v62 =	vmul.f32 $5.656854150e+00, v29;
	[tilespmem:s8+$0x280] =	vst v60  }
0xc2: {  	v63 =	vmul.f32 $5.656854150e+00, v32;
	[tilespmem:s8+$0x400] =	vst v61  }
0xc3: {  	v2 =	vmul.f32 $5.656854150e+00, v5;
	[tilespmem:s8+$0x580] =	vst v62  }
0xc4: {  	v3 =	vmul.f32 $5.656854150e+00, v7;
	[tilespmem:s8+$0x700] =	vst v63  }
0xc5: {  	[tilespmem:s8+$0xFFFFFA00] =	vst v2;
	v2 =	vmul.f32 $5.656854150e+00, v9  }
0xc6: {  	[tilespmem:s8+$0xFFFFFA80] =	vst v3;
	v3 =	vmul.f32 $5.656854150e+00, v10  }
0xc7: {  	v1 =	vmul.f32 $5.656854150e+00, v1;
	[tilespmem:s8+$0xFFFFFB80] =	vst v2  }
0xc8: {  	v2 =	vmul.f32 $5.656854150e+00, v12;
	[tilespmem:s8+$0xFFFFFC00] =	vst v3  }
0xc9: {  	v3 =	vmul.f32 $5.656854150e+00, v13;
	[tilespmem:s8+$0x780] =	vst v1  }
0xca: {  	[tilespmem:s8+$0xFFFFFD00] =	vst v2;
	v2 =	vmul.f32 $5.656854150e+00, v15  }
0xcb: {  	[tilespmem:s8+$0xFFFFFD80] =	vst v3;
	v3 =	vmul.f32 $5.656854150e+00, v16  }
0xcc: {  	[tilespmem:s8+$0xFFFFFE80] =	vst v2;
	v2 =	vmul.f32 $5.656854150e+00, v18  }
0xcd: {  	[tilespmem:s8+$0xFFFFFF00] =	vst v3;
	v3 =	vmul.f32 $5.656854150e+00, v19  }
0xce: {  	[tilespmem:s8+$0x0] =	vst v2;
	v2 =	vmul.f32 $5.656854150e+00, v21  }
0xcf: {  	[tilespmem:s8+$0x80] =	vst v3;
	v3 =	vmul.f32 $5.656854150e+00, v22  }
0xd0: {  	[tilespmem:s8+$0x180] =	vst v2;
	v2 =	vmul.f32 $5.656854150e+00, v24  }
0xd1: {  	[tilespmem:s8+$0x200] =	vst v3;
	v3 =	vmul.f32 $5.656854150e+00, v25  }
0xd2: {  	p1 =	sne.s32 s7, $0x70;
	[tilespmem:s8+$0x300] =	vst v2;
	v2 =	vmul.f32 $5.656854150e+00, v27  }
.Ltmp1:
0xd3: {  	[tilespmem:s8+$0x380] =	vst v3;
	v3 =	vmul.f32 $5.656854150e+00, v28;
	(pc) =	sbr.rel @p1 .LBB2_5-.Ltmp1, $4  }
0xd4: {  	[tilespmem:s8+$0x480] =	vst v2;
	v2 =	vmul.f32 $5.656854150e+00, v30  }
0xd5: {  	[tilespmem:s8+$0x500] =	vst v3;
	v3 =	vmul.f32 $5.656854150e+00, v31  }
0xd6: {  	[tilespmem:s8+$0x600] =	vst v2  }
0xd7: {  	s7 =	sadd.s32 $0x10, s7;
	[tilespmem:s8+$0x680] =	vst v3;
	s8 =	sadd.s32 $0x10, s8  }
0xd8: {  	s6 =	sor.u32 s10, s17  }
0xd9: {  	s6 =	sshrl.u32 s6, $0x3  }
0xda: {  	s7 =	sadd.s32 s2, s6;
	s8 =	sor.u32 $0x4000, s6  }
0xdb: {  	[hbm4b:s7+s3] =	stream.linear.scatter [tilespmem:s30], [sflag:$0x6], $0x400, $0x38;
	[tilespmem:$0xC400] =	vst v63  }
0xdc: {  	s7 =	sadd.s32 s2, s8;
	s8 =	sor.u32 $0x8000, s6  }
0xdd: {  	[hbm4b:s7+s3] =	stream.linear.scatter [tilespmem:s31], [sflag:$0x6], $0x400, $0x38;
	[tilespmem:$0xC400] =	vst v63  }
0xde: {  	s6 =	sor.u32 $0xC000, s6;
	s7 =	sadd.s32 s2, s8  }
0xdf: {  	[hbm4b:s7+s3] =	stream.linear.scatter [tilespmem:s0], [sflag:$0x6], $0x400, $0x38;
	[tilespmem:$0xC400] =	vst v63  }
0xe0: {  	s6 =	sadd.s32 s2, s6  }
0xe1: {  	[hbm4b:s6+s3] =	stream.linear.scatter [tilespmem:s1], [sflag:$0x6], $0x400, $0x38;
	[tilespmem:$0xC400] =	vst v63  }
0xe2: {  	_ =	swait.ge [sflag:s14], $0x1000  }
0xe3: {  	s8 =	simm.s32 @!p0 $0x7400;
	[sflag:s14] =	ssyncset.done $0x0  }
0xe4: {  	s7 =	simm.s32 @!p0 $0x80;
	s6 =	sadd.s32 @!p0 $0x280, s13;
	[sflag:s14] =	ssyncadd.s32 $0xFFFFF000  }
0xe5: {  	[tilespmem:s8], [sflag:$0x2] =	stream.indirect.gather @!p0 [hbm4b:s4+s7], $0x20, s6, s7, $0xb8;
	[tilespmem:$0xC400] =	vst v63  }
0xe6: {  	_ =	swait.ge [sflag:s15], $0x400  }
0xe7: {  	[sflag:s15] =	ssyncset.done $0x0  }
0xe8: {  	[sflag:s15] =	ssyncadd.s32 $0xFFFFFC00  }
0xe9: {  	_ =	swait.ge [sflag:s15], $0x400  }
0xea: {  	[sflag:s15] =	ssyncset.done $0x0  }
0xeb: {  	[sflag:s15] =	ssyncadd.s32 $0xFFFFFC00  }
0xec: {  	_ =	swait.ge [sflag:s15], $0x400  }
0xed: {  	[sflag:s15] =	ssyncset.done $0x0  }
0xee: {  	[sflag:s15] =	ssyncadd.s32 $0xFFFFFC00  }
0xef: {  	_ =	swait.ge [sflag:s15], $0x400  }
0xf0: {  	[sflag:s15] =	ssyncset.done $0x0  }
0xf1: {  	s7 =	simm.s32 $0x0;
	s8 =	simm.s32 $0xAC00;
	[sflag:s15] =	ssyncadd.s32 $0xFFFFFC00  }
.LBB2_7:
0xf2: {  	v1 =	vmov s7  }
0xf3: {  	v1 =	vshll.u32 v1, $0x5  }
0xf4: {  	v1 =	vor.u32 v0, v1  }
0xf5: {  	v2 =	vor.u32 $0x1, v1  }
0xf6: {  	v3 =	vor.u32 $0x2, v1  }
0xf7: {  	v4 =	vor.u32 $0x3, v1  }
0xf8: {  	v5 =	vor.u32 $0x4, v1  }
0xf9: {  	v7 =	vor.u32 $0x5, v1;
	v6 =	vld.idx.msk [tilespmem:v1+s21+$0x0], $0xffff  }
0xfa: {  	v8 =	vor.u32 $0x6, v1;
	v2 =	vld.idx.msk [tilespmem:v2+s21+$0x0], $0xffff  }
0xfb: {  	v9 =	vor.u32 $0x7, v1;
	v3 =	vld.idx.msk [tilespmem:v3+s21+$0x0], $0xffff  }
0xfc: {  	v10 =	vor.u32 $0x8, v1;
	v4 =	vld.idx.msk [tilespmem:v4+s21+$0x0], $0xffff  }
0xfd: {  	v11 =	vor.u32 $0x9, v1;
	v5 =	vld.idx.msk [tilespmem:v5+s21+$0x0], $0xffff  }
0xfe: {  	v12 =	vor.u32 $0xA, v1;
	v7 =	vld.idx.msk [tilespmem:v7+s21+$0x0], $0xffff  }
0xff: {  	v13 =	vor.u32 $0xB, v1;
	v8 =	vld.idx.msk [tilespmem:v8+s21+$0x0], $0xffff  }
0x100: {  	v14 =	vor.u32 $0xC, v1;
	v9 =	vld.idx.msk [tilespmem:v9+s21+$0x0], $0xffff  }
0x101: {  	v15 =	vor.u32 $0xD, v1;
	v10 =	vld.idx.msk [tilespmem:v10+s21+$0x0], $0xffff  }
0x102: {  	v16 =	vor.u32 $0xE, v1;
	v11 =	vld.idx.msk [tilespmem:v11+s21+$0x0], $0xffff  }
0x103: {  	v17 =	vor.u32 $0xF, v1;
	v12 =	vld.idx.msk [tilespmem:v12+s21+$0x0], $0xffff  }
0x104: {  	v18 =	vor.u32 $0x10, v1;
	v13 =	vld.idx.msk [tilespmem:v13+s21+$0x0], $0xffff  }
0x105: {  	v19 =	vor.u32 $0x11, v1;
	v14 =	vld.idx.msk [tilespmem:v14+s21+$0x0], $0xffff  }
0x106: {  	v20 =	vor.u32 $0x12, v1;
	v15 =	vld.idx.msk [tilespmem:v15+s21+$0x0], $0xffff  }
0x107: {  	v21 =	vor.u32 $0x13, v1;
	v16 =	vld.idx.msk [tilespmem:v16+s21+$0x0], $0xffff  }
0x108: {  	v22 =	vor.u32 $0x14, v1;
	v17 =	vld.idx.msk [tilespmem:v17+s21+$0x0], $0xffff  }
0x109: {  	v23 =	vor.u32 $0x15, v1;
	v18 =	vld.idx.msk [tilespmem:v18+s21+$0x0], $0xffff  }
0x10a: {  	v24 =	vor.u32 $0x16, v1;
	v19 =	vld.idx.msk [tilespmem:v19+s21+$0x0], $0xffff  }
0x10b: {  	v25 =	vor.u32 $0x17, v1;
	v20 =	vld.idx.msk [tilespmem:v20+s21+$0x0], $0xffff  }
0x10c: {  	v26 =	vor.u32 $0x18, v1;
	v21 =	vld.idx.msk [tilespmem:v21+s21+$0x0], $0xffff  }
0x10d: {  	v27 =	vor.u32 $0x19, v1;
	v22 =	vld.idx.msk [tilespmem:v22+s21+$0x0], $0xffff  }
0x10e: {  	v28 =	vor.u32 $0x1A, v1;
	v23 =	vld.idx.msk [tilespmem:v23+s21+$0x0], $0xffff  }
0x10f: {  	v29 =	vor.u32 $0x1B, v1;
	v24 =	vld.idx.msk [tilespmem:v24+s21+$0x0], $0xffff  }
0x110: {  	v30 =	vor.u32 $0x1C, v1;
	v25 =	vld.idx.msk [tilespmem:v25+s21+$0x0], $0xffff  }
0x111: {  	v31 =	vor.u32 $0x1D, v1;
	v26 =	vld.idx.msk [tilespmem:v26+s21+$0x0], $0xffff  }
0x112: {  	v32 =	vor.u32 $0x1E, v1;
	v27 =	vld.idx.msk [tilespmem:v27+s21+$0x0], $0xffff  }
0x113: {  	v1 =	vor.u32 $0x1F, v1;
	v28 =	vld.idx.msk [tilespmem:v28+s21+$0x0], $0xffff  }
0x114: {  	v29 =	vld.idx.msk [tilespmem:v29+s21+$0x0], $0xffff  }
0x115: {  	v30 =	vld.idx.msk [tilespmem:v30+s21+$0x0], $0xffff  }
0x116: {  	v31 =	vld.idx.msk [tilespmem:v31+s21+$0x0], $0xffff;
	v6 =	vmul.f32 $5.656854150e+00, v6  }
0x117: {  	v32 =	vld.idx.msk [tilespmem:v32+s21+$0x0], $0xffff;
	v2 =	vmul.f32 $5.656854150e+00, v2  }
0x118: {  	v1 =	vld.idx.msk [tilespmem:v1+s21+$0x0], $0xffff;
	v3 =	vmul.f32 $5.656854150e+00, v3;
	[tilespmem:s8+$0xFFFFF800] =	vst v6  }
0x119: {  	v4 =	vmul.f32 $5.656854150e+00, v4;
	[tilespmem:s8+$0xFFFFF880] =	vst v2  }
0x11a: {  	v55 =	vmul.f32 $5.656854150e+00, v8;
	[tilespmem:s8+$0xFFFFF900] =	vst v3  }
0x11b: {  	v56 =	vmul.f32 $5.656854150e+00, v11;
	[tilespmem:s8+$0xFFFFF980] =	vst v4  }
0x11c: {  	v57 =	vmul.f32 $5.656854150e+00, v14;
	[tilespmem:s8+$0xFFFFFB00] =	vst v55  }
0x11d: {  	v58 =	vmul.f32 $5.656854150e+00, v17;
	[tilespmem:s8+$0xFFFFFC80] =	vst v56  }
0x11e: {  	v59 =	vmul.f32 $5.656854150e+00, v20;
	[tilespmem:s8+$0xFFFFFE00] =	vst v57  }
0x11f: {  	v60 =	vmul.f32 $5.656854150e+00, v23;
	[tilespmem:s8+$0xFFFFFF80] =	vst v58  }
0x120: {  	v61 =	vmul.f32 $5.656854150e+00, v26;
	[tilespmem:s8+$0x100] =	vst v59  }
0x121: {  	v62 =	vmul.f32 $5.656854150e+00, v29;
	[tilespmem:s8+$0x280] =	vst v60  }
0x122: {  	v63 =	vmul.f32 $5.656854150e+00, v32;
	[tilespmem:s8+$0x400] =	vst v61  }
0x123: {  	v2 =	vmul.f32 $5.656854150e+00, v5;
	[tilespmem:s8+$0x580] =	vst v62  }
0x124: {  	v3 =	vmul.f32 $5.656854150e+00, v7;
	[tilespmem:s8+$0x700] =	vst v63  }
0x125: {  	[tilespmem:s8+$0xFFFFFA00] =	vst v2;
	v2 =	vmul.f32 $5.656854150e+00, v9  }
0x126: {  	[tilespmem:s8+$0xFFFFFA80] =	vst v3;
	v3 =	vmul.f32 $5.656854150e+00, v10  }
0x127: {  	v1 =	vmul.f32 $5.656854150e+00, v1;
	[tilespmem:s8+$0xFFFFFB80] =	vst v2  }
0x128: {  	v2 =	vmul.f32 $5.656854150e+00, v12;
	[tilespmem:s8+$0xFFFFFC00] =	vst v3  }
0x129: {  	v3 =	vmul.f32 $5.656854150e+00, v13;
	[tilespmem:s8+$0x780] =	vst v1  }
0x12a: {  	[tilespmem:s8+$0xFFFFFD00] =	vst v2;
	v2 =	vmul.f32 $5.656854150e+00, v15  }
0x12b: {  	[tilespmem:s8+$0xFFFFFD80] =	vst v3;
	v3 =	vmul.f32 $5.656854150e+00, v16  }
0x12c: {  	[tilespmem:s8+$0xFFFFFE80] =	vst v2;
	v2 =	vmul.f32 $5.656854150e+00, v18  }
0x12d: {  	[tilespmem:s8+$0xFFFFFF00] =	vst v3;
	v3 =	vmul.f32 $5.656854150e+00, v19  }
0x12e: {  	[tilespmem:s8+$0x0] =	vst v2;
	v2 =	vmul.f32 $5.656854150e+00, v21  }
0x12f: {  	[tilespmem:s8+$0x80] =	vst v3;
	v3 =	vmul.f32 $5.656854150e+00, v22  }
0x130: {  	[tilespmem:s8+$0x180] =	vst v2;
	v2 =	vmul.f32 $5.656854150e+00, v24  }
0x131: {  	[tilespmem:s8+$0x200] =	vst v3;
	v3 =	vmul.f32 $5.656854150e+00, v25  }
0x132: {  	p1 =	sne.s32 s7, $0x70;
	[tilespmem:s8+$0x300] =	vst v2;
	v2 =	vmul.f32 $5.656854150e+00, v27  }
.Ltmp2:
0x133: {  	[tilespmem:s8+$0x380] =	vst v3;
	v3 =	vmul.f32 $5.656854150e+00, v28;
	(pc) =	sbr.rel @p1 .LBB2_7-.Ltmp2, $4  }
0x134: {  	[tilespmem:s8+$0x480] =	vst v2;
	v2 =	vmul.f32 $5.656854150e+00, v30  }
0x135: {  	[tilespmem:s8+$0x500] =	vst v3;
	v3 =	vmul.f32 $5.656854150e+00, v31  }
0x136: {  	[tilespmem:s8+$0x600] =	vst v2  }
0x137: {  	s7 =	sadd.s32 $0x10, s7;
	[tilespmem:s8+$0x680] =	vst v3;
	s8 =	sadd.s32 $0x10, s8  }
0x138: {  	s6 =	sor.u32 s11, s17  }
0x139: {  	s6 =	sshrl.u32 s6, $0x3  }
0x13a: {  	s7 =	sadd.s32 s2, s6;
	s8 =	sor.u32 $0x4000, s6  }
0x13b: {  	[hbm4b:s7+s3] =	stream.linear.scatter [tilespmem:s24], [sflag:$0x5], $0x400, $0x38;
	[tilespmem:$0xC400] =	vst v63  }
0x13c: {  	s7 =	sadd.s32 s2, s8;
	s8 =	sor.u32 $0x8000, s6  }
0x13d: {  	[hbm4b:s7+s3] =	stream.linear.scatter [tilespmem:s25], [sflag:$0x5], $0x400, $0x38;
	[tilespmem:$0xC400] =	vst v63  }
0x13e: {  	s6 =	sor.u32 $0xC000, s6;
	s7 =	sadd.s32 s2, s8  }
0x13f: {  	[hbm4b:s7+s3] =	stream.linear.scatter [tilespmem:s26], [sflag:$0x5], $0x400, $0x38;
	[tilespmem:$0xC400] =	vst v63  }
0x140: {  	s6 =	sadd.s32 s2, s6  }
0x141: {  	[hbm4b:s6+s3] =	stream.linear.scatter [tilespmem:s28], [sflag:$0x5], $0x400, $0x38;
	[tilespmem:$0xC400] =	vst v63  }
0x142: {  	_ =	swait.ge [sflag:s20], $0x1000  }
0x143: {  	s8 =	simm.s32 @!p0 $0x8400;
	[sflag:s20] =	ssyncset.done $0x0  }
0x144: {  	s7 =	simm.s32 @!p0 $0x80;
	s6 =	sadd.s32 @!p0 $0x300, s13;
	[sflag:s20] =	ssyncadd.s32 $0xFFFFF000  }
0x145: {  	[tilespmem:s8], [sflag:$0x3] =	stream.indirect.gather @!p0 [hbm4b:s4+s7], $0x20, s6, s7, $0xb8;
	[tilespmem:$0xC400] =	vst v63  }
0x146: {  	_ =	swait.ge [sflag:s5], $0x400  }
0x147: {  	[sflag:s5] =	ssyncset.done $0x0  }
0x148: {  	[sflag:s5] =	ssyncadd.s32 $0xFFFFFC00  }
0x149: {  	_ =	swait.ge [sflag:s5], $0x400  }
0x14a: {  	[sflag:s5] =	ssyncset.done $0x0  }
0x14b: {  	[sflag:s5] =	ssyncadd.s32 $0xFFFFFC00  }
0x14c: {  	_ =	swait.ge [sflag:s5], $0x400  }
0x14d: {  	[sflag:s5] =	ssyncset.done $0x0  }
0x14e: {  	[sflag:s5] =	ssyncadd.s32 $0xFFFFFC00  }
0x14f: {  	_ =	swait.ge [sflag:s5], $0x400  }
0x150: {  	[sflag:s5] =	ssyncset.done $0x0  }
0x151: {  	s7 =	simm.s32 $0x0;
	s8 =	simm.s32 $0xBC00;
	[sflag:s5] =	ssyncadd.s32 $0xFFFFFC00  }
.LBB2_9:
0x152: {  	v1 =	vmov s7  }
0x153: {  	v1 =	vshll.u32 v1, $0x5  }
0x154: {  	v1 =	vor.u32 v0, v1  }
0x155: {  	v2 =	vor.u32 $0x1, v1  }
0x156: {  	v3 =	vor.u32 $0x2, v1  }
0x157: {  	v4 =	vor.u32 $0x3, v1  }
0x158: {  	v5 =	vor.u32 $0x4, v1  }
0x159: {  	v7 =	vor.u32 $0x5, v1;
	v6 =	vld.idx.msk [tilespmem:v1+s23+$0x0], $0xffff  }
0x15a: {  	v8 =	vor.u32 $0x6, v1;
	v2 =	vld.idx.msk [tilespmem:v2+s23+$0x0], $0xffff  }
0x15b: {  	v9 =	vor.u32 $0x7, v1;
	v3 =	vld.idx.msk [tilespmem:v3+s23+$0x0], $0xffff  }
0x15c: {  	v10 =	vor.u32 $0x8, v1;
	v4 =	vld.idx.msk [tilespmem:v4+s23+$0x0], $0xffff  }
0x15d: {  	v11 =	vor.u32 $0x9, v1;
	v5 =	vld.idx.msk [tilespmem:v5+s23+$0x0], $0xffff  }
0x15e: {  	v12 =	vor.u32 $0xA, v1;
	v7 =	vld.idx.msk [tilespmem:v7+s23+$0x0], $0xffff  }
0x15f: {  	v13 =	vor.u32 $0xB, v1;
	v8 =	vld.idx.msk [tilespmem:v8+s23+$0x0], $0xffff  }
0x160: {  	v14 =	vor.u32 $0xC, v1;
	v9 =	vld.idx.msk [tilespmem:v9+s23+$0x0], $0xffff  }
0x161: {  	v15 =	vor.u32 $0xD, v1;
	v10 =	vld.idx.msk [tilespmem:v10+s23+$0x0], $0xffff  }
0x162: {  	v16 =	vor.u32 $0xE, v1;
	v11 =	vld.idx.msk [tilespmem:v11+s23+$0x0], $0xffff  }
0x163: {  	v17 =	vor.u32 $0xF, v1;
	v12 =	vld.idx.msk [tilespmem:v12+s23+$0x0], $0xffff  }
0x164: {  	v18 =	vor.u32 $0x10, v1;
	v13 =	vld.idx.msk [tilespmem:v13+s23+$0x0], $0xffff  }
0x165: {  	v19 =	vor.u32 $0x11, v1;
	v14 =	vld.idx.msk [tilespmem:v14+s23+$0x0], $0xffff  }
0x166: {  	v20 =	vor.u32 $0x12, v1;
	v15 =	vld.idx.msk [tilespmem:v15+s23+$0x0], $0xffff  }
0x167: {  	v21 =	vor.u32 $0x13, v1;
	v16 =	vld.idx.msk [tilespmem:v16+s23+$0x0], $0xffff  }
0x168: {  	v22 =	vor.u32 $0x14, v1;
	v17 =	vld.idx.msk [tilespmem:v17+s23+$0x0], $0xffff  }
0x169: {  	v23 =	vor.u32 $0x15, v1;
	v18 =	vld.idx.msk [tilespmem:v18+s23+$0x0], $0xffff  }
0x16a: {  	v24 =	vor.u32 $0x16, v1;
	v19 =	vld.idx.msk [tilespmem:v19+s23+$0x0], $0xffff  }
0x16b: {  	v25 =	vor.u32 $0x17, v1;
	v20 =	vld.idx.msk [tilespmem:v20+s23+$0x0], $0xffff  }
0x16c: {  	v26 =	vor.u32 $0x18, v1;
	v21 =	vld.idx.msk [tilespmem:v21+s23+$0x0], $0xffff  }
0x16d: {  	v27 =	vor.u32 $0x19, v1;
	v22 =	vld.idx.msk [tilespmem:v22+s23+$0x0], $0xffff  }
0x16e: {  	v28 =	vor.u32 $0x1A, v1;
	v23 =	vld.idx.msk [tilespmem:v23+s23+$0x0], $0xffff  }
0x16f: {  	v29 =	vor.u32 $0x1B, v1;
	v24 =	vld.idx.msk [tilespmem:v24+s23+$0x0], $0xffff  }
0x170: {  	v30 =	vor.u32 $0x1C, v1;
	v25 =	vld.idx.msk [tilespmem:v25+s23+$0x0], $0xffff  }
0x171: {  	v31 =	vor.u32 $0x1D, v1;
	v26 =	vld.idx.msk [tilespmem:v26+s23+$0x0], $0xffff  }
0x172: {  	v32 =	vor.u32 $0x1E, v1;
	v27 =	vld.idx.msk [tilespmem:v27+s23+$0x0], $0xffff  }
0x173: {  	v1 =	vor.u32 $0x1F, v1;
	v28 =	vld.idx.msk [tilespmem:v28+s23+$0x0], $0xffff  }
0x174: {  	v29 =	vld.idx.msk [tilespmem:v29+s23+$0x0], $0xffff  }
0x175: {  	v30 =	vld.idx.msk [tilespmem:v30+s23+$0x0], $0xffff  }
0x176: {  	v31 =	vld.idx.msk [tilespmem:v31+s23+$0x0], $0xffff;
	v6 =	vmul.f32 $5.656854150e+00, v6  }
0x177: {  	v32 =	vld.idx.msk [tilespmem:v32+s23+$0x0], $0xffff;
	v2 =	vmul.f32 $5.656854150e+00, v2  }
0x178: {  	v1 =	vld.idx.msk [tilespmem:v1+s23+$0x0], $0xffff;
	v3 =	vmul.f32 $5.656854150e+00, v3;
	[tilespmem:s8+$0xFFFFF800] =	vst v6  }
0x179: {  	v4 =	vmul.f32 $5.656854150e+00, v4;
	[tilespmem:s8+$0xFFFFF880] =	vst v2  }
0x17a: {  	v55 =	vmul.f32 $5.656854150e+00, v8;
	[tilespmem:s8+$0xFFFFF900] =	vst v3  }
0x17b: {  	v56 =	vmul.f32 $5.656854150e+00, v11;
	[tilespmem:s8+$0xFFFFF980] =	vst v4  }
0x17c: {  	v57 =	vmul.f32 $5.656854150e+00, v14;
	[tilespmem:s8+$0xFFFFFB00] =	vst v55  }
0x17d: {  	v58 =	vmul.f32 $5.656854150e+00, v17;
	[tilespmem:s8+$0xFFFFFC80] =	vst v56  }
0x17e: {  	v59 =	vmul.f32 $5.656854150e+00, v20;
	[tilespmem:s8+$0xFFFFFE00] =	vst v57  }
0x17f: {  	v60 =	vmul.f32 $5.656854150e+00, v23;
	[tilespmem:s8+$0xFFFFFF80] =	vst v58  }
0x180: {  	v61 =	vmul.f32 $5.656854150e+00, v26;
	[tilespmem:s8+$0x100] =	vst v59  }
0x181: {  	v62 =	vmul.f32 $5.656854150e+00, v29;
	[tilespmem:s8+$0x280] =	vst v60  }
0x182: {  	v63 =	vmul.f32 $5.656854150e+00, v32;
	[tilespmem:s8+$0x400] =	vst v61  }
0x183: {  	v2 =	vmul.f32 $5.656854150e+00, v5;
	[tilespmem:s8+$0x580] =	vst v62  }
0x184: {  	v3 =	vmul.f32 $5.656854150e+00, v7;
	[tilespmem:s8+$0x700] =	vst v63  }
0x185: {  	[tilespmem:s8+$0xFFFFFA00] =	vst v2;
	v2 =	vmul.f32 $5.656854150e+00, v9  }
0x186: {  	[tilespmem:s8+$0xFFFFFA80] =	vst v3;
	v3 =	vmul.f32 $5.656854150e+00, v10  }
0x187: {  	v1 =	vmul.f32 $5.656854150e+00, v1;
	[tilespmem:s8+$0xFFFFFB80] =	vst v2  }
0x188: {  	v2 =	vmul.f32 $5.656854150e+00, v12;
	[tilespmem:s8+$0xFFFFFC00] =	vst v3  }
0x189: {  	v3 =	vmul.f32 $5.656854150e+00, v13;
	[tilespmem:s8+$0x780] =	vst v1  }
0x18a: {  	[tilespmem:s8+$0xFFFFFD00] =	vst v2;
	v2 =	vmul.f32 $5.656854150e+00, v15  }
0x18b: {  	[tilespmem:s8+$0xFFFFFD80] =	vst v3;
	v3 =	vmul.f32 $5.656854150e+00, v16  }
0x18c: {  	[tilespmem:s8+$0xFFFFFE80] =	vst v2;
	v2 =	vmul.f32 $5.656854150e+00, v18  }
0x18d: {  	[tilespmem:s8+$0xFFFFFF00] =	vst v3;
	v3 =	vmul.f32 $5.656854150e+00, v19  }
0x18e: {  	[tilespmem:s8+$0x0] =	vst v2;
	v2 =	vmul.f32 $5.656854150e+00, v21  }
0x18f: {  	[tilespmem:s8+$0x80] =	vst v3;
	v3 =	vmul.f32 $5.656854150e+00, v22  }
0x190: {  	[tilespmem:s8+$0x180] =	vst v2;
	v2 =	vmul.f32 $5.656854150e+00, v24  }
0x191: {  	[tilespmem:s8+$0x200] =	vst v3;
	v3 =	vmul.f32 $5.656854150e+00, v25  }
0x192: {  	p0 =	sne.s32 s7, $0x70;
	[tilespmem:s8+$0x300] =	vst v2;
	v2 =	vmul.f32 $5.656854150e+00, v27  }
.Ltmp3:
0x193: {  	[tilespmem:s8+$0x380] =	vst v3;
	v3 =	vmul.f32 $5.656854150e+00, v28;
	(pc) =	sbr.rel @p0 .LBB2_9-.Ltmp3, $4  }
0x194: {  	[tilespmem:s8+$0x480] =	vst v2;
	v2 =	vmul.f32 $5.656854150e+00, v30  }
0x195: {  	[tilespmem:s8+$0x500] =	vst v3;
	v3 =	vmul.f32 $5.656854150e+00, v31  }
0x196: {  	[tilespmem:s8+$0x600] =	vst v2  }
0x197: {  	s7 =	sadd.s32 $0x10, s7;
	[tilespmem:s8+$0x680] =	vst v3;
	s8 =	sadd.s32 $0x10, s8  }
0x198: {  	s6 =	sor.u32 s12, s17  }
0x199: {  	s6 =	sshrl.u32 s6, $0x3  }
0x19a: {  	s16 =	sadd.s32 $0x1, s16;
	s7 =	sadd.s32 s2, s6;
	s13 =	sor.u32 $0x4000, s6  }
0x19b: {  	[hbm4b:s7+s3] =	stream.linear.scatter [tilespmem:s30], [sflag:$0x6], $0x400, $0x38;
	[tilespmem:$0xC400] =	vst v63  }
0x19c: {  	p0 =	sne.s32 s16, $0x32;
	s7 =	sadd.s32 s2, s13  }
0x19d: {  	[hbm4b:s7+s3] =	stream.linear.scatter [tilespmem:s31], [sflag:$0x6], $0x400, $0x38;
	[tilespmem:$0xC400] =	vst v63  }
.Ltmp4:
0x19e: {  	s17 =	sor.u32 $0x8000, s6;
	(pc) =	sbr.rel @p0 .LBB2_2-.Ltmp4, $4  }
0x19f: {  	s6 =	sor.u32 $0xC000, s6;
	s7 =	sadd.s32 s2, s17  }
0x1a0: {  	[hbm4b:s7+s3] =	stream.linear.scatter [tilespmem:s0], [sflag:$0x6], $0x400, $0x38;
	[tilespmem:$0xC400] =	vst v63  }
0x1a1: {  	s6 =	sadd.s32 s2, s6  }
0x1a2: {  	[hbm4b:s6+s3] =	stream.linear.scatter [tilespmem:s1], [sflag:$0x6], $0x400, $0x38;
	[tilespmem:$0xC400] =	vst v63  }
0x1a3: {  	_ =	swait.ge [sflag:s15], $0x400  }
0x1a4: {  	[sflag:s15] =	ssyncset.done $0x0  }
0x1a5: {  	[sflag:s15] =	ssyncadd.s32 $0xFFFFFC00  }
0x1a6: {  	_ =	swait.ge [sflag:s15], $0x400  }
0x1a7: {  	[sflag:s15] =	ssyncset.done $0x0  }
0x1a8: {  	[sflag:s15] =	ssyncadd.s32 $0xFFFFFC00  }
0x1a9: {  	_ =	swait.ge [sflag:s15], $0x400  }
0x1aa: {  	[sflag:s15] =	ssyncset.done $0x0  }
0x1ab: {  	[sflag:s15] =	ssyncadd.s32 $0xFFFFFC00  }
0x1ac: {  	_ =	swait.ge [sflag:s15], $0x400  }
0x1ad: {  	[sflag:s15] =	ssyncset.done $0x0  }
0x1ae: {  	[sflag:s15] =	ssyncadd.s32 $0xFFFFFC00  }
0x1af: {  	_ =	swait.ge [sflag:s5], $0x400  }
0x1b0: {  	[sflag:s5] =	ssyncset.done $0x0  }
0x1b1: {  	[sflag:s5] =	ssyncadd.s32 $0xFFFFFC00  }
0x1b2: {  	_ =	swait.ge [sflag:s5], $0x400  }
0x1b3: {  	[sflag:s5] =	ssyncset.done $0x0  }
0x1b4: {  	[sflag:s5] =	ssyncadd.s32 $0xFFFFFC00  }
0x1b5: {  	_ =	swait.ge [sflag:s5], $0x400  }
0x1b6: {  	[sflag:s5] =	ssyncset.done $0x0  }
0x1b7: {  	[sflag:s5] =	ssyncadd.s32 $0xFFFFFC00  }
0x1b8: {  	_ =	swait.ge [sflag:s5], $0x400  }
0x1b9: {  	s7 =	rddreg [dreg:$0x8]  }
0x1ba: {  	s6 =	rddreg [dreg:$0x7];
	s7 =	sadd.s32 $0x1, s7  }
0x1bb: {  	p0 =	sne.s32 s7, s6  }
.Ltmp5:
0x1bc: {  	_ = 	snop;
	(pc) =	sbr.rel @p0 .LBB2_1-.Ltmp5, $3  }
0x1bd: {  	_ =	sdelay $0x1  }
0x1be: {  	[sflag:s5] =	ssyncset.done $0x0  }
0x1bf: {  	[sflag:s5] =	ssyncadd.s32 $0xFFFFFC00  }
0x1c0: {  	_ =	sfence.sel $0x180000  }
0x1c1: {  	[bflag:$0x0] =	sbarrier.arrive $0xFFFF  }
0x1c2: {  	_ =	strace $0x90000047  }
0x1c3: {  	s0 =	stileid.u32;
	[bflag:$0x2] =	sbarrier.arrive $0xFFFF  }
0x1c4: {  	p0 =	sne.s32 s0, $0x0;
	s0 =	rddreg [dreg:$0x2]  }
0x1c5: {  	s0 =	sadd.s32 @!p0 $0x100000, s0  }
0x1c6: {  	[sflag:s0] =	ssyncadd.tile.s32 @!p0 $0x1;
	_ =	shalt  }
.Lfunc_end2:
_tile_overlayer_lowered:
.L_overlay_start_2:
0x1c7: {  	(tag) =	ssettag $0x2  }
0x1c8: {  	s0 =	rddreg [dreg:$0x0];
	s2 =	stileid.u32  }
0x1c9: {  	s1 =	rddreg [dreg:$0x1];
	p0 =	sne.s32 s2, $0x0  }
0x1ca: {  	s3 =	rddreg [dreg:$0x2];
	[bflag:$0x3] =	sbarrier.arrive $0xFFFF;
	s2 =	simm.s32 @!p0 $0x1C07  }
0x1cb: {  	[timem:s3], [sflag:s2] =	dma.local @!p0 [hbm:s0], s1  }
0x1cc: {  	s0 =	simm.s32 @!p0 $0x7  }
0x1cd: {  	_ =	swait.ge @!p0 [sflag:s0], s1  }
0x1ce: {  	s1 =	ssub.s32 @!p0 $0x0, s1;
	[sflag:s0] =	ssyncset.done @!p0 $0x0  }
0x1cf: {  	[sflag:s0] =	ssyncadd.s32 @!p0 s1  }
0x1d0: {  	[bflag:$0x3] =	sbarrier.arrive $0xFFFF  }
0x1d1: {  	_ =	shalt  }

</sc_bundles>
